<compile_context>
chip_gen: v7x
topology: tpu7x:2x2x1
jax: 0.10.2.dev20260603
libtpu: 0.0.44.dev20260713+nightly
codegen_flags: <defaults>
</compile_context>

<pallas_src>
import functools

import numpy as np
import jax
import jax.numpy as jnp
from jax import lax
from jax.experimental import pallas as pl
from jax.experimental.pallas import tpu as pltpu
from jax.experimental.pallas import tpu_sc as plsc

_N = 10000
_E = 320000
_D = 128
_MSG = 64
_R = 32
_NG = 64
_OUT = 10
_CUTOFF = 5.0

_NC = 2
_NS = 16
_NW = _NC * _NS
_EW = _E // _NW

_C2 = 2000
_NCH2 = _EW // _C2


def _d2_body(px_h, py_h, pz_h, src_h, dst_h, out_h, px, py, pz, sv, dv, ov):
    c = lax.axis_index("c")
    s = lax.axis_index("s")
    wid = s * _NC + c
    pltpu.sync_copy(px_h, px)
    pltpu.sync_copy(py_h, py)
    pltpu.sync_copy(pz_h, pz)

    @pl.loop(0, _NCH2)
    def _chunk(j):
        base = wid * _EW + j * _C2
        pltpu.sync_copy(src_h.at[pl.ds(base, _C2)], sv)
        pltpu.sync_copy(dst_h.at[pl.ds(base, _C2)], dv)

        @pl.loop(0, _C2 // 16)
        def _grp(g):
            si = sv[pl.ds(g * 16, 16)]
            di = dv[pl.ds(g * 16, 16)]
            dx = plsc.load_gather(px, [si]) - plsc.load_gather(px, [di])
            dy = plsc.load_gather(py, [si]) - plsc.load_gather(py, [di])
            dz = plsc.load_gather(pz, [si]) - plsc.load_gather(pz, [di])
            ov[pl.ds(g * 16, 16)] = dx * dx + dy * dy + dz * dz

        pltpu.sync_copy(ov, out_h.at[pl.ds(base, _C2)])


@functools.cache
def _build_d2():
    return pl.kernel(
        _d2_body,
        out_type=jax.ShapeDtypeStruct((_E,), jnp.float32),
        mesh=plsc.VectorSubcoreMesh(core_axis_name="c", subcore_axis_name="s",
                                    num_cores=_NC, num_subcores=_NS),
        compiler_params=pltpu.CompilerParams(needs_layout_passes=False,
                                             use_tc_tiling_on_sc=False),
        scratch_types=[
            pltpu.VMEM((_N,), jnp.float32),
            pltpu.VMEM((_N,), jnp.float32),
            pltpu.VMEM((_N,), jnp.float32),
            pltpu.VMEM((_C2,), jnp.int32),
            pltpu.VMEM((_C2,), jnp.int32),
            pltpu.VMEM((_C2,), jnp.float32),
        ],
    )


def _d2_call(*args):
    return _build_d2()(*args)

_CE = 80
_NCHE = _EW // _CE
_NPAIR = (_NCHE - 1) // 2
_NPS = _N // _NS


_NBUF = 4
_KMAIN = _NCHE // _NBUF


def _edge_body(v_h, ef_h, src_h, dst_h, out_h,
               agg, src2, dst2, rows, efb, zb, sg, se, ss):
    c = lax.axis_index("c")
    s = lax.axis_index("s")
    wid = s * _NC + c

    pltpu.sync_copy(src_h.at[wid], src2)
    pltpu.sync_copy(dst_h.at[wid], dst2)

    z16 = jnp.zeros((16,), jnp.float32)

    @pl.loop(0, 125)
    def _zr(i):
        for kk in range(_MSG // 16):
            zb[i, pl.ds(kk * 16, 16)] = z16

    for kk in range(_NPS // 125):
        pltpu.sync_copy(zb, agg.at[pl.ds(s * _NPS + kk * 125, 125)])
    plsc.subcore_barrier()

    def _issue(j, b):
        pltpu.async_copy(ef_h.at[pl.ds((wid * _NCHE + j) * _CE, _CE)],
                         efb.at[b], se.at[b])
        pltpu.async_copy(v_h.at[src2.at[j]], rows.at[b], sg.at[b])

    def _prefetch(j, b):
        pltpu.make_async_copy(rows.at[b], agg.at[dst2.at[j]], ss.at[b]).wait()
        _issue(j, b)

    def _proc(j, b):
        pltpu.make_async_copy(ef_h.at[pl.ds((wid * _NCHE + j) * _CE, _CE)],
                              efb.at[b], se.at[b]).wait()
        pltpu.make_async_copy(v_h.at[src2.at[j]], rows.at[b], sg.at[b]).wait()

        @pl.loop(0, _CE)
        def _mul(r):
            for kk in range(_MSG // 16):
                sl = pl.ds(kk * 16, 16)
                rows[b, r, sl] = rows[b, r, sl] * efb[b, r, sl]

        pltpu.async_copy(rows.at[b], agg.at[dst2.at[j]], ss.at[b], add=True)

    for b in range(_NBUF):
        _issue(b, b)

    @pl.loop(0, _KMAIN)
    def _main(k):
        j0 = _NBUF * k
        _proc(j0 + 0, 0)

        @pl.when(k > 0)
        def _():
            _prefetch(j0 + 3, 3)

        _proc(j0 + 1, 1)
        _prefetch(j0 + 4, 0)
        _proc(j0 + 2, 2)

        @pl.when(k < _KMAIN - 1)
        def _():
            _prefetch(j0 + 5, 1)

        _proc(j0 + 3, 3)

        @pl.when(k < _KMAIN - 1)
        def _():
            _prefetch(j0 + 6, 2)

    _proc(_NBUF * _KMAIN, 0)

    for b in (1, 2, 3, 0):
        j = 120 + b if b else 124
        pltpu.make_async_copy(rows.at[b], agg.at[dst2.at[j]], ss.at[b]).wait()

    plsc.subcore_barrier()
    pltpu.sync_copy(agg.at[pl.ds(s * _NPS, _NPS)],
                    out_h.at[c, pl.ds(s * _NPS, _NPS)])


@functools.cache
def _build_edge():
    return pl.kernel(
        _edge_body,
        out_type=jax.ShapeDtypeStruct((_NC, _N, _MSG), jnp.float32),
        mesh=plsc.VectorSubcoreMesh(core_axis_name="c", subcore_axis_name="s",
                                    num_cores=_NC, num_subcores=_NS),
        compiler_params=pltpu.CompilerParams(needs_layout_passes=False,
                                             use_tc_tiling_on_sc=False),
        scratch_types=[
            pltpu.VMEM_SHARED((_N, _MSG), jnp.float32),
            pltpu.VMEM((_NCHE, _CE), jnp.int32),
            pltpu.VMEM((_NCHE, _CE), jnp.int32),
            pltpu.VMEM((_NBUF, _CE, _MSG), jnp.float32),
            pltpu.VMEM((_NBUF, _CE, _MSG), jnp.float32),
            pltpu.VMEM((125, _MSG), jnp.float32),
            pltpu.SemaphoreType.DMA((_NBUF,)),
            pltpu.SemaphoreType.DMA((_NBUF,)),
            pltpu.SemaphoreType.DMA((_NBUF,)),
        ],
    )


def _edge_call(*args):
    return _build_edge()(*args)



def _embed_body(x_ref, emb_ref, we_ref, be_ref, wv_ref, h0_ref, v0_ref):
    xv = x_ref[...]
    oh = (lax.broadcasted_iota(jnp.int32, (_N, 128), 1) == xv).astype(jnp.float32)
    embw = jnp.dot(emb_ref[...], we_ref[...], preferred_element_type=jnp.float32)
    h0 = jnp.dot(oh, embw, preferred_element_type=jnp.float32) + be_ref[...]
    h0_ref[...] = h0
    v0_ref[...] = jnp.dot(h0, wv_ref[...], preferred_element_type=jnp.float32)


_embed_call = pl.pallas_call(
    _embed_body,
    out_shape=(jax.ShapeDtypeStruct((_N, _D), jnp.float32),
               jax.ShapeDtypeStruct((_N, _MSG), jnp.float32)),
)

_BE = 8000
_GE = _E // _BE

_OFFS = np.linspace(0.0, _CUTOFF, _R).astype(np.float32)
_COEFF = float(-0.5 / (_OFFS[1] - _OFFS[0]) ** 2)


def _ef_body(d2_ref, wr0_ref, wr1_ref, ef0_ref, ef1_ref):
    d2v = d2_ref[...].reshape(1, _BE)
    dist = jnp.sqrt(d2v + 1e-12)
    offs = lax.broadcasted_iota(jnp.int32, (_R, 1), 0).astype(jnp.float32) \
        * (_CUTOFF / (_R - 1))
    rbf_t = jnp.exp(_COEFF * (dist - offs) ** 2)
    rbf = lax.transpose(rbf_t, (1, 0))
    z0 = jnp.dot(rbf, wr0_ref[...], preferred_element_type=jnp.float32)
    ef0_ref[...] = z0 * jax.nn.sigmoid(z0)
    z1 = jnp.dot(rbf, wr1_ref[...], preferred_element_type=jnp.float32)
    ef1_ref[...] = z1 * jax.nn.sigmoid(z1)


_ef_call = pl.pallas_call(
    _ef_body,
    grid=(_GE,),
    in_specs=[pl.BlockSpec((1, 1, _BE), lambda i: (i, 0, 0)),
              pl.BlockSpec((_R, _MSG), lambda i: (0, 0)),
              pl.BlockSpec((_R, _MSG), lambda i: (0, 0))],
    out_specs=[pl.BlockSpec((_BE, _MSG), lambda i: (i, 0)),
               pl.BlockSpec((_BE, _MSG), lambda i: (i, 0))],
    out_shape=(jax.ShapeDtypeStruct((_E, _MSG), jnp.float32),
               jax.ShapeDtypeStruct((_E, _MSG), jnp.float32)),
)



def _upd_body(h_ref, a0_ref, a1_ref, wo_ref, w1_ref, b1_ref, w2_ref, b2_ref,
              wv_ref, h1_ref, v1_ref):
    agg = a0_ref[...] + a1_ref[...]
    h = h_ref[...] + jnp.dot(agg, wo_ref[...], preferred_element_type=jnp.float32)
    t = jax.nn.gelu(jnp.dot(h, w1_ref[...], preferred_element_type=jnp.float32)
                    + b1_ref[...])
    h = h + jnp.dot(t, w2_ref[...], preferred_element_type=jnp.float32) + b2_ref[...]
    h1_ref[...] = h
    v1_ref[...] = jnp.dot(h, wv_ref[...], preferred_element_type=jnp.float32)


_upd_call = pl.pallas_call(
    _upd_body,
    out_shape=(jax.ShapeDtypeStruct((_N, _D), jnp.float32),
               jax.ShapeDtypeStruct((_N, _MSG), jnp.float32)),
)



def _fin_body(h_ref, a0_ref, a1_ref, wo_ref, w1_ref, b1_ref, w2_ref, b2_ref,
              bat_ref, wf1_ref, bf1_ref, wf2_ref, bf2_ref, wout_ref, bout_ref,
              y_ref):
    agg = a0_ref[...] + a1_ref[...]
    h = h_ref[...] + jnp.dot(agg, wo_ref[...], preferred_element_type=jnp.float32)
    t = jax.nn.gelu(jnp.dot(h, w1_ref[...], preferred_element_type=jnp.float32)
                    + b1_ref[...])
    h = h + jnp.dot(t, w2_ref[...], preferred_element_type=jnp.float32) + b2_ref[...]

    oh = (lax.broadcasted_iota(jnp.int32, (_N, _NG), 1) == bat_ref[...]).astype(jnp.float32)
    sums = lax.dot_general(oh, h, (((0,), (0,)), ((), ())),
                           preferred_element_type=jnp.float32)
    cnt8 = lax.dot_general(oh, jnp.ones((_N, 8), jnp.float32),
                           (((0,), (0,)), ((), ())),
                           preferred_element_type=jnp.float32)
    g = sums / jnp.maximum(cnt8[:, 0:1], 1.0)
    y = jax.nn.gelu(jnp.dot(g, wf1_ref[...], preferred_element_type=jnp.float32)
                    + bf1_ref[...])
    y = jax.nn.gelu(jnp.dot(y, wf2_ref[...], preferred_element_type=jnp.float32)
                    + bf2_ref[...])
    y_ref[...] = jnp.dot(y, wout_ref[...], preferred_element_type=jnp.float32) \
        + bout_ref[...]


_fin_call = pl.pallas_call(
    _fin_body,
    out_shape=jax.ShapeDtypeStruct((_NG, _OUT), jnp.float32),
)



def kernel(x, pos, batch, edge_index, atom_emb, W_embed, b_embed,
           Wv0, Wrbf0, Wo0, fcW1_0, fcb1_0, fcW2_0, fcb2_0,
           Wv1, Wrbf1, Wo1, fcW1_1, fcb1_1, fcW2_1, fcb2_1,
           Wf1, bf1, Wf2, bf2, Wout, bout):
    xi = x.astype(jnp.int32).reshape(_N, 1)
    src = edge_index[0].astype(jnp.int32)
    dst = edge_index[1].astype(jnp.int32)
    px = pos[:, 0]
    py = pos[:, 1]
    pz = pos[:, 2]

    d2 = _d2_call(px, py, pz, src, dst)
    ef0, ef1 = _ef_call(d2.reshape(_GE, 1, _BE), Wrbf0, Wrbf1)

    emb_pad = jnp.pad(atom_emb, ((0, 128 - atom_emb.shape[0]), (0, 0)))
    h0, v0 = _embed_call(xi, emb_pad, W_embed, b_embed.reshape(1, _D), Wv0)

    src_r = src.reshape(_NW, _NCHE, _CE)
    dst_r = dst.reshape(_NW, _NCHE, _CE)

    aggp0 = _edge_call(v0, ef0, src_r, dst_r)
    h1, v1 = _upd_call(h0, aggp0[0], aggp0[1], Wo0,
                       fcW1_0, fcb1_0.reshape(1, _D),
                       fcW2_0, fcb2_0.reshape(1, _D), Wv1)

    aggp1 = _edge_call(v1, ef1, src_r, dst_r)
    y = _fin_call(h1, aggp1[0], aggp1[1], Wo1,
                  fcW1_1, fcb1_1.reshape(1, _D),
                  fcW2_1, fcb2_1.reshape(1, _D),
                  batch.astype(jnp.int32).reshape(_N, 1),
                  Wf1, bf1.reshape(1, _D), Wf2, bf2.reshape(1, _D),
                  Wout, bout.reshape(1, _OUT))
    return y

# --- scband reference (transcript-rebuilt; emitter-appended) ---
"""Pipeline reference for scband-molecule-classifier-23862838297359 (READ-ONLY COPY).

The authoritative reference and input builder live on the scoring server;
editing this copy changes nothing except your own understanding.
"""

import jax, jax.numpy as jnp
import numpy as np

N = 10000
E = 320000
D = 128
MSG = 64
R = 32
NG = 64
EH = 5
OUT = 10
CUTOFF = 5.0

def _lin(key, fan_in, fan_out):
    return jax.random.normal(key, (fan_in, fan_out), dtype=jnp.float32) / np.sqrt(fan_in)

def setup_inputs(seed: int = 0):
    key = jax.random.key(seed)
    ks = jax.random.split(key, 32)
    inp = {}
    inp['x'] = jax.random.randint(ks[0], (N, 1), 0, 101)
    inp['pos'] = jax.random.normal(ks[1], (N, 3), dtype=jnp.float32) * 5.0
    inp['batch'] = jnp.sort(jax.random.randint(ks[2], (N,), 0, NG))
    inp['edge_index'] = jax.random.randint(ks[3], (2, E), 0, N)
    inp['atom_emb'] = jax.random.normal(ks[4], (101, EH), dtype=jnp.float32)
    inp['W_embed'] = _lin(ks[5], EH, D)
    inp['b_embed'] = jnp.zeros((D,), dtype=jnp.float32)
    k = 6
    for b in range(2):
        inp['Wv%d' % b] = _lin(ks[k], D, MSG); k += 1
        inp['Wrbf%d' % b] = _lin(ks[k], R, MSG); k += 1
        inp['Wo%d' % b] = _lin(ks[k], MSG, D); k += 1
        inp['fcW1_%d' % b] = _lin(ks[k], D, D); k += 1
        inp['fcb1_%d' % b] = jnp.zeros((D,), dtype=jnp.float32)
        inp['fcW2_%d' % b] = _lin(ks[k], D, D); k += 1
        inp['fcb2_%d' % b] = jnp.zeros((D,), dtype=jnp.float32)
    inp['Wf1'] = _lin(ks[k], D, D); k += 1
    inp['bf1'] = jnp.zeros((D,), dtype=jnp.float32)
    inp['Wf2'] = _lin(ks[k], D, D); k += 1
    inp['bf2'] = jnp.zeros((D,), dtype=jnp.float32)
    inp['Wout'] = _lin(ks[k], D, OUT); k += 1
    inp['bout'] = jnp.zeros((OUT,), dtype=jnp.float32)
    return inp

def _forward(x, pos, batch, edge_index, atom_emb, W_embed, b_embed, blocks, Wf1, bf1, Wf2, bf2, Wout, bout):
    # atom embedding block: type embedding lookup + linear projection
    h = jnp.take(atom_emb, x[:, 0], axis=0) @ W_embed + b_embed
    src = edge_index[0]
    dst = edge_index[1]
    # geometric embedding: pairwise distance + gaussian RBF
    diff = jnp.take(pos, src, axis=0) - jnp.take(pos, dst, axis=0)
    dist = jnp.sqrt(jnp.sum(diff * diff, axis=-1) + 1e-12)
    offsets = jnp.linspace(0.0, CUTOFF, R)
    coeff = -0.5 / (offsets[1] - offsets[0]) ** 2
    rbf = jnp.exp(coeff * (dist[:, None] - offsets[None, :]) ** 2)
    for (Wv, Wrbf, Wo, fcW1, fcb1, fcW2, fcb2) in blocks:
        # GC block: rbf-gated message passing with scatter-add aggregation
        v = h @ Wv
        ef = jax.nn.silu(rbf @ Wrbf)
        msg = jnp.take(v, src, axis=0) * ef
        agg = jax.ops.segment_sum(msg, dst, num_segments=N)
        h = h + agg @ Wo
        # nodewise residual MLP block
        h = h + (jax.nn.gelu(h @ fcW1 + fcb1) @ fcW2 + fcb2)
    # molwise global mean pool over graph ids
    sums = jax.ops.segment_sum(h, batch, num_segments=NG)
    cnts = jax.ops.segment_sum(jnp.ones((h.shape[0], 1), dtype=h.dtype), batch, num_segments=NG)
    g = sums / jnp.clip(cnts, 1.0)
    # final graph MLP head
    y = jax.nn.gelu(g @ Wf1 + bf1)
    y = jax.nn.gelu(y @ Wf2 + bf2)
    return y @ Wout + bout

def reference(x, pos, batch, edge_index, atom_emb, W_embed, b_embed, Wv0, Wrbf0, Wo0, fcW1_0, fcb1_0, fcW2_0, fcb2_0, Wv1, Wrbf1, Wo1, fcW1_1, fcb1_1, fcW2_1, fcb2_1, Wf1, bf1, Wf2, bf2, Wout, bout):
    blocks = [(Wv0, Wrbf0, Wo0, fcW1_0, fcb1_0, fcW2_0, fcb2_0), (Wv1, Wrbf1, Wo1, fcW1_1, fcb1_1, fcW2_1, fcb2_1)]
    return _forward(x, pos, batch, edge_index, atom_emb, W_embed, b_embed, blocks, Wf1, bf1, Wf2, bf2, Wout, bout)

if __name__ == "__main__":
    import jax
    _d = setup_inputs()
    print(jax.jit(kernel)(*tuple(_d.values())))

</pallas_src>

<mosaic_0001>
#map = affine_map<(d0, d1) -> (0)>
module attributes {stable_mosaic.version = 14 : i64} {
  func.func @_d2_body(%arg0: i32, %arg1: i32, %arg2: memref<10000xf32, #tpu.memory_space<hbm>>, %arg3: memref<10000xf32, #tpu.memory_space<hbm>>, %arg4: memref<10000xf32, #tpu.memory_space<hbm>>, %arg5: memref<320000xi32, #tpu.memory_space<hbm>>, %arg6: memref<320000xi32, #tpu.memory_space<hbm>>, %arg7: memref<320000xf32, #tpu.memory_space<hbm>>, %arg8: memref<10000xf32, #tpu.memory_space<vmem>>, %arg9: memref<10000xf32, #tpu.memory_space<vmem>>, %arg10: memref<10000xf32, #tpu.memory_space<vmem>>, %arg11: memref<2000xi32, #tpu.memory_space<vmem>>, %arg12: memref<2000xi32, #tpu.memory_space<vmem>>, %arg13: memref<2000xf32, #tpu.memory_space<vmem>>) attributes {dimension_semantics = [#tpu.dimension_semantics<core_parallel>, #tpu.dimension_semantics<subcore_parallel>], iteration_bounds = array<i64: 2, 16>, scalar_prefetch = 0 : i64, scratch_operands = 6 : i64, tpu.core_type = #tpu.core_type<sc_vector_subcore>, window_params = [{transform_indices = #map}, {transform_indices = #map}, {transform_indices = #map}, {transform_indices = #map}, {transform_indices = #map}, {transform_indices = #map}]} {
    %mul3A = arith.constant 2 : i32
    %mul3A_0 = arith.muli %arg1, %mul3A : i32
    %add3A = arith.addi %mul3A_0, %arg0 : i32
    "tpu.region"() ({
      %run_scoped3A = tpu.sem_alloc : memref<!tpu.dma_semaphore, #tpu.memory_space<semaphore_mem>>
      tpu.enqueue_dma source(%arg2 : memref<10000xf32, #tpu.memory_space<hbm>>) target(%arg8 : memref<10000xf32, #tpu.memory_space<vmem>>) target_semaphore(%run_scoped3A : memref<!tpu.dma_semaphore, #tpu.memory_space<semaphore_mem>>)
      tpu.wait_dma2 semaphore(%run_scoped3A : memref<!tpu.dma_semaphore, #tpu.memory_space<semaphore_mem>>) src(%arg2 : memref<10000xf32, #tpu.memory_space<hbm>>) dst(%arg8 : memref<10000xf32, #tpu.memory_space<vmem>>)
      tpu.yield
    }) : () -> ()
    "tpu.region"() ({
      %run_scoped3A = tpu.sem_alloc : memref<!tpu.dma_semaphore, #tpu.memory_space<semaphore_mem>>
      tpu.enqueue_dma source(%arg3 : memref<10000xf32, #tpu.memory_space<hbm>>) target(%arg9 : memref<10000xf32, #tpu.memory_space<vmem>>) target_semaphore(%run_scoped3A : memref<!tpu.dma_semaphore, #tpu.memory_space<semaphore_mem>>)
      tpu.wait_dma2 semaphore(%run_scoped3A : memref<!tpu.dma_semaphore, #tpu.memory_space<semaphore_mem>>) src(%arg3 : memref<10000xf32, #tpu.memory_space<hbm>>) dst(%arg9 : memref<10000xf32, #tpu.memory_space<vmem>>)
      tpu.yield
    }) : () -> ()
    "tpu.region"() ({
      %run_scoped3A = tpu.sem_alloc : memref<!tpu.dma_semaphore, #tpu.memory_space<semaphore_mem>>
      tpu.enqueue_dma source(%arg4 : memref<10000xf32, #tpu.memory_space<hbm>>) target(%arg10 : memref<10000xf32, #tpu.memory_space<vmem>>) target_semaphore(%run_scoped3A : memref<!tpu.dma_semaphore, #tpu.memory_space<semaphore_mem>>)
      tpu.wait_dma2 semaphore(%run_scoped3A : memref<!tpu.dma_semaphore, #tpu.memory_space<semaphore_mem>>) src(%arg4 : memref<10000xf32, #tpu.memory_space<hbm>>) dst(%arg10 : memref<10000xf32, #tpu.memory_space<vmem>>)
      tpu.yield
    }) : () -> ()
    %scan3A = arith.constant 0 : i32
    %scan3A_1 = arith.constant 5 : i32
    %scan3A_2 = arith.addi %scan3A, %scan3A_1 : i32
    %scan3A_3 = arith.constant 1 : i32
    scf.for %scan3A_5 = %scan3A to %scan3A_2 step %scan3A_3  : i32 {
      %mul3A_6 = arith.constant 1 : i32
      %mul3A_7 = arith.muli %scan3A_5, %mul3A_6 : i32
      %add3A_8 = arith.constant 0 : i32
      %add3A_9 = arith.addi %add3A_8, %mul3A_7 : i32
      %mul3A_10 = arith.constant 10000 : i32
      %mul3A_11 = arith.muli %add3A, %mul3A_10 : i32
      %mul3A_12 = arith.constant 2000 : i32
      %mul3A_13 = arith.muli %add3A_9, %mul3A_12 : i32
      %add3A_14 = arith.addi %mul3A_11, %mul3A_13 : i32
      "tpu.region"() ({
        %run_scoped3A = tpu.sem_alloc : memref<!tpu.dma_semaphore, #tpu.memory_space<semaphore_mem>>
        %dma_start3A = tpu.memref_slice %arg5[%add3A_14] : memref<320000xi32, #tpu.memory_space<hbm>> -> memref<2000xi32, #tpu.memory_space<hbm>>
        %dma_start3A_20 = tpu.memref_slice %arg5[%add3A_14] : memref<320000xi32, #tpu.memory_space<hbm>> -> memref<2000xi32, #tpu.memory_space<hbm>>
        tpu.enqueue_dma source(%dma_start3A_20 : memref<2000xi32, #tpu.memory_space<hbm>>) target(%arg11 : memref<2000xi32, #tpu.memory_space<vmem>>) target_semaphore(%run_scoped3A : memref<!tpu.dma_semaphore, #tpu.memory_space<semaphore_mem>>)
        %dma_wait3A = tpu.memref_slice %arg5[%add3A_14] : memref<320000xi32, #tpu.memory_space<hbm>> -> memref<2000xi32, #tpu.memory_space<hbm>>
        %dma_wait3A_21 = tpu.memref_slice %arg5[%add3A_14] : memref<320000xi32, #tpu.memory_space<hbm>> -> memref<2000xi32, #tpu.memory_space<hbm>>
        tpu.wait_dma2 semaphore(%run_scoped3A : memref<!tpu.dma_semaphore, #tpu.memory_space<semaphore_mem>>) src(%dma_wait3A_21 : memref<2000xi32, #tpu.memory_space<hbm>>) dst(%arg11 : memref<2000xi32, #tpu.memory_space<vmem>>)
        tpu.yield
      }) : () -> ()
      "tpu.region"() ({
        %run_scoped3A = tpu.sem_alloc : memref<!tpu.dma_semaphore, #tpu.memory_space<semaphore_mem>>
        %dma_start3A = tpu.memref_slice %arg6[%add3A_14] : memref<320000xi32, #tpu.memory_space<hbm>> -> memref<2000xi32, #tpu.memory_space<hbm>>
        %dma_start3A_20 = tpu.memref_slice %arg6[%add3A_14] : memref<320000xi32, #tpu.memory_space<hbm>> -> memref<2000xi32, #tpu.memory_space<hbm>>
        tpu.enqueue_dma source(%dma_start3A_20 : memref<2000xi32, #tpu.memory_space<hbm>>) target(%arg12 : memref<2000xi32, #tpu.memory_space<vmem>>) target_semaphore(%run_scoped3A : memref<!tpu.dma_semaphore, #tpu.memory_space<semaphore_mem>>)
        %dma_wait3A = tpu.memref_slice %arg6[%add3A_14] : memref<320000xi32, #tpu.memory_space<hbm>> -> memref<2000xi32, #tpu.memory_space<hbm>>
        %dma_wait3A_21 = tpu.memref_slice %arg6[%add3A_14] : memref<320000xi32, #tpu.memory_space<hbm>> -> memref<2000xi32, #tpu.memory_space<hbm>>
        tpu.wait_dma2 semaphore(%run_scoped3A : memref<!tpu.dma_semaphore, #tpu.memory_space<semaphore_mem>>) src(%dma_wait3A_21 : memref<2000xi32, #tpu.memory_space<hbm>>) dst(%arg12 : memref<2000xi32, #tpu.memory_space<vmem>>)
        tpu.yield
      }) : () -> ()
      %scan3A_15 = arith.constant 0 : i32
      %scan3A_16 = arith.constant 125 : i32
      %scan3A_17 = arith.addi %scan3A_15, %scan3A_16 : i32
      %scan3A_18 = arith.constant 1 : i32
      scf.for %scan3A_20 = %scan3A_15 to %scan3A_17 step %scan3A_18  : i32 {
        %mul3A_21 = arith.constant 1 : i32
        %mul3A_22 = arith.muli %scan3A_20, %mul3A_21 : i32
        %add3A_23 = arith.constant 0 : i32
        %add3A_24 = arith.addi %add3A_23, %mul3A_22 : i32
        %mul3A_25 = arith.constant 16 : i32
        %mul3A_26 = arith.muli %add3A_24, %mul3A_25 : i32
        %get3A = arith.index_cast %mul3A_26 : i32 to index
        %get3A_27 = tpu.vector_load %arg11[%get3A] {strides = array<i32>} : memref<2000xi32, #tpu.memory_space<vmem>>, vector<16xi32>,
        %mul3A_28 = arith.constant 16 : i32
        %mul3A_29 = arith.muli %add3A_24, %mul3A_28 : i32
        %get3A_30 = arith.index_cast %mul3A_29 : i32 to index
        %get3A_31 = tpu.vector_load %arg12[%get3A_30] {strides = array<i32>} : memref<2000xi32, #tpu.memory_space<vmem>>, vector<16xi32>,
        %gather3A = tpu.vector_load_idx %arg8[%get3A_27] : memref<10000xf32, #tpu.memory_space<vmem>>[vector<16xi32>], vector<16xf32>,
        %gather3A_32 = tpu.vector_load_idx %arg8[%get3A_31] : memref<10000xf32, #tpu.memory_space<vmem>>[vector<16xi32>], vector<16xf32>,
        %sub3A = arith.subf %gather3A, %gather3A_32 : vector<16xf32>
        %gather3A_33 = tpu.vector_load_idx %arg9[%get3A_27] : memref<10000xf32, #tpu.memory_space<vmem>>[vector<16xi32>], vector<16xf32>,
        %gather3A_34 = tpu.vector_load_idx %arg9[%get3A_31] : memref<10000xf32, #tpu.memory_space<vmem>>[vector<16xi32>], vector<16xf32>,
        %sub3A_35 = arith.subf %gather3A_33, %gather3A_34 : vector<16xf32>
        %gather3A_36 = tpu.vector_load_idx %arg10[%get3A_27] : memref<10000xf32, #tpu.memory_space<vmem>>[vector<16xi32>], vector<16xf32>,
        %gather3A_37 = tpu.vector_load_idx %arg10[%get3A_31] : memref<10000xf32, #tpu.memory_space<vmem>>[vector<16xi32>], vector<16xf32>,
        %sub3A_38 = arith.subf %gather3A_36, %gather3A_37 : vector<16xf32>
        %mul3A_39 = arith.mulf %sub3A, %sub3A : vector<16xf32>
        %mul3A_40 = arith.mulf %sub3A_35, %sub3A_35 : vector<16xf32>
        %add3A_41 = arith.addf %mul3A_39, %mul3A_40 : vector<16xf32>
        %mul3A_42 = arith.mulf %sub3A_38, %sub3A_38 : vector<16xf32>
        %add3A_43 = arith.addf %add3A_41, %mul3A_42 : vector<16xf32>
        %mul3A_44 = arith.constant 16 : i32
        %mul3A_45 = arith.muli %add3A_24, %mul3A_44 : i32
        %swap3A = arith.index_cast %mul3A_45 : i32 to index
        %swap3A_46 = tpu.vector_load %arg13[%swap3A] {strides = array<i32>} : memref<2000xf32, #tpu.memory_space<vmem>>, vector<16xf32>,
        tpu.vector_store %arg13[%swap3A], %add3A_43 {strides = array<i32>} : memref<2000xf32, #tpu.memory_space<vmem>>, vector<16xf32>,
      }
      %scan3A_19 = arith.constant 125 : i32
      "tpu.region"() ({
        %run_scoped3A = tpu.sem_alloc : memref<!tpu.dma_semaphore, #tpu.memory_space<semaphore_mem>>
        %dma_start3A = tpu.memref_slice %arg7[%add3A_14] : memref<320000xf32, #tpu.memory_space<hbm>> -> memref<2000xf32, #tpu.memory_space<hbm>>
        %dma_start3A_20 = tpu.memref_slice %arg7[%add3A_14] : memref<320000xf32, #tpu.memory_space<hbm>> -> memref<2000xf32, #tpu.memory_space<hbm>>
        tpu.enqueue_dma source(%arg13 : memref<2000xf32, #tpu.memory_space<vmem>>) target(%dma_start3A_20 : memref<2000xf32, #tpu.memory_space<hbm>>) target_semaphore(%run_scoped3A : memref<!tpu.dma_semaphore, #tpu.memory_space<semaphore_mem>>)
        %dma_wait3A = tpu.memref_slice %arg7[%add3A_14] : memref<320000xf32, #tpu.memory_space<hbm>> -> memref<2000xf32, #tpu.memory_space<hbm>>
        %dma_wait3A_21 = tpu.memref_slice %arg7[%add3A_14] : memref<320000xf32, #tpu.memory_space<hbm>> -> memref<2000xf32, #tpu.memory_space<hbm>>
        tpu.wait_dma2 semaphore(%run_scoped3A : memref<!tpu.dma_semaphore, #tpu.memory_space<semaphore_mem>>) src(%arg13 : memref<2000xf32, #tpu.memory_space<vmem>>) dst(%dma_wait3A_21 : memref<2000xf32, #tpu.memory_space<hbm>>)
        tpu.yield
      }) : () -> ()
    }
    %scan3A_4 = arith.constant 5 : i32
    return
  }
}

#map = affine_map<(d0, d1) -> (0, 0)>
#map1 = affine_map<(d0, d1) -> (0, 0, 0)>
module attributes {stable_mosaic.version = 14 : i64} {
  func.func @_edge_body(%arg0: i32, %arg1: i32, %arg2: memref<10000x64xf32, #tpu.memory_space<hbm>>, %arg3: memref<320000x64xf32, #tpu.memory_space<hbm>>, %arg4: memref<32x125x80xi32, #tpu.memory_space<hbm>>, %arg5: memref<32x125x80xi32, #tpu.memory_space<hbm>>, %arg6: memref<2x10000x64xf32, #tpu.memory_space<hbm>>, %arg7: memref<10000x64xf32, #tpu.memory_space<vmem_shared>>, %arg8: memref<125x80xi32, #tpu.memory_space<vmem>>, %arg9: memref<125x80xi32, #tpu.memory_space<vmem>>, %arg10: memref<4x80x64xf32, #tpu.memory_space<vmem>>, %arg11: memref<4x80x64xf32, #tpu.memory_space<vmem>>, %arg12: memref<125x64xf32, #tpu.memory_space<vmem>>, %arg13: memref<4x!tpu.dma_semaphore, #tpu.memory_space<semaphore_mem>>, %arg14: memref<4x!tpu.dma_semaphore, #tpu.memory_space<semaphore_mem>>, %arg15: memref<4x!tpu.dma_semaphore, #tpu.memory_space<semaphore_mem>>) attributes {dimension_semantics = [#tpu.dimension_semantics<core_parallel>, #tpu.dimension_semantics<subcore_parallel>], iteration_bounds = array<i64: 2, 16>, scalar_prefetch = 0 : i64, scratch_operands = 9 : i64, tpu.core_type = #tpu.core_type<sc_vector_subcore>, window_params = [{transform_indices = #map}, {transform_indices = #map}, {transform_indices = #map1}, {transform_indices = #map1}, {transform_indices = #map1}]} {
    %mul3A = arith.constant 2 : i32
    %mul3A_0 = arith.muli %arg1, %mul3A : i32
    %add3A = arith.addi %mul3A_0, %arg0 : i32
    "tpu.region"() ({
      %run_scoped3A = tpu.sem_alloc : memref<!tpu.dma_semaphore, #tpu.memory_space<semaphore_mem>>
      %dma_start3A_299 = arith.constant 0 : i32
      %dma_start3A_300 = arith.constant 0 : i32
      %dma_start3A_301 = tpu.memref_slice %arg4[%add3A, %dma_start3A_299, %dma_start3A_300] : memref<32x125x80xi32, #tpu.memory_space<hbm>> -> memref<1x125x80xi32, #tpu.memory_space<hbm>>
      %dma_start3A_302 = tpu.memref_squeeze %dma_start3A_301 : memref<1x125x80xi32, #tpu.memory_space<hbm>> -> memref<125x80xi32, #tpu.memory_space<hbm>>
      %dma_start3A_303 = arith.constant 0 : i32
      %dma_start3A_304 = arith.constant 0 : i32
      %dma_start3A_305 = tpu.memref_slice %arg4[%add3A, %dma_start3A_303, %dma_start3A_304] : memref<32x125x80xi32, #tpu.memory_space<hbm>> -> memref<1x125x80xi32, #tpu.memory_space<hbm>>
      %dma_start3A_306 = tpu.memref_squeeze %dma_start3A_305 : memref<1x125x80xi32, #tpu.memory_space<hbm>> -> memref<125x80xi32, #tpu.memory_space<hbm>>
      tpu.enqueue_dma source(%dma_start3A_306 : memref<125x80xi32, #tpu.memory_space<hbm>>) target(%arg8 : memref<125x80xi32, #tpu.memory_space<vmem>>) target_semaphore(%run_scoped3A : memref<!tpu.dma_semaphore, #tpu.memory_space<semaphore_mem>>)
      %dma_wait3A_307 = arith.constant 0 : i32
      %dma_wait3A_308 = arith.constant 0 : i32
      %dma_wait3A_309 = tpu.memref_slice %arg4[%add3A, %dma_wait3A_307, %dma_wait3A_308] : memref<32x125x80xi32, #tpu.memory_space<hbm>> -> memref<1x125x80xi32, #tpu.memory_space<hbm>>
      %dma_wait3A_310 = tpu.memref_squeeze %dma_wait3A_309 : memref<1x125x80xi32, #tpu.memory_space<hbm>> -> memref<125x80xi32, #tpu.memory_space<hbm>>
      %dma_wait3A_311 = arith.constant 0 : i32
      %dma_wait3A_312 = arith.constant 0 : i32
      %dma_wait3A_313 = tpu.memref_slice %arg4[%add3A, %dma_wait3A_311, %dma_wait3A_312] : memref<32x125x80xi32, #tpu.memory_space<hbm>> -> memref<1x125x80xi32, #tpu.memory_space<hbm>>
      %dma_wait3A_314 = tpu.memref_squeeze %dma_wait3A_313 : memref<1x125x80xi32, #tpu.memory_space<hbm>> -> memref<125x80xi32, #tpu.memory_space<hbm>>
      tpu.wait_dma2 semaphore(%run_scoped3A : memref<!tpu.dma_semaphore, #tpu.memory_space<semaphore_mem>>) src(%dma_wait3A_314 : memref<125x80xi32, #tpu.memory_space<hbm>>) dst(%arg8 : memref<125x80xi32, #tpu.memory_space<vmem>>)
      tpu.yield
    }) : () -> ()
    "tpu.region"() ({
      %run_scoped3A = tpu.sem_alloc : memref<!tpu.dma_semaphore, #tpu.memory_space<semaphore_mem>>
      %dma_start3A_299 = arith.constant 0 : i32
      %dma_start3A_300 = arith.constant 0 : i32
      %dma_start3A_301 = tpu.memref_slice %arg5[%add3A, %dma_start3A_299, %dma_start3A_300] : memref<32x125x80xi32, #tpu.memory_space<hbm>> -> memref<1x125x80xi32, #tpu.memory_space<hbm>>
      %dma_start3A_302 = tpu.memref_squeeze %dma_start3A_301 : memref<1x125x80xi32, #tpu.memory_space<hbm>> -> memref<125x80xi32, #tpu.memory_space<hbm>>
      %dma_start3A_303 = arith.constant 0 : i32
      %dma_start3A_304 = arith.constant 0 : i32
      %dma_start3A_305 = tpu.memref_slice %arg5[%add3A, %dma_start3A_303, %dma_start3A_304] : memref<32x125x80xi32, #tpu.memory_space<hbm>> -> memref<1x125x80xi32, #tpu.memory_space<hbm>>
      %dma_start3A_306 = tpu.memref_squeeze %dma_start3A_305 : memref<1x125x80xi32, #tpu.memory_space<hbm>> -> memref<125x80xi32, #tpu.memory_space<hbm>>
      tpu.enqueue_dma source(%dma_start3A_306 : memref<125x80xi32, #tpu.memory_space<hbm>>) target(%arg9 : memref<125x80xi32, #tpu.memory_space<vmem>>) target_semaphore(%run_scoped3A : memref<!tpu.dma_semaphore, #tpu.memory_space<semaphore_mem>>)
      %dma_wait3A_307 = arith.constant 0 : i32
      %dma_wait3A_308 = arith.constant 0 : i32
      %dma_wait3A_309 = tpu.memref_slice %arg5[%add3A, %dma_wait3A_307, %dma_wait3A_308] : memref<32x125x80xi32, #tpu.memory_space<hbm>> -> memref<1x125x80xi32, #tpu.memory_space<hbm>>
      %dma_wait3A_310 = tpu.memref_squeeze %dma_wait3A_309 : memref<1x125x80xi32, #tpu.memory_space<hbm>> -> memref<125x80xi32, #tpu.memory_space<hbm>>
      %dma_wait3A_311 = arith.constant 0 : i32
      %dma_wait3A_312 = arith.constant 0 : i32
      %dma_wait3A_313 = tpu.memref_slice %arg5[%add3A, %dma_wait3A_311, %dma_wait3A_312] : memref<32x125x80xi32, #tpu.memory_space<hbm>> -> memref<1x125x80xi32, #tpu.memory_space<hbm>>
      %dma_wait3A_314 = tpu.memref_squeeze %dma_wait3A_313 : memref<1x125x80xi32, #tpu.memory_space<hbm>> -> memref<125x80xi32, #tpu.memory_space<hbm>>
      tpu.wait_dma2 semaphore(%run_scoped3A : memref<!tpu.dma_semaphore, #tpu.memory_space<semaphore_mem>>) src(%dma_wait3A_314 : memref<125x80xi32, #tpu.memory_space<hbm>>) dst(%arg9 : memref<125x80xi32, #tpu.memory_space<vmem>>)
      tpu.yield
    }) : () -> ()
    %broadcast_in_dim3A = arith.constant 0.000000e+00 : f32
    %broadcast_in_dim3A_1 = vector.broadcast %broadcast_in_dim3A : f32 to vector<16xf32>
    %scan3A = arith.constant 0 : i32
    %scan3A_2 = arith.constant 125 : i32
    %scan3A_3 = arith.addi %scan3A, %scan3A_2 : i32
    %scan3A_4 = arith.constant 1 : i32
    scf.for %scan3A_299 = %scan3A to %scan3A_3 step %scan3A_4  : i32 {
      %mul3A_300 = arith.constant 1 : i32
      %mul3A_301 = arith.muli %scan3A_299, %mul3A_300 : i32
      %add3A_302 = arith.constant 0 : i32
      %add3A_303 = arith.addi %add3A_302, %mul3A_301 : i32
      %swap3A = arith.index_cast %add3A_303 : i32 to index
      %swap3A_304 = arith.constant 0 : index
      %swap3A_305 = tpu.vector_load %arg12[%swap3A, %swap3A_304] {strides = array<i32>} : memref<125x64xf32, #tpu.memory_space<vmem>>, vector<16xf32>,
      tpu.vector_store %arg12[%swap3A, %swap3A_304], %broadcast_in_dim3A_1 {strides = array<i32>} : memref<125x64xf32, #tpu.memory_space<vmem>>, vector<16xf32>,
      %swap3A_306 = arith.index_cast %add3A_303 : i32 to index
      %swap3A_307 = arith.constant 16 : index
      %swap3A_308 = tpu.vector_load %arg12[%swap3A_306, %swap3A_307] {strides = array<i32>} : memref<125x64xf32, #tpu.memory_space<vmem>>, vector<16xf32>,
      tpu.vector_store %arg12[%swap3A_306, %swap3A_307], %broadcast_in_dim3A_1 {strides = array<i32>} : memref<125x64xf32, #tpu.memory_space<vmem>>, vector<16xf32>,
      %swap3A_309 = arith.index_cast %add3A_303 : i32 to index
      %swap3A_310 = arith.constant 32 : index
      %swap3A_311 = tpu.vector_load %arg12[%swap3A_309, %swap3A_310] {strides = array<i32>} : memref<125x64xf32, #tpu.memory_space<vmem>>, vector<16xf32>,
      tpu.vector_store %arg12[%swap3A_309, %swap3A_310], %broadcast_in_dim3A_1 {strides = array<i32>} : memref<125x64xf32, #tpu.memory_space<vmem>>, vector<16xf32>,
      %swap3A_312 = arith.index_cast %add3A_303 : i32 to index
      %swap3A_313 = arith.constant 48 : index
      %swap3A_314 = tpu.vector_load %arg12[%swap3A_312, %swap3A_313] {strides = array<i32>} : memref<125x64xf32, #tpu.memory_space<vmem>>, vector<16xf32>,
      tpu.vector_store %arg12[%swap3A_312, %swap3A_313], %broadcast_in_dim3A_1 {strides = array<i32>} : memref<125x64xf32, #tpu.memory_space<vmem>>, vector<16xf32>,
    }
    %scan3A_5 = arith.constant 125 : i32
    %mul3A_6 = arith.constant 625 : i32
    %mul3A_7 = arith.muli %arg1, %mul3A_6 : i32
    %add3A_8 = arith.constant 0 : i32
    %add3A_9 = arith.addi %mul3A_7, %add3A_8 : i32
    "tpu.region"() ({
      %run_scoped3A = tpu.sem_alloc : memref<!tpu.dma_semaphore, #tpu.memory_space<semaphore_mem>>
      %dma_start3A_299 = arith.constant 0 : i32
      %dma_start3A_300 = tpu.memref_slice %arg7[%add3A_9, %dma_start3A_299] : memref<10000x64xf32, #tpu.memory_space<vmem_shared>> -> memref<125x64xf32, #tpu.memory_space<vmem_shared>>
      %dma_start3A_301 = arith.constant 0 : i32
      %dma_start3A_302 = tpu.memref_slice %arg7[%add3A_9, %dma_start3A_301] : memref<10000x64xf32, #tpu.memory_space<vmem_shared>> -> memref<125x64xf32, #tpu.memory_space<vmem_shared>>
      tpu.enqueue_dma source(%arg12 : memref<125x64xf32, #tpu.memory_space<vmem>>) target(%dma_start3A_302 : memref<125x64xf32, #tpu.memory_space<vmem_shared>>) target_semaphore(%run_scoped3A : memref<!tpu.dma_semaphore, #tpu.memory_space<semaphore_mem>>)
      %dma_wait3A_303 = arith.constant 0 : i32
      %dma_wait3A_304 = tpu.memref_slice %arg7[%add3A_9, %dma_wait3A_303] : memref<10000x64xf32, #tpu.memory_space<vmem_shared>> -> memref<125x64xf32, #tpu.memory_space<vmem_shared>>
      %dma_wait3A_305 = arith.constant 0 : i32
      %dma_wait3A_306 = tpu.memref_slice %arg7[%add3A_9, %dma_wait3A_305] : memref<10000x64xf32, #tpu.memory_space<vmem_shared>> -> memref<125x64xf32, #tpu.memory_space<vmem_shared>>
      tpu.wait_dma2 semaphore(%run_scoped3A : memref<!tpu.dma_semaphore, #tpu.memory_space<semaphore_mem>>) src(%arg12 : memref<125x64xf32, #tpu.memory_space<vmem>>) dst(%dma_wait3A_306 : memref<125x64xf32, #tpu.memory_space<vmem_shared>>)
      tpu.yield
    }) : () -> ()
    %mul3A_10 = arith.constant 625 : i32
    %mul3A_11 = arith.muli %arg1, %mul3A_10 : i32
    %add3A_12 = arith.constant 125 : i32
    %add3A_13 = arith.addi %mul3A_11, %add3A_12 : i32
    "tpu.region"() ({
      %run_scoped3A = tpu.sem_alloc : memref<!tpu.dma_semaphore, #tpu.memory_space<semaphore_mem>>
      %dma_start3A_299 = arith.constant 0 : i32
      %dma_start3A_300 = tpu.memref_slice %arg7[%add3A_13, %dma_start3A_299] : memref<10000x64xf32, #tpu.memory_space<vmem_shared>> -> memref<125x64xf32, #tpu.memory_space<vmem_shared>>
      %dma_start3A_301 = arith.constant 0 : i32
      %dma_start3A_302 = tpu.memref_slice %arg7[%add3A_13, %dma_start3A_301] : memref<10000x64xf32, #tpu.memory_space<vmem_shared>> -> memref<125x64xf32, #tpu.memory_space<vmem_shared>>
      tpu.enqueue_dma source(%arg12 : memref<125x64xf32, #tpu.memory_space<vmem>>) target(%dma_start3A_302 : memref<125x64xf32, #tpu.memory_space<vmem_shared>>) target_semaphore(%run_scoped3A : memref<!tpu.dma_semaphore, #tpu.memory_space<semaphore_mem>>)
      %dma_wait3A_303 = arith.constant 0 : i32
      %dma_wait3A_304 = tpu.memref_slice %arg7[%add3A_13, %dma_wait3A_303] : memref<10000x64xf32, #tpu.memory_space<vmem_shared>> -> memref<125x64xf32, #tpu.memory_space<vmem_shared>>
      %dma_wait3A_305 = arith.constant 0 : i32
      %dma_wait3A_306 = tpu.memref_slice %arg7[%add3A_13, %dma_wait3A_305] : memref<10000x64xf32, #tpu.memory_space<vmem_shared>> -> memref<125x64xf32, #tpu.memory_space<vmem_shared>>
      tpu.wait_dma2 semaphore(%run_scoped3A : memref<!tpu.dma_semaphore, #tpu.memory_space<semaphore_mem>>) src(%arg12 : memref<125x64xf32, #tpu.memory_space<vmem>>) dst(%dma_wait3A_306 : memref<125x64xf32, #tpu.memory_space<vmem_shared>>)
      tpu.yield
    }) : () -> ()
    %mul3A_14 = arith.constant 625 : i32
    %mul3A_15 = arith.muli %arg1, %mul3A_14 : i32
    %add3A_16 = arith.constant 250 : i32
    %add3A_17 = arith.addi %mul3A_15, %add3A_16 : i32
    "tpu.region"() ({
      %run_scoped3A = tpu.sem_alloc : memref<!tpu.dma_semaphore, #tpu.memory_space<semaphore_mem>>
      %dma_start3A_299 = arith.constant 0 : i32
      %dma_start3A_300 = tpu.memref_slice %arg7[%add3A_17, %dma_start3A_299] : memref<10000x64xf32, #tpu.memory_space<vmem_shared>> -> memref<125x64xf32, #tpu.memory_space<vmem_shared>>
      %dma_start3A_301 = arith.constant 0 : i32
      %dma_start3A_302 = tpu.memref_slice %arg7[%add3A_17, %dma_start3A_301] : memref<10000x64xf32, #tpu.memory_space<vmem_shared>> -> memref<125x64xf32, #tpu.memory_space<vmem_shared>>
      tpu.enqueue_dma source(%arg12 : memref<125x64xf32, #tpu.memory_space<vmem>>) target(%dma_start3A_302 : memref<125x64xf32, #tpu.memory_space<vmem_shared>>) target_semaphore(%run_scoped3A : memref<!tpu.dma_semaphore, #tpu.memory_space<semaphore_mem>>)
      %dma_wait3A_303 = arith.constant 0 : i32
      %dma_wait3A_304 = tpu.memref_slice %arg7[%add3A_17, %dma_wait3A_303] : memref<10000x64xf32, #tpu.memory_space<vmem_shared>> -> memref<125x64xf32, #tpu.memory_space<vmem_shared>>
      %dma_wait3A_305 = arith.constant 0 : i32
      %dma_wait3A_306 = tpu.memref_slice %arg7[%add3A_17, %dma_wait3A_305] : memref<10000x64xf32, #tpu.memory_space<vmem_shared>> -> memref<125x64xf32, #tpu.memory_space<vmem_shared>>
      tpu.wait_dma2 semaphore(%run_scoped3A : memref<!tpu.dma_semaphore, #tpu.memory_space<semaphore_mem>>) src(%arg12 : memref<125x64xf32, #tpu.memory_space<vmem>>) dst(%dma_wait3A_306 : memref<125x64xf32, #tpu.memory_space<vmem_shared>>)
      tpu.yield
    }) : () -> ()
    %mul3A_18 = arith.constant 625 : i32
    %mul3A_19 = arith.muli %arg1, %mul3A_18 : i32
    %add3A_20 = arith.constant 375 : i32
    %add3A_21 = arith.addi %mul3A_19, %add3A_20 : i32
    "tpu.region"() ({
      %run_scoped3A = tpu.sem_alloc : memref<!tpu.dma_semaphore, #tpu.memory_space<semaphore_mem>>
      %dma_start3A_299 = arith.constant 0 : i32
      %dma_start3A_300 = tpu.memref_slice %arg7[%add3A_21, %dma_start3A_299] : memref<10000x64xf32, #tpu.memory_space<vmem_shared>> -> memref<125x64xf32, #tpu.memory_space<vmem_shared>>
      %dma_start3A_301 = arith.constant 0 : i32
      %dma_start3A_302 = tpu.memref_slice %arg7[%add3A_21, %dma_start3A_301] : memref<10000x64xf32, #tpu.memory_space<vmem_shared>> -> memref<125x64xf32, #tpu.memory_space<vmem_shared>>
      tpu.enqueue_dma source(%arg12 : memref<125x64xf32, #tpu.memory_space<vmem>>) target(%dma_start3A_302 : memref<125x64xf32, #tpu.memory_space<vmem_shared>>) target_semaphore(%run_scoped3A : memref<!tpu.dma_semaphore, #tpu.memory_space<semaphore_mem>>)
      %dma_wait3A_303 = arith.constant 0 : i32
      %dma_wait3A_304 = tpu.memref_slice %arg7[%add3A_21, %dma_wait3A_303] : memref<10000x64xf32, #tpu.memory_space<vmem_shared>> -> memref<125x64xf32, #tpu.memory_space<vmem_shared>>
      %dma_wait3A_305 = arith.constant 0 : i32
      %dma_wait3A_306 = tpu.memref_slice %arg7[%add3A_21, %dma_wait3A_305] : memref<10000x64xf32, #tpu.memory_space<vmem_shared>> -> memref<125x64xf32, #tpu.memory_space<vmem_shared>>
      tpu.wait_dma2 semaphore(%run_scoped3A : memref<!tpu.dma_semaphore, #tpu.memory_space<semaphore_mem>>) src(%arg12 : memref<125x64xf32, #tpu.memory_space<vmem>>) dst(%dma_wait3A_306 : memref<125x64xf32, #tpu.memory_space<vmem_shared>>)
      tpu.yield
    }) : () -> ()
    %mul3A_22 = arith.constant 625 : i32
    %mul3A_23 = arith.muli %arg1, %mul3A_22 : i32
    %add3A_24 = arith.constant 500 : i32
    %add3A_25 = arith.addi %mul3A_23, %add3A_24 : i32
    "tpu.region"() ({
      %run_scoped3A = tpu.sem_alloc : memref<!tpu.dma_semaphore, #tpu.memory_space<semaphore_mem>>
      %dma_start3A_299 = arith.constant 0 : i32
      %dma_start3A_300 = tpu.memref_slice %arg7[%add3A_25, %dma_start3A_299] : memref<10000x64xf32, #tpu.memory_space<vmem_shared>> -> memref<125x64xf32, #tpu.memory_space<vmem_shared>>
      %dma_start3A_301 = arith.constant 0 : i32
      %dma_start3A_302 = tpu.memref_slice %arg7[%add3A_25, %dma_start3A_301] : memref<10000x64xf32, #tpu.memory_space<vmem_shared>> -> memref<125x64xf32, #tpu.memory_space<vmem_shared>>
      tpu.enqueue_dma source(%arg12 : memref<125x64xf32, #tpu.memory_space<vmem>>) target(%dma_start3A_302 : memref<125x64xf32, #tpu.memory_space<vmem_shared>>) target_semaphore(%run_scoped3A : memref<!tpu.dma_semaphore, #tpu.memory_space<semaphore_mem>>)
      %dma_wait3A_303 = arith.constant 0 : i32
      %dma_wait3A_304 = tpu.memref_slice %arg7[%add3A_25, %dma_wait3A_303] : memref<10000x64xf32, #tpu.memory_space<vmem_shared>> -> memref<125x64xf32, #tpu.memory_space<vmem_shared>>
      %dma_wait3A_305 = arith.constant 0 : i32
      %dma_wait3A_306 = tpu.memref_slice %arg7[%add3A_25, %dma_wait3A_305] : memref<10000x64xf32, #tpu.memory_space<vmem_shared>> -> memref<125x64xf32, #tpu.memory_space<vmem_shared>>
      tpu.wait_dma2 semaphore(%run_scoped3A : memref<!tpu.dma_semaphore, #tpu.memory_space<semaphore_mem>>) src(%arg12 : memref<125x64xf32, #tpu.memory_space<vmem>>) dst(%dma_wait3A_306 : memref<125x64xf32, #tpu.memory_space<vmem_shared>>)
      tpu.yield
    }) : () -> ()
    %barrier3A = arith.constant 0 : index
    tpu.barrier barrier_id(%barrier3A)
    %mul3A_26 = arith.constant 125 : i32
    %mul3A_27 = arith.muli %add3A, %mul3A_26 : i32
    %add3A_28 = arith.constant 0 : i32
    %add3A_29 = arith.addi %mul3A_27, %add3A_28 : i32
    %mul3A_30 = arith.constant 80 : i32
    %mul3A_31 = arith.muli %add3A_29, %mul3A_30 : i32
    %dma_start3A = arith.constant 0 : i32
    %dma_start3A_32 = arith.constant 0 : i32
    %dma_start3A_33 = arith.constant 0 : i32
    %dma_start3A_34 = arith.constant 0 : i32
    %dma_start3A_35 = tpu.memref_slice %arg11[%dma_start3A, %dma_start3A_33, %dma_start3A_34] : memref<4x80x64xf32, #tpu.memory_space<vmem>> -> memref<1x80x64xf32, #tpu.memory_space<vmem>>
    %dma_start3A_36 = tpu.memref_squeeze %dma_start3A_35 : memref<1x80x64xf32, #tpu.memory_space<vmem>> -> memref<80x64xf32, #tpu.memory_space<vmem>>
    %dma_start3A_37 = arith.constant 0 : i32
    %dma_start3A_38 = tpu.memref_slice %arg3[%mul3A_31, %dma_start3A_37] : memref<320000x64xf32, #tpu.memory_space<hbm>> -> memref<80x64xf32, #tpu.memory_space<hbm>>
    %dma_start3A_39 = tpu.memref_slice %arg14[%dma_start3A_32] : memref<4x!tpu.dma_semaphore, #tpu.memory_space<semaphore_mem>> -> memref<1x!tpu.dma_semaphore, #tpu.memory_space<semaphore_mem>>
    %dma_start3A_40 = tpu.memref_squeeze %dma_start3A_39 : memref<1x!tpu.dma_semaphore, #tpu.memory_space<semaphore_mem>> -> memref<!tpu.dma_semaphore, #tpu.memory_space<semaphore_mem>>
    %dma_start3A_41 = arith.constant 0 : i32
    %dma_start3A_42 = arith.constant 0 : i32
    %dma_start3A_43 = tpu.memref_slice %arg11[%dma_start3A, %dma_start3A_41, %dma_start3A_42] : memref<4x80x64xf32, #tpu.memory_space<vmem>> -> memref<1x80x64xf32, #tpu.memory_space<vmem>>
    %dma_start3A_44 = tpu.memref_squeeze %dma_start3A_43 : memref<1x80x64xf32, #tpu.memory_space<vmem>> -> memref<80x64xf32, #tpu.memory_space<vmem>>
    %dma_start3A_45 = arith.constant 0 : i32
    %dma_start3A_46 = tpu.memref_slice %arg3[%mul3A_31, %dma_start3A_45] : memref<320000x64xf32, #tpu.memory_space<hbm>> -> memref<80x64xf32, #tpu.memory_space<hbm>>
    tpu.enqueue_dma source(%dma_start3A_46 : memref<80x64xf32, #tpu.memory_space<hbm>>) target(%dma_start3A_44 : memref<80x64xf32, #tpu.memory_space<vmem>>) target_semaphore(%dma_start3A_40 : memref<!tpu.dma_semaphore, #tpu.memory_space<semaphore_mem>>)
    %dma_start3A_47 = arith.constant 0 : i32
    %dma_start3A_48 = arith.constant 0 : i32
    %dma_start3A_49 = arith.constant 0 : i32
    %dma_start3A_50 = arith.constant 0 : i32
    %dma_start3A_51 = arith.constant 0 : i32
    %dma_start3A_52 = tpu.memref_slice %arg10[%dma_start3A_48, %dma_start3A_50, %dma_start3A_51] : memref<4x80x64xf32, #tpu.memory_space<vmem>> -> memref<1x80x64xf32, #tpu.memory_space<vmem>>
    %dma_start3A_53 = tpu.memref_squeeze %dma_start3A_52 : memref<1x80x64xf32, #tpu.memory_space<vmem>> -> memref<80x64xf32, #tpu.memory_space<vmem>>
    %dma_start3A_54 = arith.constant 0 : i32
    %dma_start3A_55 = tpu.memref_slice %arg8[%dma_start3A_47, %dma_start3A_54] : memref<125x80xi32, #tpu.memory_space<vmem>> -> memref<1x80xi32, #tpu.memory_space<vmem>>
    %dma_start3A_56 = tpu.memref_squeeze %dma_start3A_55 : memref<1x80xi32, #tpu.memory_space<vmem>> -> memref<80xi32, #tpu.memory_space<vmem>>
    %dma_start3A_57 = arith.constant 0 : i32
    %dma_start3A_58 = arith.constant 0 : i32
    %dma_start3A_59 = tpu.memref_slice %arg2[%dma_start3A_57, %dma_start3A_58] : memref<10000x64xf32, #tpu.memory_space<hbm>> -> memref<10000x64xf32, #tpu.memory_space<hbm>>
    %dma_start3A_60 = tpu.memref_slice %arg13[%dma_start3A_49] : memref<4x!tpu.dma_semaphore, #tpu.memory_space<semaphore_mem>> -> memref<1x!tpu.dma_semaphore, #tpu.memory_space<semaphore_mem>>
    %dma_start3A_61 = tpu.memref_squeeze %dma_start3A_60 : memref<1x!tpu.dma_semaphore, #tpu.memory_space<semaphore_mem>> -> memref<!tpu.dma_semaphore, #tpu.memory_space<semaphore_mem>>
    tpu.enqueue_indirect_dma source(%dma_start3A_59 : memref<10000x64xf32, #tpu.memory_space<hbm>>) target(%dma_start3A_53 : memref<80x64xf32, #tpu.memory_space<vmem>>) offsets(%dma_start3A_56 : memref<80xi32, #tpu.memory_space<vmem>>) semaphore(%dma_start3A_61 : memref<!tpu.dma_semaphore, #tpu.memory_space<semaphore_mem>>)
    %mul3A_62 = arith.constant 125 : i32
    %mul3A_63 = arith.muli %add3A, %mul3A_62 : i32
    %add3A_64 = arith.constant 1 : i32
    %add3A_65 = arith.addi %mul3A_63, %add3A_64 : i32
    %mul3A_66 = arith.constant 80 : i32
    %mul3A_67 = arith.muli %add3A_65, %mul3A_66 : i32
    %dma_start3A_68 = arith.constant 1 : i32
    %dma_start3A_69 = arith.constant 1 : i32
    %dma_start3A_70 = arith.constant 0 : i32
    %dma_start3A_71 = arith.constant 0 : i32
    %dma_start3A_72 = tpu.memref_slice %arg11[%dma_start3A_68, %dma_start3A_70, %dma_start3A_71] : memref<4x80x64xf32, #tpu.memory_space<vmem>> -> memref<1x80x64xf32, #tpu.memory_space<vmem>>
    %dma_start3A_73 = tpu.memref_squeeze %dma_start3A_72 : memref<1x80x64xf32, #tpu.memory_space<vmem>> -> memref<80x64xf32, #tpu.memory_space<vmem>>
    %dma_start3A_74 = arith.constant 0 : i32
    %dma_start3A_75 = tpu.memref_slice %arg3[%mul3A_67, %dma_start3A_74] : memref<320000x64xf32, #tpu.memory_space<hbm>> -> memref<80x64xf32, #tpu.memory_space<hbm>>
    %dma_start3A_76 = tpu.memref_slice %arg14[%dma_start3A_69] : memref<4x!tpu.dma_semaphore, #tpu.memory_space<semaphore_mem>> -> memref<1x!tpu.dma_semaphore, #tpu.memory_space<semaphore_mem>>
    %dma_start3A_77 = tpu.memref_squeeze %dma_start3A_76 : memref<1x!tpu.dma_semaphore, #tpu.memory_space<semaphore_mem>> -> memref<!tpu.dma_semaphore, #tpu.memory_space<semaphore_mem>>
    %dma_start3A_78 = arith.constant 0 : i32
    %dma_start3A_79 = arith.constant 0 : i32
    %dma_start3A_80 = tpu.memref_slice %arg11[%dma_start3A_68, %dma_start3A_78, %dma_start3A_79] : memref<4x80x64xf32, #tpu.memory_space<vmem>> -> memref<1x80x64xf32, #tpu.memory_space<vmem>>
    %dma_start3A_81 = tpu.memref_squeeze %dma_start3A_80 : memref<1x80x64xf32, #tpu.memory_space<vmem>> -> memref<80x64xf32, #tpu.memory_space<vmem>>
    %dma_start3A_82 = arith.constant 0 : i32
    %dma_start3A_83 = tpu.memref_slice %arg3[%mul3A_67, %dma_start3A_82] : memref<320000x64xf32, #tpu.memory_space<hbm>> -> memref<80x64xf32, #tpu.memory_space<hbm>>
    tpu.enqueue_dma source(%dma_start3A_83 : memref<80x64xf32, #tpu.memory_space<hbm>>) target(%dma_start3A_81 : memref<80x64xf32, #tpu.memory_space<vmem>>) target_semaphore(%dma_start3A_77 : memref<!tpu.dma_semaphore, #tpu.memory_space<semaphore_mem>>)
    %dma_start3A_84 = arith.constant 1 : i32
    %dma_start3A_85 = arith.constant 1 : i32
    %dma_start3A_86 = arith.constant 1 : i32
    %dma_start3A_87 = arith.constant 0 : i32
    %dma_start3A_88 = arith.constant 0 : i32
    %dma_start3A_89 = tpu.memref_slice %arg10[%dma_start3A_85, %dma_start3A_87, %dma_start3A_88] : memref<4x80x64xf32, #tpu.memory_space<vmem>> -> memref<1x80x64xf32, #tpu.memory_space<vmem>>
    %dma_start3A_90 = tpu.memref_squeeze %dma_start3A_89 : memref<1x80x64xf32, #tpu.memory_space<vmem>> -> memref<80x64xf32, #tpu.memory_space<vmem>>
    %dma_start3A_91 = arith.constant 0 : i32
    %dma_start3A_92 = tpu.memref_slice %arg8[%dma_start3A_84, %dma_start3A_91] : memref<125x80xi32, #tpu.memory_space<vmem>> -> memref<1x80xi32, #tpu.memory_space<vmem>>
    %dma_start3A_93 = tpu.memref_squeeze %dma_start3A_92 : memref<1x80xi32, #tpu.memory_space<vmem>> -> memref<80xi32, #tpu.memory_space<vmem>>
    %dma_start3A_94 = arith.constant 0 : i32
    %dma_start3A_95 = arith.constant 0 : i32
    %dma_start3A_96 = tpu.memref_slice %arg2[%dma_start3A_94, %dma_start3A_95] : memref<10000x64xf32, #tpu.memory_space<hbm>> -> memref<10000x64xf32, #tpu.memory_space<hbm>>
    %dma_start3A_97 = tpu.memref_slice %arg13[%dma_start3A_86] : memref<4x!tpu.dma_semaphore, #tpu.memory_space<semaphore_mem>> -> memref<1x!tpu.dma_semaphore, #tpu.memory_space<semaphore_mem>>
    %dma_start3A_98 = tpu.memref_squeeze %dma_start3A_97 : memref<1x!tpu.dma_semaphore, #tpu.memory_space<semaphore_mem>> -> memref<!tpu.dma_semaphore, #tpu.memory_space<semaphore_mem>>
    tpu.enqueue_indirect_dma source(%dma_start3A_96 : memref<10000x64xf32, #tpu.memory_space<hbm>>) target(%dma_start3A_90 : memref<80x64xf32, #tpu.memory_space<vmem>>) offsets(%dma_start3A_93 : memref<80xi32, #tpu.memory_space<vmem>>) semaphore(%dma_start3A_98 : memref<!tpu.dma_semaphore, #tpu.memory_space<semaphore_mem>>)
    %mul3A_99 = arith.constant 125 : i32
    %mul3A_100 = arith.muli %add3A, %mul3A_99 : i32
    %add3A_101 = arith.constant 2 : i32
    %add3A_102 = arith.addi %mul3A_100, %add3A_101 : i32
    %mul3A_103 = arith.constant 80 : i32
    %mul3A_104 = arith.muli %add3A_102, %mul3A_103 : i32
    %dma_start3A_105 = arith.constant 2 : i32
    %dma_start3A_106 = arith.constant 2 : i32
    %dma_start3A_107 = arith.constant 0 : i32
    %dma_start3A_108 = arith.constant 0 : i32
    %dma_start3A_109 = tpu.memref_slice %arg11[%dma_start3A_105, %dma_start3A_107, %dma_start3A_108] : memref<4x80x64xf32, #tpu.memory_space<vmem>> -> memref<1x80x64xf32, #tpu.memory_space<vmem>>
    %dma_start3A_110 = tpu.memref_squeeze %dma_start3A_109 : memref<1x80x64xf32, #tpu.memory_space<vmem>> -> memref<80x64xf32, #tpu.memory_space<vmem>>
    %dma_start3A_111 = arith.constant 0 : i32
    %dma_start3A_112 = tpu.memref_slice %arg3[%mul3A_104, %dma_start3A_111] : memref<320000x64xf32, #tpu.memory_space<hbm>> -> memref<80x64xf32, #tpu.memory_space<hbm>>
    %dma_start3A_113 = tpu.memref_slice %arg14[%dma_start3A_106] : memref<4x!tpu.dma_semaphore, #tpu.memory_space<semaphore_mem>> -> memref<1x!tpu.dma_semaphore, #tpu.memory_space<semaphore_mem>>
    %dma_start3A_114 = tpu.memref_squeeze %dma_start3A_113 : memref<1x!tpu.dma_semaphore, #tpu.memory_space<semaphore_mem>> -> memref<!tpu.dma_semaphore, #tpu.memory_space<semaphore_mem>>
    %dma_start3A_115 = arith.constant 0 : i32
    %dma_start3A_116 = arith.constant 0 : i32
    %dma_start3A_117 = tpu.memref_slice %arg11[%dma_start3A_105, %dma_start3A_115, %dma_start3A_116] : memref<4x80x64xf32, #tpu.memory_space<vmem>> -> memref<1x80x64xf32, #tpu.memory_space<vmem>>
    %dma_start3A_118 = tpu.memref_squeeze %dma_start3A_117 : memref<1x80x64xf32, #tpu.memory_space<vmem>> -> memref<80x64xf32, #tpu.memory_space<vmem>>
    %dma_start3A_119 = arith.constant 0 : i32
    %dma_start3A_120 = tpu.memref_slice %arg3[%mul3A_104, %dma_start3A_119] : memref<320000x64xf32, #tpu.memory_space<hbm>> -> memref<80x64xf32, #tpu.memory_space<hbm>>
    tpu.enqueue_dma source(%dma_start3A_120 : memref<80x64xf32, #tpu.memory_space<hbm>>) target(%dma_start3A_118 : memref<80x64xf32, #tpu.memory_space<vmem>>) target_semaphore(%dma_start3A_114 : memref<!tpu.dma_semaphore, #tpu.memory_space<semaphore_mem>>)
    %dma_start3A_121 = arith.constant 2 : i32
    %dma_start3A_122 = arith.constant 2 : i32
    %dma_start3A_123 = arith.constant 2 : i32
    %dma_start3A_124 = arith.constant 0 : i32
    %dma_start3A_125 = arith.constant 0 : i32
    %dma_start3A_126 = tpu.memref_slice %arg10[%dma_start3A_122, %dma_start3A_124, %dma_start3A_125] : memref<4x80x64xf32, #tpu.memory_space<vmem>> -> memref<1x80x64xf32, #tpu.memory_space<vmem>>
    %dma_start3A_127 = tpu.memref_squeeze %dma_start3A_126 : memref<1x80x64xf32, #tpu.memory_space<vmem>> -> memref<80x64xf32, #tpu.memory_space<vmem>>
    %dma_start3A_128 = arith.constant 0 : i32
    %dma_start3A_129 = tpu.memref_slice %arg8[%dma_start3A_121, %dma_start3A_128] : memref<125x80xi32, #tpu.memory_space<vmem>> -> memref<1x80xi32, #tpu.memory_space<vmem>>
    %dma_start3A_130 = tpu.memref_squeeze %dma_start3A_129 : memref<1x80xi32, #tpu.memory_space<vmem>> -> memref<80xi32, #tpu.memory_space<vmem>>
    %dma_start3A_131 = arith.constant 0 : i32
    %dma_start3A_132 = arith.constant 0 : i32
    %dma_start3A_133 = tpu.memref_slice %arg2[%dma_start3A_131, %dma_start3A_132] : memref<10000x64xf32, #tpu.memory_space<hbm>> -> memref<10000x64xf32, #tpu.memory_space<hbm>>
    %dma_start3A_134 = tpu.memref_slice %arg13[%dma_start3A_123] : memref<4x!tpu.dma_semaphore, #tpu.memory_space<semaphore_mem>> -> memref<1x!tpu.dma_semaphore, #tpu.memory_space<semaphore_mem>>
    %dma_start3A_135 = tpu.memref_squeeze %dma_start3A_134 : memref<1x!tpu.dma_semaphore, #tpu.memory_space<semaphore_mem>> -> memref<!tpu.dma_semaphore, #tpu.memory_space<semaphore_mem>>
    tpu.enqueue_indirect_dma source(%dma_start3A_133 : memref<10000x64xf32, #tpu.memory_space<hbm>>) target(%dma_start3A_127 : memref<80x64xf32, #tpu.memory_space<vmem>>) offsets(%dma_start3A_130 : memref<80xi32, #tpu.memory_space<vmem>>) semaphore(%dma_start3A_135 : memref<!tpu.dma_semaphore, #tpu.memory_space<semaphore_mem>>)
    %mul3A_136 = arith.constant 125 : i32
    %mul3A_137 = arith.muli %add3A, %mul3A_136 : i32
    %add3A_138 = arith.constant 3 : i32
    %add3A_139 = arith.addi %mul3A_137, %add3A_138 : i32
    %mul3A_140 = arith.constant 80 : i32
    %mul3A_141 = arith.muli %add3A_139, %mul3A_140 : i32
    %dma_start3A_142 = arith.constant 3 : i32
    %dma_start3A_143 = arith.constant 3 : i32
    %dma_start3A_144 = arith.constant 0 : i32
    %dma_start3A_145 = arith.constant 0 : i32
    %dma_start3A_146 = tpu.memref_slice %arg11[%dma_start3A_142, %dma_start3A_144, %dma_start3A_145] : memref<4x80x64xf32, #tpu.memory_space<vmem>> -> memref<1x80x64xf32, #tpu.memory_space<vmem>>
    %dma_start3A_147 = tpu.memref_squeeze %dma_start3A_146 : memref<1x80x64xf32, #tpu.memory_space<vmem>> -> memref<80x64xf32, #tpu.memory_space<vmem>>
    %dma_start3A_148 = arith.constant 0 : i32
    %dma_start3A_149 = tpu.memref_slice %arg3[%mul3A_141, %dma_start3A_148] : memref<320000x64xf32, #tpu.memory_space<hbm>> -> memref<80x64xf32, #tpu.memory_space<hbm>>
    %dma_start3A_150 = tpu.memref_slice %arg14[%dma_start3A_143] : memref<4x!tpu.dma_semaphore, #tpu.memory_space<semaphore_mem>> -> memref<1x!tpu.dma_semaphore, #tpu.memory_space<semaphore_mem>>
    %dma_start3A_151 = tpu.memref_squeeze %dma_start3A_150 : memref<1x!tpu.dma_semaphore, #tpu.memory_space<semaphore_mem>> -> memref<!tpu.dma_semaphore, #tpu.memory_space<semaphore_mem>>
    %dma_start3A_152 = arith.constant 0 : i32
    %dma_start3A_153 = arith.constant 0 : i32
    %dma_start3A_154 = tpu.memref_slice %arg11[%dma_start3A_142, %dma_start3A_152, %dma_start3A_153] : memref<4x80x64xf32, #tpu.memory_space<vmem>> -> memref<1x80x64xf32, #tpu.memory_space<vmem>>
    %dma_start3A_155 = tpu.memref_squeeze %dma_start3A_154 : memref<1x80x64xf32, #tpu.memory_space<vmem>> -> memref<80x64xf32, #tpu.memory_space<vmem>>
    %dma_start3A_156 = arith.constant 0 : i32
    %dma_start3A_157 = tpu.memref_slice %arg3[%mul3A_141, %dma_start3A_156] : memref<320000x64xf32, #tpu.memory_space<hbm>> -> memref<80x64xf32, #tpu.memory_space<hbm>>
    tpu.enqueue_dma source(%dma_start3A_157 : memref<80x64xf32, #tpu.memory_space<hbm>>) target(%dma_start3A_155 : memref<80x64xf32, #tpu.memory_space<vmem>>) target_semaphore(%dma_start3A_151 : memref<!tpu.dma_semaphore, #tpu.memory_space<semaphore_mem>>)
    %dma_start3A_158 = arith.constant 3 : i32
    %dma_start3A_159 = arith.constant 3 : i32
    %dma_start3A_160 = arith.constant 3 : i32
    %dma_start3A_161 = arith.constant 0 : i32
    %dma_start3A_162 = arith.constant 0 : i32
    %dma_start3A_163 = tpu.memref_slice %arg10[%dma_start3A_159, %dma_start3A_161, %dma_start3A_162] : memref<4x80x64xf32, #tpu.memory_space<vmem>> -> memref<1x80x64xf32, #tpu.memory_space<vmem>>
    %dma_start3A_164 = tpu.memref_squeeze %dma_start3A_163 : memref<1x80x64xf32, #tpu.memory_space<vmem>> -> memref<80x64xf32, #tpu.memory_space<vmem>>
    %dma_start3A_165 = arith.constant 0 : i32
    %dma_start3A_166 = tpu.memref_slice %arg8[%dma_start3A_158, %dma_start3A_165] : memref<125x80xi32, #tpu.memory_space<vmem>> -> memref<1x80xi32, #tpu.memory_space<vmem>>
    %dma_start3A_167 = tpu.memref_squeeze %dma_start3A_166 : memref<1x80xi32, #tpu.memory_space<vmem>> -> memref<80xi32, #tpu.memory_space<vmem>>
    %dma_start3A_168 = arith.constant 0 : i32
    %dma_start3A_169 = arith.constant 0 : i32
    %dma_start3A_170 = tpu.memref_slice %arg2[%dma_start3A_168, %dma_start3A_169] : memref<10000x64xf32, #tpu.memory_space<hbm>> -> memref<10000x64xf32, #tpu.memory_space<hbm>>
    %dma_start3A_171 = tpu.memref_slice %arg13[%dma_start3A_160] : memref<4x!tpu.dma_semaphore, #tpu.memory_space<semaphore_mem>> -> memref<1x!tpu.dma_semaphore, #tpu.memory_space<semaphore_mem>>
    %dma_start3A_172 = tpu.memref_squeeze %dma_start3A_171 : memref<1x!tpu.dma_semaphore, #tpu.memory_space<semaphore_mem>> -> memref<!tpu.dma_semaphore, #tpu.memory_space<semaphore_mem>>
    tpu.enqueue_indirect_dma source(%dma_start3A_170 : memref<10000x64xf32, #tpu.memory_space<hbm>>) target(%dma_start3A_164 : memref<80x64xf32, #tpu.memory_space<vmem>>) offsets(%dma_start3A_167 : memref<80xi32, #tpu.memory_space<vmem>>) semaphore(%dma_start3A_172 : memref<!tpu.dma_semaphore, #tpu.memory_space<semaphore_mem>>)
    %scan3A_173 = arith.constant 0 : i32
    %scan3A_174 = arith.constant 31 : i32
    %scan3A_175 = arith.addi %scan3A_173, %scan3A_174 : i32
    %scan3A_176 = arith.constant 1 : i32
    scf.for %scan3A_299 = %scan3A_173 to %scan3A_175 step %scan3A_176  : i32 {
      %mul3A_300 = arith.constant 1 : i32
      %mul3A_301 = arith.muli %scan3A_299, %mul3A_300 : i32
      %add3A_302 = arith.constant 0 : i32
      %add3A_303 = arith.addi %add3A_302, %mul3A_301 : i32
      %mul3A_304 = arith.constant 4 : i32
      %mul3A_305 = arith.muli %mul3A_304, %add3A_303 : i32
      %add3A_306 = arith.constant 0 : i32
      %add3A_307 = arith.addi %mul3A_305, %add3A_306 : i32
      %mul3A_308 = arith.constant 125 : i32
      %mul3A_309 = arith.muli %add3A, %mul3A_308 : i32
      %add3A_310 = arith.addi %mul3A_309, %add3A_307 : i32
      %mul3A_311 = arith.constant 80 : i32
      %mul3A_312 = arith.muli %add3A_310, %mul3A_311 : i32
      %dma_wait3A_313 = arith.constant 0 : i32
      %dma_wait3A_314 = arith.constant 0 : i32
      %dma_wait3A_315 = arith.constant 0 : i32
      %dma_wait3A_316 = arith.constant 0 : i32
      %dma_wait3A_317 = tpu.memref_slice %arg11[%dma_wait3A_313, %dma_wait3A_315, %dma_wait3A_316] : memref<4x80x64xf32, #tpu.memory_space<vmem>> -> memref<1x80x64xf32, #tpu.memory_space<vmem>>
      %dma_wait3A_318 = tpu.memref_squeeze %dma_wait3A_317 : memref<1x80x64xf32, #tpu.memory_space<vmem>> -> memref<80x64xf32, #tpu.memory_space<vmem>>
      %dma_wait3A_319 = arith.constant 0 : i32
      %dma_wait3A_320 = tpu.memref_slice %arg3[%mul3A_312, %dma_wait3A_319] : memref<320000x64xf32, #tpu.memory_space<hbm>> -> memref<80x64xf32, #tpu.memory_space<hbm>>
      %dma_wait3A_321 = tpu.memref_slice %arg14[%dma_wait3A_314] : memref<4x!tpu.dma_semaphore, #tpu.memory_space<semaphore_mem>> -> memref<1x!tpu.dma_semaphore, #tpu.memory_space<semaphore_mem>>
      %dma_wait3A_322 = tpu.memref_squeeze %dma_wait3A_321 : memref<1x!tpu.dma_semaphore, #tpu.memory_space<semaphore_mem>> -> memref<!tpu.dma_semaphore, #tpu.memory_space<semaphore_mem>>
      %dma_wait3A_323 = arith.constant 0 : i32
      %dma_wait3A_324 = arith.constant 0 : i32
      %dma_wait3A_325 = tpu.memref_slice %arg11[%dma_wait3A_313, %dma_wait3A_323, %dma_wait3A_324] : memref<4x80x64xf32, #tpu.memory_space<vmem>> -> memref<1x80x64xf32, #tpu.memory_space<vmem>>
      %dma_wait3A_326 = tpu.memref_squeeze %dma_wait3A_325 : memref<1x80x64xf32, #tpu.memory_space<vmem>> -> memref<80x64xf32, #tpu.memory_space<vmem>>
      %dma_wait3A_327 = arith.constant 0 : i32
      %dma_wait3A_328 = tpu.memref_slice %arg3[%mul3A_312, %dma_wait3A_327] : memref<320000x64xf32, #tpu.memory_space<hbm>> -> memref<80x64xf32, #tpu.memory_space<hbm>>
      tpu.wait_dma2 semaphore(%dma_wait3A_322 : memref<!tpu.dma_semaphore, #tpu.memory_space<semaphore_mem>>) src(%dma_wait3A_328 : memref<80x64xf32, #tpu.memory_space<hbm>>) dst(%dma_wait3A_326 : memref<80x64xf32, #tpu.memory_space<vmem>>)
      %dma_wait3A_329 = arith.constant 0 : i32
      %dma_wait3A_330 = arith.constant 0 : i32
      %dma_wait3A_331 = arith.constant 0 : i32
      %dma_wait3A_332 = arith.constant 0 : i32
      %dma_wait3A_333 = tpu.memref_slice %arg10[%dma_wait3A_329, %dma_wait3A_331, %dma_wait3A_332] : memref<4x80x64xf32, #tpu.memory_space<vmem>> -> memref<1x80x64xf32, #tpu.memory_space<vmem>>
      %dma_wait3A_334 = tpu.memref_squeeze %dma_wait3A_333 : memref<1x80x64xf32, #tpu.memory_space<vmem>> -> memref<80x64xf32, #tpu.memory_space<vmem>>
      %dma_wait3A_335 = arith.constant 0 : i32
      %dma_wait3A_336 = tpu.memref_slice %arg8[%add3A_307, %dma_wait3A_335] : memref<125x80xi32, #tpu.memory_space<vmem>> -> memref<1x80xi32, #tpu.memory_space<vmem>>
      %dma_wait3A_337 = tpu.memref_squeeze %dma_wait3A_336 : memref<1x80xi32, #tpu.memory_space<vmem>> -> memref<80xi32, #tpu.memory_space<vmem>>
      %dma_wait3A_338 = arith.constant 0 : i32
      %dma_wait3A_339 = arith.constant 0 : i32
      %dma_wait3A_340 = tpu.memref_slice %arg2[%dma_wait3A_338, %dma_wait3A_339] : memref<10000x64xf32, #tpu.memory_space<hbm>> -> memref<10000x64xf32, #tpu.memory_space<hbm>>
      %dma_wait3A_341 = tpu.memref_slice %arg13[%dma_wait3A_330] : memref<4x!tpu.dma_semaphore, #tpu.memory_space<semaphore_mem>> -> memref<1x!tpu.dma_semaphore, #tpu.memory_space<semaphore_mem>>
      %dma_wait3A_342 = tpu.memref_squeeze %dma_wait3A_341 : memref<1x!tpu.dma_semaphore, #tpu.memory_space<semaphore_mem>> -> memref<!tpu.dma_semaphore, #tpu.memory_space<semaphore_mem>>
      tpu.wait_indirect_dma semaphore(%dma_wait3A_342 : memref<!tpu.dma_semaphore, #tpu.memory_space<semaphore_mem>>) src(%dma_wait3A_340 : memref<10000x64xf32, #tpu.memory_space<hbm>>) dst(%dma_wait3A_334 : memref<80x64xf32, #tpu.memory_space<vmem>>)
      %scan3A_343 = arith.constant 0 : i32
      %scan3A_344 = arith.constant 80 : i32
      %scan3A_345 = arith.addi %scan3A_343, %scan3A_344 : i32
      %scan3A_346 = arith.constant 1 : i32
      scf.for %scan3A_592 = %scan3A_343 to %scan3A_345 step %scan3A_346  : i32 {
        %mul3A_593 = arith.constant 1 : i32
        %mul3A_594 = arith.muli %scan3A_592, %mul3A_593 : i32
        %add3A_595 = arith.constant 0 : i32
        %add3A_596 = arith.addi %add3A_595, %mul3A_594 : i32
        %get3A = arith.constant 0 : i32
        %get3A_597 = arith.index_cast %get3A : i32 to index
        %get3A_598 = arith.index_cast %add3A_596 : i32 to index
        %get3A_599 = arith.constant 0 : index
        %get3A_600 = tpu.vector_load %arg10[%get3A_597, %get3A_598, %get3A_599] {strides = array<i32>} : memref<4x80x64xf32, #tpu.memory_space<vmem>>, vector<16xf32>,
        %get3A_601 = arith.constant 0 : i32
        %get3A_602 = arith.index_cast %get3A_601 : i32 to index
        %get3A_603 = arith.index_cast %add3A_596 : i32 to index
        %get3A_604 = arith.constant 0 : index
        %get3A_605 = tpu.vector_load %arg11[%get3A_602, %get3A_603, %get3A_604] {strides = array<i32>} : memref<4x80x64xf32, #tpu.memory_space<vmem>>, vector<16xf32>,
        %mul3A_606 = arith.mulf %get3A_600, %get3A_605 : vector<16xf32>
        %swap3A = arith.constant 0 : i32
        %swap3A_607 = arith.index_cast %swap3A : i32 to index
        %swap3A_608 = arith.index_cast %add3A_596 : i32 to index
        %swap3A_609 = arith.constant 0 : index
        %swap3A_610 = tpu.vector_load %arg10[%swap3A_607, %swap3A_608, %swap3A_609] {strides = array<i32>} : memref<4x80x64xf32, #tpu.memory_space<vmem>>, vector<16xf32>,
        tpu.vector_store %arg10[%swap3A_607, %swap3A_608, %swap3A_609], %mul3A_606 {strides = array<i32>} : memref<4x80x64xf32, #tpu.memory_space<vmem>>, vector<16xf32>,
        %get3A_611 = arith.constant 0 : i32
        %get3A_612 = arith.index_cast %get3A_611 : i32 to index
        %get3A_613 = arith.index_cast %add3A_596 : i32 to index
        %get3A_614 = arith.constant 16 : index
        %get3A_615 = tpu.vector_load %arg10[%get3A_612, %get3A_613, %get3A_614] {strides = array<i32>} : memref<4x80x64xf32, #tpu.memory_space<vmem>>, vector<16xf32>,
        %get3A_616 = arith.constant 0 : i32
        %get3A_617 = arith.index_cast %get3A_616 : i32 to index
        %get3A_618 = arith.index_cast %add3A_596 : i32 to index
        %get3A_619 = arith.constant 16 : index
        %get3A_620 = tpu.vector_load %arg11[%get3A_617, %get3A_618, %get3A_619] {strides = array<i32>} : memref<4x80x64xf32, #tpu.memory_space<vmem>>, vector<16xf32>,
        %mul3A_621 = arith.mulf %get3A_615, %get3A_620 : vector<16xf32>
        %swap3A_622 = arith.constant 0 : i32
        %swap3A_623 = arith.index_cast %swap3A_622 : i32 to index
        %swap3A_624 = arith.index_cast %add3A_596 : i32 to index
        %swap3A_625 = arith.constant 16 : index
        %swap3A_626 = tpu.vector_load %arg10[%swap3A_623, %swap3A_624, %swap3A_625] {strides = array<i32>} : memref<4x80x64xf32, #tpu.memory_space<vmem>>, vector<16xf32>,
        tpu.vector_store %arg10[%swap3A_623, %swap3A_624, %swap3A_625], %mul3A_621 {strides = array<i32>} : memref<4x80x64xf32, #tpu.memory_space<vmem>>, vector<16xf32>,
        %get3A_627 = arith.constant 0 : i32
        %get3A_628 = arith.index_cast %get3A_627 : i32 to index
        %get3A_629 = arith.index_cast %add3A_596 : i32 to index
        %get3A_630 = arith.constant 32 : index
        %get3A_631 = tpu.vector_load %arg10[%get3A_628, %get3A_629, %get3A_630] {strides = array<i32>} : memref<4x80x64xf32, #tpu.memory_space<vmem>>, vector<16xf32>,
        %get3A_632 = arith.constant 0 : i32
        %get3A_633 = arith.index_cast %get3A_632 : i32 to index
        %get3A_634 = arith.index_cast %add3A_596 : i32 to index
        %get3A_635 = arith.constant 32 : index
        %get3A_636 = tpu.vector_load %arg11[%get3A_633, %get3A_634, %get3A_635] {strides = array<i32>} : memref<4x80x64xf32, #tpu.memory_space<vmem>>, vector<16xf32>,
        %mul3A_637 = arith.mulf %get3A_631, %get3A_636 : vector<16xf32>
        %swap3A_638 = arith.constant 0 : i32
        %swap3A_639 = arith.index_cast %swap3A_638 : i32 to index
        %swap3A_640 = arith.index_cast %add3A_596 : i32 to index
        %swap3A_641 = arith.constant 32 : index
        %swap3A_642 = tpu.vector_load %arg10[%swap3A_639, %swap3A_640, %swap3A_641] {strides = array<i32>} : memref<4x80x64xf32, #tpu.memory_space<vmem>>, vector<16xf32>,
        tpu.vector_store %arg10[%swap3A_639, %swap3A_640, %swap3A_641], %mul3A_637 {strides = array<i32>} : memref<4x80x64xf32, #tpu.memory_space<vmem>>, vector<16xf32>,
        %get3A_643 = arith.constant 0 : i32
        %get3A_644 = arith.index_cast %get3A_643 : i32 to index
        %get3A_645 = arith.index_cast %add3A_596 : i32 to index
        %get3A_646 = arith.constant 48 : index
        %get3A_647 = tpu.vector_load %arg10[%get3A_644, %get3A_645, %get3A_646] {strides = array<i32>} : memref<4x80x64xf32, #tpu.memory_space<vmem>>, vector<16xf32>,
        %get3A_648 = arith.constant 0 : i32
        %get3A_649 = arith.index_cast %get3A_648 : i32 to index
        %get3A_650 = arith.index_cast %add3A_596 : i32 to index
        %get3A_651 = arith.constant 48 : index
        %get3A_652 = tpu.vector_load %arg11[%get3A_649, %get3A_650, %get3A_651] {strides = array<i32>} : memref<4x80x64xf32, #tpu.memory_space<vmem>>, vector<16xf32>,
        %mul3A_653 = arith.mulf %get3A_647, %get3A_652 : vector<16xf32>
        %swap3A_654 = arith.constant 0 : i32
        %swap3A_655 = arith.index_cast %swap3A_654 : i32 to index
        %swap3A_656 = arith.index_cast %add3A_596 : i32 to index
        %swap3A_657 = arith.constant 48 : index
        %swap3A_658 = tpu.vector_load %arg10[%swap3A_655, %swap3A_656, %swap3A_657] {strides = array<i32>} : memref<4x80x64xf32, #tpu.memory_space<vmem>>, vector<16xf32>,
        tpu.vector_store %arg10[%swap3A_655, %swap3A_656, %swap3A_657], %mul3A_653 {strides = array<i32>} : memref<4x80x64xf32, #tpu.memory_space<vmem>>, vector<16xf32>,
      }
      %scan3A_347 = arith.constant 80 : i32
      %dma_start3A_348 = arith.constant 0 : i32
      %dma_start3A_349 = arith.constant 0 : i32
      %dma_start3A_350 = arith.constant 0 : i32
      %dma_start3A_351 = arith.constant 0 : i32
      %dma_start3A_352 = tpu.memref_slice %arg10[%dma_start3A_348, %dma_start3A_350, %dma_start3A_351] : memref<4x80x64xf32, #tpu.memory_space<vmem>> -> memref<1x80x64xf32, #tpu.memory_space<vmem>>
      %dma_start3A_353 = tpu.memref_squeeze %dma_start3A_352 : memref<1x80x64xf32, #tpu.memory_space<vmem>> -> memref<80x64xf32, #tpu.memory_space<vmem>>
      %dma_start3A_354 = arith.constant 0 : i32
      %dma_start3A_355 = tpu.memref_slice %arg9[%add3A_307, %dma_start3A_354] : memref<125x80xi32, #tpu.memory_space<vmem>> -> memref<1x80xi32, #tpu.memory_space<vmem>>
      %dma_start3A_356 = tpu.memref_squeeze %dma_start3A_355 : memref<1x80xi32, #tpu.memory_space<vmem>> -> memref<80xi32, #tpu.memory_space<vmem>>
      %dma_start3A_357 = arith.constant 0 : i32
      %dma_start3A_358 = arith.constant 0 : i32
      %dma_start3A_359 = tpu.memref_slice %arg7[%dma_start3A_357, %dma_start3A_358] : memref<10000x64xf32, #tpu.memory_space<vmem_shared>> -> memref<10000x64xf32, #tpu.memory_space<vmem_shared>>
      %dma_start3A_360 = tpu.memref_slice %arg15[%dma_start3A_349] : memref<4x!tpu.dma_semaphore, #tpu.memory_space<semaphore_mem>> -> memref<1x!tpu.dma_semaphore, #tpu.memory_space<semaphore_mem>>
      %dma_start3A_361 = tpu.memref_squeeze %dma_start3A_360 : memref<1x!tpu.dma_semaphore, #tpu.memory_space<semaphore_mem>> -> memref<!tpu.dma_semaphore, #tpu.memory_space<semaphore_mem>>
      tpu.enqueue_indirect_dma source(%dma_start3A_353 : memref<80x64xf32, #tpu.memory_space<vmem>>) target(%dma_start3A_359 : memref<10000x64xf32, #tpu.memory_space<vmem_shared>>) offsets(%dma_start3A_356 : memref<80xi32, #tpu.memory_space<vmem>>) semaphore(%dma_start3A_361 : memref<!tpu.dma_semaphore, #tpu.memory_space<semaphore_mem>>) {add = true}
      %gt3A = arith.constant 0 : i32
      %gt3A_362 = arith.cmpi sgt, %add3A_303, %gt3A : i32
      %convert_element_type3A = arith.extui %gt3A_362 : i1 to i32
      %cond3A = arith.constant 0 : i32
      %cond3A_363 = arith.cmpi ne, %convert_element_type3A, %cond3A : i32
      scf.if %cond3A_363 {
        %add3A_592 = arith.constant 3 : i32
        %add3A_593 = arith.addi %mul3A_305, %add3A_592 : i32
        %dma_wait3A_594 = arith.constant 3 : i32
        %dma_wait3A_595 = arith.constant 3 : i32
        %dma_wait3A_596 = arith.constant 0 : i32
        %dma_wait3A_597 = arith.constant 0 : i32
        %dma_wait3A_598 = tpu.memref_slice %arg10[%dma_wait3A_594, %dma_wait3A_596, %dma_wait3A_597] : memref<4x80x64xf32, #tpu.memory_space<vmem>> -> memref<1x80x64xf32, #tpu.memory_space<vmem>>
        %dma_wait3A_599 = tpu.memref_squeeze %dma_wait3A_598 : memref<1x80x64xf32, #tpu.memory_space<vmem>> -> memref<80x64xf32, #tpu.memory_space<vmem>>
        %dma_wait3A_600 = arith.constant 0 : i32
        %dma_wait3A_601 = tpu.memref_slice %arg9[%add3A_593, %dma_wait3A_600] : memref<125x80xi32, #tpu.memory_space<vmem>> -> memref<1x80xi32, #tpu.memory_space<vmem>>
        %dma_wait3A_602 = tpu.memref_squeeze %dma_wait3A_601 : memref<1x80xi32, #tpu.memory_space<vmem>> -> memref<80xi32, #tpu.memory_space<vmem>>
        %dma_wait3A_603 = arith.constant 0 : i32
        %dma_wait3A_604 = arith.constant 0 : i32
        %dma_wait3A_605 = tpu.memref_slice %arg7[%dma_wait3A_603, %dma_wait3A_604] : memref<10000x64xf32, #tpu.memory_space<vmem_shared>> -> memref<10000x64xf32, #tpu.memory_space<vmem_shared>>
        %dma_wait3A_606 = tpu.memref_slice %arg15[%dma_wait3A_595] : memref<4x!tpu.dma_semaphore, #tpu.memory_space<semaphore_mem>> -> memref<1x!tpu.dma_semaphore, #tpu.memory_space<semaphore_mem>>
        %dma_wait3A_607 = tpu.memref_squeeze %dma_wait3A_606 : memref<1x!tpu.dma_semaphore, #tpu.memory_space<semaphore_mem>> -> memref<!tpu.dma_semaphore, #tpu.memory_space<semaphore_mem>>
        tpu.wait_indirect_dma semaphore(%dma_wait3A_607 : memref<!tpu.dma_semaphore, #tpu.memory_space<semaphore_mem>>) src(%dma_wait3A_599 : memref<80x64xf32, #tpu.memory_space<vmem>>) dst(%dma_wait3A_605 : memref<10000x64xf32, #tpu.memory_space<vmem_shared>>)
        %mul3A_608 = arith.constant 125 : i32
        %mul3A_609 = arith.muli %add3A, %mul3A_608 : i32
        %add3A_610 = arith.addi %mul3A_609, %add3A_593 : i32
        %mul3A_611 = arith.constant 80 : i32
        %mul3A_612 = arith.muli %add3A_610, %mul3A_611 : i32
        %dma_start3A_613 = arith.constant 3 : i32
        %dma_start3A_614 = arith.constant 3 : i32
        %dma_start3A_615 = arith.constant 0 : i32
        %dma_start3A_616 = arith.constant 0 : i32
        %dma_start3A_617 = tpu.memref_slice %arg11[%dma_start3A_613, %dma_start3A_615, %dma_start3A_616] : memref<4x80x64xf32, #tpu.memory_space<vmem>> -> memref<1x80x64xf32, #tpu.memory_space<vmem>>
        %dma_start3A_618 = tpu.memref_squeeze %dma_start3A_617 : memref<1x80x64xf32, #tpu.memory_space<vmem>> -> memref<80x64xf32, #tpu.memory_space<vmem>>
        %dma_start3A_619 = arith.constant 0 : i32
        %dma_start3A_620 = tpu.memref_slice %arg3[%mul3A_612, %dma_start3A_619] : memref<320000x64xf32, #tpu.memory_space<hbm>> -> memref<80x64xf32, #tpu.memory_space<hbm>>
        %dma_start3A_621 = tpu.memref_slice %arg14[%dma_start3A_614] : memref<4x!tpu.dma_semaphore, #tpu.memory_space<semaphore_mem>> -> memref<1x!tpu.dma_semaphore, #tpu.memory_space<semaphore_mem>>
        %dma_start3A_622 = tpu.memref_squeeze %dma_start3A_621 : memref<1x!tpu.dma_semaphore, #tpu.memory_space<semaphore_mem>> -> memref<!tpu.dma_semaphore, #tpu.memory_space<semaphore_mem>>
        %dma_start3A_623 = arith.constant 0 : i32
        %dma_start3A_624 = arith.constant 0 : i32
        %dma_start3A_625 = tpu.memref_slice %arg11[%dma_start3A_613, %dma_start3A_623, %dma_start3A_624] : memref<4x80x64xf32, #tpu.memory_space<vmem>> -> memref<1x80x64xf32, #tpu.memory_space<vmem>>
        %dma_start3A_626 = tpu.memref_squeeze %dma_start3A_625 : memref<1x80x64xf32, #tpu.memory_space<vmem>> -> memref<80x64xf32, #tpu.memory_space<vmem>>
        %dma_start3A_627 = arith.constant 0 : i32
        %dma_start3A_628 = tpu.memref_slice %arg3[%mul3A_612, %dma_start3A_627] : memref<320000x64xf32, #tpu.memory_space<hbm>> -> memref<80x64xf32, #tpu.memory_space<hbm>>
        tpu.enqueue_dma source(%dma_start3A_628 : memref<80x64xf32, #tpu.memory_space<hbm>>) target(%dma_start3A_626 : memref<80x64xf32, #tpu.memory_space<vmem>>) target_semaphore(%dma_start3A_622 : memref<!tpu.dma_semaphore, #tpu.memory_space<semaphore_mem>>)
        %dma_start3A_629 = arith.constant 3 : i32
        %dma_start3A_630 = arith.constant 3 : i32
        %dma_start3A_631 = arith.constant 0 : i32
        %dma_start3A_632 = arith.constant 0 : i32
        %dma_start3A_633 = tpu.memref_slice %arg10[%dma_start3A_629, %dma_start3A_631, %dma_start3A_632] : memref<4x80x64xf32, #tpu.memory_space<vmem>> -> memref<1x80x64xf32, #tpu.memory_space<vmem>>
        %dma_start3A_634 = tpu.memref_squeeze %dma_start3A_633 : memref<1x80x64xf32, #tpu.memory_space<vmem>> -> memref<80x64xf32, #tpu.memory_space<vmem>>
        %dma_start3A_635 = arith.constant 0 : i32
        %dma_start3A_636 = tpu.memref_slice %arg8[%add3A_593, %dma_start3A_635] : memref<125x80xi32, #tpu.memory_space<vmem>> -> memref<1x80xi32, #tpu.memory_space<vmem>>
        %dma_start3A_637 = tpu.memref_squeeze %dma_start3A_636 : memref<1x80xi32, #tpu.memory_space<vmem>> -> memref<80xi32, #tpu.memory_space<vmem>>
        %dma_start3A_638 = arith.constant 0 : i32
        %dma_start3A_639 = arith.constant 0 : i32
        %dma_start3A_640 = tpu.memref_slice %arg2[%dma_start3A_638, %dma_start3A_639] : memref<10000x64xf32, #tpu.memory_space<hbm>> -> memref<10000x64xf32, #tpu.memory_space<hbm>>
        %dma_start3A_641 = tpu.memref_slice %arg13[%dma_start3A_630] : memref<4x!tpu.dma_semaphore, #tpu.memory_space<semaphore_mem>> -> memref<1x!tpu.dma_semaphore, #tpu.memory_space<semaphore_mem>>
        %dma_start3A_642 = tpu.memref_squeeze %dma_start3A_641 : memref<1x!tpu.dma_semaphore, #tpu.memory_space<semaphore_mem>> -> memref<!tpu.dma_semaphore, #tpu.memory_space<semaphore_mem>>
        tpu.enqueue_indirect_dma source(%dma_start3A_640 : memref<10000x64xf32, #tpu.memory_space<hbm>>) target(%dma_start3A_634 : memref<80x64xf32, #tpu.memory_space<vmem>>) offsets(%dma_start3A_637 : memref<80xi32, #tpu.memory_space<vmem>>) semaphore(%dma_start3A_642 : memref<!tpu.dma_semaphore, #tpu.memory_space<semaphore_mem>>)
      } else {
      }
      %add3A_364 = arith.constant 1 : i32
      %add3A_365 = arith.addi %mul3A_305, %add3A_364 : i32
      %mul3A_366 = arith.constant 125 : i32
      %mul3A_367 = arith.muli %add3A, %mul3A_366 : i32
      %add3A_368 = arith.addi %mul3A_367, %add3A_365 : i32
      %mul3A_369 = arith.constant 80 : i32
      %mul3A_370 = arith.muli %add3A_368, %mul3A_369 : i32
      %dma_wait3A_371 = arith.constant 1 : i32
      %dma_wait3A_372 = arith.constant 1 : i32
      %dma_wait3A_373 = arith.constant 0 : i32
      %dma_wait3A_374 = arith.constant 0 : i32
      %dma_wait3A_375 = tpu.memref_slice %arg11[%dma_wait3A_371, %dma_wait3A_373, %dma_wait3A_374] : memref<4x80x64xf32, #tpu.memory_space<vmem>> -> memref<1x80x64xf32, #tpu.memory_space<vmem>>
      %dma_wait3A_376 = tpu.memref_squeeze %dma_wait3A_375 : memref<1x80x64xf32, #tpu.memory_space<vmem>> -> memref<80x64xf32, #tpu.memory_space<vmem>>
      %dma_wait3A_377 = arith.constant 0 : i32
      %dma_wait3A_378 = tpu.memref_slice %arg3[%mul3A_370, %dma_wait3A_377] : memref<320000x64xf32, #tpu.memory_space<hbm>> -> memref<80x64xf32, #tpu.memory_space<hbm>>
      %dma_wait3A_379 = tpu.memref_slice %arg14[%dma_wait3A_372] : memref<4x!tpu.dma_semaphore, #tpu.memory_space<semaphore_mem>> -> memref<1x!tpu.dma_semaphore, #tpu.memory_space<semaphore_mem>>
      %dma_wait3A_380 = tpu.memref_squeeze %dma_wait3A_379 : memref<1x!tpu.dma_semaphore, #tpu.memory_space<semaphore_mem>> -> memref<!tpu.dma_semaphore, #tpu.memory_space<semaphore_mem>>
      %dma_wait3A_381 = arith.constant 0 : i32
      %dma_wait3A_382 = arith.constant 0 : i32
      %dma_wait3A_383 = tpu.memref_slice %arg11[%dma_wait3A_371, %dma_wait3A_381, %dma_wait3A_382] : memref<4x80x64xf32, #tpu.memory_space<vmem>> -> memref<1x80x64xf32, #tpu.memory_space<vmem>>
      %dma_wait3A_384 = tpu.memref_squeeze %dma_wait3A_383 : memref<1x80x64xf32, #tpu.memory_space<vmem>> -> memref<80x64xf32, #tpu.memory_space<vmem>>
      %dma_wait3A_385 = arith.constant 0 : i32
      %dma_wait3A_386 = tpu.memref_slice %arg3[%mul3A_370, %dma_wait3A_385] : memref<320000x64xf32, #tpu.memory_space<hbm>> -> memref<80x64xf32, #tpu.memory_space<hbm>>
      tpu.wait_dma2 semaphore(%dma_wait3A_380 : memref<!tpu.dma_semaphore, #tpu.memory_space<semaphore_mem>>) src(%dma_wait3A_386 : memref<80x64xf32, #tpu.memory_space<hbm>>) dst(%dma_wait3A_384 : memref<80x64xf32, #tpu.memory_space<vmem>>)
      %dma_wait3A_387 = arith.constant 1 : i32
      %dma_wait3A_388 = arith.constant 1 : i32
      %dma_wait3A_389 = arith.constant 0 : i32
      %dma_wait3A_390 = arith.constant 0 : i32
      %dma_wait3A_391 = tpu.memref_slice %arg10[%dma_wait3A_387, %dma_wait3A_389, %dma_wait3A_390] : memref<4x80x64xf32, #tpu.memory_space<vmem>> -> memref<1x80x64xf32, #tpu.memory_space<vmem>>
      %dma_wait3A_392 = tpu.memref_squeeze %dma_wait3A_391 : memref<1x80x64xf32, #tpu.memory_space<vmem>> -> memref<80x64xf32, #tpu.memory_space<vmem>>
      %dma_wait3A_393 = arith.constant 0 : i32
      %dma_wait3A_394 = tpu.memref_slice %arg8[%add3A_365, %dma_wait3A_393] : memref<125x80xi32, #tpu.memory_space<vmem>> -> memref<1x80xi32, #tpu.memory_space<vmem>>
      %dma_wait3A_395 = tpu.memref_squeeze %dma_wait3A_394 : memref<1x80xi32, #tpu.memory_space<vmem>> -> memref<80xi32, #tpu.memory_space<vmem>>
      %dma_wait3A_396 = arith.constant 0 : i32
      %dma_wait3A_397 = arith.constant 0 : i32
      %dma_wait3A_398 = tpu.memref_slice %arg2[%dma_wait3A_396, %dma_wait3A_397] : memref<10000x64xf32, #tpu.memory_space<hbm>> -> memref<10000x64xf32, #tpu.memory_space<hbm>>
      %dma_wait3A_399 = tpu.memref_slice %arg13[%dma_wait3A_388] : memref<4x!tpu.dma_semaphore, #tpu.memory_space<semaphore_mem>> -> memref<1x!tpu.dma_semaphore, #tpu.memory_space<semaphore_mem>>
      %dma_wait3A_400 = tpu.memref_squeeze %dma_wait3A_399 : memref<1x!tpu.dma_semaphore, #tpu.memory_space<semaphore_mem>> -> memref<!tpu.dma_semaphore, #tpu.memory_space<semaphore_mem>>
      tpu.wait_indirect_dma semaphore(%dma_wait3A_400 : memref<!tpu.dma_semaphore, #tpu.memory_space<semaphore_mem>>) src(%dma_wait3A_398 : memref<10000x64xf32, #tpu.memory_space<hbm>>) dst(%dma_wait3A_392 : memref<80x64xf32, #tpu.memory_space<vmem>>)
      %scan3A_401 = arith.constant 0 : i32
      %scan3A_402 = arith.constant 80 : i32
      %scan3A_403 = arith.addi %scan3A_401, %scan3A_402 : i32
      %scan3A_404 = arith.constant 1 : i32
      scf.for %scan3A_592 = %scan3A_401 to %scan3A_403 step %scan3A_404  : i32 {
        %mul3A_593 = arith.constant 1 : i32
        %mul3A_594 = arith.muli %scan3A_592, %mul3A_593 : i32
        %add3A_595 = arith.constant 0 : i32
        %add3A_596 = arith.addi %add3A_595, %mul3A_594 : i32
        %get3A = arith.constant 1 : i32
        %get3A_597 = arith.index_cast %get3A : i32 to index
        %get3A_598 = arith.index_cast %add3A_596 : i32 to index
        %get3A_599 = arith.constant 0 : index
        %get3A_600 = tpu.vector_load %arg10[%get3A_597, %get3A_598, %get3A_599] {strides = array<i32>} : memref<4x80x64xf32, #tpu.memory_space<vmem>>, vector<16xf32>,
        %get3A_601 = arith.constant 1 : i32
        %get3A_602 = arith.index_cast %get3A_601 : i32 to index
        %get3A_603 = arith.index_cast %add3A_596 : i32 to index
        %get3A_604 = arith.constant 0 : index
        %get3A_605 = tpu.vector_load %arg11[%get3A_602, %get3A_603, %get3A_604] {strides = array<i32>} : memref<4x80x64xf32, #tpu.memory_space<vmem>>, vector<16xf32>,
        %mul3A_606 = arith.mulf %get3A_600, %get3A_605 : vector<16xf32>
        %swap3A = arith.constant 1 : i32
        %swap3A_607 = arith.index_cast %swap3A : i32 to index
        %swap3A_608 = arith.index_cast %add3A_596 : i32 to index
        %swap3A_609 = arith.constant 0 : index
        %swap3A_610 = tpu.vector_load %arg10[%swap3A_607, %swap3A_608, %swap3A_609] {strides = array<i32>} : memref<4x80x64xf32, #tpu.memory_space<vmem>>, vector<16xf32>,
        tpu.vector_store %arg10[%swap3A_607, %swap3A_608, %swap3A_609], %mul3A_606 {strides = array<i32>} : memref<4x80x64xf32, #tpu.memory_space<vmem>>, vector<16xf32>,
        %get3A_611 = arith.constant 1 : i32
        %get3A_612 = arith.index_cast %get3A_611 : i32 to index
        %get3A_613 = arith.index_cast %add3A_596 : i32 to index
        %get3A_614 = arith.constant 16 : index
        %get3A_615 = tpu.vector_load %arg10[%get3A_612, %get3A_613, %get3A_614] {strides = array<i32>} : memref<4x80x64xf32, #tpu.memory_space<vmem>>, vector<16xf32>,
        %get3A_616 = arith.constant 1 : i32
        %get3A_617 = arith.index_cast %get3A_616 : i32 to index
        %get3A_618 = arith.index_cast %add3A_596 : i32 to index
        %get3A_619 = arith.constant 16 : index
        %get3A_620 = tpu.vector_load %arg11[%get3A_617, %get3A_618, %get3A_619] {strides = array<i32>} : memref<4x80x64xf32, #tpu.memory_space<vmem>>, vector<16xf32>,
        %mul3A_621 = arith.mulf %get3A_615, %get3A_620 : vector<16xf32>
        %swap3A_622 = arith.constant 1 : i32
        %swap3A_623 = arith.index_cast %swap3A_622 : i32 to index
        %swap3A_624 = arith.index_cast %add3A_596 : i32 to index
        %swap3A_625 = arith.constant 16 : index
        %swap3A_626 = tpu.vector_load %arg10[%swap3A_623, %swap3A_624, %swap3A_625] {strides = array<i32>} : memref<4x80x64xf32, #tpu.memory_space<vmem>>, vector<16xf32>,
        tpu.vector_store %arg10[%swap3A_623, %swap3A_624, %swap3A_625], %mul3A_621 {strides = array<i32>} : memref<4x80x64xf32, #tpu.memory_space<vmem>>, vector<16xf32>,
        %get3A_627 = arith.constant 1 : i32
        %get3A_628 = arith.index_cast %get3A_627 : i32 to index
        %get3A_629 = arith.index_cast %add3A_596 : i32 to index
        %get3A_630 = arith.constant 32 : index
        %get3A_631 = tpu.vector_load %arg10[%get3A_628, %get3A_629, %get3A_630] {strides = array<i32>} : memref<4x80x64xf32, #tpu.memory_space<vmem>>, vector<16xf32>,
        %get3A_632 = arith.constant 1 : i32
        %get3A_633 = arith.index_cast %get3A_632 : i32 to index
        %get3A_634 = arith.index_cast %add3A_596 : i32 to index
        %get3A_635 = arith.constant 32 : index
        %get3A_636 = tpu.vector_load %arg11[%get3A_633, %get3A_634, %get3A_635] {strides = array<i32>} : memref<4x80x64xf32, #tpu.memory_space<vmem>>, vector<16xf32>,
        %mul3A_637 = arith.mulf %get3A_631, %get3A_636 : vector<16xf32>
        %swap3A_638 = arith.constant 1 : i32
        %swap3A_639 = arith.index_cast %swap3A_638 : i32 to index
        %swap3A_640 = arith.index_cast %add3A_596 : i32 to index
        %swap3A_641 = arith.constant 32 : index
        %swap3A_642 = tpu.vector_load %arg10[%swap3A_639, %swap3A_640, %swap3A_641] {strides = array<i32>} : memref<4x80x64xf32, #tpu.memory_space<vmem>>, vector<16xf32>,
        tpu.vector_store %arg10[%swap3A_639, %swap3A_640, %swap3A_641], %mul3A_637 {strides = array<i32>} : memref<4x80x64xf32, #tpu.memory_space<vmem>>, vector<16xf32>,
        %get3A_643 = arith.constant 1 : i32
        %get3A_644 = arith.index_cast %get3A_643 : i32 to index
        %get3A_645 = arith.index_cast %add3A_596 : i32 to index
        %get3A_646 = arith.constant 48 : index
        %get3A_647 = tpu.vector_load %arg10[%get3A_644, %get3A_645, %get3A_646] {strides = array<i32>} : memref<4x80x64xf32, #tpu.memory_space<vmem>>, vector<16xf32>,
        %get3A_648 = arith.constant 1 : i32
        %get3A_649 = arith.index_cast %get3A_648 : i32 to index
        %get3A_650 = arith.index_cast %add3A_596 : i32 to index
        %get3A_651 = arith.constant 48 : index
        %get3A_652 = tpu.vector_load %arg11[%get3A_649, %get3A_650, %get3A_651] {strides = array<i32>} : memref<4x80x64xf32, #tpu.memory_space<vmem>>, vector<16xf32>,
        %mul3A_653 = arith.mulf %get3A_647, %get3A_652 : vector<16xf32>
        %swap3A_654 = arith.constant 1 : i32
        %swap3A_655 = arith.index_cast %swap3A_654 : i32 to index
        %swap3A_656 = arith.index_cast %add3A_596 : i32 to index
        %swap3A_657 = arith.constant 48 : index
        %swap3A_658 = tpu.vector_load %arg10[%swap3A_655, %swap3A_656, %swap3A_657] {strides = array<i32>} : memref<4x80x64xf32, #tpu.memory_space<vmem>>, vector<16xf32>,
        tpu.vector_store %arg10[%swap3A_655, %swap3A_656, %swap3A_657], %mul3A_653 {strides = array<i32>} : memref<4x80x64xf32, #tpu.memory_space<vmem>>, vector<16xf32>,
      }
      %scan3A_405 = arith.constant 80 : i32
      %dma_start3A_406 = arith.constant 1 : i32
      %dma_start3A_407 = arith.constant 1 : i32
      %dma_start3A_408 = arith.constant 0 : i32
      %dma_start3A_409 = arith.constant 0 : i32
      %dma_start3A_410 = tpu.memref_slice %arg10[%dma_start3A_406, %dma_start3A_408, %dma_start3A_409] : memref<4x80x64xf32, #tpu.memory_space<vmem>> -> memref<1x80x64xf32, #tpu.memory_space<vmem>>
      %dma_start3A_411 = tpu.memref_squeeze %dma_start3A_410 : memref<1x80x64xf32, #tpu.memory_space<vmem>> -> memref<80x64xf32, #tpu.memory_space<vmem>>
      %dma_start3A_412 = arith.constant 0 : i32
      %dma_start3A_413 = tpu.memref_slice %arg9[%add3A_365, %dma_start3A_412] : memref<125x80xi32, #tpu.memory_space<vmem>> -> memref<1x80xi32, #tpu.memory_space<vmem>>
      %dma_start3A_414 = tpu.memref_squeeze %dma_start3A_413 : memref<1x80xi32, #tpu.memory_space<vmem>> -> memref<80xi32, #tpu.memory_space<vmem>>
      %dma_start3A_415 = arith.constant 0 : i32
      %dma_start3A_416 = arith.constant 0 : i32
      %dma_start3A_417 = tpu.memref_slice %arg7[%dma_start3A_415, %dma_start3A_416] : memref<10000x64xf32, #tpu.memory_space<vmem_shared>> -> memref<10000x64xf32, #tpu.memory_space<vmem_shared>>
      %dma_start3A_418 = tpu.memref_slice %arg15[%dma_start3A_407] : memref<4x!tpu.dma_semaphore, #tpu.memory_space<semaphore_mem>> -> memref<1x!tpu.dma_semaphore, #tpu.memory_space<semaphore_mem>>
      %dma_start3A_419 = tpu.memref_squeeze %dma_start3A_418 : memref<1x!tpu.dma_semaphore, #tpu.memory_space<semaphore_mem>> -> memref<!tpu.dma_semaphore, #tpu.memory_space<semaphore_mem>>
      tpu.enqueue_indirect_dma source(%dma_start3A_411 : memref<80x64xf32, #tpu.memory_space<vmem>>) target(%dma_start3A_417 : memref<10000x64xf32, #tpu.memory_space<vmem_shared>>) offsets(%dma_start3A_414 : memref<80xi32, #tpu.memory_space<vmem>>) semaphore(%dma_start3A_419 : memref<!tpu.dma_semaphore, #tpu.memory_space<semaphore_mem>>) {add = true}
      %add3A_420 = arith.constant 4 : i32
      %add3A_421 = arith.addi %mul3A_305, %add3A_420 : i32
      %dma_wait3A_422 = arith.constant 0 : i32
      %dma_wait3A_423 = arith.constant 0 : i32
      %dma_wait3A_424 = arith.constant 0 : i32
      %dma_wait3A_425 = arith.constant 0 : i32
      %dma_wait3A_426 = tpu.memref_slice %arg10[%dma_wait3A_422, %dma_wait3A_424, %dma_wait3A_425] : memref<4x80x64xf32, #tpu.memory_space<vmem>> -> memref<1x80x64xf32, #tpu.memory_space<vmem>>
      %dma_wait3A_427 = tpu.memref_squeeze %dma_wait3A_426 : memref<1x80x64xf32, #tpu.memory_space<vmem>> -> memref<80x64xf32, #tpu.memory_space<vmem>>
      %dma_wait3A_428 = arith.constant 0 : i32
      %dma_wait3A_429 = tpu.memref_slice %arg9[%add3A_421, %dma_wait3A_428] : memref<125x80xi32, #tpu.memory_space<vmem>> -> memref<1x80xi32, #tpu.memory_space<vmem>>
      %dma_wait3A_430 = tpu.memref_squeeze %dma_wait3A_429 : memref<1x80xi32, #tpu.memory_space<vmem>> -> memref<80xi32, #tpu.memory_space<vmem>>
      %dma_wait3A_431 = arith.constant 0 : i32
      %dma_wait3A_432 = arith.constant 0 : i32
      %dma_wait3A_433 = tpu.memref_slice %arg7[%dma_wait3A_431, %dma_wait3A_432] : memref<10000x64xf32, #tpu.memory_space<vmem_shared>> -> memref<10000x64xf32, #tpu.memory_space<vmem_shared>>
      %dma_wait3A_434 = tpu.memref_slice %arg15[%dma_wait3A_423] : memref<4x!tpu.dma_semaphore, #tpu.memory_space<semaphore_mem>> -> memref<1x!tpu.dma_semaphore, #tpu.memory_space<semaphore_mem>>
      %dma_wait3A_435 = tpu.memref_squeeze %dma_wait3A_434 : memref<1x!tpu.dma_semaphore, #tpu.memory_space<semaphore_mem>> -> memref<!tpu.dma_semaphore, #tpu.memory_space<semaphore_mem>>
      tpu.wait_indirect_dma semaphore(%dma_wait3A_435 : memref<!tpu.dma_semaphore, #tpu.memory_space<semaphore_mem>>) src(%dma_wait3A_427 : memref<80x64xf32, #tpu.memory_space<vmem>>) dst(%dma_wait3A_433 : memref<10000x64xf32, #tpu.memory_space<vmem_shared>>)
      %mul3A_436 = arith.constant 125 : i32
      %mul3A_437 = arith.muli %add3A, %mul3A_436 : i32
      %add3A_438 = arith.addi %mul3A_437, %add3A_421 : i32
      %mul3A_439 = arith.constant 80 : i32
      %mul3A_440 = arith.muli %add3A_438, %mul3A_439 : i32
      %dma_start3A_441 = arith.constant 0 : i32
      %dma_start3A_442 = arith.constant 0 : i32
      %dma_start3A_443 = arith.constant 0 : i32
      %dma_start3A_444 = arith.constant 0 : i32
      %dma_start3A_445 = tpu.memref_slice %arg11[%dma_start3A_441, %dma_start3A_443, %dma_start3A_444] : memref<4x80x64xf32, #tpu.memory_space<vmem>> -> memref<1x80x64xf32, #tpu.memory_space<vmem>>
      %dma_start3A_446 = tpu.memref_squeeze %dma_start3A_445 : memref<1x80x64xf32, #tpu.memory_space<vmem>> -> memref<80x64xf32, #tpu.memory_space<vmem>>
      %dma_start3A_447 = arith.constant 0 : i32
      %dma_start3A_448 = tpu.memref_slice %arg3[%mul3A_440, %dma_start3A_447] : memref<320000x64xf32, #tpu.memory_space<hbm>> -> memref<80x64xf32, #tpu.memory_space<hbm>>
      %dma_start3A_449 = tpu.memref_slice %arg14[%dma_start3A_442] : memref<4x!tpu.dma_semaphore, #tpu.memory_space<semaphore_mem>> -> memref<1x!tpu.dma_semaphore, #tpu.memory_space<semaphore_mem>>
      %dma_start3A_450 = tpu.memref_squeeze %dma_start3A_449 : memref<1x!tpu.dma_semaphore, #tpu.memory_space<semaphore_mem>> -> memref<!tpu.dma_semaphore, #tpu.memory_space<semaphore_mem>>
      %dma_start3A_451 = arith.constant 0 : i32
      %dma_start3A_452 = arith.constant 0 : i32
      %dma_start3A_453 = tpu.memref_slice %arg11[%dma_start3A_441, %dma_start3A_451, %dma_start3A_452] : memref<4x80x64xf32, #tpu.memory_space<vmem>> -> memref<1x80x64xf32, #tpu.memory_space<vmem>>
      %dma_start3A_454 = tpu.memref_squeeze %dma_start3A_453 : memref<1x80x64xf32, #tpu.memory_space<vmem>> -> memref<80x64xf32, #tpu.memory_space<vmem>>
      %dma_start3A_455 = arith.constant 0 : i32
      %dma_start3A_456 = tpu.memref_slice %arg3[%mul3A_440, %dma_start3A_455] : memref<320000x64xf32, #tpu.memory_space<hbm>> -> memref<80x64xf32, #tpu.memory_space<hbm>>
      tpu.enqueue_dma source(%dma_start3A_456 : memref<80x64xf32, #tpu.memory_space<hbm>>) target(%dma_start3A_454 : memref<80x64xf32, #tpu.memory_space<vmem>>) target_semaphore(%dma_start3A_450 : memref<!tpu.dma_semaphore, #tpu.memory_space<semaphore_mem>>)
      %dma_start3A_457 = arith.constant 0 : i32
      %dma_start3A_458 = arith.constant 0 : i32
      %dma_start3A_459 = arith.constant 0 : i32
      %dma_start3A_460 = arith.constant 0 : i32
      %dma_start3A_461 = tpu.memref_slice %arg10[%dma_start3A_457, %dma_start3A_459, %dma_start3A_460] : memref<4x80x64xf32, #tpu.memory_space<vmem>> -> memref<1x80x64xf32, #tpu.memory_space<vmem>>
      %dma_start3A_462 = tpu.memref_squeeze %dma_start3A_461 : memref<1x80x64xf32, #tpu.memory_space<vmem>> -> memref<80x64xf32, #tpu.memory_space<vmem>>
      %dma_start3A_463 = arith.constant 0 : i32
      %dma_start3A_464 = tpu.memref_slice %arg8[%add3A_421, %dma_start3A_463] : memref<125x80xi32, #tpu.memory_space<vmem>> -> memref<1x80xi32, #tpu.memory_space<vmem>>
      %dma_start3A_465 = tpu.memref_squeeze %dma_start3A_464 : memref<1x80xi32, #tpu.memory_space<vmem>> -> memref<80xi32, #tpu.memory_space<vmem>>
      %dma_start3A_466 = arith.constant 0 : i32
      %dma_start3A_467 = arith.constant 0 : i32
      %dma_start3A_468 = tpu.memref_slice %arg2[%dma_start3A_466, %dma_start3A_467] : memref<10000x64xf32, #tpu.memory_space<hbm>> -> memref<10000x64xf32, #tpu.memory_space<hbm>>
      %dma_start3A_469 = tpu.memref_slice %arg13[%dma_start3A_458] : memref<4x!tpu.dma_semaphore, #tpu.memory_space<semaphore_mem>> -> memref<1x!tpu.dma_semaphore, #tpu.memory_space<semaphore_mem>>
      %dma_start3A_470 = tpu.memref_squeeze %dma_start3A_469 : memref<1x!tpu.dma_semaphore, #tpu.memory_space<semaphore_mem>> -> memref<!tpu.dma_semaphore, #tpu.memory_space<semaphore_mem>>
      tpu.enqueue_indirect_dma source(%dma_start3A_468 : memref<10000x64xf32, #tpu.memory_space<hbm>>) target(%dma_start3A_462 : memref<80x64xf32, #tpu.memory_space<vmem>>) offsets(%dma_start3A_465 : memref<80xi32, #tpu.memory_space<vmem>>) semaphore(%dma_start3A_470 : memref<!tpu.dma_semaphore, #tpu.memory_space<semaphore_mem>>)
      %add3A_471 = arith.constant 2 : i32
      %add3A_472 = arith.addi %mul3A_305, %add3A_471 : i32
      %mul3A_473 = arith.constant 125 : i32
      %mul3A_474 = arith.muli %add3A, %mul3A_473 : i32
      %add3A_475 = arith.addi %mul3A_474, %add3A_472 : i32
      %mul3A_476 = arith.constant 80 : i32
      %mul3A_477 = arith.muli %add3A_475, %mul3A_476 : i32
      %dma_wait3A_478 = arith.constant 2 : i32
      %dma_wait3A_479 = arith.constant 2 : i32
      %dma_wait3A_480 = arith.constant 0 : i32
      %dma_wait3A_481 = arith.constant 0 : i32
      %dma_wait3A_482 = tpu.memref_slice %arg11[%dma_wait3A_478, %dma_wait3A_480, %dma_wait3A_481] : memref<4x80x64xf32, #tpu.memory_space<vmem>> -> memref<1x80x64xf32, #tpu.memory_space<vmem>>
      %dma_wait3A_483 = tpu.memref_squeeze %dma_wait3A_482 : memref<1x80x64xf32, #tpu.memory_space<vmem>> -> memref<80x64xf32, #tpu.memory_space<vmem>>
      %dma_wait3A_484 = arith.constant 0 : i32
      %dma_wait3A_485 = tpu.memref_slice %arg3[%mul3A_477, %dma_wait3A_484] : memref<320000x64xf32, #tpu.memory_space<hbm>> -> memref<80x64xf32, #tpu.memory_space<hbm>>
      %dma_wait3A_486 = tpu.memref_slice %arg14[%dma_wait3A_479] : memref<4x!tpu.dma_semaphore, #tpu.memory_space<semaphore_mem>> -> memref<1x!tpu.dma_semaphore, #tpu.memory_space<semaphore_mem>>
      %dma_wait3A_487 = tpu.memref_squeeze %dma_wait3A_486 : memref<1x!tpu.dma_semaphore, #tpu.memory_space<semaphore_mem>> -> memref<!tpu.dma_semaphore, #tpu.memory_space<semaphore_mem>>
      %dma_wait3A_488 = arith.constant 0 : i32
      %dma_wait3A_489 = arith.constant 0 : i32
      %dma_wait3A_490 = tpu.memref_slice %arg11[%dma_wait3A_478, %dma_wait3A_488, %dma_wait3A_489] : memref<4x80x64xf32, #tpu.memory_space<vmem>> -> memref<1x80x64xf32, #tpu.memory_space<vmem>>
      %dma_wait3A_491 = tpu.memref_squeeze %dma_wait3A_490 : memref<1x80x64xf32, #tpu.memory_space<vmem>> -> memref<80x64xf32, #tpu.memory_space<vmem>>
      %dma_wait3A_492 = arith.constant 0 : i32
      %dma_wait3A_493 = tpu.memref_slice %arg3[%mul3A_477, %dma_wait3A_492] : memref<320000x64xf32, #tpu.memory_space<hbm>> -> memref<80x64xf32, #tpu.memory_space<hbm>>
      tpu.wait_dma2 semaphore(%dma_wait3A_487 : memref<!tpu.dma_semaphore, #tpu.memory_space<semaphore_mem>>) src(%dma_wait3A_493 : memref<80x64xf32, #tpu.memory_space<hbm>>) dst(%dma_wait3A_491 : memref<80x64xf32, #tpu.memory_space<vmem>>)
      %dma_wait3A_494 = arith.constant 2 : i32
      %dma_wait3A_495 = arith.constant 2 : i32
      %dma_wait3A_496 = arith.constant 0 : i32
      %dma_wait3A_497 = arith.constant 0 : i32
      %dma_wait3A_498 = tpu.memref_slice %arg10[%dma_wait3A_494, %dma_wait3A_496, %dma_wait3A_497] : memref<4x80x64xf32, #tpu.memory_space<vmem>> -> memref<1x80x64xf32, #tpu.memory_space<vmem>>
      %dma_wait3A_499 = tpu.memref_squeeze %dma_wait3A_498 : memref<1x80x64xf32, #tpu.memory_space<vmem>> -> memref<80x64xf32, #tpu.memory_space<vmem>>
      %dma_wait3A_500 = arith.constant 0 : i32
      %dma_wait3A_501 = tpu.memref_slice %arg8[%add3A_472, %dma_wait3A_500] : memref<125x80xi32, #tpu.memory_space<vmem>> -> memref<1x80xi32, #tpu.memory_space<vmem>>
      %dma_wait3A_502 = tpu.memref_squeeze %dma_wait3A_501 : memref<1x80xi32, #tpu.memory_space<vmem>> -> memref<80xi32, #tpu.memory_space<vmem>>
      %dma_wait3A_503 = arith.constant 0 : i32
      %dma_wait3A_504 = arith.constant 0 : i32
      %dma_wait3A_505 = tpu.memref_slice %arg2[%dma_wait3A_503, %dma_wait3A_504] : memref<10000x64xf32, #tpu.memory_space<hbm>> -> memref<10000x64xf32, #tpu.memory_space<hbm>>
      %dma_wait3A_506 = tpu.memref_slice %arg13[%dma_wait3A_495] : memref<4x!tpu.dma_semaphore, #tpu.memory_space<semaphore_mem>> -> memref<1x!tpu.dma_semaphore, #tpu.memory_space<semaphore_mem>>
      %dma_wait3A_507 = tpu.memref_squeeze %dma_wait3A_506 : memref<1x!tpu.dma_semaphore, #tpu.memory_space<semaphore_mem>> -> memref<!tpu.dma_semaphore, #tpu.memory_space<semaphore_mem>>
      tpu.wait_indirect_dma semaphore(%dma_wait3A_507 : memref<!tpu.dma_semaphore, #tpu.memory_space<semaphore_mem>>) src(%dma_wait3A_505 : memref<10000x64xf32, #tpu.memory_space<hbm>>) dst(%dma_wait3A_499 : memref<80x64xf32, #tpu.memory_space<vmem>>)
      %scan3A_508 = arith.constant 0 : i32
      %scan3A_509 = arith.constant 80 : i32
      %scan3A_510 = arith.addi %scan3A_508, %scan3A_509 : i32
      %scan3A_511 = arith.constant 1 : i32
      scf.for %scan3A_592 = %scan3A_508 to %scan3A_510 step %scan3A_511  : i32 {
        %mul3A_593 = arith.constant 1 : i32
        %mul3A_594 = arith.muli %scan3A_592, %mul3A_593 : i32
        %add3A_595 = arith.constant 0 : i32
        %add3A_596 = arith.addi %add3A_595, %mul3A_594 : i32
        %get3A = arith.constant 2 : i32
        %get3A_597 = arith.index_cast %get3A : i32 to index
        %get3A_598 = arith.index_cast %add3A_596 : i32 to index
        %get3A_599 = arith.constant 0 : index
        %get3A_600 = tpu.vector_load %arg10[%get3A_597, %get3A_598, %get3A_599] {strides = array<i32>} : memref<4x80x64xf32, #tpu.memory_space<vmem>>, vector<16xf32>,
        %get3A_601 = arith.constant 2 : i32
        %get3A_602 = arith.index_cast %get3A_601 : i32 to index
        %get3A_603 = arith.index_cast %add3A_596 : i32 to index
        %get3A_604 = arith.constant 0 : index
        %get3A_605 = tpu.vector_load %arg11[%get3A_602, %get3A_603, %get3A_604] {strides = array<i32>} : memref<4x80x64xf32, #tpu.memory_space<vmem>>, vector<16xf32>,
        %mul3A_606 = arith.mulf %get3A_600, %get3A_605 : vector<16xf32>
        %swap3A = arith.constant 2 : i32
        %swap3A_607 = arith.index_cast %swap3A : i32 to index
        %swap3A_608 = arith.index_cast %add3A_596 : i32 to index
        %swap3A_609 = arith.constant 0 : index
        %swap3A_610 = tpu.vector_load %arg10[%swap3A_607, %swap3A_608, %swap3A_609] {strides = array<i32>} : memref<4x80x64xf32, #tpu.memory_space<vmem>>, vector<16xf32>,
        tpu.vector_store %arg10[%swap3A_607, %swap3A_608, %swap3A_609], %mul3A_606 {strides = array<i32>} : memref<4x80x64xf32, #tpu.memory_space<vmem>>, vector<16xf32>,
        %get3A_611 = arith.constant 2 : i32
        %get3A_612 = arith.index_cast %get3A_611 : i32 to index
        %get3A_613 = arith.index_cast %add3A_596 : i32 to index
        %get3A_614 = arith.constant 16 : index
        %get3A_615 = tpu.vector_load %arg10[%get3A_612, %get3A_613, %get3A_614] {strides = array<i32>} : memref<4x80x64xf32, #tpu.memory_space<vmem>>, vector<16xf32>,
        %get3A_616 = arith.constant 2 : i32
        %get3A_617 = arith.index_cast %get3A_616 : i32 to index
        %get3A_618 = arith.index_cast %add3A_596 : i32 to index
        %get3A_619 = arith.constant 16 : index
        %get3A_620 = tpu.vector_load %arg11[%get3A_617, %get3A_618, %get3A_619] {strides = array<i32>} : memref<4x80x64xf32, #tpu.memory_space<vmem>>, vector<16xf32>,
        %mul3A_621 = arith.mulf %get3A_615, %get3A_620 : vector<16xf32>
        %swap3A_622 = arith.constant 2 : i32
        %swap3A_623 = arith.index_cast %swap3A_622 : i32 to index
        %swap3A_624 = arith.index_cast %add3A_596 : i32 to index
        %swap3A_625 = arith.constant 16 : index
        %swap3A_626 = tpu.vector_load %arg10[%swap3A_623, %swap3A_624, %swap3A_625] {strides = array<i32>} : memref<4x80x64xf32, #tpu.memory_space<vmem>>, vector<16xf32>,
        tpu.vector_store %arg10[%swap3A_623, %swap3A_624, %swap3A_625], %mul3A_621 {strides = array<i32>} : memref<4x80x64xf32, #tpu.memory_space<vmem>>, vector<16xf32>,
        %get3A_627 = arith.constant 2 : i32
        %get3A_628 = arith.index_cast %get3A_627 : i32 to index
        %get3A_629 = arith.index_cast %add3A_596 : i32 to index
        %get3A_630 = arith.constant 32 : index
        %get3A_631 = tpu.vector_load %arg10[%get3A_628, %get3A_629, %get3A_630] {strides = array<i32>} : memref<4x80x64xf32, #tpu.memory_space<vmem>>, vector<16xf32>,
        %get3A_632 = arith.constant 2 : i32
        %get3A_633 = arith.index_cast %get3A_632 : i32 to index
        %get3A_634 = arith.index_cast %add3A_596 : i32 to index
        %get3A_635 = arith.constant 32 : index
        %get3A_636 = tpu.vector_load %arg11[%get3A_633, %get3A_634, %get3A_635] {strides = array<i32>} : memref<4x80x64xf32, #tpu.memory_space<vmem>>, vector<16xf32>,
        %mul3A_637 = arith.mulf %get3A_631, %get3A_636 : vector<16xf32>
        %swap3A_638 = arith.constant 2 : i32
        %swap3A_639 = arith.index_cast %swap3A_638 : i32 to index
        %swap3A_640 = arith.index_cast %add3A_596 : i32 to index
        %swap3A_641 = arith.constant 32 : index
        %swap3A_642 = tpu.vector_load %arg10[%swap3A_639, %swap3A_640, %swap3A_641] {strides = array<i32>} : memref<4x80x64xf32, #tpu.memory_space<vmem>>, vector<16xf32>,
        tpu.vector_store %arg10[%swap3A_639, %swap3A_640, %swap3A_641], %mul3A_637 {strides = array<i32>} : memref<4x80x64xf32, #tpu.memory_space<vmem>>, vector<16xf32>,
        %get3A_643 = arith.constant 2 : i32
        %get3A_644 = arith.index_cast %get3A_643 : i32 to index
        %get3A_645 = arith.index_cast %add3A_596 : i32 to index
        %get3A_646 = arith.constant 48 : index
        %get3A_647 = tpu.vector_load %arg10[%get3A_644, %get3A_645, %get3A_646] {strides = array<i32>} : memref<4x80x64xf32, #tpu.memory_space<vmem>>, vector<16xf32>,
        %get3A_648 = arith.constant 2 : i32
        %get3A_649 = arith.index_cast %get3A_648 : i32 to index
        %get3A_650 = arith.index_cast %add3A_596 : i32 to index
        %get3A_651 = arith.constant 48 : index
        %get3A_652 = tpu.vector_load %arg11[%get3A_649, %get3A_650, %get3A_651] {strides = array<i32>} : memref<4x80x64xf32, #tpu.memory_space<vmem>>, vector<16xf32>,
        %mul3A_653 = arith.mulf %get3A_647, %get3A_652 : vector<16xf32>
        %swap3A_654 = arith.constant 2 : i32
        %swap3A_655 = arith.index_cast %swap3A_654 : i32 to index
        %swap3A_656 = arith.index_cast %add3A_596 : i32 to index
        %swap3A_657 = arith.constant 48 : index
        %swap3A_658 = tpu.vector_load %arg10[%swap3A_655, %swap3A_656, %swap3A_657] {strides = array<i32>} : memref<4x80x64xf32, #tpu.memory_space<vmem>>, vector<16xf32>,
        tpu.vector_store %arg10[%swap3A_655, %swap3A_656, %swap3A_657], %mul3A_653 {strides = array<i32>} : memref<4x80x64xf32, #tpu.memory_space<vmem>>, vector<16xf32>,
      }
      %scan3A_512 = arith.constant 80 : i32
      %dma_start3A_513 = arith.constant 2 : i32
      %dma_start3A_514 = arith.constant 2 : i32
      %dma_start3A_515 = arith.constant 0 : i32
      %dma_start3A_516 = arith.constant 0 : i32
      %dma_start3A_517 = tpu.memref_slice %arg10[%dma_start3A_513, %dma_start3A_515, %dma_start3A_516] : memref<4x80x64xf32, #tpu.memory_space<vmem>> -> memref<1x80x64xf32, #tpu.memory_space<vmem>>
      %dma_start3A_518 = tpu.memref_squeeze %dma_start3A_517 : memref<1x80x64xf32, #tpu.memory_space<vmem>> -> memref<80x64xf32, #tpu.memory_space<vmem>>
      %dma_start3A_519 = arith.constant 0 : i32
      %dma_start3A_520 = tpu.memref_slice %arg9[%add3A_472, %dma_start3A_519] : memref<125x80xi32, #tpu.memory_space<vmem>> -> memref<1x80xi32, #tpu.memory_space<vmem>>
      %dma_start3A_521 = tpu.memref_squeeze %dma_start3A_520 : memref<1x80xi32, #tpu.memory_space<vmem>> -> memref<80xi32, #tpu.memory_space<vmem>>
      %dma_start3A_522 = arith.constant 0 : i32
      %dma_start3A_523 = arith.constant 0 : i32
      %dma_start3A_524 = tpu.memref_slice %arg7[%dma_start3A_522, %dma_start3A_523] : memref<10000x64xf32, #tpu.memory_space<vmem_shared>> -> memref<10000x64xf32, #tpu.memory_space<vmem_shared>>
      %dma_start3A_525 = tpu.memref_slice %arg15[%dma_start3A_514] : memref<4x!tpu.dma_semaphore, #tpu.memory_space<semaphore_mem>> -> memref<1x!tpu.dma_semaphore, #tpu.memory_space<semaphore_mem>>
      %dma_start3A_526 = tpu.memref_squeeze %dma_start3A_525 : memref<1x!tpu.dma_semaphore, #tpu.memory_space<semaphore_mem>> -> memref<!tpu.dma_semaphore, #tpu.memory_space<semaphore_mem>>
      tpu.enqueue_indirect_dma source(%dma_start3A_518 : memref<80x64xf32, #tpu.memory_space<vmem>>) target(%dma_start3A_524 : memref<10000x64xf32, #tpu.memory_space<vmem_shared>>) offsets(%dma_start3A_521 : memref<80xi32, #tpu.memory_space<vmem>>) semaphore(%dma_start3A_526 : memref<!tpu.dma_semaphore, #tpu.memory_space<semaphore_mem>>) {add = true}
      %lt3A = arith.constant 30 : i32
      %lt3A_527 = arith.cmpi slt, %add3A_303, %lt3A : i32
      %convert_element_type3A_528 = arith.extui %lt3A_527 : i1 to i32
      %cond3A_529 = arith.constant 0 : i32
      %cond3A_530 = arith.cmpi ne, %convert_element_type3A_528, %cond3A_529 : i32
      scf.if %cond3A_530 {
        %add3A_592 = arith.constant 5 : i32
        %add3A_593 = arith.addi %mul3A_305, %add3A_592 : i32
        %dma_wait3A_594 = arith.constant 1 : i32
        %dma_wait3A_595 = arith.constant 1 : i32
        %dma_wait3A_596 = arith.constant 0 : i32
        %dma_wait3A_597 = arith.constant 0 : i32
        %dma_wait3A_598 = tpu.memref_slice %arg10[%dma_wait3A_594, %dma_wait3A_596, %dma_wait3A_597] : memref<4x80x64xf32, #tpu.memory_space<vmem>> -> memref<1x80x64xf32, #tpu.memory_space<vmem>>
        %dma_wait3A_599 = tpu.memref_squeeze %dma_wait3A_598 : memref<1x80x64xf32, #tpu.memory_space<vmem>> -> memref<80x64xf32, #tpu.memory_space<vmem>>
        %dma_wait3A_600 = arith.constant 0 : i32
        %dma_wait3A_601 = tpu.memref_slice %arg9[%add3A_593, %dma_wait3A_600] : memref<125x80xi32, #tpu.memory_space<vmem>> -> memref<1x80xi32, #tpu.memory_space<vmem>>
        %dma_wait3A_602 = tpu.memref_squeeze %dma_wait3A_601 : memref<1x80xi32, #tpu.memory_space<vmem>> -> memref<80xi32, #tpu.memory_space<vmem>>
        %dma_wait3A_603 = arith.constant 0 : i32
        %dma_wait3A_604 = arith.constant 0 : i32
        %dma_wait3A_605 = tpu.memref_slice %arg7[%dma_wait3A_603, %dma_wait3A_604] : memref<10000x64xf32, #tpu.memory_space<vmem_shared>> -> memref<10000x64xf32, #tpu.memory_space<vmem_shared>>
        %dma_wait3A_606 = tpu.memref_slice %arg15[%dma_wait3A_595] : memref<4x!tpu.dma_semaphore, #tpu.memory_space<semaphore_mem>> -> memref<1x!tpu.dma_semaphore, #tpu.memory_space<semaphore_mem>>
        %dma_wait3A_607 = tpu.memref_squeeze %dma_wait3A_606 : memref<1x!tpu.dma_semaphore, #tpu.memory_space<semaphore_mem>> -> memref<!tpu.dma_semaphore, #tpu.memory_space<semaphore_mem>>
        tpu.wait_indirect_dma semaphore(%dma_wait3A_607 : memref<!tpu.dma_semaphore, #tpu.memory_space<semaphore_mem>>) src(%dma_wait3A_599 : memref<80x64xf32, #tpu.memory_space<vmem>>) dst(%dma_wait3A_605 : memref<10000x64xf32, #tpu.memory_space<vmem_shared>>)
        %mul3A_608 = arith.constant 125 : i32
        %mul3A_609 = arith.muli %add3A, %mul3A_608 : i32
        %add3A_610 = arith.addi %mul3A_609, %add3A_593 : i32
        %mul3A_611 = arith.constant 80 : i32
        %mul3A_612 = arith.muli %add3A_610, %mul3A_611 : i32
        %dma_start3A_613 = arith.constant 1 : i32
        %dma_start3A_614 = arith.constant 1 : i32
        %dma_start3A_615 = arith.constant 0 : i32
        %dma_start3A_616 = arith.constant 0 : i32
        %dma_start3A_617 = tpu.memref_slice %arg11[%dma_start3A_613, %dma_start3A_615, %dma_start3A_616] : memref<4x80x64xf32, #tpu.memory_space<vmem>> -> memref<1x80x64xf32, #tpu.memory_space<vmem>>
        %dma_start3A_618 = tpu.memref_squeeze %dma_start3A_617 : memref<1x80x64xf32, #tpu.memory_space<vmem>> -> memref<80x64xf32, #tpu.memory_space<vmem>>
        %dma_start3A_619 = arith.constant 0 : i32
        %dma_start3A_620 = tpu.memref_slice %arg3[%mul3A_612, %dma_start3A_619] : memref<320000x64xf32, #tpu.memory_space<hbm>> -> memref<80x64xf32, #tpu.memory_space<hbm>>
        %dma_start3A_621 = tpu.memref_slice %arg14[%dma_start3A_614] : memref<4x!tpu.dma_semaphore, #tpu.memory_space<semaphore_mem>> -> memref<1x!tpu.dma_semaphore, #tpu.memory_space<semaphore_mem>>
        %dma_start3A_622 = tpu.memref_squeeze %dma_start3A_621 : memref<1x!tpu.dma_semaphore, #tpu.memory_space<semaphore_mem>> -> memref<!tpu.dma_semaphore, #tpu.memory_space<semaphore_mem>>
        %dma_start3A_623 = arith.constant 0 : i32
        %dma_start3A_624 = arith.constant 0 : i32
        %dma_start3A_625 = tpu.memref_slice %arg11[%dma_start3A_613, %dma_start3A_623, %dma_start3A_624] : memref<4x80x64xf32, #tpu.memory_space<vmem>> -> memref<1x80x64xf32, #tpu.memory_space<vmem>>
        %dma_start3A_626 = tpu.memref_squeeze %dma_start3A_625 : memref<1x80x64xf32, #tpu.memory_space<vmem>> -> memref<80x64xf32, #tpu.memory_space<vmem>>
        %dma_start3A_627 = arith.constant 0 : i32
        %dma_start3A_628 = tpu.memref_slice %arg3[%mul3A_612, %dma_start3A_627] : memref<320000x64xf32, #tpu.memory_space<hbm>> -> memref<80x64xf32, #tpu.memory_space<hbm>>
        tpu.enqueue_dma source(%dma_start3A_628 : memref<80x64xf32, #tpu.memory_space<hbm>>) target(%dma_start3A_626 : memref<80x64xf32, #tpu.memory_space<vmem>>) target_semaphore(%dma_start3A_622 : memref<!tpu.dma_semaphore, #tpu.memory_space<semaphore_mem>>)
        %dma_start3A_629 = arith.constant 1 : i32
        %dma_start3A_630 = arith.constant 1 : i32
        %dma_start3A_631 = arith.constant 0 : i32
        %dma_start3A_632 = arith.constant 0 : i32
        %dma_start3A_633 = tpu.memref_slice %arg10[%dma_start3A_629, %dma_start3A_631, %dma_start3A_632] : memref<4x80x64xf32, #tpu.memory_space<vmem>> -> memref<1x80x64xf32, #tpu.memory_space<vmem>>
        %dma_start3A_634 = tpu.memref_squeeze %dma_start3A_633 : memref<1x80x64xf32, #tpu.memory_space<vmem>> -> memref<80x64xf32, #tpu.memory_space<vmem>>
        %dma_start3A_635 = arith.constant 0 : i32
        %dma_start3A_636 = tpu.memref_slice %arg8[%add3A_593, %dma_start3A_635] : memref<125x80xi32, #tpu.memory_space<vmem>> -> memref<1x80xi32, #tpu.memory_space<vmem>>
        %dma_start3A_637 = tpu.memref_squeeze %dma_start3A_636 : memref<1x80xi32, #tpu.memory_space<vmem>> -> memref<80xi32, #tpu.memory_space<vmem>>
        %dma_start3A_638 = arith.constant 0 : i32
        %dma_start3A_639 = arith.constant 0 : i32
        %dma_start3A_640 = tpu.memref_slice %arg2[%dma_start3A_638, %dma_start3A_639] : memref<10000x64xf32, #tpu.memory_space<hbm>> -> memref<10000x64xf32, #tpu.memory_space<hbm>>
        %dma_start3A_641 = tpu.memref_slice %arg13[%dma_start3A_630] : memref<4x!tpu.dma_semaphore, #tpu.memory_space<semaphore_mem>> -> memref<1x!tpu.dma_semaphore, #tpu.memory_space<semaphore_mem>>
        %dma_start3A_642 = tpu.memref_squeeze %dma_start3A_641 : memref<1x!tpu.dma_semaphore, #tpu.memory_space<semaphore_mem>> -> memref<!tpu.dma_semaphore, #tpu.memory_space<semaphore_mem>>
        tpu.enqueue_indirect_dma source(%dma_start3A_640 : memref<10000x64xf32, #tpu.memory_space<hbm>>) target(%dma_start3A_634 : memref<80x64xf32, #tpu.memory_space<vmem>>) offsets(%dma_start3A_637 : memref<80xi32, #tpu.memory_space<vmem>>) semaphore(%dma_start3A_642 : memref<!tpu.dma_semaphore, #tpu.memory_space<semaphore_mem>>)
      } else {
      }
      %add3A_531 = arith.constant 3 : i32
      %add3A_532 = arith.addi %mul3A_305, %add3A_531 : i32
      %mul3A_533 = arith.constant 125 : i32
      %mul3A_534 = arith.muli %add3A, %mul3A_533 : i32
      %add3A_535 = arith.addi %mul3A_534, %add3A_532 : i32
      %mul3A_536 = arith.constant 80 : i32
      %mul3A_537 = arith.muli %add3A_535, %mul3A_536 : i32
      %dma_wait3A_538 = arith.constant 3 : i32
      %dma_wait3A_539 = arith.constant 3 : i32
      %dma_wait3A_540 = arith.constant 0 : i32
      %dma_wait3A_541 = arith.constant 0 : i32
      %dma_wait3A_542 = tpu.memref_slice %arg11[%dma_wait3A_538, %dma_wait3A_540, %dma_wait3A_541] : memref<4x80x64xf32, #tpu.memory_space<vmem>> -> memref<1x80x64xf32, #tpu.memory_space<vmem>>
      %dma_wait3A_543 = tpu.memref_squeeze %dma_wait3A_542 : memref<1x80x64xf32, #tpu.memory_space<vmem>> -> memref<80x64xf32, #tpu.memory_space<vmem>>
      %dma_wait3A_544 = arith.constant 0 : i32
      %dma_wait3A_545 = tpu.memref_slice %arg3[%mul3A_537, %dma_wait3A_544] : memref<320000x64xf32, #tpu.memory_space<hbm>> -> memref<80x64xf32, #tpu.memory_space<hbm>>
      %dma_wait3A_546 = tpu.memref_slice %arg14[%dma_wait3A_539] : memref<4x!tpu.dma_semaphore, #tpu.memory_space<semaphore_mem>> -> memref<1x!tpu.dma_semaphore, #tpu.memory_space<semaphore_mem>>
      %dma_wait3A_547 = tpu.memref_squeeze %dma_wait3A_546 : memref<1x!tpu.dma_semaphore, #tpu.memory_space<semaphore_mem>> -> memref<!tpu.dma_semaphore, #tpu.memory_space<semaphore_mem>>
      %dma_wait3A_548 = arith.constant 0 : i32
      %dma_wait3A_549 = arith.constant 0 : i32
      %dma_wait3A_550 = tpu.memref_slice %arg11[%dma_wait3A_538, %dma_wait3A_548, %dma_wait3A_549] : memref<4x80x64xf32, #tpu.memory_space<vmem>> -> memref<1x80x64xf32, #tpu.memory_space<vmem>>
      %dma_wait3A_551 = tpu.memref_squeeze %dma_wait3A_550 : memref<1x80x64xf32, #tpu.memory_space<vmem>> -> memref<80x64xf32, #tpu.memory_space<vmem>>
      %dma_wait3A_552 = arith.constant 0 : i32
      %dma_wait3A_553 = tpu.memref_slice %arg3[%mul3A_537, %dma_wait3A_552] : memref<320000x64xf32, #tpu.memory_space<hbm>> -> memref<80x64xf32, #tpu.memory_space<hbm>>
      tpu.wait_dma2 semaphore(%dma_wait3A_547 : memref<!tpu.dma_semaphore, #tpu.memory_space<semaphore_mem>>) src(%dma_wait3A_553 : memref<80x64xf32, #tpu.memory_space<hbm>>) dst(%dma_wait3A_551 : memref<80x64xf32, #tpu.memory_space<vmem>>)
      %dma_wait3A_554 = arith.constant 3 : i32
      %dma_wait3A_555 = arith.constant 3 : i32
      %dma_wait3A_556 = arith.constant 0 : i32
      %dma_wait3A_557 = arith.constant 0 : i32
      %dma_wait3A_558 = tpu.memref_slice %arg10[%dma_wait3A_554, %dma_wait3A_556, %dma_wait3A_557] : memref<4x80x64xf32, #tpu.memory_space<vmem>> -> memref<1x80x64xf32, #tpu.memory_space<vmem>>
      %dma_wait3A_559 = tpu.memref_squeeze %dma_wait3A_558 : memref<1x80x64xf32, #tpu.memory_space<vmem>> -> memref<80x64xf32, #tpu.memory_space<vmem>>
      %dma_wait3A_560 = arith.constant 0 : i32
      %dma_wait3A_561 = tpu.memref_slice %arg8[%add3A_532, %dma_wait3A_560] : memref<125x80xi32, #tpu.memory_space<vmem>> -> memref<1x80xi32, #tpu.memory_space<vmem>>
      %dma_wait3A_562 = tpu.memref_squeeze %dma_wait3A_561 : memref<1x80xi32, #tpu.memory_space<vmem>> -> memref<80xi32, #tpu.memory_space<vmem>>
      %dma_wait3A_563 = arith.constant 0 : i32
      %dma_wait3A_564 = arith.constant 0 : i32
      %dma_wait3A_565 = tpu.memref_slice %arg2[%dma_wait3A_563, %dma_wait3A_564] : memref<10000x64xf32, #tpu.memory_space<hbm>> -> memref<10000x64xf32, #tpu.memory_space<hbm>>
      %dma_wait3A_566 = tpu.memref_slice %arg13[%dma_wait3A_555] : memref<4x!tpu.dma_semaphore, #tpu.memory_space<semaphore_mem>> -> memref<1x!tpu.dma_semaphore, #tpu.memory_space<semaphore_mem>>
      %dma_wait3A_567 = tpu.memref_squeeze %dma_wait3A_566 : memref<1x!tpu.dma_semaphore, #tpu.memory_space<semaphore_mem>> -> memref<!tpu.dma_semaphore, #tpu.memory_space<semaphore_mem>>
      tpu.wait_indirect_dma semaphore(%dma_wait3A_567 : memref<!tpu.dma_semaphore, #tpu.memory_space<semaphore_mem>>) src(%dma_wait3A_565 : memref<10000x64xf32, #tpu.memory_space<hbm>>) dst(%dma_wait3A_559 : memref<80x64xf32, #tpu.memory_space<vmem>>)
      %scan3A_568 = arith.constant 0 : i32
      %scan3A_569 = arith.constant 80 : i32
      %scan3A_570 = arith.addi %scan3A_568, %scan3A_569 : i32
      %scan3A_571 = arith.constant 1 : i32
      scf.for %scan3A_592 = %scan3A_568 to %scan3A_570 step %scan3A_571  : i32 {
        %mul3A_593 = arith.constant 1 : i32
        %mul3A_594 = arith.muli %scan3A_592, %mul3A_593 : i32
        %add3A_595 = arith.constant 0 : i32
        %add3A_596 = arith.addi %add3A_595, %mul3A_594 : i32
        %get3A = arith.constant 3 : i32
        %get3A_597 = arith.index_cast %get3A : i32 to index
        %get3A_598 = arith.index_cast %add3A_596 : i32 to index
        %get3A_599 = arith.constant 0 : index
        %get3A_600 = tpu.vector_load %arg10[%get3A_597, %get3A_598, %get3A_599] {strides = array<i32>} : memref<4x80x64xf32, #tpu.memory_space<vmem>>, vector<16xf32>,
        %get3A_601 = arith.constant 3 : i32
        %get3A_602 = arith.index_cast %get3A_601 : i32 to index
        %get3A_603 = arith.index_cast %add3A_596 : i32 to index
        %get3A_604 = arith.constant 0 : index
        %get3A_605 = tpu.vector_load %arg11[%get3A_602, %get3A_603, %get3A_604] {strides = array<i32>} : memref<4x80x64xf32, #tpu.memory_space<vmem>>, vector<16xf32>,
        %mul3A_606 = arith.mulf %get3A_600, %get3A_605 : vector<16xf32>
        %swap3A = arith.constant 3 : i32
        %swap3A_607 = arith.index_cast %swap3A : i32 to index
        %swap3A_608 = arith.index_cast %add3A_596 : i32 to index
        %swap3A_609 = arith.constant 0 : index
        %swap3A_610 = tpu.vector_load %arg10[%swap3A_607, %swap3A_608, %swap3A_609] {strides = array<i32>} : memref<4x80x64xf32, #tpu.memory_space<vmem>>, vector<16xf32>,
        tpu.vector_store %arg10[%swap3A_607, %swap3A_608, %swap3A_609], %mul3A_606 {strides = array<i32>} : memref<4x80x64xf32, #tpu.memory_space<vmem>>, vector<16xf32>,
        %get3A_611 = arith.constant 3 : i32
        %get3A_612 = arith.index_cast %get3A_611 : i32 to index
        %get3A_613 = arith.index_cast %add3A_596 : i32 to index
        %get3A_614 = arith.constant 16 : index
        %get3A_615 = tpu.vector_load %arg10[%get3A_612, %get3A_613, %get3A_614] {strides = array<i32>} : memref<4x80x64xf32, #tpu.memory_space<vmem>>, vector<16xf32>,
        %get3A_616 = arith.constant 3 : i32
        %get3A_617 = arith.index_cast %get3A_616 : i32 to index
        %get3A_618 = arith.index_cast %add3A_596 : i32 to index
        %get3A_619 = arith.constant 16 : index
        %get3A_620 = tpu.vector_load %arg11[%get3A_617, %get3A_618, %get3A_619] {strides = array<i32>} : memref<4x80x64xf32, #tpu.memory_space<vmem>>, vector<16xf32>,
        %mul3A_621 = arith.mulf %get3A_615, %get3A_620 : vector<16xf32>
        %swap3A_622 = arith.constant 3 : i32
        %swap3A_623 = arith.index_cast %swap3A_622 : i32 to index
        %swap3A_624 = arith.index_cast %add3A_596 : i32 to index
        %swap3A_625 = arith.constant 16 : index
        %swap3A_626 = tpu.vector_load %arg10[%swap3A_623, %swap3A_624, %swap3A_625] {strides = array<i32>} : memref<4x80x64xf32, #tpu.memory_space<vmem>>, vector<16xf32>,
        tpu.vector_store %arg10[%swap3A_623, %swap3A_624, %swap3A_625], %mul3A_621 {strides = array<i32>} : memref<4x80x64xf32, #tpu.memory_space<vmem>>, vector<16xf32>,
        %get3A_627 = arith.constant 3 : i32
        %get3A_628 = arith.index_cast %get3A_627 : i32 to index
        %get3A_629 = arith.index_cast %add3A_596 : i32 to index
        %get3A_630 = arith.constant 32 : index
        %get3A_631 = tpu.vector_load %arg10[%get3A_628, %get3A_629, %get3A_630] {strides = array<i32>} : memref<4x80x64xf32, #tpu.memory_space<vmem>>, vector<16xf32>,
        %get3A_632 = arith.constant 3 : i32
        %get3A_633 = arith.index_cast %get3A_632 : i32 to index
        %get3A_634 = arith.index_cast %add3A_596 : i32 to index
        %get3A_635 = arith.constant 32 : index
        %get3A_636 = tpu.vector_load %arg11[%get3A_633, %get3A_634, %get3A_635] {strides = array<i32>} : memref<4x80x64xf32, #tpu.memory_space<vmem>>, vector<16xf32>,
        %mul3A_637 = arith.mulf %get3A_631, %get3A_636 : vector<16xf32>
        %swap3A_638 = arith.constant 3 : i32
        %swap3A_639 = arith.index_cast %swap3A_638 : i32 to index
        %swap3A_640 = arith.index_cast %add3A_596 : i32 to index
        %swap3A_641 = arith.constant 32 : index
        %swap3A_642 = tpu.vector_load %arg10[%swap3A_639, %swap3A_640, %swap3A_641] {strides = array<i32>} : memref<4x80x64xf32, #tpu.memory_space<vmem>>, vector<16xf32>,
        tpu.vector_store %arg10[%swap3A_639, %swap3A_640, %swap3A_641], %mul3A_637 {strides = array<i32>} : memref<4x80x64xf32, #tpu.memory_space<vmem>>, vector<16xf32>,
        %get3A_643 = arith.constant 3 : i32
        %get3A_644 = arith.index_cast %get3A_643 : i32 to index
        %get3A_645 = arith.index_cast %add3A_596 : i32 to index
        %get3A_646 = arith.constant 48 : index
        %get3A_647 = tpu.vector_load %arg10[%get3A_644, %get3A_645, %get3A_646] {strides = array<i32>} : memref<4x80x64xf32, #tpu.memory_space<vmem>>, vector<16xf32>,
        %get3A_648 = arith.constant 3 : i32
        %get3A_649 = arith.index_cast %get3A_648 : i32 to index
        %get3A_650 = arith.index_cast %add3A_596 : i32 to index
        %get3A_651 = arith.constant 48 : index
        %get3A_652 = tpu.vector_load %arg11[%get3A_649, %get3A_650, %get3A_651] {strides = array<i32>} : memref<4x80x64xf32, #tpu.memory_space<vmem>>, vector<16xf32>,
        %mul3A_653 = arith.mulf %get3A_647, %get3A_652 : vector<16xf32>
        %swap3A_654 = arith.constant 3 : i32
        %swap3A_655 = arith.index_cast %swap3A_654 : i32 to index
        %swap3A_656 = arith.index_cast %add3A_596 : i32 to index
        %swap3A_657 = arith.constant 48 : index
        %swap3A_658 = tpu.vector_load %arg10[%swap3A_655, %swap3A_656, %swap3A_657] {strides = array<i32>} : memref<4x80x64xf32, #tpu.memory_space<vmem>>, vector<16xf32>,
        tpu.vector_store %arg10[%swap3A_655, %swap3A_656, %swap3A_657], %mul3A_653 {strides = array<i32>} : memref<4x80x64xf32, #tpu.memory_space<vmem>>, vector<16xf32>,
      }
      %scan3A_572 = arith.constant 80 : i32
      %dma_start3A_573 = arith.constant 3 : i32
      %dma_start3A_574 = arith.constant 3 : i32
      %dma_start3A_575 = arith.constant 0 : i32
      %dma_start3A_576 = arith.constant 0 : i32
      %dma_start3A_577 = tpu.memref_slice %arg10[%dma_start3A_573, %dma_start3A_575, %dma_start3A_576] : memref<4x80x64xf32, #tpu.memory_space<vmem>> -> memref<1x80x64xf32, #tpu.memory_space<vmem>>
      %dma_start3A_578 = tpu.memref_squeeze %dma_start3A_577 : memref<1x80x64xf32, #tpu.memory_space<vmem>> -> memref<80x64xf32, #tpu.memory_space<vmem>>
      %dma_start3A_579 = arith.constant 0 : i32
      %dma_start3A_580 = tpu.memref_slice %arg9[%add3A_532, %dma_start3A_579] : memref<125x80xi32, #tpu.memory_space<vmem>> -> memref<1x80xi32, #tpu.memory_space<vmem>>
      %dma_start3A_581 = tpu.memref_squeeze %dma_start3A_580 : memref<1x80xi32, #tpu.memory_space<vmem>> -> memref<80xi32, #tpu.memory_space<vmem>>
      %dma_start3A_582 = arith.constant 0 : i32
      %dma_start3A_583 = arith.constant 0 : i32
      %dma_start3A_584 = tpu.memref_slice %arg7[%dma_start3A_582, %dma_start3A_583] : memref<10000x64xf32, #tpu.memory_space<vmem_shared>> -> memref<10000x64xf32, #tpu.memory_space<vmem_shared>>
      %dma_start3A_585 = tpu.memref_slice %arg15[%dma_start3A_574] : memref<4x!tpu.dma_semaphore, #tpu.memory_space<semaphore_mem>> -> memref<1x!tpu.dma_semaphore, #tpu.memory_space<semaphore_mem>>
      %dma_start3A_586 = tpu.memref_squeeze %dma_start3A_585 : memref<1x!tpu.dma_semaphore, #tpu.memory_space<semaphore_mem>> -> memref<!tpu.dma_semaphore, #tpu.memory_space<semaphore_mem>>
      tpu.enqueue_indirect_dma source(%dma_start3A_578 : memref<80x64xf32, #tpu.memory_space<vmem>>) target(%dma_start3A_584 : memref<10000x64xf32, #tpu.memory_space<vmem_shared>>) offsets(%dma_start3A_581 : memref<80xi32, #tpu.memory_space<vmem>>) semaphore(%dma_start3A_586 : memref<!tpu.dma_semaphore, #tpu.memory_space<semaphore_mem>>) {add = true}
      %lt3A_587 = arith.constant 30 : i32
      %lt3A_588 = arith.cmpi slt, %add3A_303, %lt3A_587 : i32
      %convert_element_type3A_589 = arith.extui %lt3A_588 : i1 to i32
      %cond3A_590 = arith.constant 0 : i32
      %cond3A_591 = arith.cmpi ne, %convert_element_type3A_589, %cond3A_590 : i32
      scf.if %cond3A_591 {
        %add3A_592 = arith.constant 6 : i32
        %add3A_593 = arith.addi %mul3A_305, %add3A_592 : i32
        %dma_wait3A_594 = arith.constant 2 : i32
        %dma_wait3A_595 = arith.constant 2 : i32
        %dma_wait3A_596 = arith.constant 0 : i32
        %dma_wait3A_597 = arith.constant 0 : i32
        %dma_wait3A_598 = tpu.memref_slice %arg10[%dma_wait3A_594, %dma_wait3A_596, %dma_wait3A_597] : memref<4x80x64xf32, #tpu.memory_space<vmem>> -> memref<1x80x64xf32, #tpu.memory_space<vmem>>
        %dma_wait3A_599 = tpu.memref_squeeze %dma_wait3A_598 : memref<1x80x64xf32, #tpu.memory_space<vmem>> -> memref<80x64xf32, #tpu.memory_space<vmem>>
        %dma_wait3A_600 = arith.constant 0 : i32
        %dma_wait3A_601 = tpu.memref_slice %arg9[%add3A_593, %dma_wait3A_600] : memref<125x80xi32, #tpu.memory_space<vmem>> -> memref<1x80xi32, #tpu.memory_space<vmem>>
        %dma_wait3A_602 = tpu.memref_squeeze %dma_wait3A_601 : memref<1x80xi32, #tpu.memory_space<vmem>> -> memref<80xi32, #tpu.memory_space<vmem>>
        %dma_wait3A_603 = arith.constant 0 : i32
        %dma_wait3A_604 = arith.constant 0 : i32
        %dma_wait3A_605 = tpu.memref_slice %arg7[%dma_wait3A_603, %dma_wait3A_604] : memref<10000x64xf32, #tpu.memory_space<vmem_shared>> -> memref<10000x64xf32, #tpu.memory_space<vmem_shared>>
        %dma_wait3A_606 = tpu.memref_slice %arg15[%dma_wait3A_595] : memref<4x!tpu.dma_semaphore, #tpu.memory_space<semaphore_mem>> -> memref<1x!tpu.dma_semaphore, #tpu.memory_space<semaphore_mem>>
        %dma_wait3A_607 = tpu.memref_squeeze %dma_wait3A_606 : memref<1x!tpu.dma_semaphore, #tpu.memory_space<semaphore_mem>> -> memref<!tpu.dma_semaphore, #tpu.memory_space<semaphore_mem>>
        tpu.wait_indirect_dma semaphore(%dma_wait3A_607 : memref<!tpu.dma_semaphore, #tpu.memory_space<semaphore_mem>>) src(%dma_wait3A_599 : memref<80x64xf32, #tpu.memory_space<vmem>>) dst(%dma_wait3A_605 : memref<10000x64xf32, #tpu.memory_space<vmem_shared>>)
        %mul3A_608 = arith.constant 125 : i32
        %mul3A_609 = arith.muli %add3A, %mul3A_608 : i32
        %add3A_610 = arith.addi %mul3A_609, %add3A_593 : i32
        %mul3A_611 = arith.constant 80 : i32
        %mul3A_612 = arith.muli %add3A_610, %mul3A_611 : i32
        %dma_start3A_613 = arith.constant 2 : i32
        %dma_start3A_614 = arith.constant 2 : i32
        %dma_start3A_615 = arith.constant 0 : i32
        %dma_start3A_616 = arith.constant 0 : i32
        %dma_start3A_617 = tpu.memref_slice %arg11[%dma_start3A_613, %dma_start3A_615, %dma_start3A_616] : memref<4x80x64xf32, #tpu.memory_space<vmem>> -> memref<1x80x64xf32, #tpu.memory_space<vmem>>
        %dma_start3A_618 = tpu.memref_squeeze %dma_start3A_617 : memref<1x80x64xf32, #tpu.memory_space<vmem>> -> memref<80x64xf32, #tpu.memory_space<vmem>>
        %dma_start3A_619 = arith.constant 0 : i32
        %dma_start3A_620 = tpu.memref_slice %arg3[%mul3A_612, %dma_start3A_619] : memref<320000x64xf32, #tpu.memory_space<hbm>> -> memref<80x64xf32, #tpu.memory_space<hbm>>
        %dma_start3A_621 = tpu.memref_slice %arg14[%dma_start3A_614] : memref<4x!tpu.dma_semaphore, #tpu.memory_space<semaphore_mem>> -> memref<1x!tpu.dma_semaphore, #tpu.memory_space<semaphore_mem>>
        %dma_start3A_622 = tpu.memref_squeeze %dma_start3A_621 : memref<1x!tpu.dma_semaphore, #tpu.memory_space<semaphore_mem>> -> memref<!tpu.dma_semaphore, #tpu.memory_space<semaphore_mem>>
        %dma_start3A_623 = arith.constant 0 : i32
        %dma_start3A_624 = arith.constant 0 : i32
        %dma_start3A_625 = tpu.memref_slice %arg11[%dma_start3A_613, %dma_start3A_623, %dma_start3A_624] : memref<4x80x64xf32, #tpu.memory_space<vmem>> -> memref<1x80x64xf32, #tpu.memory_space<vmem>>
        %dma_start3A_626 = tpu.memref_squeeze %dma_start3A_625 : memref<1x80x64xf32, #tpu.memory_space<vmem>> -> memref<80x64xf32, #tpu.memory_space<vmem>>
        %dma_start3A_627 = arith.constant 0 : i32
        %dma_start3A_628 = tpu.memref_slice %arg3[%mul3A_612, %dma_start3A_627] : memref<320000x64xf32, #tpu.memory_space<hbm>> -> memref<80x64xf32, #tpu.memory_space<hbm>>
        tpu.enqueue_dma source(%dma_start3A_628 : memref<80x64xf32, #tpu.memory_space<hbm>>) target(%dma_start3A_626 : memref<80x64xf32, #tpu.memory_space<vmem>>) target_semaphore(%dma_start3A_622 : memref<!tpu.dma_semaphore, #tpu.memory_space<semaphore_mem>>)
        %dma_start3A_629 = arith.constant 2 : i32
        %dma_start3A_630 = arith.constant 2 : i32
        %dma_start3A_631 = arith.constant 0 : i32
        %dma_start3A_632 = arith.constant 0 : i32
        %dma_start3A_633 = tpu.memref_slice %arg10[%dma_start3A_629, %dma_start3A_631, %dma_start3A_632] : memref<4x80x64xf32, #tpu.memory_space<vmem>> -> memref<1x80x64xf32, #tpu.memory_space<vmem>>
        %dma_start3A_634 = tpu.memref_squeeze %dma_start3A_633 : memref<1x80x64xf32, #tpu.memory_space<vmem>> -> memref<80x64xf32, #tpu.memory_space<vmem>>
        %dma_start3A_635 = arith.constant 0 : i32
        %dma_start3A_636 = tpu.memref_slice %arg8[%add3A_593, %dma_start3A_635] : memref<125x80xi32, #tpu.memory_space<vmem>> -> memref<1x80xi32, #tpu.memory_space<vmem>>
        %dma_start3A_637 = tpu.memref_squeeze %dma_start3A_636 : memref<1x80xi32, #tpu.memory_space<vmem>> -> memref<80xi32, #tpu.memory_space<vmem>>
        %dma_start3A_638 = arith.constant 0 : i32
        %dma_start3A_639 = arith.constant 0 : i32
        %dma_start3A_640 = tpu.memref_slice %arg2[%dma_start3A_638, %dma_start3A_639] : memref<10000x64xf32, #tpu.memory_space<hbm>> -> memref<10000x64xf32, #tpu.memory_space<hbm>>
        %dma_start3A_641 = tpu.memref_slice %arg13[%dma_start3A_630] : memref<4x!tpu.dma_semaphore, #tpu.memory_space<semaphore_mem>> -> memref<1x!tpu.dma_semaphore, #tpu.memory_space<semaphore_mem>>
        %dma_start3A_642 = tpu.memref_squeeze %dma_start3A_641 : memref<1x!tpu.dma_semaphore, #tpu.memory_space<semaphore_mem>> -> memref<!tpu.dma_semaphore, #tpu.memory_space<semaphore_mem>>
        tpu.enqueue_indirect_dma source(%dma_start3A_640 : memref<10000x64xf32, #tpu.memory_space<hbm>>) target(%dma_start3A_634 : memref<80x64xf32, #tpu.memory_space<vmem>>) offsets(%dma_start3A_637 : memref<80xi32, #tpu.memory_space<vmem>>) semaphore(%dma_start3A_642 : memref<!tpu.dma_semaphore, #tpu.memory_space<semaphore_mem>>)
      } else {
      }
    }
    %scan3A_177 = arith.constant 31 : i32
    %mul3A_178 = arith.constant 125 : i32
    %mul3A_179 = arith.muli %add3A, %mul3A_178 : i32
    %add3A_180 = arith.constant 124 : i32
    %add3A_181 = arith.addi %mul3A_179, %add3A_180 : i32
    %mul3A_182 = arith.constant 80 : i32
    %mul3A_183 = arith.muli %add3A_181, %mul3A_182 : i32
    %dma_wait3A = arith.constant 0 : i32
    %dma_wait3A_184 = arith.constant 0 : i32
    %dma_wait3A_185 = arith.constant 0 : i32
    %dma_wait3A_186 = arith.constant 0 : i32
    %dma_wait3A_187 = tpu.memref_slice %arg11[%dma_wait3A, %dma_wait3A_185, %dma_wait3A_186] : memref<4x80x64xf32, #tpu.memory_space<vmem>> -> memref<1x80x64xf32, #tpu.memory_space<vmem>>
    %dma_wait3A_188 = tpu.memref_squeeze %dma_wait3A_187 : memref<1x80x64xf32, #tpu.memory_space<vmem>> -> memref<80x64xf32, #tpu.memory_space<vmem>>
    %dma_wait3A_189 = arith.constant 0 : i32
    %dma_wait3A_190 = tpu.memref_slice %arg3[%mul3A_183, %dma_wait3A_189] : memref<320000x64xf32, #tpu.memory_space<hbm>> -> memref<80x64xf32, #tpu.memory_space<hbm>>
    %dma_wait3A_191 = tpu.memref_slice %arg14[%dma_wait3A_184] : memref<4x!tpu.dma_semaphore, #tpu.memory_space<semaphore_mem>> -> memref<1x!tpu.dma_semaphore, #tpu.memory_space<semaphore_mem>>
    %dma_wait3A_192 = tpu.memref_squeeze %dma_wait3A_191 : memref<1x!tpu.dma_semaphore, #tpu.memory_space<semaphore_mem>> -> memref<!tpu.dma_semaphore, #tpu.memory_space<semaphore_mem>>
    %dma_wait3A_193 = arith.constant 0 : i32
    %dma_wait3A_194 = arith.constant 0 : i32
    %dma_wait3A_195 = tpu.memref_slice %arg11[%dma_wait3A, %dma_wait3A_193, %dma_wait3A_194] : memref<4x80x64xf32, #tpu.memory_space<vmem>> -> memref<1x80x64xf32, #tpu.memory_space<vmem>>
    %dma_wait3A_196 = tpu.memref_squeeze %dma_wait3A_195 : memref<1x80x64xf32, #tpu.memory_space<vmem>> -> memref<80x64xf32, #tpu.memory_space<vmem>>
    %dma_wait3A_197 = arith.constant 0 : i32
    %dma_wait3A_198 = tpu.memref_slice %arg3[%mul3A_183, %dma_wait3A_197] : memref<320000x64xf32, #tpu.memory_space<hbm>> -> memref<80x64xf32, #tpu.memory_space<hbm>>
    tpu.wait_dma2 semaphore(%dma_wait3A_192 : memref<!tpu.dma_semaphore, #tpu.memory_space<semaphore_mem>>) src(%dma_wait3A_198 : memref<80x64xf32, #tpu.memory_space<hbm>>) dst(%dma_wait3A_196 : memref<80x64xf32, #tpu.memory_space<vmem>>)
    %dma_wait3A_199 = arith.constant 124 : i32
    %dma_wait3A_200 = arith.constant 0 : i32
    %dma_wait3A_201 = arith.constant 0 : i32
    %dma_wait3A_202 = arith.constant 0 : i32
    %dma_wait3A_203 = arith.constant 0 : i32
    %dma_wait3A_204 = tpu.memref_slice %arg10[%dma_wait3A_200, %dma_wait3A_202, %dma_wait3A_203] : memref<4x80x64xf32, #tpu.memory_space<vmem>> -> memref<1x80x64xf32, #tpu.memory_space<vmem>>
    %dma_wait3A_205 = tpu.memref_squeeze %dma_wait3A_204 : memref<1x80x64xf32, #tpu.memory_space<vmem>> -> memref<80x64xf32, #tpu.memory_space<vmem>>
    %dma_wait3A_206 = arith.constant 0 : i32
    %dma_wait3A_207 = tpu.memref_slice %arg8[%dma_wait3A_199, %dma_wait3A_206] : memref<125x80xi32, #tpu.memory_space<vmem>> -> memref<1x80xi32, #tpu.memory_space<vmem>>
    %dma_wait3A_208 = tpu.memref_squeeze %dma_wait3A_207 : memref<1x80xi32, #tpu.memory_space<vmem>> -> memref<80xi32, #tpu.memory_space<vmem>>
    %dma_wait3A_209 = arith.constant 0 : i32
    %dma_wait3A_210 = arith.constant 0 : i32
    %dma_wait3A_211 = tpu.memref_slice %arg2[%dma_wait3A_209, %dma_wait3A_210] : memref<10000x64xf32, #tpu.memory_space<hbm>> -> memref<10000x64xf32, #tpu.memory_space<hbm>>
    %dma_wait3A_212 = tpu.memref_slice %arg13[%dma_wait3A_201] : memref<4x!tpu.dma_semaphore, #tpu.memory_space<semaphore_mem>> -> memref<1x!tpu.dma_semaphore, #tpu.memory_space<semaphore_mem>>
    %dma_wait3A_213 = tpu.memref_squeeze %dma_wait3A_212 : memref<1x!tpu.dma_semaphore, #tpu.memory_space<semaphore_mem>> -> memref<!tpu.dma_semaphore, #tpu.memory_space<semaphore_mem>>
    tpu.wait_indirect_dma semaphore(%dma_wait3A_213 : memref<!tpu.dma_semaphore, #tpu.memory_space<semaphore_mem>>) src(%dma_wait3A_211 : memref<10000x64xf32, #tpu.memory_space<hbm>>) dst(%dma_wait3A_205 : memref<80x64xf32, #tpu.memory_space<vmem>>)
    %scan3A_214 = arith.constant 0 : i32
    %scan3A_215 = arith.constant 80 : i32
    %scan3A_216 = arith.addi %scan3A_214, %scan3A_215 : i32
    %scan3A_217 = arith.constant 1 : i32
    scf.for %scan3A_299 = %scan3A_214 to %scan3A_216 step %scan3A_217  : i32 {
      %mul3A_300 = arith.constant 1 : i32
      %mul3A_301 = arith.muli %scan3A_299, %mul3A_300 : i32
      %add3A_302 = arith.constant 0 : i32
      %add3A_303 = arith.addi %add3A_302, %mul3A_301 : i32
      %get3A = arith.constant 0 : i32
      %get3A_304 = arith.index_cast %get3A : i32 to index
      %get3A_305 = arith.index_cast %add3A_303 : i32 to index
      %get3A_306 = arith.constant 0 : index
      %get3A_307 = tpu.vector_load %arg10[%get3A_304, %get3A_305, %get3A_306] {strides = array<i32>} : memref<4x80x64xf32, #tpu.memory_space<vmem>>, vector<16xf32>,
      %get3A_308 = arith.constant 0 : i32
      %get3A_309 = arith.index_cast %get3A_308 : i32 to index
      %get3A_310 = arith.index_cast %add3A_303 : i32 to index
      %get3A_311 = arith.constant 0 : index
      %get3A_312 = tpu.vector_load %arg11[%get3A_309, %get3A_310, %get3A_311] {strides = array<i32>} : memref<4x80x64xf32, #tpu.memory_space<vmem>>, vector<16xf32>,
      %mul3A_313 = arith.mulf %get3A_307, %get3A_312 : vector<16xf32>
      %swap3A = arith.constant 0 : i32
      %swap3A_314 = arith.index_cast %swap3A : i32 to index
      %swap3A_315 = arith.index_cast %add3A_303 : i32 to index
      %swap3A_316 = arith.constant 0 : index
      %swap3A_317 = tpu.vector_load %arg10[%swap3A_314, %swap3A_315, %swap3A_316] {strides = array<i32>} : memref<4x80x64xf32, #tpu.memory_space<vmem>>, vector<16xf32>,
      tpu.vector_store %arg10[%swap3A_314, %swap3A_315, %swap3A_316], %mul3A_313 {strides = array<i32>} : memref<4x80x64xf32, #tpu.memory_space<vmem>>, vector<16xf32>,
      %get3A_318 = arith.constant 0 : i32
      %get3A_319 = arith.index_cast %get3A_318 : i32 to index
      %get3A_320 = arith.index_cast %add3A_303 : i32 to index
      %get3A_321 = arith.constant 16 : index
      %get3A_322 = tpu.vector_load %arg10[%get3A_319, %get3A_320, %get3A_321] {strides = array<i32>} : memref<4x80x64xf32, #tpu.memory_space<vmem>>, vector<16xf32>,
      %get3A_323 = arith.constant 0 : i32
      %get3A_324 = arith.index_cast %get3A_323 : i32 to index
      %get3A_325 = arith.index_cast %add3A_303 : i32 to index
      %get3A_326 = arith.constant 16 : index
      %get3A_327 = tpu.vector_load %arg11[%get3A_324, %get3A_325, %get3A_326] {strides = array<i32>} : memref<4x80x64xf32, #tpu.memory_space<vmem>>, vector<16xf32>,
      %mul3A_328 = arith.mulf %get3A_322, %get3A_327 : vector<16xf32>
      %swap3A_329 = arith.constant 0 : i32
      %swap3A_330 = arith.index_cast %swap3A_329 : i32 to index
      %swap3A_331 = arith.index_cast %add3A_303 : i32 to index
      %swap3A_332 = arith.constant 16 : index
      %swap3A_333 = tpu.vector_load %arg10[%swap3A_330, %swap3A_331, %swap3A_332] {strides = array<i32>} : memref<4x80x64xf32, #tpu.memory_space<vmem>>, vector<16xf32>,
      tpu.vector_store %arg10[%swap3A_330, %swap3A_331, %swap3A_332], %mul3A_328 {strides = array<i32>} : memref<4x80x64xf32, #tpu.memory_space<vmem>>, vector<16xf32>,
      %get3A_334 = arith.constant 0 : i32
      %get3A_335 = arith.index_cast %get3A_334 : i32 to index
      %get3A_336 = arith.index_cast %add3A_303 : i32 to index
      %get3A_337 = arith.constant 32 : index
      %get3A_338 = tpu.vector_load %arg10[%get3A_335, %get3A_336, %get3A_337] {strides = array<i32>} : memref<4x80x64xf32, #tpu.memory_space<vmem>>, vector<16xf32>,
      %get3A_339 = arith.constant 0 : i32
      %get3A_340 = arith.index_cast %get3A_339 : i32 to index
      %get3A_341 = arith.index_cast %add3A_303 : i32 to index
      %get3A_342 = arith.constant 32 : index
      %get3A_343 = tpu.vector_load %arg11[%get3A_340, %get3A_341, %get3A_342] {strides = array<i32>} : memref<4x80x64xf32, #tpu.memory_space<vmem>>, vector<16xf32>,
      %mul3A_344 = arith.mulf %get3A_338, %get3A_343 : vector<16xf32>
      %swap3A_345 = arith.constant 0 : i32
      %swap3A_346 = arith.index_cast %swap3A_345 : i32 to index
      %swap3A_347 = arith.index_cast %add3A_303 : i32 to index
      %swap3A_348 = arith.constant 32 : index
      %swap3A_349 = tpu.vector_load %arg10[%swap3A_346, %swap3A_347, %swap3A_348] {strides = array<i32>} : memref<4x80x64xf32, #tpu.memory_space<vmem>>, vector<16xf32>,
      tpu.vector_store %arg10[%swap3A_346, %swap3A_347, %swap3A_348], %mul3A_344 {strides = array<i32>} : memref<4x80x64xf32, #tpu.memory_space<vmem>>, vector<16xf32>,
      %get3A_350 = arith.constant 0 : i32
      %get3A_351 = arith.index_cast %get3A_350 : i32 to index
      %get3A_352 = arith.index_cast %add3A_303 : i32 to index
      %get3A_353 = arith.constant 48 : index
      %get3A_354 = tpu.vector_load %arg10[%get3A_351, %get3A_352, %get3A_353] {strides = array<i32>} : memref<4x80x64xf32, #tpu.memory_space<vmem>>, vector<16xf32>,
      %get3A_355 = arith.constant 0 : i32
      %get3A_356 = arith.index_cast %get3A_355 : i32 to index
      %get3A_357 = arith.index_cast %add3A_303 : i32 to index
      %get3A_358 = arith.constant 48 : index
      %get3A_359 = tpu.vector_load %arg11[%get3A_356, %get3A_357, %get3A_358] {strides = array<i32>} : memref<4x80x64xf32, #tpu.memory_space<vmem>>, vector<16xf32>,
      %mul3A_360 = arith.mulf %get3A_354, %get3A_359 : vector<16xf32>
      %swap3A_361 = arith.constant 0 : i32
      %swap3A_362 = arith.index_cast %swap3A_361 : i32 to index
      %swap3A_363 = arith.index_cast %add3A_303 : i32 to index
      %swap3A_364 = arith.constant 48 : index
      %swap3A_365 = tpu.vector_load %arg10[%swap3A_362, %swap3A_363, %swap3A_364] {strides = array<i32>} : memref<4x80x64xf32, #tpu.memory_space<vmem>>, vector<16xf32>,
      tpu.vector_store %arg10[%swap3A_362, %swap3A_363, %swap3A_364], %mul3A_360 {strides = array<i32>} : memref<4x80x64xf32, #tpu.memory_space<vmem>>, vector<16xf32>,
    }
    %scan3A_218 = arith.constant 80 : i32
    %dma_start3A_219 = arith.constant 0 : i32
    %dma_start3A_220 = arith.constant 124 : i32
    %dma_start3A_221 = arith.constant 0 : i32
    %dma_start3A_222 = arith.constant 0 : i32
    %dma_start3A_223 = arith.constant 0 : i32
    %dma_start3A_224 = tpu.memref_slice %arg10[%dma_start3A_219, %dma_start3A_222, %dma_start3A_223] : memref<4x80x64xf32, #tpu.memory_space<vmem>> -> memref<1x80x64xf32, #tpu.memory_space<vmem>>
    %dma_start3A_225 = tpu.memref_squeeze %dma_start3A_224 : memref<1x80x64xf32, #tpu.memory_space<vmem>> -> memref<80x64xf32, #tpu.memory_space<vmem>>
    %dma_start3A_226 = arith.constant 0 : i32
    %dma_start3A_227 = tpu.memref_slice %arg9[%dma_start3A_220, %dma_start3A_226] : memref<125x80xi32, #tpu.memory_space<vmem>> -> memref<1x80xi32, #tpu.memory_space<vmem>>
    %dma_start3A_228 = tpu.memref_squeeze %dma_start3A_227 : memref<1x80xi32, #tpu.memory_space<vmem>> -> memref<80xi32, #tpu.memory_space<vmem>>
    %dma_start3A_229 = arith.constant 0 : i32
    %dma_start3A_230 = arith.constant 0 : i32
    %dma_start3A_231 = tpu.memref_slice %arg7[%dma_start3A_229, %dma_start3A_230] : memref<10000x64xf32, #tpu.memory_space<vmem_shared>> -> memref<10000x64xf32, #tpu.memory_space<vmem_shared>>
    %dma_start3A_232 = tpu.memref_slice %arg15[%dma_start3A_221] : memref<4x!tpu.dma_semaphore, #tpu.memory_space<semaphore_mem>> -> memref<1x!tpu.dma_semaphore, #tpu.memory_space<semaphore_mem>>
    %dma_start3A_233 = tpu.memref_squeeze %dma_start3A_232 : memref<1x!tpu.dma_semaphore, #tpu.memory_space<semaphore_mem>> -> memref<!tpu.dma_semaphore, #tpu.memory_space<semaphore_mem>>
    tpu.enqueue_indirect_dma source(%dma_start3A_225 : memref<80x64xf32, #tpu.memory_space<vmem>>) target(%dma_start3A_231 : memref<10000x64xf32, #tpu.memory_space<vmem_shared>>) offsets(%dma_start3A_228 : memref<80xi32, #tpu.memory_space<vmem>>) semaphore(%dma_start3A_233 : memref<!tpu.dma_semaphore, #tpu.memory_space<semaphore_mem>>) {add = true}
    %dma_wait3A_234 = arith.constant 1 : i32
    %dma_wait3A_235 = arith.constant 121 : i32
    %dma_wait3A_236 = arith.constant 1 : i32
    %dma_wait3A_237 = arith.constant 0 : i32
    %dma_wait3A_238 = arith.constant 0 : i32
    %dma_wait3A_239 = tpu.memref_slice %arg10[%dma_wait3A_234, %dma_wait3A_237, %dma_wait3A_238] : memref<4x80x64xf32, #tpu.memory_space<vmem>> -> memref<1x80x64xf32, #tpu.memory_space<vmem>>
    %dma_wait3A_240 = tpu.memref_squeeze %dma_wait3A_239 : memref<1x80x64xf32, #tpu.memory_space<vmem>> -> memref<80x64xf32, #tpu.memory_space<vmem>>
    %dma_wait3A_241 = arith.constant 0 : i32
    %dma_wait3A_242 = tpu.memref_slice %arg9[%dma_wait3A_235, %dma_wait3A_241] : memref<125x80xi32, #tpu.memory_space<vmem>> -> memref<1x80xi32, #tpu.memory_space<vmem>>
    %dma_wait3A_243 = tpu.memref_squeeze %dma_wait3A_242 : memref<1x80xi32, #tpu.memory_space<vmem>> -> memref<80xi32, #tpu.memory_space<vmem>>
    %dma_wait3A_244 = arith.constant 0 : i32
    %dma_wait3A_245 = arith.constant 0 : i32
    %dma_wait3A_246 = tpu.memref_slice %arg7[%dma_wait3A_244, %dma_wait3A_245] : memref<10000x64xf32, #tpu.memory_space<vmem_shared>> -> memref<10000x64xf32, #tpu.memory_space<vmem_shared>>
    %dma_wait3A_247 = tpu.memref_slice %arg15[%dma_wait3A_236] : memref<4x!tpu.dma_semaphore, #tpu.memory_space<semaphore_mem>> -> memref<1x!tpu.dma_semaphore, #tpu.memory_space<semaphore_mem>>
    %dma_wait3A_248 = tpu.memref_squeeze %dma_wait3A_247 : memref<1x!tpu.dma_semaphore, #tpu.memory_space<semaphore_mem>> -> memref<!tpu.dma_semaphore, #tpu.memory_space<semaphore_mem>>
    tpu.wait_indirect_dma semaphore(%dma_wait3A_248 : memref<!tpu.dma_semaphore, #tpu.memory_space<semaphore_mem>>) src(%dma_wait3A_240 : memref<80x64xf32, #tpu.memory_space<vmem>>) dst(%dma_wait3A_246 : memref<10000x64xf32, #tpu.memory_space<vmem_shared>>)
    %dma_wait3A_249 = arith.constant 2 : i32
    %dma_wait3A_250 = arith.constant 122 : i32
    %dma_wait3A_251 = arith.constant 2 : i32
    %dma_wait3A_252 = arith.constant 0 : i32
    %dma_wait3A_253 = arith.constant 0 : i32
    %dma_wait3A_254 = tpu.memref_slice %arg10[%dma_wait3A_249, %dma_wait3A_252, %dma_wait3A_253] : memref<4x80x64xf32, #tpu.memory_space<vmem>> -> memref<1x80x64xf32, #tpu.memory_space<vmem>>
    %dma_wait3A_255 = tpu.memref_squeeze %dma_wait3A_254 : memref<1x80x64xf32, #tpu.memory_space<vmem>> -> memref<80x64xf32, #tpu.memory_space<vmem>>
    %dma_wait3A_256 = arith.constant 0 : i32
    %dma_wait3A_257 = tpu.memref_slice %arg9[%dma_wait3A_250, %dma_wait3A_256] : memref<125x80xi32, #tpu.memory_space<vmem>> -> memref<1x80xi32, #tpu.memory_space<vmem>>
    %dma_wait3A_258 = tpu.memref_squeeze %dma_wait3A_257 : memref<1x80xi32, #tpu.memory_space<vmem>> -> memref<80xi32, #tpu.memory_space<vmem>>
    %dma_wait3A_259 = arith.constant 0 : i32
    %dma_wait3A_260 = arith.constant 0 : i32
    %dma_wait3A_261 = tpu.memref_slice %arg7[%dma_wait3A_259, %dma_wait3A_260] : memref<10000x64xf32, #tpu.memory_space<vmem_shared>> -> memref<10000x64xf32, #tpu.memory_space<vmem_shared>>
    %dma_wait3A_262 = tpu.memref_slice %arg15[%dma_wait3A_251] : memref<4x!tpu.dma_semaphore, #tpu.memory_space<semaphore_mem>> -> memref<1x!tpu.dma_semaphore, #tpu.memory_space<semaphore_mem>>
    %dma_wait3A_263 = tpu.memref_squeeze %dma_wait3A_262 : memref<1x!tpu.dma_semaphore, #tpu.memory_space<semaphore_mem>> -> memref<!tpu.dma_semaphore, #tpu.memory_space<semaphore_mem>>
    tpu.wait_indirect_dma semaphore(%dma_wait3A_263 : memref<!tpu.dma_semaphore, #tpu.memory_space<semaphore_mem>>) src(%dma_wait3A_255 : memref<80x64xf32, #tpu.memory_space<vmem>>) dst(%dma_wait3A_261 : memref<10000x64xf32, #tpu.memory_space<vmem_shared>>)
    %dma_wait3A_264 = arith.constant 3 : i32
    %dma_wait3A_265 = arith.constant 123 : i32
    %dma_wait3A_266 = arith.constant 3 : i32
    %dma_wait3A_267 = arith.constant 0 : i32
    %dma_wait3A_268 = arith.constant 0 : i32
    %dma_wait3A_269 = tpu.memref_slice %arg10[%dma_wait3A_264, %dma_wait3A_267, %dma_wait3A_268] : memref<4x80x64xf32, #tpu.memory_space<vmem>> -> memref<1x80x64xf32, #tpu.memory_space<vmem>>
    %dma_wait3A_270 = tpu.memref_squeeze %dma_wait3A_269 : memref<1x80x64xf32, #tpu.memory_space<vmem>> -> memref<80x64xf32, #tpu.memory_space<vmem>>
    %dma_wait3A_271 = arith.constant 0 : i32
    %dma_wait3A_272 = tpu.memref_slice %arg9[%dma_wait3A_265, %dma_wait3A_271] : memref<125x80xi32, #tpu.memory_space<vmem>> -> memref<1x80xi32, #tpu.memory_space<vmem>>
    %dma_wait3A_273 = tpu.memref_squeeze %dma_wait3A_272 : memref<1x80xi32, #tpu.memory_space<vmem>> -> memref<80xi32, #tpu.memory_space<vmem>>
    %dma_wait3A_274 = arith.constant 0 : i32
    %dma_wait3A_275 = arith.constant 0 : i32
    %dma_wait3A_276 = tpu.memref_slice %arg7[%dma_wait3A_274, %dma_wait3A_275] : memref<10000x64xf32, #tpu.memory_space<vmem_shared>> -> memref<10000x64xf32, #tpu.memory_space<vmem_shared>>
    %dma_wait3A_277 = tpu.memref_slice %arg15[%dma_wait3A_266] : memref<4x!tpu.dma_semaphore, #tpu.memory_space<semaphore_mem>> -> memref<1x!tpu.dma_semaphore, #tpu.memory_space<semaphore_mem>>
    %dma_wait3A_278 = tpu.memref_squeeze %dma_wait3A_277 : memref<1x!tpu.dma_semaphore, #tpu.memory_space<semaphore_mem>> -> memref<!tpu.dma_semaphore, #tpu.memory_space<semaphore_mem>>
    tpu.wait_indirect_dma semaphore(%dma_wait3A_278 : memref<!tpu.dma_semaphore, #tpu.memory_space<semaphore_mem>>) src(%dma_wait3A_270 : memref<80x64xf32, #tpu.memory_space<vmem>>) dst(%dma_wait3A_276 : memref<10000x64xf32, #tpu.memory_space<vmem_shared>>)
    %dma_wait3A_279 = arith.constant 0 : i32
    %dma_wait3A_280 = arith.constant 124 : i32
    %dma_wait3A_281 = arith.constant 0 : i32
    %dma_wait3A_282 = arith.constant 0 : i32
    %dma_wait3A_283 = arith.constant 0 : i32
    %dma_wait3A_284 = tpu.memref_slice %arg10[%dma_wait3A_279, %dma_wait3A_282, %dma_wait3A_283] : memref<4x80x64xf32, #tpu.memory_space<vmem>> -> memref<1x80x64xf32, #tpu.memory_space<vmem>>
    %dma_wait3A_285 = tpu.memref_squeeze %dma_wait3A_284 : memref<1x80x64xf32, #tpu.memory_space<vmem>> -> memref<80x64xf32, #tpu.memory_space<vmem>>
    %dma_wait3A_286 = arith.constant 0 : i32
    %dma_wait3A_287 = tpu.memref_slice %arg9[%dma_wait3A_280, %dma_wait3A_286] : memref<125x80xi32, #tpu.memory_space<vmem>> -> memref<1x80xi32, #tpu.memory_space<vmem>>
    %dma_wait3A_288 = tpu.memref_squeeze %dma_wait3A_287 : memref<1x80xi32, #tpu.memory_space<vmem>> -> memref<80xi32, #tpu.memory_space<vmem>>
    %dma_wait3A_289 = arith.constant 0 : i32
    %dma_wait3A_290 = arith.constant 0 : i32
    %dma_wait3A_291 = tpu.memref_slice %arg7[%dma_wait3A_289, %dma_wait3A_290] : memref<10000x64xf32, #tpu.memory_space<vmem_shared>> -> memref<10000x64xf32, #tpu.memory_space<vmem_shared>>
    %dma_wait3A_292 = tpu.memref_slice %arg15[%dma_wait3A_281] : memref<4x!tpu.dma_semaphore, #tpu.memory_space<semaphore_mem>> -> memref<1x!tpu.dma_semaphore, #tpu.memory_space<semaphore_mem>>
    %dma_wait3A_293 = tpu.memref_squeeze %dma_wait3A_292 : memref<1x!tpu.dma_semaphore, #tpu.memory_space<semaphore_mem>> -> memref<!tpu.dma_semaphore, #tpu.memory_space<semaphore_mem>>
    tpu.wait_indirect_dma semaphore(%dma_wait3A_293 : memref<!tpu.dma_semaphore, #tpu.memory_space<semaphore_mem>>) src(%dma_wait3A_285 : memref<80x64xf32, #tpu.memory_space<vmem>>) dst(%dma_wait3A_291 : memref<10000x64xf32, #tpu.memory_space<vmem_shared>>)
    %barrier3A_294 = arith.constant 0 : index
    tpu.barrier barrier_id(%barrier3A_294)
    %mul3A_295 = arith.constant 625 : i32
    %mul3A_296 = arith.muli %arg1, %mul3A_295 : i32
    %mul3A_297 = arith.constant 625 : i32
    %mul3A_298 = arith.muli %arg1, %mul3A_297 : i32
    "tpu.region"() ({
      %run_scoped3A = tpu.sem_alloc : memref<!tpu.dma_semaphore, #tpu.memory_space<semaphore_mem>>
      %dma_start3A_299 = arith.constant 0 : i32
      %dma_start3A_300 = tpu.memref_slice %arg6[%arg0, %mul3A_298, %dma_start3A_299] : memref<2x10000x64xf32, #tpu.memory_space<hbm>> -> memref<1x625x64xf32, #tpu.memory_space<hbm>>
      %dma_start3A_301 = tpu.memref_squeeze %dma_start3A_300 : memref<1x625x64xf32, #tpu.memory_space<hbm>> -> memref<625x64xf32, #tpu.memory_space<hbm>>
      %dma_start3A_302 = arith.constant 0 : i32
      %dma_start3A_303 = tpu.memref_slice %arg7[%mul3A_296, %dma_start3A_302] : memref<10000x64xf32, #tpu.memory_space<vmem_shared>> -> memref<625x64xf32, #tpu.memory_space<vmem_shared>>
      tpu.enqueue_dma source(%dma_start3A_303 : memref<625x64xf32, #tpu.memory_space<vmem_shared>>) target(%dma_start3A_301 : memref<625x64xf32, #tpu.memory_space<hbm>>) target_semaphore(%run_scoped3A : memref<!tpu.dma_semaphore, #tpu.memory_space<semaphore_mem>>)
      %dma_wait3A_304 = arith.constant 0 : i32
      %dma_wait3A_305 = tpu.memref_slice %arg6[%arg0, %mul3A_298, %dma_wait3A_304] : memref<2x10000x64xf32, #tpu.memory_space<hbm>> -> memref<1x625x64xf32, #tpu.memory_space<hbm>>
      %dma_wait3A_306 = tpu.memref_squeeze %dma_wait3A_305 : memref<1x625x64xf32, #tpu.memory_space<hbm>> -> memref<625x64xf32, #tpu.memory_space<hbm>>
      %dma_wait3A_307 = arith.constant 0 : i32
      %dma_wait3A_308 = tpu.memref_slice %arg7[%mul3A_296, %dma_wait3A_307] : memref<10000x64xf32, #tpu.memory_space<vmem_shared>> -> memref<625x64xf32, #tpu.memory_space<vmem_shared>>
      tpu.wait_dma2 semaphore(%run_scoped3A : memref<!tpu.dma_semaphore, #tpu.memory_space<semaphore_mem>>) src(%dma_wait3A_308 : memref<625x64xf32, #tpu.memory_space<vmem_shared>>) dst(%dma_wait3A_306 : memref<625x64xf32, #tpu.memory_space<hbm>>)
      tpu.yield
    }) : () -> ()
    return
  }
}

#map = affine_map<(d0, d1) -> (0, 0)>
#map1 = affine_map<(d0, d1) -> (0, 0, 0)>
module attributes {stable_mosaic.version = 14 : i64} {
  func.func @_edge_body(%arg0: i32, %arg1: i32, %arg2: memref<10000x64xf32, #tpu.memory_space<hbm>>, %arg3: memref<320000x64xf32, #tpu.memory_space<hbm>>, %arg4: memref<32x125x80xi32, #tpu.memory_space<hbm>>, %arg5: memref<32x125x80xi32, #tpu.memory_space<hbm>>, %arg6: memref<2x10000x64xf32, #tpu.memory_space<hbm>>, %arg7: memref<10000x64xf32, #tpu.memory_space<vmem_shared>>, %arg8: memref<125x80xi32, #tpu.memory_space<vmem>>, %arg9: memref<125x80xi32, #tpu.memory_space<vmem>>, %arg10: memref<4x80x64xf32, #tpu.memory_space<vmem>>, %arg11: memref<4x80x64xf32, #tpu.memory_space<vmem>>, %arg12: memref<125x64xf32, #tpu.memory_space<vmem>>, %arg13: memref<4x!tpu.dma_semaphore, #tpu.memory_space<semaphore_mem>>, %arg14: memref<4x!tpu.dma_semaphore, #tpu.memory_space<semaphore_mem>>, %arg15: memref<4x!tpu.dma_semaphore, #tpu.memory_space<semaphore_mem>>) attributes {dimension_semantics = [#tpu.dimension_semantics<core_parallel>, #tpu.dimension_semantics<subcore_parallel>], iteration_bounds = array<i64: 2, 16>, scalar_prefetch = 0 : i64, scratch_operands = 9 : i64, tpu.core_type = #tpu.core_type<sc_vector_subcore>, window_params = [{transform_indices = #map}, {transform_indices = #map}, {transform_indices = #map1}, {transform_indices = #map1}, {transform_indices = #map1}]} {
    %mul3A = arith.constant 2 : i32
    %mul3A_0 = arith.muli %arg1, %mul3A : i32
    %add3A = arith.addi %mul3A_0, %arg0 : i32
    "tpu.region"() ({
      %run_scoped3A = tpu.sem_alloc : memref<!tpu.dma_semaphore, #tpu.memory_space<semaphore_mem>>
      %dma_start3A_299 = arith.constant 0 : i32
      %dma_start3A_300 = arith.constant 0 : i32
      %dma_start3A_301 = tpu.memref_slice %arg4[%add3A, %dma_start3A_299, %dma_start3A_300] : memref<32x125x80xi32, #tpu.memory_space<hbm>> -> memref<1x125x80xi32, #tpu.memory_space<hbm>>
      %dma_start3A_302 = tpu.memref_squeeze %dma_start3A_301 : memref<1x125x80xi32, #tpu.memory_space<hbm>> -> memref<125x80xi32, #tpu.memory_space<hbm>>
      %dma_start3A_303 = arith.constant 0 : i32
      %dma_start3A_304 = arith.constant 0 : i32
      %dma_start3A_305 = tpu.memref_slice %arg4[%add3A, %dma_start3A_303, %dma_start3A_304] : memref<32x125x80xi32, #tpu.memory_space<hbm>> -> memref<1x125x80xi32, #tpu.memory_space<hbm>>
      %dma_start3A_306 = tpu.memref_squeeze %dma_start3A_305 : memref<1x125x80xi32, #tpu.memory_space<hbm>> -> memref<125x80xi32, #tpu.memory_space<hbm>>
      tpu.enqueue_dma source(%dma_start3A_306 : memref<125x80xi32, #tpu.memory_space<hbm>>) target(%arg8 : memref<125x80xi32, #tpu.memory_space<vmem>>) target_semaphore(%run_scoped3A : memref<!tpu.dma_semaphore, #tpu.memory_space<semaphore_mem>>)
      %dma_wait3A_307 = arith.constant 0 : i32
      %dma_wait3A_308 = arith.constant 0 : i32
      %dma_wait3A_309 = tpu.memref_slice %arg4[%add3A, %dma_wait3A_307, %dma_wait3A_308] : memref<32x125x80xi32, #tpu.memory_space<hbm>> -> memref<1x125x80xi32, #tpu.memory_space<hbm>>
      %dma_wait3A_310 = tpu.memref_squeeze %dma_wait3A_309 : memref<1x125x80xi32, #tpu.memory_space<hbm>> -> memref<125x80xi32, #tpu.memory_space<hbm>>
      %dma_wait3A_311 = arith.constant 0 : i32
      %dma_wait3A_312 = arith.constant 0 : i32
      %dma_wait3A_313 = tpu.memref_slice %arg4[%add3A, %dma_wait3A_311, %dma_wait3A_312] : memref<32x125x80xi32, #tpu.memory_space<hbm>> -> memref<1x125x80xi32, #tpu.memory_space<hbm>>
      %dma_wait3A_314 = tpu.memref_squeeze %dma_wait3A_313 : memref<1x125x80xi32, #tpu.memory_space<hbm>> -> memref<125x80xi32, #tpu.memory_space<hbm>>
      tpu.wait_dma2 semaphore(%run_scoped3A : memref<!tpu.dma_semaphore, #tpu.memory_space<semaphore_mem>>) src(%dma_wait3A_314 : memref<125x80xi32, #tpu.memory_space<hbm>>) dst(%arg8 : memref<125x80xi32, #tpu.memory_space<vmem>>)
      tpu.yield
    }) : () -> ()
    "tpu.region"() ({
      %run_scoped3A = tpu.sem_alloc : memref<!tpu.dma_semaphore, #tpu.memory_space<semaphore_mem>>
      %dma_start3A_299 = arith.constant 0 : i32
      %dma_start3A_300 = arith.constant 0 : i32
      %dma_start3A_301 = tpu.memref_slice %arg5[%add3A, %dma_start3A_299, %dma_start3A_300] : memref<32x125x80xi32, #tpu.memory_space<hbm>> -> memref<1x125x80xi32, #tpu.memory_space<hbm>>
      %dma_start3A_302 = tpu.memref_squeeze %dma_start3A_301 : memref<1x125x80xi32, #tpu.memory_space<hbm>> -> memref<125x80xi32, #tpu.memory_space<hbm>>
      %dma_start3A_303 = arith.constant 0 : i32
      %dma_start3A_304 = arith.constant 0 : i32
      %dma_start3A_305 = tpu.memref_slice %arg5[%add3A, %dma_start3A_303, %dma_start3A_304] : memref<32x125x80xi32, #tpu.memory_space<hbm>> -> memref<1x125x80xi32, #tpu.memory_space<hbm>>
      %dma_start3A_306 = tpu.memref_squeeze %dma_start3A_305 : memref<1x125x80xi32, #tpu.memory_space<hbm>> -> memref<125x80xi32, #tpu.memory_space<hbm>>
      tpu.enqueue_dma source(%dma_start3A_306 : memref<125x80xi32, #tpu.memory_space<hbm>>) target(%arg9 : memref<125x80xi32, #tpu.memory_space<vmem>>) target_semaphore(%run_scoped3A : memref<!tpu.dma_semaphore, #tpu.memory_space<semaphore_mem>>)
      %dma_wait3A_307 = arith.constant 0 : i32
      %dma_wait3A_308 = arith.constant 0 : i32
      %dma_wait3A_309 = tpu.memref_slice %arg5[%add3A, %dma_wait3A_307, %dma_wait3A_308] : memref<32x125x80xi32, #tpu.memory_space<hbm>> -> memref<1x125x80xi32, #tpu.memory_space<hbm>>
      %dma_wait3A_310 = tpu.memref_squeeze %dma_wait3A_309 : memref<1x125x80xi32, #tpu.memory_space<hbm>> -> memref<125x80xi32, #tpu.memory_space<hbm>>
      %dma_wait3A_311 = arith.constant 0 : i32
      %dma_wait3A_312 = arith.constant 0 : i32
      %dma_wait3A_313 = tpu.memref_slice %arg5[%add3A, %dma_wait3A_311, %dma_wait3A_312] : memref<32x125x80xi32, #tpu.memory_space<hbm>> -> memref<1x125x80xi32, #tpu.memory_space<hbm>>
      %dma_wait3A_314 = tpu.memref_squeeze %dma_wait3A_313 : memref<1x125x80xi32, #tpu.memory_space<hbm>> -> memref<125x80xi32, #tpu.memory_space<hbm>>
      tpu.wait_dma2 semaphore(%run_scoped3A : memref<!tpu.dma_semaphore, #tpu.memory_space<semaphore_mem>>) src(%dma_wait3A_314 : memref<125x80xi32, #tpu.memory_space<hbm>>) dst(%arg9 : memref<125x80xi32, #tpu.memory_space<vmem>>)
      tpu.yield
    }) : () -> ()
    %broadcast_in_dim3A = arith.constant 0.000000e+00 : f32
    %broadcast_in_dim3A_1 = vector.broadcast %broadcast_in_dim3A : f32 to vector<16xf32>
    %scan3A = arith.constant 0 : i32
    %scan3A_2 = arith.constant 125 : i32
    %scan3A_3 = arith.addi %scan3A, %scan3A_2 : i32
    %scan3A_4 = arith.constant 1 : i32
    scf.for %scan3A_299 = %scan3A to %scan3A_3 step %scan3A_4  : i32 {
      %mul3A_300 = arith.constant 1 : i32
      %mul3A_301 = arith.muli %scan3A_299, %mul3A_300 : i32
      %add3A_302 = arith.constant 0 : i32
      %add3A_303 = arith.addi %add3A_302, %mul3A_301 : i32
      %swap3A = arith.index_cast %add3A_303 : i32 to index
      %swap3A_304 = arith.constant 0 : index
      %swap3A_305 = tpu.vector_load %arg12[%swap3A, %swap3A_304] {strides = array<i32>} : memref<125x64xf32, #tpu.memory_space<vmem>>, vector<16xf32>,
      tpu.vector_store %arg12[%swap3A, %swap3A_304], %broadcast_in_dim3A_1 {strides = array<i32>} : memref<125x64xf32, #tpu.memory_space<vmem>>, vector<16xf32>,
      %swap3A_306 = arith.index_cast %add3A_303 : i32 to index
      %swap3A_307 = arith.constant 16 : index
      %swap3A_308 = tpu.vector_load %arg12[%swap3A_306, %swap3A_307] {strides = array<i32>} : memref<125x64xf32, #tpu.memory_space<vmem>>, vector<16xf32>,
      tpu.vector_store %arg12[%swap3A_306, %swap3A_307], %broadcast_in_dim3A_1 {strides = array<i32>} : memref<125x64xf32, #tpu.memory_space<vmem>>, vector<16xf32>,
      %swap3A_309 = arith.index_cast %add3A_303 : i32 to index
      %swap3A_310 = arith.constant 32 : index
      %swap3A_311 = tpu.vector_load %arg12[%swap3A_309, %swap3A_310] {strides = array<i32>} : memref<125x64xf32, #tpu.memory_space<vmem>>, vector<16xf32>,
      tpu.vector_store %arg12[%swap3A_309, %swap3A_310], %broadcast_in_dim3A_1 {strides = array<i32>} : memref<125x64xf32, #tpu.memory_space<vmem>>, vector<16xf32>,
      %swap3A_312 = arith.index_cast %add3A_303 : i32 to index
      %swap3A_313 = arith.constant 48 : index
      %swap3A_314 = tpu.vector_load %arg12[%swap3A_312, %swap3A_313] {strides = array<i32>} : memref<125x64xf32, #tpu.memory_space<vmem>>, vector<16xf32>,
      tpu.vector_store %arg12[%swap3A_312, %swap3A_313], %broadcast_in_dim3A_1 {strides = array<i32>} : memref<125x64xf32, #tpu.memory_space<vmem>>, vector<16xf32>,
    }
    %scan3A_5 = arith.constant 125 : i32
    %mul3A_6 = arith.constant 625 : i32
    %mul3A_7 = arith.muli %arg1, %mul3A_6 : i32
    %add3A_8 = arith.constant 0 : i32
    %add3A_9 = arith.addi %mul3A_7, %add3A_8 : i32
    "tpu.region"() ({
      %run_scoped3A = tpu.sem_alloc : memref<!tpu.dma_semaphore, #tpu.memory_space<semaphore_mem>>
      %dma_start3A_299 = arith.constant 0 : i32
      %dma_start3A_300 = tpu.memref_slice %arg7[%add3A_9, %dma_start3A_299] : memref<10000x64xf32, #tpu.memory_space<vmem_shared>> -> memref<125x64xf32, #tpu.memory_space<vmem_shared>>
      %dma_start3A_301 = arith.constant 0 : i32
      %dma_start3A_302 = tpu.memref_slice %arg7[%add3A_9, %dma_start3A_301] : memref<10000x64xf32, #tpu.memory_space<vmem_shared>> -> memref<125x64xf32, #tpu.memory_space<vmem_shared>>
      tpu.enqueue_dma source(%arg12 : memref<125x64xf32, #tpu.memory_space<vmem>>) target(%dma_start3A_302 : memref<125x64xf32, #tpu.memory_space<vmem_shared>>) target_semaphore(%run_scoped3A : memref<!tpu.dma_semaphore, #tpu.memory_space<semaphore_mem>>)
      %dma_wait3A_303 = arith.constant 0 : i32
      %dma_wait3A_304 = tpu.memref_slice %arg7[%add3A_9, %dma_wait3A_303] : memref<10000x64xf32, #tpu.memory_space<vmem_shared>> -> memref<125x64xf32, #tpu.memory_space<vmem_shared>>
      %dma_wait3A_305 = arith.constant 0 : i32
      %dma_wait3A_306 = tpu.memref_slice %arg7[%add3A_9, %dma_wait3A_305] : memref<10000x64xf32, #tpu.memory_space<vmem_shared>> -> memref<125x64xf32, #tpu.memory_space<vmem_shared>>
      tpu.wait_dma2 semaphore(%run_scoped3A : memref<!tpu.dma_semaphore, #tpu.memory_space<semaphore_mem>>) src(%arg12 : memref<125x64xf32, #tpu.memory_space<vmem>>) dst(%dma_wait3A_306 : memref<125x64xf32, #tpu.memory_space<vmem_shared>>)
      tpu.yield
    }) : () -> ()
    %mul3A_10 = arith.constant 625 : i32
    %mul3A_11 = arith.muli %arg1, %mul3A_10 : i32
    %add3A_12 = arith.constant 125 : i32
    %add3A_13 = arith.addi %mul3A_11, %add3A_12 : i32
    "tpu.region"() ({
      %run_scoped3A = tpu.sem_alloc : memref<!tpu.dma_semaphore, #tpu.memory_space<semaphore_mem>>
      %dma_start3A_299 = arith.constant 0 : i32
      %dma_start3A_300 = tpu.memref_slice %arg7[%add3A_13, %dma_start3A_299] : memref<10000x64xf32, #tpu.memory_space<vmem_shared>> -> memref<125x64xf32, #tpu.memory_space<vmem_shared>>
      %dma_start3A_301 = arith.constant 0 : i32
      %dma_start3A_302 = tpu.memref_slice %arg7[%add3A_13, %dma_start3A_301] : memref<10000x64xf32, #tpu.memory_space<vmem_shared>> -> memref<125x64xf32, #tpu.memory_space<vmem_shared>>
      tpu.enqueue_dma source(%arg12 : memref<125x64xf32, #tpu.memory_space<vmem>>) target(%dma_start3A_302 : memref<125x64xf32, #tpu.memory_space<vmem_shared>>) target_semaphore(%run_scoped3A : memref<!tpu.dma_semaphore, #tpu.memory_space<semaphore_mem>>)
      %dma_wait3A_303 = arith.constant 0 : i32
      %dma_wait3A_304 = tpu.memref_slice %arg7[%add3A_13, %dma_wait3A_303] : memref<10000x64xf32, #tpu.memory_space<vmem_shared>> -> memref<125x64xf32, #tpu.memory_space<vmem_shared>>
      %dma_wait3A_305 = arith.constant 0 : i32
      %dma_wait3A_306 = tpu.memref_slice %arg7[%add3A_13, %dma_wait3A_305] : memref<10000x64xf32, #tpu.memory_space<vmem_shared>> -> memref<125x64xf32, #tpu.memory_space<vmem_shared>>
      tpu.wait_dma2 semaphore(%run_scoped3A : memref<!tpu.dma_semaphore, #tpu.memory_space<semaphore_mem>>) src(%arg12 : memref<125x64xf32, #tpu.memory_space<vmem>>) dst(%dma_wait3A_306 : memref<125x64xf32, #tpu.memory_space<vmem_shared>>)
      tpu.yield
    }) : () -> ()
    %mul3A_14 = arith.constant 625 : i32
    %mul3A_15 = arith.muli %arg1, %mul3A_14 : i32
    %add3A_16 = arith.constant 250 : i32
    %add3A_17 = arith.addi %mul3A_15, %add3A_16 : i32
    "tpu.region"() ({
      %run_scoped3A = tpu.sem_alloc : memref<!tpu.dma_semaphore, #tpu.memory_space<semaphore_mem>>
      %dma_start3A_299 = arith.constant 0 : i32
      %dma_start3A_300 = tpu.memref_slice %arg7[%add3A_17, %dma_start3A_299] : memref<10000x64xf32, #tpu.memory_space<vmem_shared>> -> memref<125x64xf32, #tpu.memory_space<vmem_shared>>
      %dma_start3A_301 = arith.constant 0 : i32
      %dma_start3A_302 = tpu.memref_slice %arg7[%add3A_17, %dma_start3A_301] : memref<10000x64xf32, #tpu.memory_space<vmem_shared>> -> memref<125x64xf32, #tpu.memory_space<vmem_shared>>
      tpu.enqueue_dma source(%arg12 : memref<125x64xf32, #tpu.memory_space<vmem>>) target(%dma_start3A_302 : memref<125x64xf32, #tpu.memory_space<vmem_shared>>) target_semaphore(%run_scoped3A : memref<!tpu.dma_semaphore, #tpu.memory_space<semaphore_mem>>)
      %dma_wait3A_303 = arith.constant 0 : i32
      %dma_wait3A_304 = tpu.memref_slice %arg7[%add3A_17, %dma_wait3A_303] : memref<10000x64xf32, #tpu.memory_space<vmem_shared>> -> memref<125x64xf32, #tpu.memory_space<vmem_shared>>
      %dma_wait3A_305 = arith.constant 0 : i32
      %dma_wait3A_306 = tpu.memref_slice %arg7[%add3A_17, %dma_wait3A_305] : memref<10000x64xf32, #tpu.memory_space<vmem_shared>> -> memref<125x64xf32, #tpu.memory_space<vmem_shared>>
      tpu.wait_dma2 semaphore(%run_scoped3A : memref<!tpu.dma_semaphore, #tpu.memory_space<semaphore_mem>>) src(%arg12 : memref<125x64xf32, #tpu.memory_space<vmem>>) dst(%dma_wait3A_306 : memref<125x64xf32, #tpu.memory_space<vmem_shared>>)
      tpu.yield
    }) : () -> ()
    %mul3A_18 = arith.constant 625 : i32
    %mul3A_19 = arith.muli %arg1, %mul3A_18 : i32
    %add3A_20 = arith.constant 375 : i32
    %add3A_21 = arith.addi %mul3A_19, %add3A_20 : i32
    "tpu.region"() ({
      %run_scoped3A = tpu.sem_alloc : memref<!tpu.dma_semaphore, #tpu.memory_space<semaphore_mem>>
      %dma_start3A_299 = arith.constant 0 : i32
      %dma_start3A_300 = tpu.memref_slice %arg7[%add3A_21, %dma_start3A_299] : memref<10000x64xf32, #tpu.memory_space<vmem_shared>> -> memref<125x64xf32, #tpu.memory_space<vmem_shared>>
      %dma_start3A_301 = arith.constant 0 : i32
      %dma_start3A_302 = tpu.memref_slice %arg7[%add3A_21, %dma_start3A_301] : memref<10000x64xf32, #tpu.memory_space<vmem_shared>> -> memref<125x64xf32, #tpu.memory_space<vmem_shared>>
      tpu.enqueue_dma source(%arg12 : memref<125x64xf32, #tpu.memory_space<vmem>>) target(%dma_start3A_302 : memref<125x64xf32, #tpu.memory_space<vmem_shared>>) target_semaphore(%run_scoped3A : memref<!tpu.dma_semaphore, #tpu.memory_space<semaphore_mem>>)
      %dma_wait3A_303 = arith.constant 0 : i32
      %dma_wait3A_304 = tpu.memref_slice %arg7[%add3A_21, %dma_wait3A_303] : memref<10000x64xf32, #tpu.memory_space<vmem_shared>> -> memref<125x64xf32, #tpu.memory_space<vmem_shared>>
      %dma_wait3A_305 = arith.constant 0 : i32
      %dma_wait3A_306 = tpu.memref_slice %arg7[%add3A_21, %dma_wait3A_305] : memref<10000x64xf32, #tpu.memory_space<vmem_shared>> -> memref<125x64xf32, #tpu.memory_space<vmem_shared>>
      tpu.wait_dma2 semaphore(%run_scoped3A : memref<!tpu.dma_semaphore, #tpu.memory_space<semaphore_mem>>) src(%arg12 : memref<125x64xf32, #tpu.memory_space<vmem>>) dst(%dma_wait3A_306 : memref<125x64xf32, #tpu.memory_space<vmem_shared>>)
      tpu.yield
    }) : () -> ()
    %mul3A_22 = arith.constant 625 : i32
    %mul3A_23 = arith.muli %arg1, %mul3A_22 : i32
    %add3A_24 = arith.constant 500 : i32
    %add3A_25 = arith.addi %mul3A_23, %add3A_24 : i32
    "tpu.region"() ({
      %run_scoped3A = tpu.sem_alloc : memref<!tpu.dma_semaphore, #tpu.memory_space<semaphore_mem>>
      %dma_start3A_299 = arith.constant 0 : i32
      %dma_start3A_300 = tpu.memref_slice %arg7[%add3A_25, %dma_start3A_299] : memref<10000x64xf32, #tpu.memory_space<vmem_shared>> -> memref<125x64xf32, #tpu.memory_space<vmem_shared>>
      %dma_start3A_301 = arith.constant 0 : i32
      %dma_start3A_302 = tpu.memref_slice %arg7[%add3A_25, %dma_start3A_301] : memref<10000x64xf32, #tpu.memory_space<vmem_shared>> -> memref<125x64xf32, #tpu.memory_space<vmem_shared>>
      tpu.enqueue_dma source(%arg12 : memref<125x64xf32, #tpu.memory_space<vmem>>) target(%dma_start3A_302 : memref<125x64xf32, #tpu.memory_space<vmem_shared>>) target_semaphore(%run_scoped3A : memref<!tpu.dma_semaphore, #tpu.memory_space<semaphore_mem>>)
      %dma_wait3A_303 = arith.constant 0 : i32
      %dma_wait3A_304 = tpu.memref_slice %arg7[%add3A_25, %dma_wait3A_303] : memref<10000x64xf32, #tpu.memory_space<vmem_shared>> -> memref<125x64xf32, #tpu.memory_space<vmem_shared>>
      %dma_wait3A_305 = arith.constant 0 : i32
      %dma_wait3A_306 = tpu.memref_slice %arg7[%add3A_25, %dma_wait3A_305] : memref<10000x64xf32, #tpu.memory_space<vmem_shared>> -> memref<125x64xf32, #tpu.memory_space<vmem_shared>>
      tpu.wait_dma2 semaphore(%run_scoped3A : memref<!tpu.dma_semaphore, #tpu.memory_space<semaphore_mem>>) src(%arg12 : memref<125x64xf32, #tpu.memory_space<vmem>>) dst(%dma_wait3A_306 : memref<125x64xf32, #tpu.memory_space<vmem_shared>>)
      tpu.yield
    }) : () -> ()
    %barrier3A = arith.constant 0 : index
    tpu.barrier barrier_id(%barrier3A)
    %mul3A_26 = arith.constant 125 : i32
    %mul3A_27 = arith.muli %add3A, %mul3A_26 : i32
    %add3A_28 = arith.constant 0 : i32
    %add3A_29 = arith.addi %mul3A_27, %add3A_28 : i32
    %mul3A_30 = arith.constant 80 : i32
    %mul3A_31 = arith.muli %add3A_29, %mul3A_30 : i32
    %dma_start3A = arith.constant 0 : i32
    %dma_start3A_32 = arith.constant 0 : i32
    %dma_start3A_33 = arith.constant 0 : i32
    %dma_start3A_34 = arith.constant 0 : i32
    %dma_start3A_35 = tpu.memref_slice %arg11[%dma_start3A, %dma_start3A_33, %dma_start3A_34] : memref<4x80x64xf32, #tpu.memory_space<vmem>> -> memref<1x80x64xf32, #tpu.memory_space<vmem>>
    %dma_start3A_36 = tpu.memref_squeeze %dma_start3A_35 : memref<1x80x64xf32, #tpu.memory_space<vmem>> -> memref<80x64xf32, #tpu.memory_space<vmem>>
    %dma_start3A_37 = arith.constant 0 : i32
    %dma_start3A_38 = tpu.memref_slice %arg3[%mul3A_31, %dma_start3A_37] : memref<320000x64xf32, #tpu.memory_space<hbm>> -> memref<80x64xf32, #tpu.memory_space<hbm>>
    %dma_start3A_39 = tpu.memref_slice %arg14[%dma_start3A_32] : memref<4x!tpu.dma_semaphore, #tpu.memory_space<semaphore_mem>> -> memref<1x!tpu.dma_semaphore, #tpu.memory_space<semaphore_mem>>
    %dma_start3A_40 = tpu.memref_squeeze %dma_start3A_39 : memref<1x!tpu.dma_semaphore, #tpu.memory_space<semaphore_mem>> -> memref<!tpu.dma_semaphore, #tpu.memory_space<semaphore_mem>>
    %dma_start3A_41 = arith.constant 0 : i32
    %dma_start3A_42 = arith.constant 0 : i32
    %dma_start3A_43 = tpu.memref_slice %arg11[%dma_start3A, %dma_start3A_41, %dma_start3A_42] : memref<4x80x64xf32, #tpu.memory_space<vmem>> -> memref<1x80x64xf32, #tpu.memory_space<vmem>>
    %dma_start3A_44 = tpu.memref_squeeze %dma_start3A_43 : memref<1x80x64xf32, #tpu.memory_space<vmem>> -> memref<80x64xf32, #tpu.memory_space<vmem>>
    %dma_start3A_45 = arith.constant 0 : i32
    %dma_start3A_46 = tpu.memref_slice %arg3[%mul3A_31, %dma_start3A_45] : memref<320000x64xf32, #tpu.memory_space<hbm>> -> memref<80x64xf32, #tpu.memory_space<hbm>>
    tpu.enqueue_dma source(%dma_start3A_46 : memref<80x64xf32, #tpu.memory_space<hbm>>) target(%dma_start3A_44 : memref<80x64xf32, #tpu.memory_space<vmem>>) target_semaphore(%dma_start3A_40 : memref<!tpu.dma_semaphore, #tpu.memory_space<semaphore_mem>>)
    %dma_start3A_47 = arith.constant 0 : i32
    %dma_start3A_48 = arith.constant 0 : i32
    %dma_start3A_49 = arith.constant 0 : i32
    %dma_start3A_50 = arith.constant 0 : i32
    %dma_start3A_51 = arith.constant 0 : i32
    %dma_start3A_52 = tpu.memref_slice %arg10[%dma_start3A_48, %dma_start3A_50, %dma_start3A_51] : memref<4x80x64xf32, #tpu.memory_space<vmem>> -> memref<1x80x64xf32, #tpu.memory_space<vmem>>
    %dma_start3A_53 = tpu.memref_squeeze %dma_start3A_52 : memref<1x80x64xf32, #tpu.memory_space<vmem>> -> memref<80x64xf32, #tpu.memory_space<vmem>>
    %dma_start3A_54 = arith.constant 0 : i32
    %dma_start3A_55 = tpu.memref_slice %arg8[%dma_start3A_47, %dma_start3A_54] : memref<125x80xi32, #tpu.memory_space<vmem>> -> memref<1x80xi32, #tpu.memory_space<vmem>>
    %dma_start3A_56 = tpu.memref_squeeze %dma_start3A_55 : memref<1x80xi32, #tpu.memory_space<vmem>> -> memref<80xi32, #tpu.memory_space<vmem>>
    %dma_start3A_57 = arith.constant 0 : i32
    %dma_start3A_58 = arith.constant 0 : i32
    %dma_start3A_59 = tpu.memref_slice %arg2[%dma_start3A_57, %dma_start3A_58] : memref<10000x64xf32, #tpu.memory_space<hbm>> -> memref<10000x64xf32, #tpu.memory_space<hbm>>
    %dma_start3A_60 = tpu.memref_slice %arg13[%dma_start3A_49] : memref<4x!tpu.dma_semaphore, #tpu.memory_space<semaphore_mem>> -> memref<1x!tpu.dma_semaphore, #tpu.memory_space<semaphore_mem>>
    %dma_start3A_61 = tpu.memref_squeeze %dma_start3A_60 : memref<1x!tpu.dma_semaphore, #tpu.memory_space<semaphore_mem>> -> memref<!tpu.dma_semaphore, #tpu.memory_space<semaphore_mem>>
    tpu.enqueue_indirect_dma source(%dma_start3A_59 : memref<10000x64xf32, #tpu.memory_space<hbm>>) target(%dma_start3A_53 : memref<80x64xf32, #tpu.memory_space<vmem>>) offsets(%dma_start3A_56 : memref<80xi32, #tpu.memory_space<vmem>>) semaphore(%dma_start3A_61 : memref<!tpu.dma_semaphore, #tpu.memory_space<semaphore_mem>>)
    %mul3A_62 = arith.constant 125 : i32
    %mul3A_63 = arith.muli %add3A, %mul3A_62 : i32
    %add3A_64 = arith.constant 1 : i32
    %add3A_65 = arith.addi %mul3A_63, %add3A_64 : i32
    %mul3A_66 = arith.constant 80 : i32
    %mul3A_67 = arith.muli %add3A_65, %mul3A_66 : i32
    %dma_start3A_68 = arith.constant 1 : i32
    %dma_start3A_69 = arith.constant 1 : i32
    %dma_start3A_70 = arith.constant 0 : i32
    %dma_start3A_71 = arith.constant 0 : i32
    %dma_start3A_72 = tpu.memref_slice %arg11[%dma_start3A_68, %dma_start3A_70, %dma_start3A_71] : memref<4x80x64xf32, #tpu.memory_space<vmem>> -> memref<1x80x64xf32, #tpu.memory_space<vmem>>
    %dma_start3A_73 = tpu.memref_squeeze %dma_start3A_72 : memref<1x80x64xf32, #tpu.memory_space<vmem>> -> memref<80x64xf32, #tpu.memory_space<vmem>>
    %dma_start3A_74 = arith.constant 0 : i32
    %dma_start3A_75 = tpu.memref_slice %arg3[%mul3A_67, %dma_start3A_74] : memref<320000x64xf32, #tpu.memory_space<hbm>> -> memref<80x64xf32, #tpu.memory_space<hbm>>
    %dma_start3A_76 = tpu.memref_slice %arg14[%dma_start3A_69] : memref<4x!tpu.dma_semaphore, #tpu.memory_space<semaphore_mem>> -> memref<1x!tpu.dma_semaphore, #tpu.memory_space<semaphore_mem>>
    %dma_start3A_77 = tpu.memref_squeeze %dma_start3A_76 : memref<1x!tpu.dma_semaphore, #tpu.memory_space<semaphore_mem>> -> memref<!tpu.dma_semaphore, #tpu.memory_space<semaphore_mem>>
    %dma_start3A_78 = arith.constant 0 : i32
    %dma_start3A_79 = arith.constant 0 : i32
    %dma_start3A_80 = tpu.memref_slice %arg11[%dma_start3A_68, %dma_start3A_78, %dma_start3A_79] : memref<4x80x64xf32, #tpu.memory_space<vmem>> -> memref<1x80x64xf32, #tpu.memory_space<vmem>>
    %dma_start3A_81 = tpu.memref_squeeze %dma_start3A_80 : memref<1x80x64xf32, #tpu.memory_space<vmem>> -> memref<80x64xf32, #tpu.memory_space<vmem>>
    %dma_start3A_82 = arith.constant 0 : i32
    %dma_start3A_83 = tpu.memref_slice %arg3[%mul3A_67, %dma_start3A_82] : memref<320000x64xf32, #tpu.memory_space<hbm>> -> memref<80x64xf32, #tpu.memory_space<hbm>>
    tpu.enqueue_dma source(%dma_start3A_83 : memref<80x64xf32, #tpu.memory_space<hbm>>) target(%dma_start3A_81 : memref<80x64xf32, #tpu.memory_space<vmem>>) target_semaphore(%dma_start3A_77 : memref<!tpu.dma_semaphore, #tpu.memory_space<semaphore_mem>>)
    %dma_start3A_84 = arith.constant 1 : i32
    %dma_start3A_85 = arith.constant 1 : i32
    %dma_start3A_86 = arith.constant 1 : i32
    %dma_start3A_87 = arith.constant 0 : i32
    %dma_start3A_88 = arith.constant 0 : i32
    %dma_start3A_89 = tpu.memref_slice %arg10[%dma_start3A_85, %dma_start3A_87, %dma_start3A_88] : memref<4x80x64xf32, #tpu.memory_space<vmem>> -> memref<1x80x64xf32, #tpu.memory_space<vmem>>
    %dma_start3A_90 = tpu.memref_squeeze %dma_start3A_89 : memref<1x80x64xf32, #tpu.memory_space<vmem>> -> memref<80x64xf32, #tpu.memory_space<vmem>>
    %dma_start3A_91 = arith.constant 0 : i32
    %dma_start3A_92 = tpu.memref_slice %arg8[%dma_start3A_84, %dma_start3A_91] : memref<125x80xi32, #tpu.memory_space<vmem>> -> memref<1x80xi32, #tpu.memory_space<vmem>>
    %dma_start3A_93 = tpu.memref_squeeze %dma_start3A_92 : memref<1x80xi32, #tpu.memory_space<vmem>> -> memref<80xi32, #tpu.memory_space<vmem>>
    %dma_start3A_94 = arith.constant 0 : i32
    %dma_start3A_95 = arith.constant 0 : i32
    %dma_start3A_96 = tpu.memref_slice %arg2[%dma_start3A_94, %dma_start3A_95] : memref<10000x64xf32, #tpu.memory_space<hbm>> -> memref<10000x64xf32, #tpu.memory_space<hbm>>
    %dma_start3A_97 = tpu.memref_slice %arg13[%dma_start3A_86] : memref<4x!tpu.dma_semaphore, #tpu.memory_space<semaphore_mem>> -> memref<1x!tpu.dma_semaphore, #tpu.memory_space<semaphore_mem>>
    %dma_start3A_98 = tpu.memref_squeeze %dma_start3A_97 : memref<1x!tpu.dma_semaphore, #tpu.memory_space<semaphore_mem>> -> memref<!tpu.dma_semaphore, #tpu.memory_space<semaphore_mem>>
    tpu.enqueue_indirect_dma source(%dma_start3A_96 : memref<10000x64xf32, #tpu.memory_space<hbm>>) target(%dma_start3A_90 : memref<80x64xf32, #tpu.memory_space<vmem>>) offsets(%dma_start3A_93 : memref<80xi32, #tpu.memory_space<vmem>>) semaphore(%dma_start3A_98 : memref<!tpu.dma_semaphore, #tpu.memory_space<semaphore_mem>>)
    %mul3A_99 = arith.constant 125 : i32
    %mul3A_100 = arith.muli %add3A, %mul3A_99 : i32
    %add3A_101 = arith.constant 2 : i32
    %add3A_102 = arith.addi %mul3A_100, %add3A_101 : i32
    %mul3A_103 = arith.constant 80 : i32
    %mul3A_104 = arith.muli %add3A_102, %mul3A_103 : i32
    %dma_start3A_105 = arith.constant 2 : i32
    %dma_start3A_106 = arith.constant 2 : i32
    %dma_start3A_107 = arith.constant 0 : i32
    %dma_start3A_108 = arith.constant 0 : i32
    %dma_start3A_109 = tpu.memref_slice %arg11[%dma_start3A_105, %dma_start3A_107, %dma_start3A_108] : memref<4x80x64xf32, #tpu.memory_space<vmem>> -> memref<1x80x64xf32, #tpu.memory_space<vmem>>
    %dma_start3A_110 = tpu.memref_squeeze %dma_start3A_109 : memref<1x80x64xf32, #tpu.memory_space<vmem>> -> memref<80x64xf32, #tpu.memory_space<vmem>>
    %dma_start3A_111 = arith.constant 0 : i32
    %dma_start3A_112 = tpu.memref_slice %arg3[%mul3A_104, %dma_start3A_111] : memref<320000x64xf32, #tpu.memory_space<hbm>> -> memref<80x64xf32, #tpu.memory_space<hbm>>
    %dma_start3A_113 = tpu.memref_slice %arg14[%dma_start3A_106] : memref<4x!tpu.dma_semaphore, #tpu.memory_space<semaphore_mem>> -> memref<1x!tpu.dma_semaphore, #tpu.memory_space<semaphore_mem>>
    %dma_start3A_114 = tpu.memref_squeeze %dma_start3A_113 : memref<1x!tpu.dma_semaphore, #tpu.memory_space<semaphore_mem>> -> memref<!tpu.dma_semaphore, #tpu.memory_space<semaphore_mem>>
    %dma_start3A_115 = arith.constant 0 : i32
    %dma_start3A_116 = arith.constant 0 : i32
    %dma_start3A_117 = tpu.memref_slice %arg11[%dma_start3A_105, %dma_start3A_115, %dma_start3A_116] : memref<4x80x64xf32, #tpu.memory_space<vmem>> -> memref<1x80x64xf32, #tpu.memory_space<vmem>>
    %dma_start3A_118 = tpu.memref_squeeze %dma_start3A_117 : memref<1x80x64xf32, #tpu.memory_space<vmem>> -> memref<80x64xf32, #tpu.memory_space<vmem>>
    %dma_start3A_119 = arith.constant 0 : i32
    %dma_start3A_120 = tpu.memref_slice %arg3[%mul3A_104, %dma_start3A_119] : memref<320000x64xf32, #tpu.memory_space<hbm>> -> memref<80x64xf32, #tpu.memory_space<hbm>>
    tpu.enqueue_dma source(%dma_start3A_120 : memref<80x64xf32, #tpu.memory_space<hbm>>) target(%dma_start3A_118 : memref<80x64xf32, #tpu.memory_space<vmem>>) target_semaphore(%dma_start3A_114 : memref<!tpu.dma_semaphore, #tpu.memory_space<semaphore_mem>>)
    %dma_start3A_121 = arith.constant 2 : i32
    %dma_start3A_122 = arith.constant 2 : i32
    %dma_start3A_123 = arith.constant 2 : i32
    %dma_start3A_124 = arith.constant 0 : i32
    %dma_start3A_125 = arith.constant 0 : i32
    %dma_start3A_126 = tpu.memref_slice %arg10[%dma_start3A_122, %dma_start3A_124, %dma_start3A_125] : memref<4x80x64xf32, #tpu.memory_space<vmem>> -> memref<1x80x64xf32, #tpu.memory_space<vmem>>
    %dma_start3A_127 = tpu.memref_squeeze %dma_start3A_126 : memref<1x80x64xf32, #tpu.memory_space<vmem>> -> memref<80x64xf32, #tpu.memory_space<vmem>>
    %dma_start3A_128 = arith.constant 0 : i32
    %dma_start3A_129 = tpu.memref_slice %arg8[%dma_start3A_121, %dma_start3A_128] : memref<125x80xi32, #tpu.memory_space<vmem>> -> memref<1x80xi32, #tpu.memory_space<vmem>>
    %dma_start3A_130 = tpu.memref_squeeze %dma_start3A_129 : memref<1x80xi32, #tpu.memory_space<vmem>> -> memref<80xi32, #tpu.memory_space<vmem>>
    %dma_start3A_131 = arith.constant 0 : i32
    %dma_start3A_132 = arith.constant 0 : i32
    %dma_start3A_133 = tpu.memref_slice %arg2[%dma_start3A_131, %dma_start3A_132] : memref<10000x64xf32, #tpu.memory_space<hbm>> -> memref<10000x64xf32, #tpu.memory_space<hbm>>
    %dma_start3A_134 = tpu.memref_slice %arg13[%dma_start3A_123] : memref<4x!tpu.dma_semaphore, #tpu.memory_space<semaphore_mem>> -> memref<1x!tpu.dma_semaphore, #tpu.memory_space<semaphore_mem>>
    %dma_start3A_135 = tpu.memref_squeeze %dma_start3A_134 : memref<1x!tpu.dma_semaphore, #tpu.memory_space<semaphore_mem>> -> memref<!tpu.dma_semaphore, #tpu.memory_space<semaphore_mem>>
    tpu.enqueue_indirect_dma source(%dma_start3A_133 : memref<10000x64xf32, #tpu.memory_space<hbm>>) target(%dma_start3A_127 : memref<80x64xf32, #tpu.memory_space<vmem>>) offsets(%dma_start3A_130 : memref<80xi32, #tpu.memory_space<vmem>>) semaphore(%dma_start3A_135 : memref<!tpu.dma_semaphore, #tpu.memory_space<semaphore_mem>>)
    %mul3A_136 = arith.constant 125 : i32
    %mul3A_137 = arith.muli %add3A, %mul3A_136 : i32
    %add3A_138 = arith.constant 3 : i32
    %add3A_139 = arith.addi %mul3A_137, %add3A_138 : i32
    %mul3A_140 = arith.constant 80 : i32
    %mul3A_141 = arith.muli %add3A_139, %mul3A_140 : i32
    %dma_start3A_142 = arith.constant 3 : i32
    %dma_start3A_143 = arith.constant 3 : i32
    %dma_start3A_144 = arith.constant 0 : i32
    %dma_start3A_145 = arith.constant 0 : i32
    %dma_start3A_146 = tpu.memref_slice %arg11[%dma_start3A_142, %dma_start3A_144, %dma_start3A_145] : memref<4x80x64xf32, #tpu.memory_space<vmem>> -> memref<1x80x64xf32, #tpu.memory_space<vmem>>
    %dma_start3A_147 = tpu.memref_squeeze %dma_start3A_146 : memref<1x80x64xf32, #tpu.memory_space<vmem>> -> memref<80x64xf32, #tpu.memory_space<vmem>>
    %dma_start3A_148 = arith.constant 0 : i32
    %dma_start3A_149 = tpu.memref_slice %arg3[%mul3A_141, %dma_start3A_148] : memref<320000x64xf32, #tpu.memory_space<hbm>> -> memref<80x64xf32, #tpu.memory_space<hbm>>
    %dma_start3A_150 = tpu.memref_slice %arg14[%dma_start3A_143] : memref<4x!tpu.dma_semaphore, #tpu.memory_space<semaphore_mem>> -> memref<1x!tpu.dma_semaphore, #tpu.memory_space<semaphore_mem>>
    %dma_start3A_151 = tpu.memref_squeeze %dma_start3A_150 : memref<1x!tpu.dma_semaphore, #tpu.memory_space<semaphore_mem>> -> memref<!tpu.dma_semaphore, #tpu.memory_space<semaphore_mem>>
    %dma_start3A_152 = arith.constant 0 : i32
    %dma_start3A_153 = arith.constant 0 : i32
    %dma_start3A_154 = tpu.memref_slice %arg11[%dma_start3A_142, %dma_start3A_152, %dma_start3A_153] : memref<4x80x64xf32, #tpu.memory_space<vmem>> -> memref<1x80x64xf32, #tpu.memory_space<vmem>>
    %dma_start3A_155 = tpu.memref_squeeze %dma_start3A_154 : memref<1x80x64xf32, #tpu.memory_space<vmem>> -> memref<80x64xf32, #tpu.memory_space<vmem>>
    %dma_start3A_156 = arith.constant 0 : i32
    %dma_start3A_157 = tpu.memref_slice %arg3[%mul3A_141, %dma_start3A_156] : memref<320000x64xf32, #tpu.memory_space<hbm>> -> memref<80x64xf32, #tpu.memory_space<hbm>>
    tpu.enqueue_dma source(%dma_start3A_157 : memref<80x64xf32, #tpu.memory_space<hbm>>) target(%dma_start3A_155 : memref<80x64xf32, #tpu.memory_space<vmem>>) target_semaphore(%dma_start3A_151 : memref<!tpu.dma_semaphore, #tpu.memory_space<semaphore_mem>>)
    %dma_start3A_158 = arith.constant 3 : i32
    %dma_start3A_159 = arith.constant 3 : i32
    %dma_start3A_160 = arith.constant 3 : i32
    %dma_start3A_161 = arith.constant 0 : i32
    %dma_start3A_162 = arith.constant 0 : i32
    %dma_start3A_163 = tpu.memref_slice %arg10[%dma_start3A_159, %dma_start3A_161, %dma_start3A_162] : memref<4x80x64xf32, #tpu.memory_space<vmem>> -> memref<1x80x64xf32, #tpu.memory_space<vmem>>
    %dma_start3A_164 = tpu.memref_squeeze %dma_start3A_163 : memref<1x80x64xf32, #tpu.memory_space<vmem>> -> memref<80x64xf32, #tpu.memory_space<vmem>>
    %dma_start3A_165 = arith.constant 0 : i32
    %dma_start3A_166 = tpu.memref_slice %arg8[%dma_start3A_158, %dma_start3A_165] : memref<125x80xi32, #tpu.memory_space<vmem>> -> memref<1x80xi32, #tpu.memory_space<vmem>>
    %dma_start3A_167 = tpu.memref_squeeze %dma_start3A_166 : memref<1x80xi32, #tpu.memory_space<vmem>> -> memref<80xi32, #tpu.memory_space<vmem>>
    %dma_start3A_168 = arith.constant 0 : i32
    %dma_start3A_169 = arith.constant 0 : i32
    %dma_start3A_170 = tpu.memref_slice %arg2[%dma_start3A_168, %dma_start3A_169] : memref<10000x64xf32, #tpu.memory_space<hbm>> -> memref<10000x64xf32, #tpu.memory_space<hbm>>
    %dma_start3A_171 = tpu.memref_slice %arg13[%dma_start3A_160] : memref<4x!tpu.dma_semaphore, #tpu.memory_space<semaphore_mem>> -> memref<1x!tpu.dma_semaphore, #tpu.memory_space<semaphore_mem>>
    %dma_start3A_172 = tpu.memref_squeeze %dma_start3A_171 : memref<1x!tpu.dma_semaphore, #tpu.memory_space<semaphore_mem>> -> memref<!tpu.dma_semaphore, #tpu.memory_space<semaphore_mem>>
    tpu.enqueue_indirect_dma source(%dma_start3A_170 : memref<10000x64xf32, #tpu.memory_space<hbm>>) target(%dma_start3A_164 : memref<80x64xf32, #tpu.memory_space<vmem>>) offsets(%dma_start3A_167 : memref<80xi32, #tpu.memory_space<vmem>>) semaphore(%dma_start3A_172 : memref<!tpu.dma_semaphore, #tpu.memory_space<semaphore_mem>>)
    %scan3A_173 = arith.constant 0 : i32
    %scan3A_174 = arith.constant 31 : i32
    %scan3A_175 = arith.addi %scan3A_173, %scan3A_174 : i32
    %scan3A_176 = arith.constant 1 : i32
    scf.for %scan3A_299 = %scan3A_173 to %scan3A_175 step %scan3A_176  : i32 {
      %mul3A_300 = arith.constant 1 : i32
      %mul3A_301 = arith.muli %scan3A_299, %mul3A_300 : i32
      %add3A_302 = arith.constant 0 : i32
      %add3A_303 = arith.addi %add3A_302, %mul3A_301 : i32
      %mul3A_304 = arith.constant 4 : i32
      %mul3A_305 = arith.muli %mul3A_304, %add3A_303 : i32
      %add3A_306 = arith.constant 0 : i32
      %add3A_307 = arith.addi %mul3A_305, %add3A_306 : i32
      %mul3A_308 = arith.constant 125 : i32
      %mul3A_309 = arith.muli %add3A, %mul3A_308 : i32
      %add3A_310 = arith.addi %mul3A_309, %add3A_307 : i32
      %mul3A_311 = arith.constant 80 : i32
      %mul3A_312 = arith.muli %add3A_310, %mul3A_311 : i32
      %dma_wait3A_313 = arith.constant 0 : i32
      %dma_wait3A_314 = arith.constant 0 : i32
      %dma_wait3A_315 = arith.constant 0 : i32
      %dma_wait3A_316 = arith.constant 0 : i32
      %dma_wait3A_317 = tpu.memref_slice %arg11[%dma_wait3A_313, %dma_wait3A_315, %dma_wait3A_316] : memref<4x80x64xf32, #tpu.memory_space<vmem>> -> memref<1x80x64xf32, #tpu.memory_space<vmem>>
      %dma_wait3A_318 = tpu.memref_squeeze %dma_wait3A_317 : memref<1x80x64xf32, #tpu.memory_space<vmem>> -> memref<80x64xf32, #tpu.memory_space<vmem>>
      %dma_wait3A_319 = arith.constant 0 : i32
      %dma_wait3A_320 = tpu.memref_slice %arg3[%mul3A_312, %dma_wait3A_319] : memref<320000x64xf32, #tpu.memory_space<hbm>> -> memref<80x64xf32, #tpu.memory_space<hbm>>
      %dma_wait3A_321 = tpu.memref_slice %arg14[%dma_wait3A_314] : memref<4x!tpu.dma_semaphore, #tpu.memory_space<semaphore_mem>> -> memref<1x!tpu.dma_semaphore, #tpu.memory_space<semaphore_mem>>
      %dma_wait3A_322 = tpu.memref_squeeze %dma_wait3A_321 : memref<1x!tpu.dma_semaphore, #tpu.memory_space<semaphore_mem>> -> memref<!tpu.dma_semaphore, #tpu.memory_space<semaphore_mem>>
      %dma_wait3A_323 = arith.constant 0 : i32
      %dma_wait3A_324 = arith.constant 0 : i32
      %dma_wait3A_325 = tpu.memref_slice %arg11[%dma_wait3A_313, %dma_wait3A_323, %dma_wait3A_324] : memref<4x80x64xf32, #tpu.memory_space<vmem>> -> memref<1x80x64xf32, #tpu.memory_space<vmem>>
      %dma_wait3A_326 = tpu.memref_squeeze %dma_wait3A_325 : memref<1x80x64xf32, #tpu.memory_space<vmem>> -> memref<80x64xf32, #tpu.memory_space<vmem>>
      %dma_wait3A_327 = arith.constant 0 : i32
      %dma_wait3A_328 = tpu.memref_slice %arg3[%mul3A_312, %dma_wait3A_327] : memref<320000x64xf32, #tpu.memory_space<hbm>> -> memref<80x64xf32, #tpu.memory_space<hbm>>
      tpu.wait_dma2 semaphore(%dma_wait3A_322 : memref<!tpu.dma_semaphore, #tpu.memory_space<semaphore_mem>>) src(%dma_wait3A_328 : memref<80x64xf32, #tpu.memory_space<hbm>>) dst(%dma_wait3A_326 : memref<80x64xf32, #tpu.memory_space<vmem>>)
      %dma_wait3A_329 = arith.constant 0 : i32
      %dma_wait3A_330 = arith.constant 0 : i32
      %dma_wait3A_331 = arith.constant 0 : i32
      %dma_wait3A_332 = arith.constant 0 : i32
      %dma_wait3A_333 = tpu.memref_slice %arg10[%dma_wait3A_329, %dma_wait3A_331, %dma_wait3A_332] : memref<4x80x64xf32, #tpu.memory_space<vmem>> -> memref<1x80x64xf32, #tpu.memory_space<vmem>>
      %dma_wait3A_334 = tpu.memref_squeeze %dma_wait3A_333 : memref<1x80x64xf32, #tpu.memory_space<vmem>> -> memref<80x64xf32, #tpu.memory_space<vmem>>
      %dma_wait3A_335 = arith.constant 0 : i32
      %dma_wait3A_336 = tpu.memref_slice %arg8[%add3A_307, %dma_wait3A_335] : memref<125x80xi32, #tpu.memory_space<vmem>> -> memref<1x80xi32, #tpu.memory_space<vmem>>
      %dma_wait3A_337 = tpu.memref_squeeze %dma_wait3A_336 : memref<1x80xi32, #tpu.memory_space<vmem>> -> memref<80xi32, #tpu.memory_space<vmem>>
      %dma_wait3A_338 = arith.constant 0 : i32
      %dma_wait3A_339 = arith.constant 0 : i32
      %dma_wait3A_340 = tpu.memref_slice %arg2[%dma_wait3A_338, %dma_wait3A_339] : memref<10000x64xf32, #tpu.memory_space<hbm>> -> memref<10000x64xf32, #tpu.memory_space<hbm>>
      %dma_wait3A_341 = tpu.memref_slice %arg13[%dma_wait3A_330] : memref<4x!tpu.dma_semaphore, #tpu.memory_space<semaphore_mem>> -> memref<1x!tpu.dma_semaphore, #tpu.memory_space<semaphore_mem>>
      %dma_wait3A_342 = tpu.memref_squeeze %dma_wait3A_341 : memref<1x!tpu.dma_semaphore, #tpu.memory_space<semaphore_mem>> -> memref<!tpu.dma_semaphore, #tpu.memory_space<semaphore_mem>>
      tpu.wait_indirect_dma semaphore(%dma_wait3A_342 : memref<!tpu.dma_semaphore, #tpu.memory_space<semaphore_mem>>) src(%dma_wait3A_340 : memref<10000x64xf32, #tpu.memory_space<hbm>>) dst(%dma_wait3A_334 : memref<80x64xf32, #tpu.memory_space<vmem>>)
      %scan3A_343 = arith.constant 0 : i32
      %scan3A_344 = arith.constant 80 : i32
      %scan3A_345 = arith.addi %scan3A_343, %scan3A_344 : i32
      %scan3A_346 = arith.constant 1 : i32
      scf.for %scan3A_592 = %scan3A_343 to %scan3A_345 step %scan3A_346  : i32 {
        %mul3A_593 = arith.constant 1 : i32
        %mul3A_594 = arith.muli %scan3A_592, %mul3A_593 : i32
        %add3A_595 = arith.constant 0 : i32
        %add3A_596 = arith.addi %add3A_595, %mul3A_594 : i32
        %get3A = arith.constant 0 : i32
        %get3A_597 = arith.index_cast %get3A : i32 to index
        %get3A_598 = arith.index_cast %add3A_596 : i32 to index
        %get3A_599 = arith.constant 0 : index
        %get3A_600 = tpu.vector_load %arg10[%get3A_597, %get3A_598, %get3A_599] {strides = array<i32>} : memref<4x80x64xf32, #tpu.memory_space<vmem>>, vector<16xf32>,
        %get3A_601 = arith.constant 0 : i32
        %get3A_602 = arith.index_cast %get3A_601 : i32 to index
        %get3A_603 = arith.index_cast %add3A_596 : i32 to index
        %get3A_604 = arith.constant 0 : index
        %get3A_605 = tpu.vector_load %arg11[%get3A_602, %get3A_603, %get3A_604] {strides = array<i32>} : memref<4x80x64xf32, #tpu.memory_space<vmem>>, vector<16xf32>,
        %mul3A_606 = arith.mulf %get3A_600, %get3A_605 : vector<16xf32>
        %swap3A = arith.constant 0 : i32
        %swap3A_607 = arith.index_cast %swap3A : i32 to index
        %swap3A_608 = arith.index_cast %add3A_596 : i32 to index
        %swap3A_609 = arith.constant 0 : index
        %swap3A_610 = tpu.vector_load %arg10[%swap3A_607, %swap3A_608, %swap3A_609] {strides = array<i32>} : memref<4x80x64xf32, #tpu.memory_space<vmem>>, vector<16xf32>,
        tpu.vector_store %arg10[%swap3A_607, %swap3A_608, %swap3A_609], %mul3A_606 {strides = array<i32>} : memref<4x80x64xf32, #tpu.memory_space<vmem>>, vector<16xf32>,
        %get3A_611 = arith.constant 0 : i32
        %get3A_612 = arith.index_cast %get3A_611 : i32 to index
        %get3A_613 = arith.index_cast %add3A_596 : i32 to index
        %get3A_614 = arith.constant 16 : index
        %get3A_615 = tpu.vector_load %arg10[%get3A_612, %get3A_613, %get3A_614] {strides = array<i32>} : memref<4x80x64xf32, #tpu.memory_space<vmem>>, vector<16xf32>,
        %get3A_616 = arith.constant 0 : i32
        %get3A_617 = arith.index_cast %get3A_616 : i32 to index
        %get3A_618 = arith.index_cast %add3A_596 : i32 to index
        %get3A_619 = arith.constant 16 : index
        %get3A_620 = tpu.vector_load %arg11[%get3A_617, %get3A_618, %get3A_619] {strides = array<i32>} : memref<4x80x64xf32, #tpu.memory_space<vmem>>, vector<16xf32>,
        %mul3A_621 = arith.mulf %get3A_615, %get3A_620 : vector<16xf32>
        %swap3A_622 = arith.constant 0 : i32
        %swap3A_623 = arith.index_cast %swap3A_622 : i32 to index
        %swap3A_624 = arith.index_cast %add3A_596 : i32 to index
        %swap3A_625 = arith.constant 16 : index
        %swap3A_626 = tpu.vector_load %arg10[%swap3A_623, %swap3A_624, %swap3A_625] {strides = array<i32>} : memref<4x80x64xf32, #tpu.memory_space<vmem>>, vector<16xf32>,
        tpu.vector_store %arg10[%swap3A_623, %swap3A_624, %swap3A_625], %mul3A_621 {strides = array<i32>} : memref<4x80x64xf32, #tpu.memory_space<vmem>>, vector<16xf32>,
        %get3A_627 = arith.constant 0 : i32
        %get3A_628 = arith.index_cast %get3A_627 : i32 to index
        %get3A_629 = arith.index_cast %add3A_596 : i32 to index
        %get3A_630 = arith.constant 32 : index
        %get3A_631 = tpu.vector_load %arg10[%get3A_628, %get3A_629, %get3A_630] {strides = array<i32>} : memref<4x80x64xf32, #tpu.memory_space<vmem>>, vector<16xf32>,
        %get3A_632 = arith.constant 0 : i32
        %get3A_633 = arith.index_cast %get3A_632 : i32 to index
        %get3A_634 = arith.index_cast %add3A_596 : i32 to index
        %get3A_635 = arith.constant 32 : index
        %get3A_636 = tpu.vector_load %arg11[%get3A_633, %get3A_634, %get3A_635] {strides = array<i32>} : memref<4x80x64xf32, #tpu.memory_space<vmem>>, vector<16xf32>,
        %mul3A_637 = arith.mulf %get3A_631, %get3A_636 : vector<16xf32>
        %swap3A_638 = arith.constant 0 : i32
        %swap3A_639 = arith.index_cast %swap3A_638 : i32 to index
        %swap3A_640 = arith.index_cast %add3A_596 : i32 to index
        %swap3A_641 = arith.constant 32 : index
        %swap3A_642 = tpu.vector_load %arg10[%swap3A_639, %swap3A_640, %swap3A_641] {strides = array<i32>} : memref<4x80x64xf32, #tpu.memory_space<vmem>>, vector<16xf32>,
        tpu.vector_store %arg10[%swap3A_639, %swap3A_640, %swap3A_641], %mul3A_637 {strides = array<i32>} : memref<4x80x64xf32, #tpu.memory_space<vmem>>, vector<16xf32>,
        %get3A_643 = arith.constant 0 : i32
        %get3A_644 = arith.index_cast %get3A_643 : i32 to index
        %get3A_645 = arith.index_cast %add3A_596 : i32 to index
        %get3A_646 = arith.constant 48 : index
        %get3A_647 = tpu.vector_load %arg10[%get3A_644, %get3A_645, %get3A_646] {strides = array<i32>} : memref<4x80x64xf32, #tpu.memory_space<vmem>>, vector<16xf32>,
        %get3A_648 = arith.constant 0 : i32
        %get3A_649 = arith.index_cast %get3A_648 : i32 to index
        %get3A_650 = arith.index_cast %add3A_596 : i32 to index
        %get3A_651 = arith.constant 48 : index
        %get3A_652 = tpu.vector_load %arg11[%get3A_649, %get3A_650, %get3A_651] {strides = array<i32>} : memref<4x80x64xf32, #tpu.memory_space<vmem>>, vector<16xf32>,
        %mul3A_653 = arith.mulf %get3A_647, %get3A_652 : vector<16xf32>
        %swap3A_654 = arith.constant 0 : i32
        %swap3A_655 = arith.index_cast %swap3A_654 : i32 to index
        %swap3A_656 = arith.index_cast %add3A_596 : i32 to index
        %swap3A_657 = arith.constant 48 : index
        %swap3A_658 = tpu.vector_load %arg10[%swap3A_655, %swap3A_656, %swap3A_657] {strides = array<i32>} : memref<4x80x64xf32, #tpu.memory_space<vmem>>, vector<16xf32>,
        tpu.vector_store %arg10[%swap3A_655, %swap3A_656, %swap3A_657], %mul3A_653 {strides = array<i32>} : memref<4x80x64xf32, #tpu.memory_space<vmem>>, vector<16xf32>,
      }
      %scan3A_347 = arith.constant 80 : i32
      %dma_start3A_348 = arith.constant 0 : i32
      %dma_start3A_349 = arith.constant 0 : i32
      %dma_start3A_350 = arith.constant 0 : i32
      %dma_start3A_351 = arith.constant 0 : i32
      %dma_start3A_352 = tpu.memref_slice %arg10[%dma_start3A_348, %dma_start3A_350, %dma_start3A_351] : memref<4x80x64xf32, #tpu.memory_space<vmem>> -> memref<1x80x64xf32, #tpu.memory_space<vmem>>
      %dma_start3A_353 = tpu.memref_squeeze %dma_start3A_352 : memref<1x80x64xf32, #tpu.memory_space<vmem>> -> memref<80x64xf32, #tpu.memory_space<vmem>>
      %dma_start3A_354 = arith.constant 0 : i32
      %dma_start3A_355 = tpu.memref_slice %arg9[%add3A_307, %dma_start3A_354] : memref<125x80xi32, #tpu.memory_space<vmem>> -> memref<1x80xi32, #tpu.memory_space<vmem>>
      %dma_start3A_356 = tpu.memref_squeeze %dma_start3A_355 : memref<1x80xi32, #tpu.memory_space<vmem>> -> memref<80xi32, #tpu.memory_space<vmem>>
      %dma_start3A_357 = arith.constant 0 : i32
      %dma_start3A_358 = arith.constant 0 : i32
      %dma_start3A_359 = tpu.memref_slice %arg7[%dma_start3A_357, %dma_start3A_358] : memref<10000x64xf32, #tpu.memory_space<vmem_shared>> -> memref<10000x64xf32, #tpu.memory_space<vmem_shared>>
      %dma_start3A_360 = tpu.memref_slice %arg15[%dma_start3A_349] : memref<4x!tpu.dma_semaphore, #tpu.memory_space<semaphore_mem>> -> memref<1x!tpu.dma_semaphore, #tpu.memory_space<semaphore_mem>>
      %dma_start3A_361 = tpu.memref_squeeze %dma_start3A_360 : memref<1x!tpu.dma_semaphore, #tpu.memory_space<semaphore_mem>> -> memref<!tpu.dma_semaphore, #tpu.memory_space<semaphore_mem>>
      tpu.enqueue_indirect_dma source(%dma_start3A_353 : memref<80x64xf32, #tpu.memory_space<vmem>>) target(%dma_start3A_359 : memref<10000x64xf32, #tpu.memory_space<vmem_shared>>) offsets(%dma_start3A_356 : memref<80xi32, #tpu.memory_space<vmem>>) semaphore(%dma_start3A_361 : memref<!tpu.dma_semaphore, #tpu.memory_space<semaphore_mem>>) {add = true}
      %gt3A = arith.constant 0 : i32
      %gt3A_362 = arith.cmpi sgt, %add3A_303, %gt3A : i32
      %convert_element_type3A = arith.extui %gt3A_362 : i1 to i32
      %cond3A = arith.constant 0 : i32
      %cond3A_363 = arith.cmpi ne, %convert_element_type3A, %cond3A : i32
      scf.if %cond3A_363 {
        %add3A_592 = arith.constant 3 : i32
        %add3A_593 = arith.addi %mul3A_305, %add3A_592 : i32
        %dma_wait3A_594 = arith.constant 3 : i32
        %dma_wait3A_595 = arith.constant 3 : i32
        %dma_wait3A_596 = arith.constant 0 : i32
        %dma_wait3A_597 = arith.constant 0 : i32
        %dma_wait3A_598 = tpu.memref_slice %arg10[%dma_wait3A_594, %dma_wait3A_596, %dma_wait3A_597] : memref<4x80x64xf32, #tpu.memory_space<vmem>> -> memref<1x80x64xf32, #tpu.memory_space<vmem>>
        %dma_wait3A_599 = tpu.memref_squeeze %dma_wait3A_598 : memref<1x80x64xf32, #tpu.memory_space<vmem>> -> memref<80x64xf32, #tpu.memory_space<vmem>>
        %dma_wait3A_600 = arith.constant 0 : i32
        %dma_wait3A_601 = tpu.memref_slice %arg9[%add3A_593, %dma_wait3A_600] : memref<125x80xi32, #tpu.memory_space<vmem>> -> memref<1x80xi32, #tpu.memory_space<vmem>>
        %dma_wait3A_602 = tpu.memref_squeeze %dma_wait3A_601 : memref<1x80xi32, #tpu.memory_space<vmem>> -> memref<80xi32, #tpu.memory_space<vmem>>
        %dma_wait3A_603 = arith.constant 0 : i32
        %dma_wait3A_604 = arith.constant 0 : i32
        %dma_wait3A_605 = tpu.memref_slice %arg7[%dma_wait3A_603, %dma_wait3A_604] : memref<10000x64xf32, #tpu.memory_space<vmem_shared>> -> memref<10000x64xf32, #tpu.memory_space<vmem_shared>>
        %dma_wait3A_606 = tpu.memref_slice %arg15[%dma_wait3A_595] : memref<4x!tpu.dma_semaphore, #tpu.memory_space<semaphore_mem>> -> memref<1x!tpu.dma_semaphore, #tpu.memory_space<semaphore_mem>>
        %dma_wait3A_607 = tpu.memref_squeeze %dma_wait3A_606 : memref<1x!tpu.dma_semaphore, #tpu.memory_space<semaphore_mem>> -> memref<!tpu.dma_semaphore, #tpu.memory_space<semaphore_mem>>
        tpu.wait_indirect_dma semaphore(%dma_wait3A_607 : memref<!tpu.dma_semaphore, #tpu.memory_space<semaphore_mem>>) src(%dma_wait3A_599 : memref<80x64xf32, #tpu.memory_space<vmem>>) dst(%dma_wait3A_605 : memref<10000x64xf32, #tpu.memory_space<vmem_shared>>)
        %mul3A_608 = arith.constant 125 : i32
        %mul3A_609 = arith.muli %add3A, %mul3A_608 : i32
        %add3A_610 = arith.addi %mul3A_609, %add3A_593 : i32
        %mul3A_611 = arith.constant 80 : i32
        %mul3A_612 = arith.muli %add3A_610, %mul3A_611 : i32
        %dma_start3A_613 = arith.constant 3 : i32
        %dma_start3A_614 = arith.constant 3 : i32
        %dma_start3A_615 = arith.constant 0 : i32
        %dma_start3A_616 = arith.constant 0 : i32
        %dma_start3A_617 = tpu.memref_slice %arg11[%dma_start3A_613, %dma_start3A_615, %dma_start3A_616] : memref<4x80x64xf32, #tpu.memory_space<vmem>> -> memref<1x80x64xf32, #tpu.memory_space<vmem>>
        %dma_start3A_618 = tpu.memref_squeeze %dma_start3A_617 : memref<1x80x64xf32, #tpu.memory_space<vmem>> -> memref<80x64xf32, #tpu.memory_space<vmem>>
        %dma_start3A_619 = arith.constant 0 : i32
        %dma_start3A_620 = tpu.memref_slice %arg3[%mul3A_612, %dma_start3A_619] : memref<320000x64xf32, #tpu.memory_space<hbm>> -> memref<80x64xf32, #tpu.memory_space<hbm>>
        %dma_start3A_621 = tpu.memref_slice %arg14[%dma_start3A_614] : memref<4x!tpu.dma_semaphore, #tpu.memory_space<semaphore_mem>> -> memref<1x!tpu.dma_semaphore, #tpu.memory_space<semaphore_mem>>
        %dma_start3A_622 = tpu.memref_squeeze %dma_start3A_621 : memref<1x!tpu.dma_semaphore, #tpu.memory_space<semaphore_mem>> -> memref<!tpu.dma_semaphore, #tpu.memory_space<semaphore_mem>>
        %dma_start3A_623 = arith.constant 0 : i32
        %dma_start3A_624 = arith.constant 0 : i32
        %dma_start3A_625 = tpu.memref_slice %arg11[%dma_start3A_613, %dma_start3A_623, %dma_start3A_624] : memref<4x80x64xf32, #tpu.memory_space<vmem>> -> memref<1x80x64xf32, #tpu.memory_space<vmem>>
        %dma_start3A_626 = tpu.memref_squeeze %dma_start3A_625 : memref<1x80x64xf32, #tpu.memory_space<vmem>> -> memref<80x64xf32, #tpu.memory_space<vmem>>
        %dma_start3A_627 = arith.constant 0 : i32
        %dma_start3A_628 = tpu.memref_slice %arg3[%mul3A_612, %dma_start3A_627] : memref<320000x64xf32, #tpu.memory_space<hbm>> -> memref<80x64xf32, #tpu.memory_space<hbm>>
        tpu.enqueue_dma source(%dma_start3A_628 : memref<80x64xf32, #tpu.memory_space<hbm>>) target(%dma_start3A_626 : memref<80x64xf32, #tpu.memory_space<vmem>>) target_semaphore(%dma_start3A_622 : memref<!tpu.dma_semaphore, #tpu.memory_space<semaphore_mem>>)
        %dma_start3A_629 = arith.constant 3 : i32
        %dma_start3A_630 = arith.constant 3 : i32
        %dma_start3A_631 = arith.constant 0 : i32
        %dma_start3A_632 = arith.constant 0 : i32
        %dma_start3A_633 = tpu.memref_slice %arg10[%dma_start3A_629, %dma_start3A_631, %dma_start3A_632] : memref<4x80x64xf32, #tpu.memory_space<vmem>> -> memref<1x80x64xf32, #tpu.memory_space<vmem>>
        %dma_start3A_634 = tpu.memref_squeeze %dma_start3A_633 : memref<1x80x64xf32, #tpu.memory_space<vmem>> -> memref<80x64xf32, #tpu.memory_space<vmem>>
        %dma_start3A_635 = arith.constant 0 : i32
        %dma_start3A_636 = tpu.memref_slice %arg8[%add3A_593, %dma_start3A_635] : memref<125x80xi32, #tpu.memory_space<vmem>> -> memref<1x80xi32, #tpu.memory_space<vmem>>
        %dma_start3A_637 = tpu.memref_squeeze %dma_start3A_636 : memref<1x80xi32, #tpu.memory_space<vmem>> -> memref<80xi32, #tpu.memory_space<vmem>>
        %dma_start3A_638 = arith.constant 0 : i32
        %dma_start3A_639 = arith.constant 0 : i32
        %dma_start3A_640 = tpu.memref_slice %arg2[%dma_start3A_638, %dma_start3A_639] : memref<10000x64xf32, #tpu.memory_space<hbm>> -> memref<10000x64xf32, #tpu.memory_space<hbm>>
        %dma_start3A_641 = tpu.memref_slice %arg13[%dma_start3A_630] : memref<4x!tpu.dma_semaphore, #tpu.memory_space<semaphore_mem>> -> memref<1x!tpu.dma_semaphore, #tpu.memory_space<semaphore_mem>>
        %dma_start3A_642 = tpu.memref_squeeze %dma_start3A_641 : memref<1x!tpu.dma_semaphore, #tpu.memory_space<semaphore_mem>> -> memref<!tpu.dma_semaphore, #tpu.memory_space<semaphore_mem>>
        tpu.enqueue_indirect_dma source(%dma_start3A_640 : memref<10000x64xf32, #tpu.memory_space<hbm>>) target(%dma_start3A_634 : memref<80x64xf32, #tpu.memory_space<vmem>>) offsets(%dma_start3A_637 : memref<80xi32, #tpu.memory_space<vmem>>) semaphore(%dma_start3A_642 : memref<!tpu.dma_semaphore, #tpu.memory_space<semaphore_mem>>)
      } else {
      }
      %add3A_364 = arith.constant 1 : i32
      %add3A_365 = arith.addi %mul3A_305, %add3A_364 : i32
      %mul3A_366 = arith.constant 125 : i32
      %mul3A_367 = arith.muli %add3A, %mul3A_366 : i32
      %add3A_368 = arith.addi %mul3A_367, %add3A_365 : i32
      %mul3A_369 = arith.constant 80 : i32
      %mul3A_370 = arith.muli %add3A_368, %mul3A_369 : i32
      %dma_wait3A_371 = arith.constant 1 : i32
      %dma_wait3A_372 = arith.constant 1 : i32
      %dma_wait3A_373 = arith.constant 0 : i32
      %dma_wait3A_374 = arith.constant 0 : i32
      %dma_wait3A_375 = tpu.memref_slice %arg11[%dma_wait3A_371, %dma_wait3A_373, %dma_wait3A_374] : memref<4x80x64xf32, #tpu.memory_space<vmem>> -> memref<1x80x64xf32, #tpu.memory_space<vmem>>
      %dma_wait3A_376 = tpu.memref_squeeze %dma_wait3A_375 : memref<1x80x64xf32, #tpu.memory_space<vmem>> -> memref<80x64xf32, #tpu.memory_space<vmem>>
      %dma_wait3A_377 = arith.constant 0 : i32
      %dma_wait3A_378 = tpu.memref_slice %arg3[%mul3A_370, %dma_wait3A_377] : memref<320000x64xf32, #tpu.memory_space<hbm>> -> memref<80x64xf32, #tpu.memory_space<hbm>>
      %dma_wait3A_379 = tpu.memref_slice %arg14[%dma_wait3A_372] : memref<4x!tpu.dma_semaphore, #tpu.memory_space<semaphore_mem>> -> memref<1x!tpu.dma_semaphore, #tpu.memory_space<semaphore_mem>>
      %dma_wait3A_380 = tpu.memref_squeeze %dma_wait3A_379 : memref<1x!tpu.dma_semaphore, #tpu.memory_space<semaphore_mem>> -> memref<!tpu.dma_semaphore, #tpu.memory_space<semaphore_mem>>
      %dma_wait3A_381 = arith.constant 0 : i32
      %dma_wait3A_382 = arith.constant 0 : i32
      %dma_wait3A_383 = tpu.memref_slice %arg11[%dma_wait3A_371, %dma_wait3A_381, %dma_wait3A_382] : memref<4x80x64xf32, #tpu.memory_space<vmem>> -> memref<1x80x64xf32, #tpu.memory_space<vmem>>
      %dma_wait3A_384 = tpu.memref_squeeze %dma_wait3A_383 : memref<1x80x64xf32, #tpu.memory_space<vmem>> -> memref<80x64xf32, #tpu.memory_space<vmem>>
      %dma_wait3A_385 = arith.constant 0 : i32
      %dma_wait3A_386 = tpu.memref_slice %arg3[%mul3A_370, %dma_wait3A_385] : memref<320000x64xf32, #tpu.memory_space<hbm>> -> memref<80x64xf32, #tpu.memory_space<hbm>>
      tpu.wait_dma2 semaphore(%dma_wait3A_380 : memref<!tpu.dma_semaphore, #tpu.memory_space<semaphore_mem>>) src(%dma_wait3A_386 : memref<80x64xf32, #tpu.memory_space<hbm>>) dst(%dma_wait3A_384 : memref<80x64xf32, #tpu.memory_space<vmem>>)
      %dma_wait3A_387 = arith.constant 1 : i32
      %dma_wait3A_388 = arith.constant 1 : i32
      %dma_wait3A_389 = arith.constant 0 : i32
      %dma_wait3A_390 = arith.constant 0 : i32
      %dma_wait3A_391 = tpu.memref_slice %arg10[%dma_wait3A_387, %dma_wait3A_389, %dma_wait3A_390] : memref<4x80x64xf32, #tpu.memory_space<vmem>> -> memref<1x80x64xf32, #tpu.memory_space<vmem>>
      %dma_wait3A_392 = tpu.memref_squeeze %dma_wait3A_391 : memref<1x80x64xf32, #tpu.memory_space<vmem>> -> memref<80x64xf32, #tpu.memory_space<vmem>>
      %dma_wait3A_393 = arith.constant 0 : i32
      %dma_wait3A_394 = tpu.memref_slice %arg8[%add3A_365, %dma_wait3A_393] : memref<125x80xi32, #tpu.memory_space<vmem>> -> memref<1x80xi32, #tpu.memory_space<vmem>>
      %dma_wait3A_395 = tpu.memref_squeeze %dma_wait3A_394 : memref<1x80xi32, #tpu.memory_space<vmem>> -> memref<80xi32, #tpu.memory_space<vmem>>
      %dma_wait3A_396 = arith.constant 0 : i32
      %dma_wait3A_397 = arith.constant 0 : i32
      %dma_wait3A_398 = tpu.memref_slice %arg2[%dma_wait3A_396, %dma_wait3A_397] : memref<10000x64xf32, #tpu.memory_space<hbm>> -> memref<10000x64xf32, #tpu.memory_space<hbm>>
      %dma_wait3A_399 = tpu.memref_slice %arg13[%dma_wait3A_388] : memref<4x!tpu.dma_semaphore, #tpu.memory_space<semaphore_mem>> -> memref<1x!tpu.dma_semaphore, #tpu.memory_space<semaphore_mem>>
      %dma_wait3A_400 = tpu.memref_squeeze %dma_wait3A_399 : memref<1x!tpu.dma_semaphore, #tpu.memory_space<semaphore_mem>> -> memref<!tpu.dma_semaphore, #tpu.memory_space<semaphore_mem>>
      tpu.wait_indirect_dma semaphore(%dma_wait3A_400 : memref<!tpu.dma_semaphore, #tpu.memory_space<semaphore_mem>>) src(%dma_wait3A_398 : memref<10000x64xf32, #tpu.memory_space<hbm>>) dst(%dma_wait3A_392 : memref<80x64xf32, #tpu.memory_space<vmem>>)
      %scan3A_401 = arith.constant 0 : i32
      %scan3A_402 = arith.constant 80 : i32
      %scan3A_403 = arith.addi %scan3A_401, %scan3A_402 : i32
      %scan3A_404 = arith.constant 1 : i32
      scf.for %scan3A_592 = %scan3A_401 to %scan3A_403 step %scan3A_404  : i32 {
        %mul3A_593 = arith.constant 1 : i32
        %mul3A_594 = arith.muli %scan3A_592, %mul3A_593 : i32
        %add3A_595 = arith.constant 0 : i32
        %add3A_596 = arith.addi %add3A_595, %mul3A_594 : i32
        %get3A = arith.constant 1 : i32
        %get3A_597 = arith.index_cast %get3A : i32 to index
        %get3A_598 = arith.index_cast %add3A_596 : i32 to index
        %get3A_599 = arith.constant 0 : index
        %get3A_600 = tpu.vector_load %arg10[%get3A_597, %get3A_598, %get3A_599] {strides = array<i32>} : memref<4x80x64xf32, #tpu.memory_space<vmem>>, vector<16xf32>,
        %get3A_601 = arith.constant 1 : i32
        %get3A_602 = arith.index_cast %get3A_601 : i32 to index
        %get3A_603 = arith.index_cast %add3A_596 : i32 to index
        %get3A_604 = arith.constant 0 : index
        %get3A_605 = tpu.vector_load %arg11[%get3A_602, %get3A_603, %get3A_604] {strides = array<i32>} : memref<4x80x64xf32, #tpu.memory_space<vmem>>, vector<16xf32>,
        %mul3A_606 = arith.mulf %get3A_600, %get3A_605 : vector<16xf32>
        %swap3A = arith.constant 1 : i32
        %swap3A_607 = arith.index_cast %swap3A : i32 to index
        %swap3A_608 = arith.index_cast %add3A_596 : i32 to index
        %swap3A_609 = arith.constant 0 : index
        %swap3A_610 = tpu.vector_load %arg10[%swap3A_607, %swap3A_608, %swap3A_609] {strides = array<i32>} : memref<4x80x64xf32, #tpu.memory_space<vmem>>, vector<16xf32>,
        tpu.vector_store %arg10[%swap3A_607, %swap3A_608, %swap3A_609], %mul3A_606 {strides = array<i32>} : memref<4x80x64xf32, #tpu.memory_space<vmem>>, vector<16xf32>,
        %get3A_611 = arith.constant 1 : i32
        %get3A_612 = arith.index_cast %get3A_611 : i32 to index
        %get3A_613 = arith.index_cast %add3A_596 : i32 to index
        %get3A_614 = arith.constant 16 : index
        %get3A_615 = tpu.vector_load %arg10[%get3A_612, %get3A_613, %get3A_614] {strides = array<i32>} : memref<4x80x64xf32, #tpu.memory_space<vmem>>, vector<16xf32>,
        %get3A_616 = arith.constant 1 : i32
        %get3A_617 = arith.index_cast %get3A_616 : i32 to index
        %get3A_618 = arith.index_cast %add3A_596 : i32 to index
        %get3A_619 = arith.constant 16 : index
        %get3A_620 = tpu.vector_load %arg11[%get3A_617, %get3A_618, %get3A_619] {strides = array<i32>} : memref<4x80x64xf32, #tpu.memory_space<vmem>>, vector<16xf32>,
        %mul3A_621 = arith.mulf %get3A_615, %get3A_620 : vector<16xf32>
        %swap3A_622 = arith.constant 1 : i32
        %swap3A_623 = arith.index_cast %swap3A_622 : i32 to index
        %swap3A_624 = arith.index_cast %add3A_596 : i32 to index
        %swap3A_625 = arith.constant 16 : index
        %swap3A_626 = tpu.vector_load %arg10[%swap3A_623, %swap3A_624, %swap3A_625] {strides = array<i32>} : memref<4x80x64xf32, #tpu.memory_space<vmem>>, vector<16xf32>,
        tpu.vector_store %arg10[%swap3A_623, %swap3A_624, %swap3A_625], %mul3A_621 {strides = array<i32>} : memref<4x80x64xf32, #tpu.memory_space<vmem>>, vector<16xf32>,
        %get3A_627 = arith.constant 1 : i32
        %get3A_628 = arith.index_cast %get3A_627 : i32 to index
        %get3A_629 = arith.index_cast %add3A_596 : i32 to index
        %get3A_630 = arith.constant 32 : index
        %get3A_631 = tpu.vector_load %arg10[%get3A_628, %get3A_629, %get3A_630] {strides = array<i32>} : memref<4x80x64xf32, #tpu.memory_space<vmem>>, vector<16xf32>,
        %get3A_632 = arith.constant 1 : i32
        %get3A_633 = arith.index_cast %get3A_632 : i32 to index
        %get3A_634 = arith.index_cast %add3A_596 : i32 to index
        %get3A_635 = arith.constant 32 : index
        %get3A_636 = tpu.vector_load %arg11[%get3A_633, %get3A_634, %get3A_635] {strides = array<i32>} : memref<4x80x64xf32, #tpu.memory_space<vmem>>, vector<16xf32>,
        %mul3A_637 = arith.mulf %get3A_631, %get3A_636 : vector<16xf32>
        %swap3A_638 = arith.constant 1 : i32
        %swap3A_639 = arith.index_cast %swap3A_638 : i32 to index
        %swap3A_640 = arith.index_cast %add3A_596 : i32 to index
        %swap3A_641 = arith.constant 32 : index
        %swap3A_642 = tpu.vector_load %arg10[%swap3A_639, %swap3A_640, %swap3A_641] {strides = array<i32>} : memref<4x80x64xf32, #tpu.memory_space<vmem>>, vector<16xf32>,
        tpu.vector_store %arg10[%swap3A_639, %swap3A_640, %swap3A_641], %mul3A_637 {strides = array<i32>} : memref<4x80x64xf32, #tpu.memory_space<vmem>>, vector<16xf32>,
        %get3A_643 = arith.constant 1 : i32
        %get3A_644 = arith.index_cast %get3A_643 : i32 to index
        %get3A_645 = arith.index_cast %add3A_596 : i32 to index
        %get3A_646 = arith.constant 48 : index
        %get3A_647 = tpu.vector_load %arg10[%get3A_644, %get3A_645, %get3A_646] {strides = array<i32>} : memref<4x80x64xf32, #tpu.memory_space<vmem>>, vector<16xf32>,
        %get3A_648 = arith.constant 1 : i32
        %get3A_649 = arith.index_cast %get3A_648 : i32 to index
        %get3A_650 = arith.index_cast %add3A_596 : i32 to index
        %get3A_651 = arith.constant 48 : index
        %get3A_652 = tpu.vector_load %arg11[%get3A_649, %get3A_650, %get3A_651] {strides = array<i32>} : memref<4x80x64xf32, #tpu.memory_space<vmem>>, vector<16xf32>,
        %mul3A_653 = arith.mulf %get3A_647, %get3A_652 : vector<16xf32>
        %swap3A_654 = arith.constant 1 : i32
        %swap3A_655 = arith.index_cast %swap3A_654 : i32 to index
        %swap3A_656 = arith.index_cast %add3A_596 : i32 to index
        %swap3A_657 = arith.constant 48 : index
        %swap3A_658 = tpu.vector_load %arg10[%swap3A_655, %swap3A_656, %swap3A_657] {strides = array<i32>} : memref<4x80x64xf32, #tpu.memory_space<vmem>>, vector<16xf32>,
        tpu.vector_store %arg10[%swap3A_655, %swap3A_656, %swap3A_657], %mul3A_653 {strides = array<i32>} : memref<4x80x64xf32, #tpu.memory_space<vmem>>, vector<16xf32>,
      }
      %scan3A_405 = arith.constant 80 : i32
      %dma_start3A_406 = arith.constant 1 : i32
      %dma_start3A_407 = arith.constant 1 : i32
      %dma_start3A_408 = arith.constant 0 : i32
      %dma_start3A_409 = arith.constant 0 : i32
      %dma_start3A_410 = tpu.memref_slice %arg10[%dma_start3A_406, %dma_start3A_408, %dma_start3A_409] : memref<4x80x64xf32, #tpu.memory_space<vmem>> -> memref<1x80x64xf32, #tpu.memory_space<vmem>>
      %dma_start3A_411 = tpu.memref_squeeze %dma_start3A_410 : memref<1x80x64xf32, #tpu.memory_space<vmem>> -> memref<80x64xf32, #tpu.memory_space<vmem>>
      %dma_start3A_412 = arith.constant 0 : i32
      %dma_start3A_413 = tpu.memref_slice %arg9[%add3A_365, %dma_start3A_412] : memref<125x80xi32, #tpu.memory_space<vmem>> -> memref<1x80xi32, #tpu.memory_space<vmem>>
      %dma_start3A_414 = tpu.memref_squeeze %dma_start3A_413 : memref<1x80xi32, #tpu.memory_space<vmem>> -> memref<80xi32, #tpu.memory_space<vmem>>
      %dma_start3A_415 = arith.constant 0 : i32
      %dma_start3A_416 = arith.constant 0 : i32
      %dma_start3A_417 = tpu.memref_slice %arg7[%dma_start3A_415, %dma_start3A_416] : memref<10000x64xf32, #tpu.memory_space<vmem_shared>> -> memref<10000x64xf32, #tpu.memory_space<vmem_shared>>
      %dma_start3A_418 = tpu.memref_slice %arg15[%dma_start3A_407] : memref<4x!tpu.dma_semaphore, #tpu.memory_space<semaphore_mem>> -> memref<1x!tpu.dma_semaphore, #tpu.memory_space<semaphore_mem>>
      %dma_start3A_419 = tpu.memref_squeeze %dma_start3A_418 : memref<1x!tpu.dma_semaphore, #tpu.memory_space<semaphore_mem>> -> memref<!tpu.dma_semaphore, #tpu.memory_space<semaphore_mem>>
      tpu.enqueue_indirect_dma source(%dma_start3A_411 : memref<80x64xf32, #tpu.memory_space<vmem>>) target(%dma_start3A_417 : memref<10000x64xf32, #tpu.memory_space<vmem_shared>>) offsets(%dma_start3A_414 : memref<80xi32, #tpu.memory_space<vmem>>) semaphore(%dma_start3A_419 : memref<!tpu.dma_semaphore, #tpu.memory_space<semaphore_mem>>) {add = true}
      %add3A_420 = arith.constant 4 : i32
      %add3A_421 = arith.addi %mul3A_305, %add3A_420 : i32
      %dma_wait3A_422 = arith.constant 0 : i32
      %dma_wait3A_423 = arith.constant 0 : i32
      %dma_wait3A_424 = arith.constant 0 : i32
      %dma_wait3A_425 = arith.constant 0 : i32
      %dma_wait3A_426 = tpu.memref_slice %arg10[%dma_wait3A_422, %dma_wait3A_424, %dma_wait3A_425] : memref<4x80x64xf32, #tpu.memory_space<vmem>> -> memref<1x80x64xf32, #tpu.memory_space<vmem>>
      %dma_wait3A_427 = tpu.memref_squeeze %dma_wait3A_426 : memref<1x80x64xf32, #tpu.memory_space<vmem>> -> memref<80x64xf32, #tpu.memory_space<vmem>>
      %dma_wait3A_428 = arith.constant 0 : i32
      %dma_wait3A_429 = tpu.memref_slice %arg9[%add3A_421, %dma_wait3A_428] : memref<125x80xi32, #tpu.memory_space<vmem>> -> memref<1x80xi32, #tpu.memory_space<vmem>>
      %dma_wait3A_430 = tpu.memref_squeeze %dma_wait3A_429 : memref<1x80xi32, #tpu.memory_space<vmem>> -> memref<80xi32, #tpu.memory_space<vmem>>
      %dma_wait3A_431 = arith.constant 0 : i32
      %dma_wait3A_432 = arith.constant 0 : i32
      %dma_wait3A_433 = tpu.memref_slice %arg7[%dma_wait3A_431, %dma_wait3A_432] : memref<10000x64xf32, #tpu.memory_space<vmem_shared>> -> memref<10000x64xf32, #tpu.memory_space<vmem_shared>>
      %dma_wait3A_434 = tpu.memref_slice %arg15[%dma_wait3A_423] : memref<4x!tpu.dma_semaphore, #tpu.memory_space<semaphore_mem>> -> memref<1x!tpu.dma_semaphore, #tpu.memory_space<semaphore_mem>>
      %dma_wait3A_435 = tpu.memref_squeeze %dma_wait3A_434 : memref<1x!tpu.dma_semaphore, #tpu.memory_space<semaphore_mem>> -> memref<!tpu.dma_semaphore, #tpu.memory_space<semaphore_mem>>
      tpu.wait_indirect_dma semaphore(%dma_wait3A_435 : memref<!tpu.dma_semaphore, #tpu.memory_space<semaphore_mem>>) src(%dma_wait3A_427 : memref<80x64xf32, #tpu.memory_space<vmem>>) dst(%dma_wait3A_433 : memref<10000x64xf32, #tpu.memory_space<vmem_shared>>)
      %mul3A_436 = arith.constant 125 : i32
      %mul3A_437 = arith.muli %add3A, %mul3A_436 : i32
      %add3A_438 = arith.addi %mul3A_437, %add3A_421 : i32
      %mul3A_439 = arith.constant 80 : i32
      %mul3A_440 = arith.muli %add3A_438, %mul3A_439 : i32
      %dma_start3A_441 = arith.constant 0 : i32
      %dma_start3A_442 = arith.constant 0 : i32
      %dma_start3A_443 = arith.constant 0 : i32
      %dma_start3A_444 = arith.constant 0 : i32
      %dma_start3A_445 = tpu.memref_slice %arg11[%dma_start3A_441, %dma_start3A_443, %dma_start3A_444] : memref<4x80x64xf32, #tpu.memory_space<vmem>> -> memref<1x80x64xf32, #tpu.memory_space<vmem>>
      %dma_start3A_446 = tpu.memref_squeeze %dma_start3A_445 : memref<1x80x64xf32, #tpu.memory_space<vmem>> -> memref<80x64xf32, #tpu.memory_space<vmem>>
      %dma_start3A_447 = arith.constant 0 : i32
      %dma_start3A_448 = tpu.memref_slice %arg3[%mul3A_440, %dma_start3A_447] : memref<320000x64xf32, #tpu.memory_space<hbm>> -> memref<80x64xf32, #tpu.memory_space<hbm>>
      %dma_start3A_449 = tpu.memref_slice %arg14[%dma_start3A_442] : memref<4x!tpu.dma_semaphore, #tpu.memory_space<semaphore_mem>> -> memref<1x!tpu.dma_semaphore, #tpu.memory_space<semaphore_mem>>
      %dma_start3A_450 = tpu.memref_squeeze %dma_start3A_449 : memref<1x!tpu.dma_semaphore, #tpu.memory_space<semaphore_mem>> -> memref<!tpu.dma_semaphore, #tpu.memory_space<semaphore_mem>>
      %dma_start3A_451 = arith.constant 0 : i32
      %dma_start3A_452 = arith.constant 0 : i32
      %dma_start3A_453 = tpu.memref_slice %arg11[%dma_start3A_441, %dma_start3A_451, %dma_start3A_452] : memref<4x80x64xf32, #tpu.memory_space<vmem>> -> memref<1x80x64xf32, #tpu.memory_space<vmem>>
      %dma_start3A_454 = tpu.memref_squeeze %dma_start3A_453 : memref<1x80x64xf32, #tpu.memory_space<vmem>> -> memref<80x64xf32, #tpu.memory_space<vmem>>
      %dma_start3A_455 = arith.constant 0 : i32
      %dma_start3A_456 = tpu.memref_slice %arg3[%mul3A_440, %dma_start3A_455] : memref<320000x64xf32, #tpu.memory_space<hbm>> -> memref<80x64xf32, #tpu.memory_space<hbm>>
      tpu.enqueue_dma source(%dma_start3A_456 : memref<80x64xf32, #tpu.memory_space<hbm>>) target(%dma_start3A_454 : memref<80x64xf32, #tpu.memory_space<vmem>>) target_semaphore(%dma_start3A_450 : memref<!tpu.dma_semaphore, #tpu.memory_space<semaphore_mem>>)
      %dma_start3A_457 = arith.constant 0 : i32
      %dma_start3A_458 = arith.constant 0 : i32
      %dma_start3A_459 = arith.constant 0 : i32
      %dma_start3A_460 = arith.constant 0 : i32
      %dma_start3A_461 = tpu.memref_slice %arg10[%dma_start3A_457, %dma_start3A_459, %dma_start3A_460] : memref<4x80x64xf32, #tpu.memory_space<vmem>> -> memref<1x80x64xf32, #tpu.memory_space<vmem>>
      %dma_start3A_462 = tpu.memref_squeeze %dma_start3A_461 : memref<1x80x64xf32, #tpu.memory_space<vmem>> -> memref<80x64xf32, #tpu.memory_space<vmem>>
      %dma_start3A_463 = arith.constant 0 : i32
      %dma_start3A_464 = tpu.memref_slice %arg8[%add3A_421, %dma_start3A_463] : memref<125x80xi32, #tpu.memory_space<vmem>> -> memref<1x80xi32, #tpu.memory_space<vmem>>
      %dma_start3A_465 = tpu.memref_squeeze %dma_start3A_464 : memref<1x80xi32, #tpu.memory_space<vmem>> -> memref<80xi32, #tpu.memory_space<vmem>>
      %dma_start3A_466 = arith.constant 0 : i32
      %dma_start3A_467 = arith.constant 0 : i32
      %dma_start3A_468 = tpu.memref_slice %arg2[%dma_start3A_466, %dma_start3A_467] : memref<10000x64xf32, #tpu.memory_space<hbm>> -> memref<10000x64xf32, #tpu.memory_space<hbm>>
      %dma_start3A_469 = tpu.memref_slice %arg13[%dma_start3A_458] : memref<4x!tpu.dma_semaphore, #tpu.memory_space<semaphore_mem>> -> memref<1x!tpu.dma_semaphore, #tpu.memory_space<semaphore_mem>>
      %dma_start3A_470 = tpu.memref_squeeze %dma_start3A_469 : memref<1x!tpu.dma_semaphore, #tpu.memory_space<semaphore_mem>> -> memref<!tpu.dma_semaphore, #tpu.memory_space<semaphore_mem>>
      tpu.enqueue_indirect_dma source(%dma_start3A_468 : memref<10000x64xf32, #tpu.memory_space<hbm>>) target(%dma_start3A_462 : memref<80x64xf32, #tpu.memory_space<vmem>>) offsets(%dma_start3A_465 : memref<80xi32, #tpu.memory_space<vmem>>) semaphore(%dma_start3A_470 : memref<!tpu.dma_semaphore, #tpu.memory_space<semaphore_mem>>)
      %add3A_471 = arith.constant 2 : i32
      %add3A_472 = arith.addi %mul3A_305, %add3A_471 : i32
      %mul3A_473 = arith.constant 125 : i32
      %mul3A_474 = arith.muli %add3A, %mul3A_473 : i32
      %add3A_475 = arith.addi %mul3A_474, %add3A_472 : i32
      %mul3A_476 = arith.constant 80 : i32
      %mul3A_477 = arith.muli %add3A_475, %mul3A_476 : i32
      %dma_wait3A_478 = arith.constant 2 : i32
      %dma_wait3A_479 = arith.constant 2 : i32
      %dma_wait3A_480 = arith.constant 0 : i32
      %dma_wait3A_481 = arith.constant 0 : i32
      %dma_wait3A_482 = tpu.memref_slice %arg11[%dma_wait3A_478, %dma_wait3A_480, %dma_wait3A_481] : memref<4x80x64xf32, #tpu.memory_space<vmem>> -> memref<1x80x64xf32, #tpu.memory_space<vmem>>
      %dma_wait3A_483 = tpu.memref_squeeze %dma_wait3A_482 : memref<1x80x64xf32, #tpu.memory_space<vmem>> -> memref<80x64xf32, #tpu.memory_space<vmem>>
      %dma_wait3A_484 = arith.constant 0 : i32
      %dma_wait3A_485 = tpu.memref_slice %arg3[%mul3A_477, %dma_wait3A_484] : memref<320000x64xf32, #tpu.memory_space<hbm>> -> memref<80x64xf32, #tpu.memory_space<hbm>>
      %dma_wait3A_486 = tpu.memref_slice %arg14[%dma_wait3A_479] : memref<4x!tpu.dma_semaphore, #tpu.memory_space<semaphore_mem>> -> memref<1x!tpu.dma_semaphore, #tpu.memory_space<semaphore_mem>>
      %dma_wait3A_487 = tpu.memref_squeeze %dma_wait3A_486 : memref<1x!tpu.dma_semaphore, #tpu.memory_space<semaphore_mem>> -> memref<!tpu.dma_semaphore, #tpu.memory_space<semaphore_mem>>
      %dma_wait3A_488 = arith.constant 0 : i32
      %dma_wait3A_489 = arith.constant 0 : i32
      %dma_wait3A_490 = tpu.memref_slice %arg11[%dma_wait3A_478, %dma_wait3A_488, %dma_wait3A_489] : memref<4x80x64xf32, #tpu.memory_space<vmem>> -> memref<1x80x64xf32, #tpu.memory_space<vmem>>
      %dma_wait3A_491 = tpu.memref_squeeze %dma_wait3A_490 : memref<1x80x64xf32, #tpu.memory_space<vmem>> -> memref<80x64xf32, #tpu.memory_space<vmem>>
      %dma_wait3A_492 = arith.constant 0 : i32
      %dma_wait3A_493 = tpu.memref_slice %arg3[%mul3A_477, %dma_wait3A_492] : memref<320000x64xf32, #tpu.memory_space<hbm>> -> memref<80x64xf32, #tpu.memory_space<hbm>>
      tpu.wait_dma2 semaphore(%dma_wait3A_487 : memref<!tpu.dma_semaphore, #tpu.memory_space<semaphore_mem>>) src(%dma_wait3A_493 : memref<80x64xf32, #tpu.memory_space<hbm>>) dst(%dma_wait3A_491 : memref<80x64xf32, #tpu.memory_space<vmem>>)
      %dma_wait3A_494 = arith.constant 2 : i32
      %dma_wait3A_495 = arith.constant 2 : i32
      %dma_wait3A_496 = arith.constant 0 : i32
      %dma_wait3A_497 = arith.constant 0 : i32
      %dma_wait3A_498 = tpu.memref_slice %arg10[%dma_wait3A_494, %dma_wait3A_496, %dma_wait3A_497] : memref<4x80x64xf32, #tpu.memory_space<vmem>> -> memref<1x80x64xf32, #tpu.memory_space<vmem>>
      %dma_wait3A_499 = tpu.memref_squeeze %dma_wait3A_498 : memref<1x80x64xf32, #tpu.memory_space<vmem>> -> memref<80x64xf32, #tpu.memory_space<vmem>>
      %dma_wait3A_500 = arith.constant 0 : i32
      %dma_wait3A_501 = tpu.memref_slice %arg8[%add3A_472, %dma_wait3A_500] : memref<125x80xi32, #tpu.memory_space<vmem>> -> memref<1x80xi32, #tpu.memory_space<vmem>>
      %dma_wait3A_502 = tpu.memref_squeeze %dma_wait3A_501 : memref<1x80xi32, #tpu.memory_space<vmem>> -> memref<80xi32, #tpu.memory_space<vmem>>
      %dma_wait3A_503 = arith.constant 0 : i32
      %dma_wait3A_504 = arith.constant 0 : i32
      %dma_wait3A_505 = tpu.memref_slice %arg2[%dma_wait3A_503, %dma_wait3A_504] : memref<10000x64xf32, #tpu.memory_space<hbm>> -> memref<10000x64xf32, #tpu.memory_space<hbm>>
      %dma_wait3A_506 = tpu.memref_slice %arg13[%dma_wait3A_495] : memref<4x!tpu.dma_semaphore, #tpu.memory_space<semaphore_mem>> -> memref<1x!tpu.dma_semaphore, #tpu.memory_space<semaphore_mem>>
      %dma_wait3A_507 = tpu.memref_squeeze %dma_wait3A_506 : memref<1x!tpu.dma_semaphore, #tpu.memory_space<semaphore_mem>> -> memref<!tpu.dma_semaphore, #tpu.memory_space<semaphore_mem>>
      tpu.wait_indirect_dma semaphore(%dma_wait3A_507 : memref<!tpu.dma_semaphore, #tpu.memory_space<semaphore_mem>>) src(%dma_wait3A_505 : memref<10000x64xf32, #tpu.memory_space<hbm>>) dst(%dma_wait3A_499 : memref<80x64xf32, #tpu.memory_space<vmem>>)
      %scan3A_508 = arith.constant 0 : i32
      %scan3A_509 = arith.constant 80 : i32
      %scan3A_510 = arith.addi %scan3A_508, %scan3A_509 : i32
      %scan3A_511 = arith.constant 1 : i32
      scf.for %scan3A_592 = %scan3A_508 to %scan3A_510 step %scan3A_511  : i32 {
        %mul3A_593 = arith.constant 1 : i32
        %mul3A_594 = arith.muli %scan3A_592, %mul3A_593 : i32
        %add3A_595 = arith.constant 0 : i32
        %add3A_596 = arith.addi %add3A_595, %mul3A_594 : i32
        %get3A = arith.constant 2 : i32
        %get3A_597 = arith.index_cast %get3A : i32 to index
        %get3A_598 = arith.index_cast %add3A_596 : i32 to index
        %get3A_599 = arith.constant 0 : index
        %get3A_600 = tpu.vector_load %arg10[%get3A_597, %get3A_598, %get3A_599] {strides = array<i32>} : memref<4x80x64xf32, #tpu.memory_space<vmem>>, vector<16xf32>,
        %get3A_601 = arith.constant 2 : i32
        %get3A_602 = arith.index_cast %get3A_601 : i32 to index
        %get3A_603 = arith.index_cast %add3A_596 : i32 to index
        %get3A_604 = arith.constant 0 : index
        %get3A_605 = tpu.vector_load %arg11[%get3A_602, %get3A_603, %get3A_604] {strides = array<i32>} : memref<4x80x64xf32, #tpu.memory_space<vmem>>, vector<16xf32>,
        %mul3A_606 = arith.mulf %get3A_600, %get3A_605 : vector<16xf32>
        %swap3A = arith.constant 2 : i32
        %swap3A_607 = arith.index_cast %swap3A : i32 to index
        %swap3A_608 = arith.index_cast %add3A_596 : i32 to index
        %swap3A_609 = arith.constant 0 : index
        %swap3A_610 = tpu.vector_load %arg10[%swap3A_607, %swap3A_608, %swap3A_609] {strides = array<i32>} : memref<4x80x64xf32, #tpu.memory_space<vmem>>, vector<16xf32>,
        tpu.vector_store %arg10[%swap3A_607, %swap3A_608, %swap3A_609], %mul3A_606 {strides = array<i32>} : memref<4x80x64xf32, #tpu.memory_space<vmem>>, vector<16xf32>,
        %get3A_611 = arith.constant 2 : i32
        %get3A_612 = arith.index_cast %get3A_611 : i32 to index
        %get3A_613 = arith.index_cast %add3A_596 : i32 to index
        %get3A_614 = arith.constant 16 : index
        %get3A_615 = tpu.vector_load %arg10[%get3A_612, %get3A_613, %get3A_614] {strides = array<i32>} : memref<4x80x64xf32, #tpu.memory_space<vmem>>, vector<16xf32>,
        %get3A_616 = arith.constant 2 : i32
        %get3A_617 = arith.index_cast %get3A_616 : i32 to index
        %get3A_618 = arith.index_cast %add3A_596 : i32 to index
        %get3A_619 = arith.constant 16 : index
        %get3A_620 = tpu.vector_load %arg11[%get3A_617, %get3A_618, %get3A_619] {strides = array<i32>} : memref<4x80x64xf32, #tpu.memory_space<vmem>>, vector<16xf32>,
        %mul3A_621 = arith.mulf %get3A_615, %get3A_620 : vector<16xf32>
        %swap3A_622 = arith.constant 2 : i32
        %swap3A_623 = arith.index_cast %swap3A_622 : i32 to index
        %swap3A_624 = arith.index_cast %add3A_596 : i32 to index
        %swap3A_625 = arith.constant 16 : index
        %swap3A_626 = tpu.vector_load %arg10[%swap3A_623, %swap3A_624, %swap3A_625] {strides = array<i32>} : memref<4x80x64xf32, #tpu.memory_space<vmem>>, vector<16xf32>,
        tpu.vector_store %arg10[%swap3A_623, %swap3A_624, %swap3A_625], %mul3A_621 {strides = array<i32>} : memref<4x80x64xf32, #tpu.memory_space<vmem>>, vector<16xf32>,
        %get3A_627 = arith.constant 2 : i32
        %get3A_628 = arith.index_cast %get3A_627 : i32 to index
        %get3A_629 = arith.index_cast %add3A_596 : i32 to index
        %get3A_630 = arith.constant 32 : index
        %get3A_631 = tpu.vector_load %arg10[%get3A_628, %get3A_629, %get3A_630] {strides = array<i32>} : memref<4x80x64xf32, #tpu.memory_space<vmem>>, vector<16xf32>,
        %get3A_632 = arith.constant 2 : i32
        %get3A_633 = arith.index_cast %get3A_632 : i32 to index
        %get3A_634 = arith.index_cast %add3A_596 : i32 to index
        %get3A_635 = arith.constant 32 : index
        %get3A_636 = tpu.vector_load %arg11[%get3A_633, %get3A_634, %get3A_635] {strides = array<i32>} : memref<4x80x64xf32, #tpu.memory_space<vmem>>, vector<16xf32>,
        %mul3A_637 = arith.mulf %get3A_631, %get3A_636 : vector<16xf32>
        %swap3A_638 = arith.constant 2 : i32
        %swap3A_639 = arith.index_cast %swap3A_638 : i32 to index
        %swap3A_640 = arith.index_cast %add3A_596 : i32 to index
        %swap3A_641 = arith.constant 32 : index
        %swap3A_642 = tpu.vector_load %arg10[%swap3A_639, %swap3A_640, %swap3A_641] {strides = array<i32>} : memref<4x80x64xf32, #tpu.memory_space<vmem>>, vector<16xf32>,
        tpu.vector_store %arg10[%swap3A_639, %swap3A_640, %swap3A_641], %mul3A_637 {strides = array<i32>} : memref<4x80x64xf32, #tpu.memory_space<vmem>>, vector<16xf32>,
        %get3A_643 = arith.constant 2 : i32
        %get3A_644 = arith.index_cast %get3A_643 : i32 to index
        %get3A_645 = arith.index_cast %add3A_596 : i32 to index
        %get3A_646 = arith.constant 48 : index
        %get3A_647 = tpu.vector_load %arg10[%get3A_644, %get3A_645, %get3A_646] {strides = array<i32>} : memref<4x80x64xf32, #tpu.memory_space<vmem>>, vector<16xf32>,
        %get3A_648 = arith.constant 2 : i32
        %get3A_649 = arith.index_cast %get3A_648 : i32 to index
        %get3A_650 = arith.index_cast %add3A_596 : i32 to index
        %get3A_651 = arith.constant 48 : index
        %get3A_652 = tpu.vector_load %arg11[%get3A_649, %get3A_650, %get3A_651] {strides = array<i32>} : memref<4x80x64xf32, #tpu.memory_space<vmem>>, vector<16xf32>,
        %mul3A_653 = arith.mulf %get3A_647, %get3A_652 : vector<16xf32>
        %swap3A_654 = arith.constant 2 : i32
        %swap3A_655 = arith.index_cast %swap3A_654 : i32 to index
        %swap3A_656 = arith.index_cast %add3A_596 : i32 to index
        %swap3A_657 = arith.constant 48 : index
        %swap3A_658 = tpu.vector_load %arg10[%swap3A_655, %swap3A_656, %swap3A_657] {strides = array<i32>} : memref<4x80x64xf32, #tpu.memory_space<vmem>>, vector<16xf32>,
        tpu.vector_store %arg10[%swap3A_655, %swap3A_656, %swap3A_657], %mul3A_653 {strides = array<i32>} : memref<4x80x64xf32, #tpu.memory_space<vmem>>, vector<16xf32>,
      }
      %scan3A_512 = arith.constant 80 : i32
      %dma_start3A_513 = arith.constant 2 : i32
      %dma_start3A_514 = arith.constant 2 : i32
      %dma_start3A_515 = arith.constant 0 : i32
      %dma_start3A_516 = arith.constant 0 : i32
      %dma_start3A_517 = tpu.memref_slice %arg10[%dma_start3A_513, %dma_start3A_515, %dma_start3A_516] : memref<4x80x64xf32, #tpu.memory_space<vmem>> -> memref<1x80x64xf32, #tpu.memory_space<vmem>>
      %dma_start3A_518 = tpu.memref_squeeze %dma_start3A_517 : memref<1x80x64xf32, #tpu.memory_space<vmem>> -> memref<80x64xf32, #tpu.memory_space<vmem>>
      %dma_start3A_519 = arith.constant 0 : i32
      %dma_start3A_520 = tpu.memref_slice %arg9[%add3A_472, %dma_start3A_519] : memref<125x80xi32, #tpu.memory_space<vmem>> -> memref<1x80xi32, #tpu.memory_space<vmem>>
      %dma_start3A_521 = tpu.memref_squeeze %dma_start3A_520 : memref<1x80xi32, #tpu.memory_space<vmem>> -> memref<80xi32, #tpu.memory_space<vmem>>
      %dma_start3A_522 = arith.constant 0 : i32
      %dma_start3A_523 = arith.constant 0 : i32
      %dma_start3A_524 = tpu.memref_slice %arg7[%dma_start3A_522, %dma_start3A_523] : memref<10000x64xf32, #tpu.memory_space<vmem_shared>> -> memref<10000x64xf32, #tpu.memory_space<vmem_shared>>
      %dma_start3A_525 = tpu.memref_slice %arg15[%dma_start3A_514] : memref<4x!tpu.dma_semaphore, #tpu.memory_space<semaphore_mem>> -> memref<1x!tpu.dma_semaphore, #tpu.memory_space<semaphore_mem>>
      %dma_start3A_526 = tpu.memref_squeeze %dma_start3A_525 : memref<1x!tpu.dma_semaphore, #tpu.memory_space<semaphore_mem>> -> memref<!tpu.dma_semaphore, #tpu.memory_space<semaphore_mem>>
      tpu.enqueue_indirect_dma source(%dma_start3A_518 : memref<80x64xf32, #tpu.memory_space<vmem>>) target(%dma_start3A_524 : memref<10000x64xf32, #tpu.memory_space<vmem_shared>>) offsets(%dma_start3A_521 : memref<80xi32, #tpu.memory_space<vmem>>) semaphore(%dma_start3A_526 : memref<!tpu.dma_semaphore, #tpu.memory_space<semaphore_mem>>) {add = true}
      %lt3A = arith.constant 30 : i32
      %lt3A_527 = arith.cmpi slt, %add3A_303, %lt3A : i32
      %convert_element_type3A_528 = arith.extui %lt3A_527 : i1 to i32
      %cond3A_529 = arith.constant 0 : i32
      %cond3A_530 = arith.cmpi ne, %convert_element_type3A_528, %cond3A_529 : i32
      scf.if %cond3A_530 {
        %add3A_592 = arith.constant 5 : i32
        %add3A_593 = arith.addi %mul3A_305, %add3A_592 : i32
        %dma_wait3A_594 = arith.constant 1 : i32
        %dma_wait3A_595 = arith.constant 1 : i32
        %dma_wait3A_596 = arith.constant 0 : i32
        %dma_wait3A_597 = arith.constant 0 : i32
        %dma_wait3A_598 = tpu.memref_slice %arg10[%dma_wait3A_594, %dma_wait3A_596, %dma_wait3A_597] : memref<4x80x64xf32, #tpu.memory_space<vmem>> -> memref<1x80x64xf32, #tpu.memory_space<vmem>>
        %dma_wait3A_599 = tpu.memref_squeeze %dma_wait3A_598 : memref<1x80x64xf32, #tpu.memory_space<vmem>> -> memref<80x64xf32, #tpu.memory_space<vmem>>
        %dma_wait3A_600 = arith.constant 0 : i32
        %dma_wait3A_601 = tpu.memref_slice %arg9[%add3A_593, %dma_wait3A_600] : memref<125x80xi32, #tpu.memory_space<vmem>> -> memref<1x80xi32, #tpu.memory_space<vmem>>
        %dma_wait3A_602 = tpu.memref_squeeze %dma_wait3A_601 : memref<1x80xi32, #tpu.memory_space<vmem>> -> memref<80xi32, #tpu.memory_space<vmem>>
        %dma_wait3A_603 = arith.constant 0 : i32
        %dma_wait3A_604 = arith.constant 0 : i32
        %dma_wait3A_605 = tpu.memref_slice %arg7[%dma_wait3A_603, %dma_wait3A_604] : memref<10000x64xf32, #tpu.memory_space<vmem_shared>> -> memref<10000x64xf32, #tpu.memory_space<vmem_shared>>
        %dma_wait3A_606 = tpu.memref_slice %arg15[%dma_wait3A_595] : memref<4x!tpu.dma_semaphore, #tpu.memory_space<semaphore_mem>> -> memref<1x!tpu.dma_semaphore, #tpu.memory_space<semaphore_mem>>
        %dma_wait3A_607 = tpu.memref_squeeze %dma_wait3A_606 : memref<1x!tpu.dma_semaphore, #tpu.memory_space<semaphore_mem>> -> memref<!tpu.dma_semaphore, #tpu.memory_space<semaphore_mem>>
        tpu.wait_indirect_dma semaphore(%dma_wait3A_607 : memref<!tpu.dma_semaphore, #tpu.memory_space<semaphore_mem>>) src(%dma_wait3A_599 : memref<80x64xf32, #tpu.memory_space<vmem>>) dst(%dma_wait3A_605 : memref<10000x64xf32, #tpu.memory_space<vmem_shared>>)
        %mul3A_608 = arith.constant 125 : i32
        %mul3A_609 = arith.muli %add3A, %mul3A_608 : i32
        %add3A_610 = arith.addi %mul3A_609, %add3A_593 : i32
        %mul3A_611 = arith.constant 80 : i32
        %mul3A_612 = arith.muli %add3A_610, %mul3A_611 : i32
        %dma_start3A_613 = arith.constant 1 : i32
        %dma_start3A_614 = arith.constant 1 : i32
        %dma_start3A_615 = arith.constant 0 : i32
        %dma_start3A_616 = arith.constant 0 : i32
        %dma_start3A_617 = tpu.memref_slice %arg11[%dma_start3A_613, %dma_start3A_615, %dma_start3A_616] : memref<4x80x64xf32, #tpu.memory_space<vmem>> -> memref<1x80x64xf32, #tpu.memory_space<vmem>>
        %dma_start3A_618 = tpu.memref_squeeze %dma_start3A_617 : memref<1x80x64xf32, #tpu.memory_space<vmem>> -> memref<80x64xf32, #tpu.memory_space<vmem>>
        %dma_start3A_619 = arith.constant 0 : i32
        %dma_start3A_620 = tpu.memref_slice %arg3[%mul3A_612, %dma_start3A_619] : memref<320000x64xf32, #tpu.memory_space<hbm>> -> memref<80x64xf32, #tpu.memory_space<hbm>>
        %dma_start3A_621 = tpu.memref_slice %arg14[%dma_start3A_614] : memref<4x!tpu.dma_semaphore, #tpu.memory_space<semaphore_mem>> -> memref<1x!tpu.dma_semaphore, #tpu.memory_space<semaphore_mem>>
        %dma_start3A_622 = tpu.memref_squeeze %dma_start3A_621 : memref<1x!tpu.dma_semaphore, #tpu.memory_space<semaphore_mem>> -> memref<!tpu.dma_semaphore, #tpu.memory_space<semaphore_mem>>
        %dma_start3A_623 = arith.constant 0 : i32
        %dma_start3A_624 = arith.constant 0 : i32
        %dma_start3A_625 = tpu.memref_slice %arg11[%dma_start3A_613, %dma_start3A_623, %dma_start3A_624] : memref<4x80x64xf32, #tpu.memory_space<vmem>> -> memref<1x80x64xf32, #tpu.memory_space<vmem>>
        %dma_start3A_626 = tpu.memref_squeeze %dma_start3A_625 : memref<1x80x64xf32, #tpu.memory_space<vmem>> -> memref<80x64xf32, #tpu.memory_space<vmem>>
        %dma_start3A_627 = arith.constant 0 : i32
        %dma_start3A_628 = tpu.memref_slice %arg3[%mul3A_612, %dma_start3A_627] : memref<320000x64xf32, #tpu.memory_space<hbm>> -> memref<80x64xf32, #tpu.memory_space<hbm>>
        tpu.enqueue_dma source(%dma_start3A_628 : memref<80x64xf32, #tpu.memory_space<hbm>>) target(%dma_start3A_626 : memref<80x64xf32, #tpu.memory_space<vmem>>) target_semaphore(%dma_start3A_622 : memref<!tpu.dma_semaphore, #tpu.memory_space<semaphore_mem>>)
        %dma_start3A_629 = arith.constant 1 : i32
        %dma_start3A_630 = arith.constant 1 : i32
        %dma_start3A_631 = arith.constant 0 : i32
        %dma_start3A_632 = arith.constant 0 : i32
        %dma_start3A_633 = tpu.memref_slice %arg10[%dma_start3A_629, %dma_start3A_631, %dma_start3A_632] : memref<4x80x64xf32, #tpu.memory_space<vmem>> -> memref<1x80x64xf32, #tpu.memory_space<vmem>>
        %dma_start3A_634 = tpu.memref_squeeze %dma_start3A_633 : memref<1x80x64xf32, #tpu.memory_space<vmem>> -> memref<80x64xf32, #tpu.memory_space<vmem>>
        %dma_start3A_635 = arith.constant 0 : i32
        %dma_start3A_636 = tpu.memref_slice %arg8[%add3A_593, %dma_start3A_635] : memref<125x80xi32, #tpu.memory_space<vmem>> -> memref<1x80xi32, #tpu.memory_space<vmem>>
        %dma_start3A_637 = tpu.memref_squeeze %dma_start3A_636 : memref<1x80xi32, #tpu.memory_space<vmem>> -> memref<80xi32, #tpu.memory_space<vmem>>
        %dma_start3A_638 = arith.constant 0 : i32
        %dma_start3A_639 = arith.constant 0 : i32
        %dma_start3A_640 = tpu.memref_slice %arg2[%dma_start3A_638, %dma_start3A_639] : memref<10000x64xf32, #tpu.memory_space<hbm>> -> memref<10000x64xf32, #tpu.memory_space<hbm>>
        %dma_start3A_641 = tpu.memref_slice %arg13[%dma_start3A_630] : memref<4x!tpu.dma_semaphore, #tpu.memory_space<semaphore_mem>> -> memref<1x!tpu.dma_semaphore, #tpu.memory_space<semaphore_mem>>
        %dma_start3A_642 = tpu.memref_squeeze %dma_start3A_641 : memref<1x!tpu.dma_semaphore, #tpu.memory_space<semaphore_mem>> -> memref<!tpu.dma_semaphore, #tpu.memory_space<semaphore_mem>>
        tpu.enqueue_indirect_dma source(%dma_start3A_640 : memref<10000x64xf32, #tpu.memory_space<hbm>>) target(%dma_start3A_634 : memref<80x64xf32, #tpu.memory_space<vmem>>) offsets(%dma_start3A_637 : memref<80xi32, #tpu.memory_space<vmem>>) semaphore(%dma_start3A_642 : memref<!tpu.dma_semaphore, #tpu.memory_space<semaphore_mem>>)
      } else {
      }
      %add3A_531 = arith.constant 3 : i32
      %add3A_532 = arith.addi %mul3A_305, %add3A_531 : i32
      %mul3A_533 = arith.constant 125 : i32
      %mul3A_534 = arith.muli %add3A, %mul3A_533 : i32
      %add3A_535 = arith.addi %mul3A_534, %add3A_532 : i32
      %mul3A_536 = arith.constant 80 : i32
      %mul3A_537 = arith.muli %add3A_535, %mul3A_536 : i32
      %dma_wait3A_538 = arith.constant 3 : i32
      %dma_wait3A_539 = arith.constant 3 : i32
      %dma_wait3A_540 = arith.constant 0 : i32
      %dma_wait3A_541 = arith.constant 0 : i32
      %dma_wait3A_542 = tpu.memref_slice %arg11[%dma_wait3A_538, %dma_wait3A_540, %dma_wait3A_541] : memref<4x80x64xf32, #tpu.memory_space<vmem>> -> memref<1x80x64xf32, #tpu.memory_space<vmem>>
      %dma_wait3A_543 = tpu.memref_squeeze %dma_wait3A_542 : memref<1x80x64xf32, #tpu.memory_space<vmem>> -> memref<80x64xf32, #tpu.memory_space<vmem>>
      %dma_wait3A_544 = arith.constant 0 : i32
      %dma_wait3A_545 = tpu.memref_slice %arg3[%mul3A_537, %dma_wait3A_544] : memref<320000x64xf32, #tpu.memory_space<hbm>> -> memref<80x64xf32, #tpu.memory_space<hbm>>
      %dma_wait3A_546 = tpu.memref_slice %arg14[%dma_wait3A_539] : memref<4x!tpu.dma_semaphore, #tpu.memory_space<semaphore_mem>> -> memref<1x!tpu.dma_semaphore, #tpu.memory_space<semaphore_mem>>
      %dma_wait3A_547 = tpu.memref_squeeze %dma_wait3A_546 : memref<1x!tpu.dma_semaphore, #tpu.memory_space<semaphore_mem>> -> memref<!tpu.dma_semaphore, #tpu.memory_space<semaphore_mem>>
      %dma_wait3A_548 = arith.constant 0 : i32
      %dma_wait3A_549 = arith.constant 0 : i32
      %dma_wait3A_550 = tpu.memref_slice %arg11[%dma_wait3A_538, %dma_wait3A_548, %dma_wait3A_549] : memref<4x80x64xf32, #tpu.memory_space<vmem>> -> memref<1x80x64xf32, #tpu.memory_space<vmem>>
      %dma_wait3A_551 = tpu.memref_squeeze %dma_wait3A_550 : memref<1x80x64xf32, #tpu.memory_space<vmem>> -> memref<80x64xf32, #tpu.memory_space<vmem>>
      %dma_wait3A_552 = arith.constant 0 : i32
      %dma_wait3A_553 = tpu.memref_slice %arg3[%mul3A_537, %dma_wait3A_552] : memref<320000x64xf32, #tpu.memory_space<hbm>> -> memref<80x64xf32, #tpu.memory_space<hbm>>
      tpu.wait_dma2 semaphore(%dma_wait3A_547 : memref<!tpu.dma_semaphore, #tpu.memory_space<semaphore_mem>>) src(%dma_wait3A_553 : memref<80x64xf32, #tpu.memory_space<hbm>>) dst(%dma_wait3A_551 : memref<80x64xf32, #tpu.memory_space<vmem>>)
      %dma_wait3A_554 = arith.constant 3 : i32
      %dma_wait3A_555 = arith.constant 3 : i32
      %dma_wait3A_556 = arith.constant 0 : i32
      %dma_wait3A_557 = arith.constant 0 : i32
      %dma_wait3A_558 = tpu.memref_slice %arg10[%dma_wait3A_554, %dma_wait3A_556, %dma_wait3A_557] : memref<4x80x64xf32, #tpu.memory_space<vmem>> -> memref<1x80x64xf32, #tpu.memory_space<vmem>>
      %dma_wait3A_559 = tpu.memref_squeeze %dma_wait3A_558 : memref<1x80x64xf32, #tpu.memory_space<vmem>> -> memref<80x64xf32, #tpu.memory_space<vmem>>
      %dma_wait3A_560 = arith.constant 0 : i32
      %dma_wait3A_561 = tpu.memref_slice %arg8[%add3A_532, %dma_wait3A_560] : memref<125x80xi32, #tpu.memory_space<vmem>> -> memref<1x80xi32, #tpu.memory_space<vmem>>
      %dma_wait3A_562 = tpu.memref_squeeze %dma_wait3A_561 : memref<1x80xi32, #tpu.memory_space<vmem>> -> memref<80xi32, #tpu.memory_space<vmem>>
      %dma_wait3A_563 = arith.constant 0 : i32
      %dma_wait3A_564 = arith.constant 0 : i32
      %dma_wait3A_565 = tpu.memref_slice %arg2[%dma_wait3A_563, %dma_wait3A_564] : memref<10000x64xf32, #tpu.memory_space<hbm>> -> memref<10000x64xf32, #tpu.memory_space<hbm>>
      %dma_wait3A_566 = tpu.memref_slice %arg13[%dma_wait3A_555] : memref<4x!tpu.dma_semaphore, #tpu.memory_space<semaphore_mem>> -> memref<1x!tpu.dma_semaphore, #tpu.memory_space<semaphore_mem>>
      %dma_wait3A_567 = tpu.memref_squeeze %dma_wait3A_566 : memref<1x!tpu.dma_semaphore, #tpu.memory_space<semaphore_mem>> -> memref<!tpu.dma_semaphore, #tpu.memory_space<semaphore_mem>>
      tpu.wait_indirect_dma semaphore(%dma_wait3A_567 : memref<!tpu.dma_semaphore, #tpu.memory_space<semaphore_mem>>) src(%dma_wait3A_565 : memref<10000x64xf32, #tpu.memory_space<hbm>>) dst(%dma_wait3A_559 : memref<80x64xf32, #tpu.memory_space<vmem>>)
      %scan3A_568 = arith.constant 0 : i32
      %scan3A_569 = arith.constant 80 : i32
      %scan3A_570 = arith.addi %scan3A_568, %scan3A_569 : i32
      %scan3A_571 = arith.constant 1 : i32
      scf.for %scan3A_592 = %scan3A_568 to %scan3A_570 step %scan3A_571  : i32 {
        %mul3A_593 = arith.constant 1 : i32
        %mul3A_594 = arith.muli %scan3A_592, %mul3A_593 : i32
        %add3A_595 = arith.constant 0 : i32
        %add3A_596 = arith.addi %add3A_595, %mul3A_594 : i32
        %get3A = arith.constant 3 : i32
        %get3A_597 = arith.index_cast %get3A : i32 to index
        %get3A_598 = arith.index_cast %add3A_596 : i32 to index
        %get3A_599 = arith.constant 0 : index
        %get3A_600 = tpu.vector_load %arg10[%get3A_597, %get3A_598, %get3A_599] {strides = array<i32>} : memref<4x80x64xf32, #tpu.memory_space<vmem>>, vector<16xf32>,
        %get3A_601 = arith.constant 3 : i32
        %get3A_602 = arith.index_cast %get3A_601 : i32 to index
        %get3A_603 = arith.index_cast %add3A_596 : i32 to index
        %get3A_604 = arith.constant 0 : index
        %get3A_605 = tpu.vector_load %arg11[%get3A_602, %get3A_603, %get3A_604] {strides = array<i32>} : memref<4x80x64xf32, #tpu.memory_space<vmem>>, vector<16xf32>,
        %mul3A_606 = arith.mulf %get3A_600, %get3A_605 : vector<16xf32>
        %swap3A = arith.constant 3 : i32
        %swap3A_607 = arith.index_cast %swap3A : i32 to index
        %swap3A_608 = arith.index_cast %add3A_596 : i32 to index
        %swap3A_609 = arith.constant 0 : index
        %swap3A_610 = tpu.vector_load %arg10[%swap3A_607, %swap3A_608, %swap3A_609] {strides = array<i32>} : memref<4x80x64xf32, #tpu.memory_space<vmem>>, vector<16xf32>,
        tpu.vector_store %arg10[%swap3A_607, %swap3A_608, %swap3A_609], %mul3A_606 {strides = array<i32>} : memref<4x80x64xf32, #tpu.memory_space<vmem>>, vector<16xf32>,
        %get3A_611 = arith.constant 3 : i32
        %get3A_612 = arith.index_cast %get3A_611 : i32 to index
        %get3A_613 = arith.index_cast %add3A_596 : i32 to index
        %get3A_614 = arith.constant 16 : index
        %get3A_615 = tpu.vector_load %arg10[%get3A_612, %get3A_613, %get3A_614] {strides = array<i32>} : memref<4x80x64xf32, #tpu.memory_space<vmem>>, vector<16xf32>,
        %get3A_616 = arith.constant 3 : i32
        %get3A_617 = arith.index_cast %get3A_616 : i32 to index
        %get3A_618 = arith.index_cast %add3A_596 : i32 to index
        %get3A_619 = arith.constant 16 : index
        %get3A_620 = tpu.vector_load %arg11[%get3A_617, %get3A_618, %get3A_619] {strides = array<i32>} : memref<4x80x64xf32, #tpu.memory_space<vmem>>, vector<16xf32>,
        %mul3A_621 = arith.mulf %get3A_615, %get3A_620 : vector<16xf32>
        %swap3A_622 = arith.constant 3 : i32
        %swap3A_623 = arith.index_cast %swap3A_622 : i32 to index
        %swap3A_624 = arith.index_cast %add3A_596 : i32 to index
        %swap3A_625 = arith.constant 16 : index
        %swap3A_626 = tpu.vector_load %arg10[%swap3A_623, %swap3A_624, %swap3A_625] {strides = array<i32>} : memref<4x80x64xf32, #tpu.memory_space<vmem>>, vector<16xf32>,
        tpu.vector_store %arg10[%swap3A_623, %swap3A_624, %swap3A_625], %mul3A_621 {strides = array<i32>} : memref<4x80x64xf32, #tpu.memory_space<vmem>>, vector<16xf32>,
        %get3A_627 = arith.constant 3 : i32
        %get3A_628 = arith.index_cast %get3A_627 : i32 to index
        %get3A_629 = arith.index_cast %add3A_596 : i32 to index
        %get3A_630 = arith.constant 32 : index
        %get3A_631 = tpu.vector_load %arg10[%get3A_628, %get3A_629, %get3A_630] {strides = array<i32>} : memref<4x80x64xf32, #tpu.memory_space<vmem>>, vector<16xf32>,
        %get3A_632 = arith.constant 3 : i32
        %get3A_633 = arith.index_cast %get3A_632 : i32 to index
        %get3A_634 = arith.index_cast %add3A_596 : i32 to index
        %get3A_635 = arith.constant 32 : index
        %get3A_636 = tpu.vector_load %arg11[%get3A_633, %get3A_634, %get3A_635] {strides = array<i32>} : memref<4x80x64xf32, #tpu.memory_space<vmem>>, vector<16xf32>,
        %mul3A_637 = arith.mulf %get3A_631, %get3A_636 : vector<16xf32>
        %swap3A_638 = arith.constant 3 : i32
        %swap3A_639 = arith.index_cast %swap3A_638 : i32 to index
        %swap3A_640 = arith.index_cast %add3A_596 : i32 to index
        %swap3A_641 = arith.constant 32 : index
        %swap3A_642 = tpu.vector_load %arg10[%swap3A_639, %swap3A_640, %swap3A_641] {strides = array<i32>} : memref<4x80x64xf32, #tpu.memory_space<vmem>>, vector<16xf32>,
        tpu.vector_store %arg10[%swap3A_639, %swap3A_640, %swap3A_641], %mul3A_637 {strides = array<i32>} : memref<4x80x64xf32, #tpu.memory_space<vmem>>, vector<16xf32>,
        %get3A_643 = arith.constant 3 : i32
        %get3A_644 = arith.index_cast %get3A_643 : i32 to index
        %get3A_645 = arith.index_cast %add3A_596 : i32 to index
        %get3A_646 = arith.constant 48 : index
        %get3A_647 = tpu.vector_load %arg10[%get3A_644, %get3A_645, %get3A_646] {strides = array<i32>} : memref<4x80x64xf32, #tpu.memory_space<vmem>>, vector<16xf32>,
        %get3A_648 = arith.constant 3 : i32
        %get3A_649 = arith.index_cast %get3A_648 : i32 to index
        %get3A_650 = arith.index_cast %add3A_596 : i32 to index
        %get3A_651 = arith.constant 48 : index
        %get3A_652 = tpu.vector_load %arg11[%get3A_649, %get3A_650, %get3A_651] {strides = array<i32>} : memref<4x80x64xf32, #tpu.memory_space<vmem>>, vector<16xf32>,
        %mul3A_653 = arith.mulf %get3A_647, %get3A_652 : vector<16xf32>
        %swap3A_654 = arith.constant 3 : i32
        %swap3A_655 = arith.index_cast %swap3A_654 : i32 to index
        %swap3A_656 = arith.index_cast %add3A_596 : i32 to index
        %swap3A_657 = arith.constant 48 : index
        %swap3A_658 = tpu.vector_load %arg10[%swap3A_655, %swap3A_656, %swap3A_657] {strides = array<i32>} : memref<4x80x64xf32, #tpu.memory_space<vmem>>, vector<16xf32>,
        tpu.vector_store %arg10[%swap3A_655, %swap3A_656, %swap3A_657], %mul3A_653 {strides = array<i32>} : memref<4x80x64xf32, #tpu.memory_space<vmem>>, vector<16xf32>,
      }
      %scan3A_572 = arith.constant 80 : i32
      %dma_start3A_573 = arith.constant 3 : i32
      %dma_start3A_574 = arith.constant 3 : i32
      %dma_start3A_575 = arith.constant 0 : i32
      %dma_start3A_576 = arith.constant 0 : i32
      %dma_start3A_577 = tpu.memref_slice %arg10[%dma_start3A_573, %dma_start3A_575, %dma_start3A_576] : memref<4x80x64xf32, #tpu.memory_space<vmem>> -> memref<1x80x64xf32, #tpu.memory_space<vmem>>
      %dma_start3A_578 = tpu.memref_squeeze %dma_start3A_577 : memref<1x80x64xf32, #tpu.memory_space<vmem>> -> memref<80x64xf32, #tpu.memory_space<vmem>>
      %dma_start3A_579 = arith.constant 0 : i32
      %dma_start3A_580 = tpu.memref_slice %arg9[%add3A_532, %dma_start3A_579] : memref<125x80xi32, #tpu.memory_space<vmem>> -> memref<1x80xi32, #tpu.memory_space<vmem>>
      %dma_start3A_581 = tpu.memref_squeeze %dma_start3A_580 : memref<1x80xi32, #tpu.memory_space<vmem>> -> memref<80xi32, #tpu.memory_space<vmem>>
      %dma_start3A_582 = arith.constant 0 : i32
      %dma_start3A_583 = arith.constant 0 : i32
      %dma_start3A_584 = tpu.memref_slice %arg7[%dma_start3A_582, %dma_start3A_583] : memref<10000x64xf32, #tpu.memory_space<vmem_shared>> -> memref<10000x64xf32, #tpu.memory_space<vmem_shared>>
      %dma_start3A_585 = tpu.memref_slice %arg15[%dma_start3A_574] : memref<4x!tpu.dma_semaphore, #tpu.memory_space<semaphore_mem>> -> memref<1x!tpu.dma_semaphore, #tpu.memory_space<semaphore_mem>>
      %dma_start3A_586 = tpu.memref_squeeze %dma_start3A_585 : memref<1x!tpu.dma_semaphore, #tpu.memory_space<semaphore_mem>> -> memref<!tpu.dma_semaphore, #tpu.memory_space<semaphore_mem>>
      tpu.enqueue_indirect_dma source(%dma_start3A_578 : memref<80x64xf32, #tpu.memory_space<vmem>>) target(%dma_start3A_584 : memref<10000x64xf32, #tpu.memory_space<vmem_shared>>) offsets(%dma_start3A_581 : memref<80xi32, #tpu.memory_space<vmem>>) semaphore(%dma_start3A_586 : memref<!tpu.dma_semaphore, #tpu.memory_space<semaphore_mem>>) {add = true}
      %lt3A_587 = arith.constant 30 : i32
      %lt3A_588 = arith.cmpi slt, %add3A_303, %lt3A_587 : i32
      %convert_element_type3A_589 = arith.extui %lt3A_588 : i1 to i32
      %cond3A_590 = arith.constant 0 : i32
      %cond3A_591 = arith.cmpi ne, %convert_element_type3A_589, %cond3A_590 : i32
      scf.if %cond3A_591 {
        %add3A_592 = arith.constant 6 : i32
        %add3A_593 = arith.addi %mul3A_305, %add3A_592 : i32
        %dma_wait3A_594 = arith.constant 2 : i32
        %dma_wait3A_595 = arith.constant 2 : i32
        %dma_wait3A_596 = arith.constant 0 : i32
        %dma_wait3A_597 = arith.constant 0 : i32
        %dma_wait3A_598 = tpu.memref_slice %arg10[%dma_wait3A_594, %dma_wait3A_596, %dma_wait3A_597] : memref<4x80x64xf32, #tpu.memory_space<vmem>> -> memref<1x80x64xf32, #tpu.memory_space<vmem>>
        %dma_wait3A_599 = tpu.memref_squeeze %dma_wait3A_598 : memref<1x80x64xf32, #tpu.memory_space<vmem>> -> memref<80x64xf32, #tpu.memory_space<vmem>>
        %dma_wait3A_600 = arith.constant 0 : i32
        %dma_wait3A_601 = tpu.memref_slice %arg9[%add3A_593, %dma_wait3A_600] : memref<125x80xi32, #tpu.memory_space<vmem>> -> memref<1x80xi32, #tpu.memory_space<vmem>>
        %dma_wait3A_602 = tpu.memref_squeeze %dma_wait3A_601 : memref<1x80xi32, #tpu.memory_space<vmem>> -> memref<80xi32, #tpu.memory_space<vmem>>
        %dma_wait3A_603 = arith.constant 0 : i32
        %dma_wait3A_604 = arith.constant 0 : i32
        %dma_wait3A_605 = tpu.memref_slice %arg7[%dma_wait3A_603, %dma_wait3A_604] : memref<10000x64xf32, #tpu.memory_space<vmem_shared>> -> memref<10000x64xf32, #tpu.memory_space<vmem_shared>>
        %dma_wait3A_606 = tpu.memref_slice %arg15[%dma_wait3A_595] : memref<4x!tpu.dma_semaphore, #tpu.memory_space<semaphore_mem>> -> memref<1x!tpu.dma_semaphore, #tpu.memory_space<semaphore_mem>>
        %dma_wait3A_607 = tpu.memref_squeeze %dma_wait3A_606 : memref<1x!tpu.dma_semaphore, #tpu.memory_space<semaphore_mem>> -> memref<!tpu.dma_semaphore, #tpu.memory_space<semaphore_mem>>
        tpu.wait_indirect_dma semaphore(%dma_wait3A_607 : memref<!tpu.dma_semaphore, #tpu.memory_space<semaphore_mem>>) src(%dma_wait3A_599 : memref<80x64xf32, #tpu.memory_space<vmem>>) dst(%dma_wait3A_605 : memref<10000x64xf32, #tpu.memory_space<vmem_shared>>)
        %mul3A_608 = arith.constant 125 : i32
        %mul3A_609 = arith.muli %add3A, %mul3A_608 : i32
        %add3A_610 = arith.addi %mul3A_609, %add3A_593 : i32
        %mul3A_611 = arith.constant 80 : i32
        %mul3A_612 = arith.muli %add3A_610, %mul3A_611 : i32
        %dma_start3A_613 = arith.constant 2 : i32
        %dma_start3A_614 = arith.constant 2 : i32
        %dma_start3A_615 = arith.constant 0 : i32
        %dma_start3A_616 = arith.constant 0 : i32
        %dma_start3A_617 = tpu.memref_slice %arg11[%dma_start3A_613, %dma_start3A_615, %dma_start3A_616] : memref<4x80x64xf32, #tpu.memory_space<vmem>> -> memref<1x80x64xf32, #tpu.memory_space<vmem>>
        %dma_start3A_618 = tpu.memref_squeeze %dma_start3A_617 : memref<1x80x64xf32, #tpu.memory_space<vmem>> -> memref<80x64xf32, #tpu.memory_space<vmem>>
        %dma_start3A_619 = arith.constant 0 : i32
        %dma_start3A_620 = tpu.memref_slice %arg3[%mul3A_612, %dma_start3A_619] : memref<320000x64xf32, #tpu.memory_space<hbm>> -> memref<80x64xf32, #tpu.memory_space<hbm>>
        %dma_start3A_621 = tpu.memref_slice %arg14[%dma_start3A_614] : memref<4x!tpu.dma_semaphore, #tpu.memory_space<semaphore_mem>> -> memref<1x!tpu.dma_semaphore, #tpu.memory_space<semaphore_mem>>
        %dma_start3A_622 = tpu.memref_squeeze %dma_start3A_621 : memref<1x!tpu.dma_semaphore, #tpu.memory_space<semaphore_mem>> -> memref<!tpu.dma_semaphore, #tpu.memory_space<semaphore_mem>>
        %dma_start3A_623 = arith.constant 0 : i32
        %dma_start3A_624 = arith.constant 0 : i32
        %dma_start3A_625 = tpu.memref_slice %arg11[%dma_start3A_613, %dma_start3A_623, %dma_start3A_624] : memref<4x80x64xf32, #tpu.memory_space<vmem>> -> memref<1x80x64xf32, #tpu.memory_space<vmem>>
        %dma_start3A_626 = tpu.memref_squeeze %dma_start3A_625 : memref<1x80x64xf32, #tpu.memory_space<vmem>> -> memref<80x64xf32, #tpu.memory_space<vmem>>
        %dma_start3A_627 = arith.constant 0 : i32
        %dma_start3A_628 = tpu.memref_slice %arg3[%mul3A_612, %dma_start3A_627] : memref<320000x64xf32, #tpu.memory_space<hbm>> -> memref<80x64xf32, #tpu.memory_space<hbm>>
        tpu.enqueue_dma source(%dma_start3A_628 : memref<80x64xf32, #tpu.memory_space<hbm>>) target(%dma_start3A_626 : memref<80x64xf32, #tpu.memory_space<vmem>>) target_semaphore(%dma_start3A_622 : memref<!tpu.dma_semaphore, #tpu.memory_space<semaphore_mem>>)
        %dma_start3A_629 = arith.constant 2 : i32
        %dma_start3A_630 = arith.constant 2 : i32
        %dma_start3A_631 = arith.constant 0 : i32
        %dma_start3A_632 = arith.constant 0 : i32
        %dma_start3A_633 = tpu.memref_slice %arg10[%dma_start3A_629, %dma_start3A_631, %dma_start3A_632] : memref<4x80x64xf32, #tpu.memory_space<vmem>> -> memref<1x80x64xf32, #tpu.memory_space<vmem>>
        %dma_start3A_634 = tpu.memref_squeeze %dma_start3A_633 : memref<1x80x64xf32, #tpu.memory_space<vmem>> -> memref<80x64xf32, #tpu.memory_space<vmem>>
        %dma_start3A_635 = arith.constant 0 : i32
        %dma_start3A_636 = tpu.memref_slice %arg8[%add3A_593, %dma_start3A_635] : memref<125x80xi32, #tpu.memory_space<vmem>> -> memref<1x80xi32, #tpu.memory_space<vmem>>
        %dma_start3A_637 = tpu.memref_squeeze %dma_start3A_636 : memref<1x80xi32, #tpu.memory_space<vmem>> -> memref<80xi32, #tpu.memory_space<vmem>>
        %dma_start3A_638 = arith.constant 0 : i32
        %dma_start3A_639 = arith.constant 0 : i32
        %dma_start3A_640 = tpu.memref_slice %arg2[%dma_start3A_638, %dma_start3A_639] : memref<10000x64xf32, #tpu.memory_space<hbm>> -> memref<10000x64xf32, #tpu.memory_space<hbm>>
        %dma_start3A_641 = tpu.memref_slice %arg13[%dma_start3A_630] : memref<4x!tpu.dma_semaphore, #tpu.memory_space<semaphore_mem>> -> memref<1x!tpu.dma_semaphore, #tpu.memory_space<semaphore_mem>>
        %dma_start3A_642 = tpu.memref_squeeze %dma_start3A_641 : memref<1x!tpu.dma_semaphore, #tpu.memory_space<semaphore_mem>> -> memref<!tpu.dma_semaphore, #tpu.memory_space<semaphore_mem>>
        tpu.enqueue_indirect_dma source(%dma_start3A_640 : memref<10000x64xf32, #tpu.memory_space<hbm>>) target(%dma_start3A_634 : memref<80x64xf32, #tpu.memory_space<vmem>>) offsets(%dma_start3A_637 : memref<80xi32, #tpu.memory_space<vmem>>) semaphore(%dma_start3A_642 : memref<!tpu.dma_semaphore, #tpu.memory_space<semaphore_mem>>)
      } else {
      }
    }
    %scan3A_177 = arith.constant 31 : i32
    %mul3A_178 = arith.constant 125 : i32
    %mul3A_179 = arith.muli %add3A, %mul3A_178 : i32
    %add3A_180 = arith.constant 124 : i32
    %add3A_181 = arith.addi %mul3A_179, %add3A_180 : i32
    %mul3A_182 = arith.constant 80 : i32
    %mul3A_183 = arith.muli %add3A_181, %mul3A_182 : i32
    %dma_wait3A = arith.constant 0 : i32
    %dma_wait3A_184 = arith.constant 0 : i32
    %dma_wait3A_185 = arith.constant 0 : i32
    %dma_wait3A_186 = arith.constant 0 : i32
    %dma_wait3A_187 = tpu.memref_slice %arg11[%dma_wait3A, %dma_wait3A_185, %dma_wait3A_186] : memref<4x80x64xf32, #tpu.memory_space<vmem>> -> memref<1x80x64xf32, #tpu.memory_space<vmem>>
    %dma_wait3A_188 = tpu.memref_squeeze %dma_wait3A_187 : memref<1x80x64xf32, #tpu.memory_space<vmem>> -> memref<80x64xf32, #tpu.memory_space<vmem>>
    %dma_wait3A_189 = arith.constant 0 : i32
    %dma_wait3A_190 = tpu.memref_slice %arg3[%mul3A_183, %dma_wait3A_189] : memref<320000x64xf32, #tpu.memory_space<hbm>> -> memref<80x64xf32, #tpu.memory_space<hbm>>
    %dma_wait3A_191 = tpu.memref_slice %arg14[%dma_wait3A_184] : memref<4x!tpu.dma_semaphore, #tpu.memory_space<semaphore_mem>> -> memref<1x!tpu.dma_semaphore, #tpu.memory_space<semaphore_mem>>
    %dma_wait3A_192 = tpu.memref_squeeze %dma_wait3A_191 : memref<1x!tpu.dma_semaphore, #tpu.memory_space<semaphore_mem>> -> memref<!tpu.dma_semaphore, #tpu.memory_space<semaphore_mem>>
    %dma_wait3A_193 = arith.constant 0 : i32
    %dma_wait3A_194 = arith.constant 0 : i32
    %dma_wait3A_195 = tpu.memref_slice %arg11[%dma_wait3A, %dma_wait3A_193, %dma_wait3A_194] : memref<4x80x64xf32, #tpu.memory_space<vmem>> -> memref<1x80x64xf32, #tpu.memory_space<vmem>>
    %dma_wait3A_196 = tpu.memref_squeeze %dma_wait3A_195 : memref<1x80x64xf32, #tpu.memory_space<vmem>> -> memref<80x64xf32, #tpu.memory_space<vmem>>
    %dma_wait3A_197 = arith.constant 0 : i32
    %dma_wait3A_198 = tpu.memref_slice %arg3[%mul3A_183, %dma_wait3A_197] : memref<320000x64xf32, #tpu.memory_space<hbm>> -> memref<80x64xf32, #tpu.memory_space<hbm>>
    tpu.wait_dma2 semaphore(%dma_wait3A_192 : memref<!tpu.dma_semaphore, #tpu.memory_space<semaphore_mem>>) src(%dma_wait3A_198 : memref<80x64xf32, #tpu.memory_space<hbm>>) dst(%dma_wait3A_196 : memref<80x64xf32, #tpu.memory_space<vmem>>)
    %dma_wait3A_199 = arith.constant 124 : i32
    %dma_wait3A_200 = arith.constant 0 : i32
    %dma_wait3A_201 = arith.constant 0 : i32
    %dma_wait3A_202 = arith.constant 0 : i32
    %dma_wait3A_203 = arith.constant 0 : i32
    %dma_wait3A_204 = tpu.memref_slice %arg10[%dma_wait3A_200, %dma_wait3A_202, %dma_wait3A_203] : memref<4x80x64xf32, #tpu.memory_space<vmem>> -> memref<1x80x64xf32, #tpu.memory_space<vmem>>
    %dma_wait3A_205 = tpu.memref_squeeze %dma_wait3A_204 : memref<1x80x64xf32, #tpu.memory_space<vmem>> -> memref<80x64xf32, #tpu.memory_space<vmem>>
    %dma_wait3A_206 = arith.constant 0 : i32
    %dma_wait3A_207 = tpu.memref_slice %arg8[%dma_wait3A_199, %dma_wait3A_206] : memref<125x80xi32, #tpu.memory_space<vmem>> -> memref<1x80xi32, #tpu.memory_space<vmem>>
    %dma_wait3A_208 = tpu.memref_squeeze %dma_wait3A_207 : memref<1x80xi32, #tpu.memory_space<vmem>> -> memref<80xi32, #tpu.memory_space<vmem>>
    %dma_wait3A_209 = arith.constant 0 : i32
    %dma_wait3A_210 = arith.constant 0 : i32
    %dma_wait3A_211 = tpu.memref_slice %arg2[%dma_wait3A_209, %dma_wait3A_210] : memref<10000x64xf32, #tpu.memory_space<hbm>> -> memref<10000x64xf32, #tpu.memory_space<hbm>>
    %dma_wait3A_212 = tpu.memref_slice %arg13[%dma_wait3A_201] : memref<4x!tpu.dma_semaphore, #tpu.memory_space<semaphore_mem>> -> memref<1x!tpu.dma_semaphore, #tpu.memory_space<semaphore_mem>>
    %dma_wait3A_213 = tpu.memref_squeeze %dma_wait3A_212 : memref<1x!tpu.dma_semaphore, #tpu.memory_space<semaphore_mem>> -> memref<!tpu.dma_semaphore, #tpu.memory_space<semaphore_mem>>
    tpu.wait_indirect_dma semaphore(%dma_wait3A_213 : memref<!tpu.dma_semaphore, #tpu.memory_space<semaphore_mem>>) src(%dma_wait3A_211 : memref<10000x64xf32, #tpu.memory_space<hbm>>) dst(%dma_wait3A_205 : memref<80x64xf32, #tpu.memory_space<vmem>>)
    %scan3A_214 = arith.constant 0 : i32
    %scan3A_215 = arith.constant 80 : i32
    %scan3A_216 = arith.addi %scan3A_214, %scan3A_215 : i32
    %scan3A_217 = arith.constant 1 : i32
    scf.for %scan3A_299 = %scan3A_214 to %scan3A_216 step %scan3A_217  : i32 {
      %mul3A_300 = arith.constant 1 : i32
      %mul3A_301 = arith.muli %scan3A_299, %mul3A_300 : i32
      %add3A_302 = arith.constant 0 : i32
      %add3A_303 = arith.addi %add3A_302, %mul3A_301 : i32
      %get3A = arith.constant 0 : i32
      %get3A_304 = arith.index_cast %get3A : i32 to index
      %get3A_305 = arith.index_cast %add3A_303 : i32 to index
      %get3A_306 = arith.constant 0 : index
      %get3A_307 = tpu.vector_load %arg10[%get3A_304, %get3A_305, %get3A_306] {strides = array<i32>} : memref<4x80x64xf32, #tpu.memory_space<vmem>>, vector<16xf32>,
      %get3A_308 = arith.constant 0 : i32
      %get3A_309 = arith.index_cast %get3A_308 : i32 to index
      %get3A_310 = arith.index_cast %add3A_303 : i32 to index
      %get3A_311 = arith.constant 0 : index
      %get3A_312 = tpu.vector_load %arg11[%get3A_309, %get3A_310, %get3A_311] {strides = array<i32>} : memref<4x80x64xf32, #tpu.memory_space<vmem>>, vector<16xf32>,
      %mul3A_313 = arith.mulf %get3A_307, %get3A_312 : vector<16xf32>
      %swap3A = arith.constant 0 : i32
      %swap3A_314 = arith.index_cast %swap3A : i32 to index
      %swap3A_315 = arith.index_cast %add3A_303 : i32 to index
      %swap3A_316 = arith.constant 0 : index
      %swap3A_317 = tpu.vector_load %arg10[%swap3A_314, %swap3A_315, %swap3A_316] {strides = array<i32>} : memref<4x80x64xf32, #tpu.memory_space<vmem>>, vector<16xf32>,
      tpu.vector_store %arg10[%swap3A_314, %swap3A_315, %swap3A_316], %mul3A_313 {strides = array<i32>} : memref<4x80x64xf32, #tpu.memory_space<vmem>>, vector<16xf32>,
      %get3A_318 = arith.constant 0 : i32
      %get3A_319 = arith.index_cast %get3A_318 : i32 to index
      %get3A_320 = arith.index_cast %add3A_303 : i32 to index
      %get3A_321 = arith.constant 16 : index
      %get3A_322 = tpu.vector_load %arg10[%get3A_319, %get3A_320, %get3A_321] {strides = array<i32>} : memref<4x80x64xf32, #tpu.memory_space<vmem>>, vector<16xf32>,
      %get3A_323 = arith.constant 0 : i32
      %get3A_324 = arith.index_cast %get3A_323 : i32 to index
      %get3A_325 = arith.index_cast %add3A_303 : i32 to index
      %get3A_326 = arith.constant 16 : index
      %get3A_327 = tpu.vector_load %arg11[%get3A_324, %get3A_325, %get3A_326] {strides = array<i32>} : memref<4x80x64xf32, #tpu.memory_space<vmem>>, vector<16xf32>,
      %mul3A_328 = arith.mulf %get3A_322, %get3A_327 : vector<16xf32>
      %swap3A_329 = arith.constant 0 : i32
      %swap3A_330 = arith.index_cast %swap3A_329 : i32 to index
      %swap3A_331 = arith.index_cast %add3A_303 : i32 to index
      %swap3A_332 = arith.constant 16 : index
      %swap3A_333 = tpu.vector_load %arg10[%swap3A_330, %swap3A_331, %swap3A_332] {strides = array<i32>} : memref<4x80x64xf32, #tpu.memory_space<vmem>>, vector<16xf32>,
      tpu.vector_store %arg10[%swap3A_330, %swap3A_331, %swap3A_332], %mul3A_328 {strides = array<i32>} : memref<4x80x64xf32, #tpu.memory_space<vmem>>, vector<16xf32>,
      %get3A_334 = arith.constant 0 : i32
      %get3A_335 = arith.index_cast %get3A_334 : i32 to index
      %get3A_336 = arith.index_cast %add3A_303 : i32 to index
      %get3A_337 = arith.constant 32 : index
      %get3A_338 = tpu.vector_load %arg10[%get3A_335, %get3A_336, %get3A_337] {strides = array<i32>} : memref<4x80x64xf32, #tpu.memory_space<vmem>>, vector<16xf32>,
      %get3A_339 = arith.constant 0 : i32
      %get3A_340 = arith.index_cast %get3A_339 : i32 to index
      %get3A_341 = arith.index_cast %add3A_303 : i32 to index
      %get3A_342 = arith.constant 32 : index
      %get3A_343 = tpu.vector_load %arg11[%get3A_340, %get3A_341, %get3A_342] {strides = array<i32>} : memref<4x80x64xf32, #tpu.memory_space<vmem>>, vector<16xf32>,
      %mul3A_344 = arith.mulf %get3A_338, %get3A_343 : vector<16xf32>
      %swap3A_345 = arith.constant 0 : i32
      %swap3A_346 = arith.index_cast %swap3A_345 : i32 to index
      %swap3A_347 = arith.index_cast %add3A_303 : i32 to index
      %swap3A_348 = arith.constant 32 : index
      %swap3A_349 = tpu.vector_load %arg10[%swap3A_346, %swap3A_347, %swap3A_348] {strides = array<i32>} : memref<4x80x64xf32, #tpu.memory_space<vmem>>, vector<16xf32>,
      tpu.vector_store %arg10[%swap3A_346, %swap3A_347, %swap3A_348], %mul3A_344 {strides = array<i32>} : memref<4x80x64xf32, #tpu.memory_space<vmem>>, vector<16xf32>,
      %get3A_350 = arith.constant 0 : i32
      %get3A_351 = arith.index_cast %get3A_350 : i32 to index
      %get3A_352 = arith.index_cast %add3A_303 : i32 to index
      %get3A_353 = arith.constant 48 : index
      %get3A_354 = tpu.vector_load %arg10[%get3A_351, %get3A_352, %get3A_353] {strides = array<i32>} : memref<4x80x64xf32, #tpu.memory_space<vmem>>, vector<16xf32>,
      %get3A_355 = arith.constant 0 : i32
      %get3A_356 = arith.index_cast %get3A_355 : i32 to index
      %get3A_357 = arith.index_cast %add3A_303 : i32 to index
      %get3A_358 = arith.constant 48 : index
      %get3A_359 = tpu.vector_load %arg11[%get3A_356, %get3A_357, %get3A_358] {strides = array<i32>} : memref<4x80x64xf32, #tpu.memory_space<vmem>>, vector<16xf32>,
      %mul3A_360 = arith.mulf %get3A_354, %get3A_359 : vector<16xf32>
      %swap3A_361 = arith.constant 0 : i32
      %swap3A_362 = arith.index_cast %swap3A_361 : i32 to index
      %swap3A_363 = arith.index_cast %add3A_303 : i32 to index
      %swap3A_364 = arith.constant 48 : index
      %swap3A_365 = tpu.vector_load %arg10[%swap3A_362, %swap3A_363, %swap3A_364] {strides = array<i32>} : memref<4x80x64xf32, #tpu.memory_space<vmem>>, vector<16xf32>,
      tpu.vector_store %arg10[%swap3A_362, %swap3A_363, %swap3A_364], %mul3A_360 {strides = array<i32>} : memref<4x80x64xf32, #tpu.memory_space<vmem>>, vector<16xf32>,
    }
    %scan3A_218 = arith.constant 80 : i32
    %dma_start3A_219 = arith.constant 0 : i32
    %dma_start3A_220 = arith.constant 124 : i32
    %dma_start3A_221 = arith.constant 0 : i32
    %dma_start3A_222 = arith.constant 0 : i32
    %dma_start3A_223 = arith.constant 0 : i32
    %dma_start3A_224 = tpu.memref_slice %arg10[%dma_start3A_219, %dma_start3A_222, %dma_start3A_223] : memref<4x80x64xf32, #tpu.memory_space<vmem>> -> memref<1x80x64xf32, #tpu.memory_space<vmem>>
    %dma_start3A_225 = tpu.memref_squeeze %dma_start3A_224 : memref<1x80x64xf32, #tpu.memory_space<vmem>> -> memref<80x64xf32, #tpu.memory_space<vmem>>
    %dma_start3A_226 = arith.constant 0 : i32
    %dma_start3A_227 = tpu.memref_slice %arg9[%dma_start3A_220, %dma_start3A_226] : memref<125x80xi32, #tpu.memory_space<vmem>> -> memref<1x80xi32, #tpu.memory_space<vmem>>
    %dma_start3A_228 = tpu.memref_squeeze %dma_start3A_227 : memref<1x80xi32, #tpu.memory_space<vmem>> -> memref<80xi32, #tpu.memory_space<vmem>>
    %dma_start3A_229 = arith.constant 0 : i32
    %dma_start3A_230 = arith.constant 0 : i32
    %dma_start3A_231 = tpu.memref_slice %arg7[%dma_start3A_229, %dma_start3A_230] : memref<10000x64xf32, #tpu.memory_space<vmem_shared>> -> memref<10000x64xf32, #tpu.memory_space<vmem_shared>>
    %dma_start3A_232 = tpu.memref_slice %arg15[%dma_start3A_221] : memref<4x!tpu.dma_semaphore, #tpu.memory_space<semaphore_mem>> -> memref<1x!tpu.dma_semaphore, #tpu.memory_space<semaphore_mem>>
    %dma_start3A_233 = tpu.memref_squeeze %dma_start3A_232 : memref<1x!tpu.dma_semaphore, #tpu.memory_space<semaphore_mem>> -> memref<!tpu.dma_semaphore, #tpu.memory_space<semaphore_mem>>
    tpu.enqueue_indirect_dma source(%dma_start3A_225 : memref<80x64xf32, #tpu.memory_space<vmem>>) target(%dma_start3A_231 : memref<10000x64xf32, #tpu.memory_space<vmem_shared>>) offsets(%dma_start3A_228 : memref<80xi32, #tpu.memory_space<vmem>>) semaphore(%dma_start3A_233 : memref<!tpu.dma_semaphore, #tpu.memory_space<semaphore_mem>>) {add = true}
    %dma_wait3A_234 = arith.constant 1 : i32
    %dma_wait3A_235 = arith.constant 121 : i32
    %dma_wait3A_236 = arith.constant 1 : i32
    %dma_wait3A_237 = arith.constant 0 : i32
    %dma_wait3A_238 = arith.constant 0 : i32
    %dma_wait3A_239 = tpu.memref_slice %arg10[%dma_wait3A_234, %dma_wait3A_237, %dma_wait3A_238] : memref<4x80x64xf32, #tpu.memory_space<vmem>> -> memref<1x80x64xf32, #tpu.memory_space<vmem>>
    %dma_wait3A_240 = tpu.memref_squeeze %dma_wait3A_239 : memref<1x80x64xf32, #tpu.memory_space<vmem>> -> memref<80x64xf32, #tpu.memory_space<vmem>>
    %dma_wait3A_241 = arith.constant 0 : i32
    %dma_wait3A_242 = tpu.memref_slice %arg9[%dma_wait3A_235, %dma_wait3A_241] : memref<125x80xi32, #tpu.memory_space<vmem>> -> memref<1x80xi32, #tpu.memory_space<vmem>>
    %dma_wait3A_243 = tpu.memref_squeeze %dma_wait3A_242 : memref<1x80xi32, #tpu.memory_space<vmem>> -> memref<80xi32, #tpu.memory_space<vmem>>
    %dma_wait3A_244 = arith.constant 0 : i32
    %dma_wait3A_245 = arith.constant 0 : i32
    %dma_wait3A_246 = tpu.memref_slice %arg7[%dma_wait3A_244, %dma_wait3A_245] : memref<10000x64xf32, #tpu.memory_space<vmem_shared>> -> memref<10000x64xf32, #tpu.memory_space<vmem_shared>>
    %dma_wait3A_247 = tpu.memref_slice %arg15[%dma_wait3A_236] : memref<4x!tpu.dma_semaphore, #tpu.memory_space<semaphore_mem>> -> memref<1x!tpu.dma_semaphore, #tpu.memory_space<semaphore_mem>>
    %dma_wait3A_248 = tpu.memref_squeeze %dma_wait3A_247 : memref<1x!tpu.dma_semaphore, #tpu.memory_space<semaphore_mem>> -> memref<!tpu.dma_semaphore, #tpu.memory_space<semaphore_mem>>
    tpu.wait_indirect_dma semaphore(%dma_wait3A_248 : memref<!tpu.dma_semaphore, #tpu.memory_space<semaphore_mem>>) src(%dma_wait3A_240 : memref<80x64xf32, #tpu.memory_space<vmem>>) dst(%dma_wait3A_246 : memref<10000x64xf32, #tpu.memory_space<vmem_shared>>)
    %dma_wait3A_249 = arith.constant 2 : i32
    %dma_wait3A_250 = arith.constant 122 : i32
    %dma_wait3A_251 = arith.constant 2 : i32
    %dma_wait3A_252 = arith.constant 0 : i32
    %dma_wait3A_253 = arith.constant 0 : i32
    %dma_wait3A_254 = tpu.memref_slice %arg10[%dma_wait3A_249, %dma_wait3A_252, %dma_wait3A_253] : memref<4x80x64xf32, #tpu.memory_space<vmem>> -> memref<1x80x64xf32, #tpu.memory_space<vmem>>
    %dma_wait3A_255 = tpu.memref_squeeze %dma_wait3A_254 : memref<1x80x64xf32, #tpu.memory_space<vmem>> -> memref<80x64xf32, #tpu.memory_space<vmem>>
    %dma_wait3A_256 = arith.constant 0 : i32
    %dma_wait3A_257 = tpu.memref_slice %arg9[%dma_wait3A_250, %dma_wait3A_256] : memref<125x80xi32, #tpu.memory_space<vmem>> -> memref<1x80xi32, #tpu.memory_space<vmem>>
    %dma_wait3A_258 = tpu.memref_squeeze %dma_wait3A_257 : memref<1x80xi32, #tpu.memory_space<vmem>> -> memref<80xi32, #tpu.memory_space<vmem>>
    %dma_wait3A_259 = arith.constant 0 : i32
    %dma_wait3A_260 = arith.constant 0 : i32
    %dma_wait3A_261 = tpu.memref_slice %arg7[%dma_wait3A_259, %dma_wait3A_260] : memref<10000x64xf32, #tpu.memory_space<vmem_shared>> -> memref<10000x64xf32, #tpu.memory_space<vmem_shared>>
    %dma_wait3A_262 = tpu.memref_slice %arg15[%dma_wait3A_251] : memref<4x!tpu.dma_semaphore, #tpu.memory_space<semaphore_mem>> -> memref<1x!tpu.dma_semaphore, #tpu.memory_space<semaphore_mem>>
    %dma_wait3A_263 = tpu.memref_squeeze %dma_wait3A_262 : memref<1x!tpu.dma_semaphore, #tpu.memory_space<semaphore_mem>> -> memref<!tpu.dma_semaphore, #tpu.memory_space<semaphore_mem>>
    tpu.wait_indirect_dma semaphore(%dma_wait3A_263 : memref<!tpu.dma_semaphore, #tpu.memory_space<semaphore_mem>>) src(%dma_wait3A_255 : memref<80x64xf32, #tpu.memory_space<vmem>>) dst(%dma_wait3A_261 : memref<10000x64xf32, #tpu.memory_space<vmem_shared>>)
    %dma_wait3A_264 = arith.constant 3 : i32
    %dma_wait3A_265 = arith.constant 123 : i32
    %dma_wait3A_266 = arith.constant 3 : i32
    %dma_wait3A_267 = arith.constant 0 : i32
    %dma_wait3A_268 = arith.constant 0 : i32
    %dma_wait3A_269 = tpu.memref_slice %arg10[%dma_wait3A_264, %dma_wait3A_267, %dma_wait3A_268] : memref<4x80x64xf32, #tpu.memory_space<vmem>> -> memref<1x80x64xf32, #tpu.memory_space<vmem>>
    %dma_wait3A_270 = tpu.memref_squeeze %dma_wait3A_269 : memref<1x80x64xf32, #tpu.memory_space<vmem>> -> memref<80x64xf32, #tpu.memory_space<vmem>>
    %dma_wait3A_271 = arith.constant 0 : i32
    %dma_wait3A_272 = tpu.memref_slice %arg9[%dma_wait3A_265, %dma_wait3A_271] : memref<125x80xi32, #tpu.memory_space<vmem>> -> memref<1x80xi32, #tpu.memory_space<vmem>>
    %dma_wait3A_273 = tpu.memref_squeeze %dma_wait3A_272 : memref<1x80xi32, #tpu.memory_space<vmem>> -> memref<80xi32, #tpu.memory_space<vmem>>
    %dma_wait3A_274 = arith.constant 0 : i32
    %dma_wait3A_275 = arith.constant 0 : i32
    %dma_wait3A_276 = tpu.memref_slice %arg7[%dma_wait3A_274, %dma_wait3A_275] : memref<10000x64xf32, #tpu.memory_space<vmem_shared>> -> memref<10000x64xf32, #tpu.memory_space<vmem_shared>>
    %dma_wait3A_277 = tpu.memref_slice %arg15[%dma_wait3A_266] : memref<4x!tpu.dma_semaphore, #tpu.memory_space<semaphore_mem>> -> memref<1x!tpu.dma_semaphore, #tpu.memory_space<semaphore_mem>>
    %dma_wait3A_278 = tpu.memref_squeeze %dma_wait3A_277 : memref<1x!tpu.dma_semaphore, #tpu.memory_space<semaphore_mem>> -> memref<!tpu.dma_semaphore, #tpu.memory_space<semaphore_mem>>
    tpu.wait_indirect_dma semaphore(%dma_wait3A_278 : memref<!tpu.dma_semaphore, #tpu.memory_space<semaphore_mem>>) src(%dma_wait3A_270 : memref<80x64xf32, #tpu.memory_space<vmem>>) dst(%dma_wait3A_276 : memref<10000x64xf32, #tpu.memory_space<vmem_shared>>)
    %dma_wait3A_279 = arith.constant 0 : i32
    %dma_wait3A_280 = arith.constant 124 : i32
    %dma_wait3A_281 = arith.constant 0 : i32
    %dma_wait3A_282 = arith.constant 0 : i32
    %dma_wait3A_283 = arith.constant 0 : i32
    %dma_wait3A_284 = tpu.memref_slice %arg10[%dma_wait3A_279, %dma_wait3A_282, %dma_wait3A_283] : memref<4x80x64xf32, #tpu.memory_space<vmem>> -> memref<1x80x64xf32, #tpu.memory_space<vmem>>
    %dma_wait3A_285 = tpu.memref_squeeze %dma_wait3A_284 : memref<1x80x64xf32, #tpu.memory_space<vmem>> -> memref<80x64xf32, #tpu.memory_space<vmem>>
    %dma_wait3A_286 = arith.constant 0 : i32
    %dma_wait3A_287 = tpu.memref_slice %arg9[%dma_wait3A_280, %dma_wait3A_286] : memref<125x80xi32, #tpu.memory_space<vmem>> -> memref<1x80xi32, #tpu.memory_space<vmem>>
    %dma_wait3A_288 = tpu.memref_squeeze %dma_wait3A_287 : memref<1x80xi32, #tpu.memory_space<vmem>> -> memref<80xi32, #tpu.memory_space<vmem>>
    %dma_wait3A_289 = arith.constant 0 : i32
    %dma_wait3A_290 = arith.constant 0 : i32
    %dma_wait3A_291 = tpu.memref_slice %arg7[%dma_wait3A_289, %dma_wait3A_290] : memref<10000x64xf32, #tpu.memory_space<vmem_shared>> -> memref<10000x64xf32, #tpu.memory_space<vmem_shared>>
    %dma_wait3A_292 = tpu.memref_slice %arg15[%dma_wait3A_281] : memref<4x!tpu.dma_semaphore, #tpu.memory_space<semaphore_mem>> -> memref<1x!tpu.dma_semaphore, #tpu.memory_space<semaphore_mem>>
    %dma_wait3A_293 = tpu.memref_squeeze %dma_wait3A_292 : memref<1x!tpu.dma_semaphore, #tpu.memory_space<semaphore_mem>> -> memref<!tpu.dma_semaphore, #tpu.memory_space<semaphore_mem>>
    tpu.wait_indirect_dma semaphore(%dma_wait3A_293 : memref<!tpu.dma_semaphore, #tpu.memory_space<semaphore_mem>>) src(%dma_wait3A_285 : memref<80x64xf32, #tpu.memory_space<vmem>>) dst(%dma_wait3A_291 : memref<10000x64xf32, #tpu.memory_space<vmem_shared>>)
    %barrier3A_294 = arith.constant 0 : index
    tpu.barrier barrier_id(%barrier3A_294)
    %mul3A_295 = arith.constant 625 : i32
    %mul3A_296 = arith.muli %arg1, %mul3A_295 : i32
    %mul3A_297 = arith.constant 625 : i32
    %mul3A_298 = arith.muli %arg1, %mul3A_297 : i32
    "tpu.region"() ({
      %run_scoped3A = tpu.sem_alloc : memref<!tpu.dma_semaphore, #tpu.memory_space<semaphore_mem>>
      %dma_start3A_299 = arith.constant 0 : i32
      %dma_start3A_300 = tpu.memref_slice %arg6[%arg0, %mul3A_298, %dma_start3A_299] : memref<2x10000x64xf32, #tpu.memory_space<hbm>> -> memref<1x625x64xf32, #tpu.memory_space<hbm>>
      %dma_start3A_301 = tpu.memref_squeeze %dma_start3A_300 : memref<1x625x64xf32, #tpu.memory_space<hbm>> -> memref<625x64xf32, #tpu.memory_space<hbm>>
      %dma_start3A_302 = arith.constant 0 : i32
      %dma_start3A_303 = tpu.memref_slice %arg7[%mul3A_296, %dma_start3A_302] : memref<10000x64xf32, #tpu.memory_space<vmem_shared>> -> memref<625x64xf32, #tpu.memory_space<vmem_shared>>
      tpu.enqueue_dma source(%dma_start3A_303 : memref<625x64xf32, #tpu.memory_space<vmem_shared>>) target(%dma_start3A_301 : memref<625x64xf32, #tpu.memory_space<hbm>>) target_semaphore(%run_scoped3A : memref<!tpu.dma_semaphore, #tpu.memory_space<semaphore_mem>>)
      %dma_wait3A_304 = arith.constant 0 : i32
      %dma_wait3A_305 = tpu.memref_slice %arg6[%arg0, %mul3A_298, %dma_wait3A_304] : memref<2x10000x64xf32, #tpu.memory_space<hbm>> -> memref<1x625x64xf32, #tpu.memory_space<hbm>>
      %dma_wait3A_306 = tpu.memref_squeeze %dma_wait3A_305 : memref<1x625x64xf32, #tpu.memory_space<hbm>> -> memref<625x64xf32, #tpu.memory_space<hbm>>
      %dma_wait3A_307 = arith.constant 0 : i32
      %dma_wait3A_308 = tpu.memref_slice %arg7[%mul3A_296, %dma_wait3A_307] : memref<10000x64xf32, #tpu.memory_space<vmem_shared>> -> memref<625x64xf32, #tpu.memory_space<vmem_shared>>
      tpu.wait_dma2 semaphore(%run_scoped3A : memref<!tpu.dma_semaphore, #tpu.memory_space<semaphore_mem>>) src(%dma_wait3A_308 : memref<625x64xf32, #tpu.memory_space<vmem_shared>>) dst(%dma_wait3A_306 : memref<625x64xf32, #tpu.memory_space<hbm>>)
      tpu.yield
    }) : () -> ()
    return
  }
}

module attributes {stable_mosaic.version = 14 : i64} {
  func.func @_embed_body(%arg0: memref<10000x1xi32, #tpu.memory_space<vmem>>, %arg1: memref<128x5xf32, #tpu.memory_space<vmem>>, %arg2: memref<5x128xf32, #tpu.memory_space<vmem>>, %arg3: memref<1x128xf32, #tpu.memory_space<vmem>>, %arg4: memref<128x64xf32, #tpu.memory_space<vmem>>, %arg5: memref<10000x128xf32, #tpu.memory_space<vmem>>, %arg6: memref<10000x64xf32, #tpu.memory_space<vmem>>) attributes {dimension_semantics = [], scalar_prefetch = 0 : i64, scratch_operands = 0 : i64, tpu.core_type = #tpu.core_type<tc>} {
    %get3A = arith.constant 0 : index
    %get3A_0 = arith.constant 0 : index
    %get3A_1 = vector.load %arg0[%get3A, %get3A_0] : memref<10000x1xi32, #tpu.memory_space<vmem>>, vector<10000x1xi32>
    %iota3A = tpu.iota {dimensions = array<i32: 1>} : vector<10000x128xi32>
    %eq3A = vector.broadcast %get3A_1 : vector<10000x1xi32> to vector<10000x128xi32>
    %eq3A_2 = arith.cmpi eq, %iota3A, %eq3A : vector<10000x128xi32>
    %convert_element_type3A = arith.extui %eq3A_2 : vector<10000x128xi1> to vector<10000x128xi32>
    %convert_element_type3A_3 = arith.sitofp %convert_element_type3A : vector<10000x128xi32> to vector<10000x128xf32>
    %get3A_4 = arith.constant 0 : index
    %get3A_5 = arith.constant 0 : index
    %get3A_6 = vector.load %arg1[%get3A_4, %get3A_5] : memref<128x5xf32, #tpu.memory_space<vmem>>, vector<128x5xf32>
    %get3A_7 = arith.constant 0 : index
    %get3A_8 = arith.constant 0 : index
    %get3A_9 = vector.load %arg2[%get3A_7, %get3A_8] : memref<5x128xf32, #tpu.memory_space<vmem>>, vector<5x128xf32>
    %dot_general3A = arith.constant dense<0.000000e+00> : vector<128x128xf32>
    %dot_general3A_10 = tpu.matmul %get3A_6, %get3A_9, %dot_general3A {dimension_numbers = #tpu.dot_dimension_numbers<[1], [0], [0], [1], [0, 0, 1, 1], [], []>, transpose_lhs_hint = false} : vector<128x5xf32>, vector<5x128xf32>, vector<128x128xf32> -> vector<128x128xf32>
    %dot_general3A_11 = arith.constant dense<0.000000e+00> : vector<10000x128xf32>
    %dot_general3A_12 = tpu.matmul %convert_element_type3A_3, %dot_general3A_10, %dot_general3A_11 {dimension_numbers = #tpu.dot_dimension_numbers<[1], [0], [0], [1], [0, 0, 1, 1], [], []>, transpose_lhs_hint = false} : vector<10000x128xf32>, vector<128x128xf32>, vector<10000x128xf32> -> vector<10000x128xf32>
    %get3A_13 = arith.constant 0 : index
    %get3A_14 = arith.constant 0 : index
    %get3A_15 = vector.load %arg3[%get3A_13, %get3A_14] : memref<1x128xf32, #tpu.memory_space<vmem>>, vector<1x128xf32>
    %add3A = vector.broadcast %get3A_15 : vector<1x128xf32> to vector<10000x128xf32>
    %add3A_16 = arith.addf %dot_general3A_12, %add3A : vector<10000x128xf32>
    %swap3A = arith.constant 0 : index
    %swap3A_17 = arith.constant 0 : index
    %swap3A_18 = vector.load %arg5[%swap3A, %swap3A_17] : memref<10000x128xf32, #tpu.memory_space<vmem>>, vector<10000x128xf32>
    tpu.vector_store %arg5[%swap3A, %swap3A_17], %add3A_16 {strides = array<i32>} : memref<10000x128xf32, #tpu.memory_space<vmem>>, vector<10000x128xf32>,
    %get3A_19 = arith.constant 0 : index
    %get3A_20 = arith.constant 0 : index
    %get3A_21 = vector.load %arg4[%get3A_19, %get3A_20] : memref<128x64xf32, #tpu.memory_space<vmem>>, vector<128x64xf32>
    %dot_general3A_22 = arith.constant dense<0.000000e+00> : vector<10000x64xf32>
    %dot_general3A_23 = tpu.matmul %add3A_16, %get3A_21, %dot_general3A_22 {dimension_numbers = #tpu.dot_dimension_numbers<[1], [0], [0], [1], [0, 0, 1, 1], [], []>, transpose_lhs_hint = false} : vector<10000x128xf32>, vector<128x64xf32>, vector<10000x64xf32> -> vector<10000x64xf32>
    %swap3A_24 = arith.constant 0 : index
    %swap3A_25 = arith.constant 0 : index
    %swap3A_26 = vector.load %arg6[%swap3A_24, %swap3A_25] : memref<10000x64xf32, #tpu.memory_space<vmem>>, vector<10000x64xf32>
    tpu.vector_store %arg6[%swap3A_24, %swap3A_25], %dot_general3A_23 {strides = array<i32>} : memref<10000x64xf32, #tpu.memory_space<vmem>>, vector<10000x64xf32>,
    return
  }
}

module attributes {stable_mosaic.version = 14 : i64} {
  func.func @_ef_body(%arg0: i32, %arg1: memref<1x1x8000xf32, #tpu.memory_space<vmem>>, %arg2: memref<32x64xf32, #tpu.memory_space<vmem>>, %arg3: memref<32x64xf32, #tpu.memory_space<vmem>>, %arg4: memref<8000x64xf32, #tpu.memory_space<vmem>>, %arg5: memref<8000x64xf32, #tpu.memory_space<vmem>>) attributes {dimension_semantics = [#tpu.dimension_semantics<arbitrary>], iteration_bounds = array<i64: 40>, scalar_prefetch = 0 : i64, scratch_operands = 0 : i64, tpu.core_type = #tpu.core_type<tc>, window_params = [{transform_indices = @transform_0, window_bounds = array<i64: 1, 1, 8000>}, {pipeline_mode = #tpu.pipeline_mode<synchronous>, transform_indices = @transform_1, window_bounds = array<i64: 32, 64>}, {pipeline_mode = #tpu.pipeline_mode<synchronous>, transform_indices = @transform_2, window_bounds = array<i64: 32, 64>}, {transform_indices = @transform_3, window_bounds = array<i64: 8000, 64>}, {transform_indices = @transform_4, window_bounds = array<i64: 8000, 64>}]} {
    %get3A = arith.constant 0 : index
    %get3A_0 = arith.constant 0 : index
    %get3A_1 = arith.constant 0 : index
    %get3A_2 = vector.load %arg1[%get3A, %get3A_0, %get3A_1] : memref<1x1x8000xf32, #tpu.memory_space<vmem>>, vector<1x1x8000xf32>
    %reshape3A = vector.shape_cast %get3A_2 : vector<1x1x8000xf32> to vector<1x8000xf32>
    %add3A = arith.constant 9.99999996E-13 : f32
    %add3A_3 = vector.broadcast %add3A : f32 to vector<1x8000xf32>
    %add3A_4 = arith.addf %reshape3A, %add3A_3 : vector<1x8000xf32>
    %sqrt3A = math.sqrt %add3A_4 : vector<1x8000xf32>
    %iota3A = tpu.iota {dimensions = array<i32: 0>} : vector<32x1xi32>
    %convert_element_type3A = arith.sitofp %iota3A : vector<32x1xi32> to vector<32x1xf32>
    %mul3A = arith.constant 0.161290318 : f32
    %mul3A_5 = vector.broadcast %mul3A : f32 to vector<32x1xf32>
    %mul3A_6 = arith.mulf %convert_element_type3A, %mul3A_5 : vector<32x1xf32>
    %sub3A = vector.broadcast %sqrt3A : vector<1x8000xf32> to vector<32x8000xf32>
    %sub3A_7 = vector.broadcast %mul3A_6 : vector<32x1xf32> to vector<32x8000xf32>
    %sub3A_8 = arith.subf %sub3A, %sub3A_7 : vector<32x8000xf32>
    %integer_pow3A = arith.mulf %sub3A_8, %sub3A_8 : vector<32x8000xf32>
    %mul3A_9 = arith.constant -19.2200012 : f32
    %mul3A_10 = vector.broadcast %mul3A_9 : f32 to vector<32x8000xf32>
    %mul3A_11 = arith.mulf %mul3A_10, %integer_pow3A : vector<32x8000xf32>
    %exp3A = math.exp %mul3A_11 : vector<32x8000xf32>
    %transpose3A = tpu.transpose %exp3A, [1, 0] : vector<32x8000xf32> -> vector<8000x32xf32>
    %get3A_12 = arith.constant 0 : index
    %get3A_13 = arith.constant 0 : index
    %get3A_14 = vector.load %arg2[%get3A_12, %get3A_13] : memref<32x64xf32, #tpu.memory_space<vmem>>, vector<32x64xf32>
    %dot_general3A = arith.constant dense<0.000000e+00> : vector<8000x64xf32>
    %dot_general3A_15 = tpu.matmul %transpose3A, %get3A_14, %dot_general3A {dimension_numbers = #tpu.dot_dimension_numbers<[1], [0], [0], [1], [0, 0, 1, 1], [], []>, transpose_lhs_hint = false} : vector<8000x32xf32>, vector<32x64xf32>, vector<8000x64xf32> -> vector<8000x64xf32>
    %logistic3A = arith.negf %dot_general3A_15 : vector<8000x64xf32>
    %logistic3A_16 = math.exp %logistic3A : vector<8000x64xf32>
    %logistic3A_17 = arith.constant 1.000000e+00 : f32
    %logistic3A_18 = vector.broadcast %logistic3A_17 : f32 to vector<8000x64xf32>
    %logistic3A_19 = arith.addf %logistic3A_18, %logistic3A_16 : vector<8000x64xf32>
    %logistic3A_20 = arith.divf %logistic3A_18, %logistic3A_19 : vector<8000x64xf32>
    %mul3A_21 = arith.mulf %dot_general3A_15, %logistic3A_20 : vector<8000x64xf32>
    %swap3A = arith.constant 0 : index
    %swap3A_22 = arith.constant 0 : index
    %swap3A_23 = vector.load %arg4[%swap3A, %swap3A_22] : memref<8000x64xf32, #tpu.memory_space<vmem>>, vector<8000x64xf32>
    tpu.vector_store %arg4[%swap3A, %swap3A_22], %mul3A_21 {strides = array<i32>} : memref<8000x64xf32, #tpu.memory_space<vmem>>, vector<8000x64xf32>,
    %get3A_24 = arith.constant 0 : index
    %get3A_25 = arith.constant 0 : index
    %get3A_26 = vector.load %arg3[%get3A_24, %get3A_25] : memref<32x64xf32, #tpu.memory_space<vmem>>, vector<32x64xf32>
    %dot_general3A_27 = arith.constant dense<0.000000e+00> : vector<8000x64xf32>
    %dot_general3A_28 = tpu.matmul %transpose3A, %get3A_26, %dot_general3A_27 {dimension_numbers = #tpu.dot_dimension_numbers<[1], [0], [0], [1], [0, 0, 1, 1], [], []>, transpose_lhs_hint = false} : vector<8000x32xf32>, vector<32x64xf32>, vector<8000x64xf32> -> vector<8000x64xf32>
    %logistic3A_29 = arith.negf %dot_general3A_28 : vector<8000x64xf32>
    %logistic3A_30 = math.exp %logistic3A_29 : vector<8000x64xf32>
    %logistic3A_31 = arith.constant 1.000000e+00 : f32
    %logistic3A_32 = vector.broadcast %logistic3A_31 : f32 to vector<8000x64xf32>
    %logistic3A_33 = arith.addf %logistic3A_32, %logistic3A_30 : vector<8000x64xf32>
    %logistic3A_34 = arith.divf %logistic3A_32, %logistic3A_33 : vector<8000x64xf32>
    %mul3A_35 = arith.mulf %dot_general3A_28, %logistic3A_34 : vector<8000x64xf32>
    %swap3A_36 = arith.constant 0 : index
    %swap3A_37 = arith.constant 0 : index
    %swap3A_38 = vector.load %arg5[%swap3A_36, %swap3A_37] : memref<8000x64xf32, #tpu.memory_space<vmem>>, vector<8000x64xf32>
    tpu.vector_store %arg5[%swap3A_36, %swap3A_37], %mul3A_35 {strides = array<i32>} : memref<8000x64xf32, #tpu.memory_space<vmem>>, vector<8000x64xf32>,
    return
  }
  func.func @transform_0(%arg0: i32) -> (i32, i32, i32) {
    %c0_i32 = arith.constant 0 : i32
    %c0_i32_0 = arith.constant 0 : i32
    %c0_i32_1 = arith.constant 0 : i32
    return %arg0, %c0_i32, %c0_i32_0 : i32, i32, i32
  }
  func.func @transform_1(%arg0: i32) -> (i32, i32) {
    %c0_i32 = arith.constant 0 : i32
    %c0_i32_0 = arith.constant 0 : i32
    %c0_i32_1 = arith.constant 0 : i32
    return %c0_i32, %c0_i32_0 : i32, i32
  }
  func.func @transform_2(%arg0: i32) -> (i32, i32) {
    %c0_i32 = arith.constant 0 : i32
    %c0_i32_0 = arith.constant 0 : i32
    %c0_i32_1 = arith.constant 0 : i32
    return %c0_i32, %c0_i32_0 : i32, i32
  }
  func.func @transform_3(%arg0: i32) -> (i32, i32) {
    %c0_i32 = arith.constant 0 : i32
    %c0_i32_0 = arith.constant 0 : i32
    return %arg0, %c0_i32 : i32, i32
  }
  func.func @transform_4(%arg0: i32) -> (i32, i32) {
    %c0_i32 = arith.constant 0 : i32
    %c0_i32_0 = arith.constant 0 : i32
    return %arg0, %c0_i32 : i32, i32
  }
}

module attributes {stable_mosaic.version = 14 : i64} {
  func.func @_upd_body(%arg0: memref<10000x128xf32, #tpu.memory_space<vmem>>, %arg1: memref<10000x64xf32, #tpu.memory_space<vmem>>, %arg2: memref<10000x64xf32, #tpu.memory_space<vmem>>, %arg3: memref<64x128xf32, #tpu.memory_space<vmem>>, %arg4: memref<128x128xf32, #tpu.memory_space<vmem>>, %arg5: memref<1x128xf32, #tpu.memory_space<vmem>>, %arg6: memref<128x128xf32, #tpu.memory_space<vmem>>, %arg7: memref<1x128xf32, #tpu.memory_space<vmem>>, %arg8: memref<128x64xf32, #tpu.memory_space<vmem>>, %arg9: memref<10000x128xf32, #tpu.memory_space<vmem>>, %arg10: memref<10000x64xf32, #tpu.memory_space<vmem>>) attributes {dimension_semantics = [], scalar_prefetch = 0 : i64, scratch_operands = 0 : i64, tpu.core_type = #tpu.core_type<tc>} {
    %get3A = arith.constant 0 : index
    %get3A_0 = arith.constant 0 : index
    %get3A_1 = vector.load %arg1[%get3A, %get3A_0] : memref<10000x64xf32, #tpu.memory_space<vmem>>, vector<10000x64xf32>
    %get3A_2 = arith.constant 0 : index
    %get3A_3 = arith.constant 0 : index
    %get3A_4 = vector.load %arg2[%get3A_2, %get3A_3] : memref<10000x64xf32, #tpu.memory_space<vmem>>, vector<10000x64xf32>
    %add3A = arith.addf %get3A_1, %get3A_4 : vector<10000x64xf32>
    %get3A_5 = arith.constant 0 : index
    %get3A_6 = arith.constant 0 : index
    %get3A_7 = vector.load %arg0[%get3A_5, %get3A_6] : memref<10000x128xf32, #tpu.memory_space<vmem>>, vector<10000x128xf32>
    %get3A_8 = arith.constant 0 : index
    %get3A_9 = arith.constant 0 : index
    %get3A_10 = vector.load %arg3[%get3A_8, %get3A_9] : memref<64x128xf32, #tpu.memory_space<vmem>>, vector<64x128xf32>
    %dot_general3A = arith.constant dense<0.000000e+00> : vector<10000x128xf32>
    %dot_general3A_11 = tpu.matmul %add3A, %get3A_10, %dot_general3A {dimension_numbers = #tpu.dot_dimension_numbers<[1], [0], [0], [1], [0, 0, 1, 1], [], []>, transpose_lhs_hint = false} : vector<10000x64xf32>, vector<64x128xf32>, vector<10000x128xf32> -> vector<10000x128xf32>
    %add3A_12 = arith.addf %get3A_7, %dot_general3A_11 : vector<10000x128xf32>
    %get3A_13 = arith.constant 0 : index
    %get3A_14 = arith.constant 0 : index
    %get3A_15 = vector.load %arg4[%get3A_13, %get3A_14] : memref<128x128xf32, #tpu.memory_space<vmem>>, vector<128x128xf32>
    %dot_general3A_16 = arith.constant dense<0.000000e+00> : vector<10000x128xf32>
    %dot_general3A_17 = tpu.matmul %add3A_12, %get3A_15, %dot_general3A_16 {dimension_numbers = #tpu.dot_dimension_numbers<[1], [0], [0], [1], [0, 0, 1, 1], [], []>, transpose_lhs_hint = false} : vector<10000x128xf32>, vector<128x128xf32>, vector<10000x128xf32> -> vector<10000x128xf32>
    %get3A_18 = arith.constant 0 : index
    %get3A_19 = arith.constant 0 : index
    %get3A_20 = vector.load %arg5[%get3A_18, %get3A_19] : memref<1x128xf32, #tpu.memory_space<vmem>>, vector<1x128xf32>
    %add3A_21 = vector.broadcast %get3A_20 : vector<1x128xf32> to vector<10000x128xf32>
    %add3A_22 = arith.addf %dot_general3A_17, %add3A_21 : vector<10000x128xf32>
    %integer_pow3A = arith.mulf %add3A_22, %add3A_22 : vector<10000x128xf32>
    %integer_pow3A_23 = arith.mulf %add3A_22, %integer_pow3A : vector<10000x128xf32>
    %mul3A = arith.constant 4.471500e-02 : f32
    %mul3A_24 = vector.broadcast %mul3A : f32 to vector<10000x128xf32>
    %mul3A_25 = arith.mulf %mul3A_24, %integer_pow3A_23 : vector<10000x128xf32>
    %add3A_26 = arith.addf %add3A_22, %mul3A_25 : vector<10000x128xf32>
    %mul3A_27 = arith.constant 0.797884583 : f32
    %mul3A_28 = vector.broadcast %mul3A_27 : f32 to vector<10000x128xf32>
    %mul3A_29 = arith.mulf %mul3A_28, %add3A_26 : vector<10000x128xf32>
    %tanh3A = math.tanh %mul3A_29 : vector<10000x128xf32>
    %add3A_30 = arith.constant 1.000000e+00 : f32
    %add3A_31 = vector.broadcast %add3A_30 : f32 to vector<10000x128xf32>
    %add3A_32 = arith.addf %add3A_31, %tanh3A : vector<10000x128xf32>
    %mul3A_33 = arith.constant 5.000000e-01 : f32
    %mul3A_34 = vector.broadcast %mul3A_33 : f32 to vector<10000x128xf32>
    %mul3A_35 = arith.mulf %mul3A_34, %add3A_32 : vector<10000x128xf32>
    %mul3A_36 = arith.mulf %add3A_22, %mul3A_35 : vector<10000x128xf32>
    %get3A_37 = arith.constant 0 : index
    %get3A_38 = arith.constant 0 : index
    %get3A_39 = vector.load %arg6[%get3A_37, %get3A_38] : memref<128x128xf32, #tpu.memory_space<vmem>>, vector<128x128xf32>
    %dot_general3A_40 = arith.constant dense<0.000000e+00> : vector<10000x128xf32>
    %dot_general3A_41 = tpu.matmul %mul3A_36, %get3A_39, %dot_general3A_40 {dimension_numbers = #tpu.dot_dimension_numbers<[1], [0], [0], [1], [0, 0, 1, 1], [], []>, transpose_lhs_hint = false} : vector<10000x128xf32>, vector<128x128xf32>, vector<10000x128xf32> -> vector<10000x128xf32>
    %add3A_42 = arith.addf %add3A_12, %dot_general3A_41 : vector<10000x128xf32>
    %get3A_43 = arith.constant 0 : index
    %get3A_44 = arith.constant 0 : index
    %get3A_45 = vector.load %arg7[%get3A_43, %get3A_44] : memref<1x128xf32, #tpu.memory_space<vmem>>, vector<1x128xf32>
    %add3A_46 = vector.broadcast %get3A_45 : vector<1x128xf32> to vector<10000x128xf32>
    %add3A_47 = arith.addf %add3A_42, %add3A_46 : vector<10000x128xf32>
    %swap3A = arith.constant 0 : index
    %swap3A_48 = arith.constant 0 : index
    %swap3A_49 = vector.load %arg9[%swap3A, %swap3A_48] : memref<10000x128xf32, #tpu.memory_space<vmem>>, vector<10000x128xf32>
    tpu.vector_store %arg9[%swap3A, %swap3A_48], %add3A_47 {strides = array<i32>} : memref<10000x128xf32, #tpu.memory_space<vmem>>, vector<10000x128xf32>,
    %get3A_50 = arith.constant 0 : index
    %get3A_51 = arith.constant 0 : index
    %get3A_52 = vector.load %arg8[%get3A_50, %get3A_51] : memref<128x64xf32, #tpu.memory_space<vmem>>, vector<128x64xf32>
    %dot_general3A_53 = arith.constant dense<0.000000e+00> : vector<10000x64xf32>
    %dot_general3A_54 = tpu.matmul %add3A_47, %get3A_52, %dot_general3A_53 {dimension_numbers = #tpu.dot_dimension_numbers<[1], [0], [0], [1], [0, 0, 1, 1], [], []>, transpose_lhs_hint = false} : vector<10000x128xf32>, vector<128x64xf32>, vector<10000x64xf32> -> vector<10000x64xf32>
    %swap3A_55 = arith.constant 0 : index
    %swap3A_56 = arith.constant 0 : index
    %swap3A_57 = vector.load %arg10[%swap3A_55, %swap3A_56] : memref<10000x64xf32, #tpu.memory_space<vmem>>, vector<10000x64xf32>
    tpu.vector_store %arg10[%swap3A_55, %swap3A_56], %dot_general3A_54 {strides = array<i32>} : memref<10000x64xf32, #tpu.memory_space<vmem>>, vector<10000x64xf32>,
    return
  }
}

module attributes {stable_mosaic.version = 14 : i64} {
  func.func @_fin_body(%arg0: memref<10000x128xf32, #tpu.memory_space<vmem>>, %arg1: memref<10000x64xf32, #tpu.memory_space<vmem>>, %arg2: memref<10000x64xf32, #tpu.memory_space<vmem>>, %arg3: memref<64x128xf32, #tpu.memory_space<vmem>>, %arg4: memref<128x128xf32, #tpu.memory_space<vmem>>, %arg5: memref<1x128xf32, #tpu.memory_space<vmem>>, %arg6: memref<128x128xf32, #tpu.memory_space<vmem>>, %arg7: memref<1x128xf32, #tpu.memory_space<vmem>>, %arg8: memref<10000x1xi32, #tpu.memory_space<vmem>>, %arg9: memref<128x128xf32, #tpu.memory_space<vmem>>, %arg10: memref<1x128xf32, #tpu.memory_space<vmem>>, %arg11: memref<128x128xf32, #tpu.memory_space<vmem>>, %arg12: memref<1x128xf32, #tpu.memory_space<vmem>>, %arg13: memref<128x10xf32, #tpu.memory_space<vmem>>, %arg14: memref<1x10xf32, #tpu.memory_space<vmem>>, %arg15: memref<64x10xf32, #tpu.memory_space<vmem>>) attributes {dimension_semantics = [], scalar_prefetch = 0 : i64, scratch_operands = 0 : i64, tpu.core_type = #tpu.core_type<tc>} {
    %get3A = arith.constant 0 : index
    %get3A_0 = arith.constant 0 : index
    %get3A_1 = vector.load %arg1[%get3A, %get3A_0] : memref<10000x64xf32, #tpu.memory_space<vmem>>, vector<10000x64xf32>
    %get3A_2 = arith.constant 0 : index
    %get3A_3 = arith.constant 0 : index
    %get3A_4 = vector.load %arg2[%get3A_2, %get3A_3] : memref<10000x64xf32, #tpu.memory_space<vmem>>, vector<10000x64xf32>
    %add3A = arith.addf %get3A_1, %get3A_4 : vector<10000x64xf32>
    %get3A_5 = arith.constant 0 : index
    %get3A_6 = arith.constant 0 : index
    %get3A_7 = vector.load %arg0[%get3A_5, %get3A_6] : memref<10000x128xf32, #tpu.memory_space<vmem>>, vector<10000x128xf32>
    %get3A_8 = arith.constant 0 : index
    %get3A_9 = arith.constant 0 : index
    %get3A_10 = vector.load %arg3[%get3A_8, %get3A_9] : memref<64x128xf32, #tpu.memory_space<vmem>>, vector<64x128xf32>
    %dot_general3A = arith.constant dense<0.000000e+00> : vector<10000x128xf32>
    %dot_general3A_11 = tpu.matmul %add3A, %get3A_10, %dot_general3A {dimension_numbers = #tpu.dot_dimension_numbers<[1], [0], [0], [1], [0, 0, 1, 1], [], []>, transpose_lhs_hint = false} : vector<10000x64xf32>, vector<64x128xf32>, vector<10000x128xf32> -> vector<10000x128xf32>
    %add3A_12 = arith.addf %get3A_7, %dot_general3A_11 : vector<10000x128xf32>
    %get3A_13 = arith.constant 0 : index
    %get3A_14 = arith.constant 0 : index
    %get3A_15 = vector.load %arg4[%get3A_13, %get3A_14] : memref<128x128xf32, #tpu.memory_space<vmem>>, vector<128x128xf32>
    %dot_general3A_16 = arith.constant dense<0.000000e+00> : vector<10000x128xf32>
    %dot_general3A_17 = tpu.matmul %add3A_12, %get3A_15, %dot_general3A_16 {dimension_numbers = #tpu.dot_dimension_numbers<[1], [0], [0], [1], [0, 0, 1, 1], [], []>, transpose_lhs_hint = false} : vector<10000x128xf32>, vector<128x128xf32>, vector<10000x128xf32> -> vector<10000x128xf32>
    %get3A_18 = arith.constant 0 : index
    %get3A_19 = arith.constant 0 : index
    %get3A_20 = vector.load %arg5[%get3A_18, %get3A_19] : memref<1x128xf32, #tpu.memory_space<vmem>>, vector<1x128xf32>
    %add3A_21 = vector.broadcast %get3A_20 : vector<1x128xf32> to vector<10000x128xf32>
    %add3A_22 = arith.addf %dot_general3A_17, %add3A_21 : vector<10000x128xf32>
    %integer_pow3A = arith.mulf %add3A_22, %add3A_22 : vector<10000x128xf32>
    %integer_pow3A_23 = arith.mulf %add3A_22, %integer_pow3A : vector<10000x128xf32>
    %mul3A = arith.constant 4.471500e-02 : f32
    %mul3A_24 = vector.broadcast %mul3A : f32 to vector<10000x128xf32>
    %mul3A_25 = arith.mulf %mul3A_24, %integer_pow3A_23 : vector<10000x128xf32>
    %add3A_26 = arith.addf %add3A_22, %mul3A_25 : vector<10000x128xf32>
    %mul3A_27 = arith.constant 0.797884583 : f32
    %mul3A_28 = vector.broadcast %mul3A_27 : f32 to vector<10000x128xf32>
    %mul3A_29 = arith.mulf %mul3A_28, %add3A_26 : vector<10000x128xf32>
    %tanh3A = math.tanh %mul3A_29 : vector<10000x128xf32>
    %add3A_30 = arith.constant 1.000000e+00 : f32
    %add3A_31 = vector.broadcast %add3A_30 : f32 to vector<10000x128xf32>
    %add3A_32 = arith.addf %add3A_31, %tanh3A : vector<10000x128xf32>
    %mul3A_33 = arith.constant 5.000000e-01 : f32
    %mul3A_34 = vector.broadcast %mul3A_33 : f32 to vector<10000x128xf32>
    %mul3A_35 = arith.mulf %mul3A_34, %add3A_32 : vector<10000x128xf32>
    %mul3A_36 = arith.mulf %add3A_22, %mul3A_35 : vector<10000x128xf32>
    %get3A_37 = arith.constant 0 : index
    %get3A_38 = arith.constant 0 : index
    %get3A_39 = vector.load %arg6[%get3A_37, %get3A_38] : memref<128x128xf32, #tpu.memory_space<vmem>>, vector<128x128xf32>
    %dot_general3A_40 = arith.constant dense<0.000000e+00> : vector<10000x128xf32>
    %dot_general3A_41 = tpu.matmul %mul3A_36, %get3A_39, %dot_general3A_40 {dimension_numbers = #tpu.dot_dimension_numbers<[1], [0], [0], [1], [0, 0, 1, 1], [], []>, transpose_lhs_hint = false} : vector<10000x128xf32>, vector<128x128xf32>, vector<10000x128xf32> -> vector<10000x128xf32>
    %add3A_42 = arith.addf %add3A_12, %dot_general3A_41 : vector<10000x128xf32>
    %get3A_43 = arith.constant 0 : index
    %get3A_44 = arith.constant 0 : index
    %get3A_45 = vector.load %arg7[%get3A_43, %get3A_44] : memref<1x128xf32, #tpu.memory_space<vmem>>, vector<1x128xf32>
    %add3A_46 = vector.broadcast %get3A_45 : vector<1x128xf32> to vector<10000x128xf32>
    %add3A_47 = arith.addf %add3A_42, %add3A_46 : vector<10000x128xf32>
    %iota3A = tpu.iota {dimensions = array<i32: 1>} : vector<10000x64xi32>
    %get3A_48 = arith.constant 0 : index
    %get3A_49 = arith.constant 0 : index
    %get3A_50 = vector.load %arg8[%get3A_48, %get3A_49] : memref<10000x1xi32, #tpu.memory_space<vmem>>, vector<10000x1xi32>
    %eq3A = vector.broadcast %get3A_50 : vector<10000x1xi32> to vector<10000x64xi32>
    %eq3A_51 = arith.cmpi eq, %iota3A, %eq3A : vector<10000x64xi32>
    %convert_element_type3A = arith.extui %eq3A_51 : vector<10000x64xi1> to vector<10000x64xi32>
    %convert_element_type3A_52 = arith.sitofp %convert_element_type3A : vector<10000x64xi32> to vector<10000x64xf32>
    %dot_general3A_53 = arith.constant dense<0.000000e+00> : vector<64x128xf32>
    %dot_general3A_54 = tpu.matmul %convert_element_type3A_52, %add3A_47, %dot_general3A_53 {dimension_numbers = #tpu.dot_dimension_numbers<[0], [0], [1], [1], [0, 1, 1, 1], [], []>, transpose_lhs_hint = false} : vector<10000x64xf32>, vector<10000x128xf32>, vector<64x128xf32> -> vector<64x128xf32>
    %broadcast_in_dim3A = arith.constant 1.000000e+00 : f32
    %broadcast_in_dim3A_55 = vector.broadcast %broadcast_in_dim3A : f32 to vector<10000x8xf32>
    %dot_general3A_56 = arith.constant dense<0.000000e+00> : vector<64x8xf32>
    %dot_general3A_57 = tpu.matmul %convert_element_type3A_52, %broadcast_in_dim3A_55, %dot_general3A_56 {dimension_numbers = #tpu.dot_dimension_numbers<[0], [0], [1], [1], [0, 1, 1, 1], [], []>, transpose_lhs_hint = false} : vector<10000x64xf32>, vector<10000x8xf32>, vector<64x8xf32> -> vector<64x8xf32>
    %slice3A = vector.extract_strided_slice %dot_general3A_57 {offsets = [0, 0], sizes = [64, 1], strides = [1, 1]} : vector<64x8xf32> to vector<64x1xf32>
    %max3A = arith.constant 1.000000e+00 : f32
    %max3A_58 = vector.broadcast %max3A : f32 to vector<64x1xf32>
    %max3A_59 = arith.maximumf %slice3A, %max3A_58 : vector<64x1xf32>
    %div3A = vector.broadcast %max3A_59 : vector<64x1xf32> to vector<64x128xf32>
    %div3A_60 = arith.divf %dot_general3A_54, %div3A : vector<64x128xf32>
    %get3A_61 = arith.constant 0 : index
    %get3A_62 = arith.constant 0 : index
    %get3A_63 = vector.load %arg9[%get3A_61, %get3A_62] : memref<128x128xf32, #tpu.memory_space<vmem>>, vector<128x128xf32>
    %dot_general3A_64 = arith.constant dense<0.000000e+00> : vector<64x128xf32>
    %dot_general3A_65 = tpu.matmul %div3A_60, %get3A_63, %dot_general3A_64 {dimension_numbers = #tpu.dot_dimension_numbers<[1], [0], [0], [1], [0, 0, 1, 1], [], []>, transpose_lhs_hint = false} : vector<64x128xf32>, vector<128x128xf32>, vector<64x128xf32> -> vector<64x128xf32>
    %get3A_66 = arith.constant 0 : index
    %get3A_67 = arith.constant 0 : index
    %get3A_68 = vector.load %arg10[%get3A_66, %get3A_67] : memref<1x128xf32, #tpu.memory_space<vmem>>, vector<1x128xf32>
    %add3A_69 = vector.broadcast %get3A_68 : vector<1x128xf32> to vector<64x128xf32>
    %add3A_70 = arith.addf %dot_general3A_65, %add3A_69 : vector<64x128xf32>
    %integer_pow3A_71 = arith.mulf %add3A_70, %add3A_70 : vector<64x128xf32>
    %integer_pow3A_72 = arith.mulf %add3A_70, %integer_pow3A_71 : vector<64x128xf32>
    %mul3A_73 = arith.constant 4.471500e-02 : f32
    %mul3A_74 = vector.broadcast %mul3A_73 : f32 to vector<64x128xf32>
    %mul3A_75 = arith.mulf %mul3A_74, %integer_pow3A_72 : vector<64x128xf32>
    %add3A_76 = arith.addf %add3A_70, %mul3A_75 : vector<64x128xf32>
    %mul3A_77 = arith.constant 0.797884583 : f32
    %mul3A_78 = vector.broadcast %mul3A_77 : f32 to vector<64x128xf32>
    %mul3A_79 = arith.mulf %mul3A_78, %add3A_76 : vector<64x128xf32>
    %tanh3A_80 = math.tanh %mul3A_79 : vector<64x128xf32>
    %add3A_81 = arith.constant 1.000000e+00 : f32
    %add3A_82 = vector.broadcast %add3A_81 : f32 to vector<64x128xf32>
    %add3A_83 = arith.addf %add3A_82, %tanh3A_80 : vector<64x128xf32>
    %mul3A_84 = arith.constant 5.000000e-01 : f32
    %mul3A_85 = vector.broadcast %mul3A_84 : f32 to vector<64x128xf32>
    %mul3A_86 = arith.mulf %mul3A_85, %add3A_83 : vector<64x128xf32>
    %mul3A_87 = arith.mulf %add3A_70, %mul3A_86 : vector<64x128xf32>
    %get3A_88 = arith.constant 0 : index
    %get3A_89 = arith.constant 0 : index
    %get3A_90 = vector.load %arg11[%get3A_88, %get3A_89] : memref<128x128xf32, #tpu.memory_space<vmem>>, vector<128x128xf32>
    %dot_general3A_91 = arith.constant dense<0.000000e+00> : vector<64x128xf32>
    %dot_general3A_92 = tpu.matmul %mul3A_87, %get3A_90, %dot_general3A_91 {dimension_numbers = #tpu.dot_dimension_numbers<[1], [0], [0], [1], [0, 0, 1, 1], [], []>, transpose_lhs_hint = false} : vector<64x128xf32>, vector<128x128xf32>, vector<64x128xf32> -> vector<64x128xf32>
    %get3A_93 = arith.constant 0 : index
    %get3A_94 = arith.constant 0 : index
    %get3A_95 = vector.load %arg12[%get3A_93, %get3A_94] : memref<1x128xf32, #tpu.memory_space<vmem>>, vector<1x128xf32>
    %add3A_96 = vector.broadcast %get3A_95 : vector<1x128xf32> to vector<64x128xf32>
    %add3A_97 = arith.addf %dot_general3A_92, %add3A_96 : vector<64x128xf32>
    %integer_pow3A_98 = arith.mulf %add3A_97, %add3A_97 : vector<64x128xf32>
    %integer_pow3A_99 = arith.mulf %add3A_97, %integer_pow3A_98 : vector<64x128xf32>
    %mul3A_100 = arith.constant 4.471500e-02 : f32
    %mul3A_101 = vector.broadcast %mul3A_100 : f32 to vector<64x128xf32>
    %mul3A_102 = arith.mulf %mul3A_101, %integer_pow3A_99 : vector<64x128xf32>
    %add3A_103 = arith.addf %add3A_97, %mul3A_102 : vector<64x128xf32>
    %mul3A_104 = arith.constant 0.797884583 : f32
    %mul3A_105 = vector.broadcast %mul3A_104 : f32 to vector<64x128xf32>
    %mul3A_106 = arith.mulf %mul3A_105, %add3A_103 : vector<64x128xf32>
    %tanh3A_107 = math.tanh %mul3A_106 : vector<64x128xf32>
    %add3A_108 = arith.constant 1.000000e+00 : f32
    %add3A_109 = vector.broadcast %add3A_108 : f32 to vector<64x128xf32>
    %add3A_110 = arith.addf %add3A_109, %tanh3A_107 : vector<64x128xf32>
    %mul3A_111 = arith.constant 5.000000e-01 : f32
    %mul3A_112 = vector.broadcast %mul3A_111 : f32 to vector<64x128xf32>
    %mul3A_113 = arith.mulf %mul3A_112, %add3A_110 : vector<64x128xf32>
    %mul3A_114 = arith.mulf %add3A_97, %mul3A_113 : vector<64x128xf32>
    %get3A_115 = arith.constant 0 : index
    %get3A_116 = arith.constant 0 : index
    %get3A_117 = vector.load %arg13[%get3A_115, %get3A_116] : memref<128x10xf32, #tpu.memory_space<vmem>>, vector<128x10xf32>
    %dot_general3A_118 = arith.constant dense<0.000000e+00> : vector<64x10xf32>
    %dot_general3A_119 = tpu.matmul %mul3A_114, %get3A_117, %dot_general3A_118 {dimension_numbers = #tpu.dot_dimension_numbers<[1], [0], [0], [1], [0, 0, 1, 1], [], []>, transpose_lhs_hint = false} : vector<64x128xf32>, vector<128x10xf32>, vector<64x10xf32> -> vector<64x10xf32>
    %get3A_120 = arith.constant 0 : index
    %get3A_121 = arith.constant 0 : index
    %get3A_122 = vector.load %arg14[%get3A_120, %get3A_121] : memref<1x10xf32, #tpu.memory_space<vmem>>, vector<1x10xf32>
    %add3A_123 = vector.broadcast %get3A_122 : vector<1x10xf32> to vector<64x10xf32>
    %add3A_124 = arith.addf %dot_general3A_119, %add3A_123 : vector<64x10xf32>
    %swap3A = arith.constant 0 : index
    %swap3A_125 = arith.constant 0 : index
    %swap3A_126 = vector.load %arg15[%swap3A, %swap3A_125] : memref<64x10xf32, #tpu.memory_space<vmem>>, vector<64x10xf32>
    tpu.vector_store %arg15[%swap3A, %swap3A_125], %add3A_124 {strides = array<i32>} : memref<64x10xf32, #tpu.memory_space<vmem>>, vector<64x10xf32>,
    return
  }
}

</mosaic_0001>

<sc_bundles>
// kernel: kernel.12.cloned.1.call-start
scs
__scs_entry_jumppad:
0x0: {  	(pc) =	sbr.rel $0x88, $3  }
0x1: {  	(tag) =	ssettag $0x0;
	lr =	simm.s32 $0x1  }
0x2: {  	[smem:$0x3F86] =	sst lr;
	_ =	strace $0xD0000000  }
0x3: {  	_ = 	snop  }
0x4: {  	_ = 	snop  }
0x5: {  	_ = 	snop  }
0x6: {  	_ = 	snop  }
0x7: {  	_ = 	snop  }
__scs_overlays_trampoline_lowered:
0x8: {  	[smem:$0x3F95] =	sst s0  }
0x9: {  	[smem:$0x3F96] =	sst s1  }
0xa: {  	[smem:$0x3F97] =	sst s2  }
0xb: {  	[smem:$0x3F98] =	sst s3  }
0xc: {  	[smem:$0x3F99] =	sst s4  }
0xd: {  	[smem:$0x3F9A] =	sst s5  }
0xe: {  	[smem:$0x3F9B] =	sst s6  }
0xf: {  	[smem:$0x3F9C] =	sst s7  }
0x10: {  	[smem:$0x3F9D] =	sst s8  }
0x11: {  	[smem:$0x3F9E] =	sst s9;
	s0 =	simm.s32 @!p0 $0x0  }
0x12: {  	s1 =	sld [smem:$0x3F84];
	s0 =	simm.s32 @p0 $0x1  }
0x13: {  	[smem:$0x3F9F] =	sst s0;
	s0 =	simm.s32 @!p1 $0x0  }
0x14: {  	s2 =	sld [smem:$0x3F83];
	s0 =	simm.s32 @p1 $0x1  }
0x15: {  	[smem:$0x3FA0] =	sst s0;
	s0 =	simm.s32 @!p2 $0x0  }
0x16: {  	s3 =	sld [smem:$0x3FDB];
	s0 =	simm.s32 @p2 $0x1  }
0x17: {  	s4 =	simm.s32 $0x1BF5;
	[smem:$0x3FA2] =	sst s0  }
0x18: {  	s0 =	sld [smem:$0x3F85];
	_ =	swait.ge [sflag:s4], $0x0  }
0x19: {  	s7 =	sld [smem:$0x3F86]  }
0x1a: {  	s8 =	sadd.s32 $0xFFFFE003, lr  }
0x1b: {  	s9 =	sadd.s32 $0xFFFFFEF7, lr;
	s5 =	simm.s32 $0xFFFFFFFF;
	p2 =	slt.u32 s8, $0xFFFFF086  }
0x1c: {  	p1 =	slt.u32 s9, $0xF7A;
	s5 =	simm.s32 @!p2 $0x0  }
0x1d: {  	s5 =	simm.s32 @p1 $0x1;
	p0 =	seq.s32 s7, s2  }
0x1e: {  	s7 =	smul.u32 @!p0 $0xF7A, s2;
	p2 =	seq.s32 @!p0 s5, $0x0  }
0x1f: {  	s9 =	smul.u32 $0xF7A, s1;
	s8 =	simm.s32 @!p0 $0x1BF5;
	p2 =	por !p2, p0  }
0x20: {  	[sflag:s8] =	ssyncset.s32 @!p0 $0xFFFFF086;
	s6 =	sadd.s32 @!p0 s3, s7;
	s7 =	simm.s32 @!p0 $0x108  }
0x21: {  	s3 =	sadd.s32 s3, s9;
	s6 =	sadd.s32 @!p0 $0x88, s6;
	s7 =	simm.s32 @p2 $0x1082  }
0x22: {  	[simem:s7], [sflag:s8] =	dma.local @!p0 [hbm:s6], $0xF7A  }
0x23: {  	s9 =	sor.u32 $0xD0000000, s2;
	s6 =	simm.s32 $0x108;
	_ =	swait.ge @!p0 [sflag:s8], $0x0  }
0x24: {  	s3 =	sadd.s32 $0x88, s3;
	s6 =	simm.s32 @!p1 $0x1082;
	[sflag:s4] =	ssyncset.s32 $0xFFFFF086  }
0x25: {  	[simem:s6], [sflag:s4] =	dma.local [hbm:s3], $0xF7A  }
0x26: {  	[smem:$0x3F86] =	sst s1;
	(tag) =	ssettag s2;
	_ =	strace s9  }
0x27: {  	s1 =	sld [smem:$0x3F96]  }
0x28: {  	s2 =	sld [smem:$0x3F97]  }
0x29: {  	s4 =	sld [smem:$0x3F99]  }
0x2a: {  	p0 =	seq.s32 s5, $0x0;
	s5 =	sld [smem:$0x3F9A]  }
0x2b: {  	s6 =	sld [smem:$0x3F9B]  }
0x2c: {  	s7 =	sld [smem:$0x3F9C]  }
0x2d: {  	s3 =	simm.s32 $0x108;
	s8 =	sld [smem:$0x3F9D]  }
0x2e: {  	s3 =	simm.s32 @!p0 $0x1082;
	s9 =	sld [smem:$0x3F9E]  }
0x2f: {  	lr =	sadd.s32 s0, s3;
	s0 =	sld [smem:$0x3F95]  }
0x30: {  	s3 =	sld [smem:$0x3F98]  }
0x31: {  	[smem:$0x3FA1] =	sst s10  }
0x32: {  	s10 =	sld [smem:$0x3F9F];
	_ =	sdelay $0x3  }
0x33: {  	p0 =	seq.s32 s10, $0x1;
	s10 =	sld [smem:$0x3FA1];
	_ =	sdelay $0x3  }
0x34: {  	[smem:$0x3FA1] =	sst s10  }
0x35: {  	s10 =	sld [smem:$0x3FA0];
	_ =	sdelay $0x3  }
0x36: {  	p1 =	seq.s32 s10, $0x1;
	s10 =	sld [smem:$0x3FA1];
	_ =	sdelay $0x3  }
0x37: {  	[smem:$0x3FA1] =	sst s10  }
0x38: {  	s10 =	sld [smem:$0x3FA2]  }
0x39: {  	_ = 	snop;
	(pc) =	sbr.ind lr, $3  }
0x3a: {  	_ = 	snop  }
0x3b: {  	_ = 	snop  }
0x3c: {  	p2 =	seq.s32 s10, $0x1;
	s10 =	sld [smem:$0x3FA1]  }
0x3d: {  	_ =	shalt  }
0x3e: {  	_ =	shalt  }
0x3f: {  	_ =	shalt  }
0x40: {  	_ =	shalt  }
0x41: {  	_ =	shalt  }
0x42: {  	_ =	shalt  }
0x43: {  	_ =	shalt  }
0x44: {  	_ =	shalt  }
0x45: {  	_ =	shalt  }
0x46: {  	_ =	shalt  }
0x47: {  	_ =	shalt  }
0x48: {  	_ =	shalt  }
0x49: {  	_ =	shalt  }
0x4a: {  	_ =	shalt  }
0x4b: {  	_ =	shalt  }
0x4c: {  	_ =	shalt  }
0x4d: {  	_ =	shalt  }
0x4e: {  	_ =	shalt  }
0x4f: {  	_ =	shalt  }
0x50: {  	_ =	shalt  }
0x51: {  	_ =	shalt  }
0x52: {  	_ =	shalt  }
0x53: {  	_ =	shalt  }
0x54: {  	_ =	shalt  }
0x55: {  	_ =	shalt  }
0x56: {  	_ =	shalt  }
0x57: {  	_ =	shalt  }
0x58: {  	_ =	shalt  }
0x59: {  	_ =	shalt  }
0x5a: {  	_ =	shalt  }
0x5b: {  	_ =	shalt  }
0x5c: {  	_ =	shalt  }
0x5d: {  	_ =	shalt  }
0x5e: {  	_ =	shalt  }
0x5f: {  	_ =	shalt  }
0x60: {  	_ =	shalt  }
0x61: {  	_ =	shalt  }
0x62: {  	_ =	shalt  }
0x63: {  	_ =	shalt  }
0x64: {  	_ =	shalt  }
0x65: {  	_ =	shalt  }
0x66: {  	_ =	shalt  }
0x67: {  	_ =	shalt  }
0x68: {  	_ =	shalt  }
0x69: {  	_ =	shalt  }
0x6a: {  	_ =	shalt  }
0x6b: {  	_ =	shalt  }
0x6c: {  	_ =	shalt  }
0x6d: {  	_ =	shalt  }
0x6e: {  	_ =	shalt  }
0x6f: {  	_ =	shalt  }
0x70: {  	_ =	shalt  }
0x71: {  	_ =	shalt  }
0x72: {  	_ =	shalt  }
0x73: {  	_ =	shalt  }
0x74: {  	_ =	shalt  }
0x75: {  	_ =	shalt  }
0x76: {  	_ =	shalt  }
0x77: {  	_ =	shalt  }
0x78: {  	_ =	shalt  }
0x79: {  	_ =	shalt  }
0x7a: {  	_ =	shalt  }
0x7b: {  	_ =	shalt  }
0x7c: {  	_ =	shalt  }
0x7d: {  	_ =	shalt  }
0x7e: {  	_ =	shalt  }
0x7f: {  	_ =	shalt  }
0x80: {  	_ =	shalt  }
0x81: {  	_ =	shalt  }
0x82: {  	_ =	shalt  }
0x83: {  	_ =	shalt  }
0x84: {  	_ =	shalt  }
0x85: {  	_ =	shalt  }
0x86: {  	_ =	shalt  }
0x87: {  	_ =	shalt  }
.Lfunc_end0:
.L_simem_size_0:
called_computation.1_lowered:
.L_overlay_start_0:
0x88: {  	s2 =	sld [smem:$0x3FD9]  }
0x89: {  	s3 =	sld [smem:$0x3FFE];
	_ =	sdelay $0x1  }
0x8a: {  	s1 =	srdreg.scid  }
0x8b: {  	s0 =	sand.u32 $0x1, s1  }
0x8c: {  	s16 =	sshll.u32 s0, $0xA;
	s2 =	sadd.s32 s3, s2  }
0x8d: {  	s2 =	sadd.s32 s2, s16  }
0x8e: {  	[smem:$0x3FAD] =	sst s2  }
0x8f: {  	_ = 	snop  }
0x90: {  	(tm) =	ssettm $0x1  }
0x91: {  	s17 =	sld [smem:$0x3FFB];
	_ =	sdelay $0x3  }
0x92: {  	_ =	strace s17  }
0x93: {  	s2 =	sld [smem:$0x3FFC];
	_ =	sdelay $0x3  }
0x94: {  	_ =	strace s2  }
0x95: {  	s2 =	sld [smem:$0x3FFD];
	_ =	sdelay $0x3  }
0x96: {  	_ =	strace s2  }
0x97: {  	_ =	strace $0x8FFFFFFF  }
0x98: {  	s18 =	sld [smem:$0x3FDB];
	_ =	sdelay $0x1  }
0x99: {  	s19 =	simm.s32 $_scs_section_size  }
0x9a: {  	s4 =	simm.s32 $_size__tile_overlayer_lowered;
	s5 =	simm.s32 $_tile_overlayer_lowered  }
0x9b: {  	s22 =	simm.s32 $0x1BFF;
	s21 =	sshll.u32 s5, $0x1;
	s2 =	sadd.s32 s19, s18  }
0x9c: {  	s6 =	simm.s32 $0x0;
	s20 =	sshll.u32 s4, $0x1;
	s4 =	sadd.s32 s21, s2  }
0x9d: {  	[timem:s6], [sflag:s22] =	dma.local [hbm:s4], s20  }
0x9e: {  	_ =	swait.ge [sflag:s22], s20  }
0x9f: {  	s3 =	ssub.s32 $0x0, s20;
	[sflag:s22] =	ssyncset.done $0x0  }
0xa0: {  	[sflag:s22] =	ssyncadd.s32 s3;
	_ =	sdelay $0x1  }
0xa1: {  	s23 =	simm.s32 $0x1B8B  }
0xa2: {  	_ =	swait.ge [sflag:s23], $0x1  }
0xa3: {  	[sflag:s23] =	ssyncset.done $0x0  }
0xa4: {  	s25 =	simm.s32 $0x1B8E;
	s24 =	sld [smem:$0x3FFE];
	[sflag:s23] =	ssyncadd.s32 $0xFFFFFFFF  }
0xa5: {  	s26 =	simm.s32 $execute0_lowered;
	[smem:$0x3FD2] =	sst s25  }
0xa6: {  	s4 =	sshll.u32 s26, $0x1;
	_ =	strace $0x80000049;
	[dreg:$0x1] =	wrdreg $0xFFFFFFFF  }
0xa7: {  	s28 =	simm.s32 $_size_execute0_lowered;
	s2 =	sadd.s32 s2, s4;
	[dreg:$0x0] =	wrdreg $0x0  }
0xa8: {  	s4 =	sshll.u32 s28, $0x1;
	[dreg:$0x2] =	wrdreg s2  }
0xa9: {  	[dreg:$0x3] =	wrdreg s4  }
0xaa: {  	[dreg:$0x4] =	wrdreg $0xC0  }
0xab: {  	_ =	task [dreg:s6], $0x5FFFF  }
0xac: {  	[dreg:$0x1] =	wrdreg $0xFFFFFFFF  }
0xad: {  	[dreg:$0x0] =	wrdreg $0x60  }
0xae: {  	[dreg:$0x2] =	wrdreg s24  }
0xaf: {  	[dreg:$0x3] =	wrdreg $0x0  }
0xb0: {  	[dreg:$0x4] =	wrdreg $0x9  }
0xb1: {  	_ =	task.clear_ibuf [dreg:s6], $0x5FFFF;
	_ =	strace $0x90000049  }
0xb2: {  	s29 =	simm.s32 $0x9;
	_ =	strace $0x8000004B  }
0xb3: {  	_ =	swait.ge [sflag:s29], $0x1  }
0xb4: {  	[sflag:s29] =	ssyncadd.s32 $0xFFFFFFFF  }
0xb5: {  	_ =	strace $0x9000004B  }
0xb6: {  	_ =	sfence  }
0xb7: {  	s30 =	sld [smem:$0x0];
	_ =	sdelay $0x2  }
0xb8: {  	s31 =	sshll.u32 s1, $0xD;
	s1 =	sshrl.u32 s1, $0x2  }
0xb9: {  	s3 =	sand.u32 $0x4000, s31;
	s1 =	sadd.s32 s1, s30  }
0xba: {  	s0 =	sor.u32 s3, s0;
	s1 =	sshll.u32 s1, $0x11  }
0xbb: {  	s0 =	sor.u32 s1, s0  }
0xbc: {  	s0 =	sadd.s32 $0x8F2B, s0  }
0xbd: {  	[sflag:s0] =	ssyncadd.remote.s32 $0x1  }
0xbe: {  	_ =	sfence.sel $0xFFFF  }
0xbf: {  	[dreg:$0x0] =	wrdreg $0xFFFFFFFF;
	(pc) =	sbr.abs _section_cstart, $3  }
0xc0: {  	[dreg:$0x1] =	wrdreg $0xFFFFFFFF  }
0xc1: {  	_ =	task.clear_ibuf [dreg:s6], $0x2FFFF;
	_ =	strace $0x9FFFFFFF  }
0xc2: {  	(tm) =	ssettm $0x7FFFFFFF  }
0xc3: {  	_ =	shalt  }
tec
execute0_lowered:
.L_overlay_start_1:
0x0: {  	(tag) =	ssettag $0x1  }
0x1: {  	s0 =	rddreg [dreg:$0x0]  }
0x2: {  	s2 =	rddreg [dreg:$0x1];
	s1 =	srdreg.scid  }
0x3: {  	s10 =	stileid.u32;
	s3 =	simm.s32 $0x0;
	s30 =	simm.s32 $0xFE60  }
0x4: {  	s31 =	simm.s32 $0x16260;
	s28 =	simm.s32 $0x5;
	s29 =	simm.s32 $0x1  }
0x5: {  	s11 =	simm.s32 $0x8;
	s12 =	simm.s32 $0x4;
	s13 =	simm.s32 $0xB  }
0x6: {  	s1 =	sand.u32 $0x1, s1;
	s6 =	smul.u32 $0x9C40, s10;
	[smem:$0x7FF] =	sst s3  }
0x7: {  	s5 =	sshll.u32 s10, $0x1;
	s4 =	sadd.s32 $0x49A00, s0;
	s10 =	smul.u32 $0x27100, s10  }
0x8: {  	s7 =	smul.u32 $0x9C400, s1;
	_ =	strace $0x8000004A;
	s9 =	sor.u32 s1, s5  }
0x9: {  	s5 =	sadd.s32 $0xA21400, s0;
	s1 =	ssub.s32 $0x2, s1;
	s8 =	smul.u32 $0x4E2, s9  }
0xa: {  	s14 =	sshrl.u32 s1, $0x1;
	s16 =	sshrl.u32 s10, $0x2;
	s20 =	smul.u32 $0x13880, s9  }
0xb: {  	s19 =	sadd.s32 s6, s2;
	s7 =	sadd.s32 s6, s7;
	s1 =	ssub.s32 s1, s14  }
0xc: {  	[dreg:$0x5] =	wrdreg s19;
	s7 =	sshrl.u32 s7, $0x3;
	s6 =	sadd.s32 s5, s20  }
0xd: {  	s8 =	sadd.s32 s8, s0;
	s26 =	smax.u32 s1, $0x1;
	[dreg:$0xa] =	wrdreg s6  }
0xe: {  	s0 =	sadd.s32 s7, s0;
	s15 =	sadd.s32 $0xDA00, s8;
	[dreg:$0xf] =	wrdreg s26  }
0xf: {  	s8 =	sadd.s32 $0x3C00, s8;
	s7 =	sadd.s32 s16, s2;
	[dreg:$0x3] =	wrdreg s15  }
0x10: {  	s17 =	smul.u32 $0x9C400, s9;
	[dreg:$0x4] =	wrdreg s8;
	s18 =	sadd.s32 $0x1F40, s7  }
0x11: {  	s14 =	smul.u32 $0x7D, s9;
	s21 =	sadd.s32 $0x3E80, s7;
	[dreg:$0x6] =	wrdreg s18  }
0x12: {  	s10 =	sshrl.u32 s17, $0x3;
	s22 =	sadd.s32 $0x5DC0, s7;
	[dreg:$0x7] =	wrdreg s21  }
0x13: {  	s23 =	sadd.s32 s5, s10;
	s7 =	sadd.s32 $0x7D00, s7;
	[dreg:$0x8] =	wrdreg s22  }
0x14: {  	s9 =	simm.s32 $0x7;
	s24 =	sadd.s32 $0x280, s23;
	[dreg:$0x9] =	wrdreg s7  }
0x15: {  	s1 =	simm.s32 $0x6;
	s25 =	sadd.s32 $0x500, s23;
	[dreg:$0xb] =	wrdreg s24  }
0x16: {  	s26 =	simm.s32 $0xEA60;
	s6 =	sadd.s32 $0x780, s23;
	[dreg:$0xc] =	wrdreg s25  }
0x17: {  	s10 =	simm.s32 $0x3;
	s0 =	sadd.s32 $0x5D400, s0;
	[dreg:$0xd] =	wrdreg s6  }
0x18: {  	s16 =	simm.s32 $0x0;
	[dreg:$0xe] =	wrdreg s0;
	s21 =	simm.s32 $0xD  }
0x19: {  	s24 =	simm.s32 $0x13A60;
	s25 =	simm.s32 $0x50;
	s22 =	simm.s32 $0x11260  }
0x1a: {  	v0 =	vimm.f32 $0.0e+00;
	s0 =	simm.s32 $0x12660;
	s6 =	simm.s32 $0x2;
	s7 =	simm.s32 $0x9  }
.LBB2_1:
0x1b: {  	s8 =	rddreg [dreg:$0x3];
	s15 =	simm.s32 $0x9C40  }
0x1c: {  	[tilespmem:s15], [sflag:$0xD] =	stream.linear.gather [hbm4b:s8+s3], $0x2710, $0x38;
	[tilespmem:$0x1A9A0] =	vst v63  }
0x1d: {  	_ =	swait.ge [sflag:s21], $0x2710  }
0x1e: {  	[sflag:s21] =	ssyncset.done $0x0  }
0x1f: {  	s23 =	simm.s32 $0xC350;
	s20 =	rddreg [dreg:$0x4];
	[sflag:s21] =	ssyncadd.s32 $0xFFFFD8F0  }
0x20: {  	[tilespmem:s23], [sflag:$0xD] =	stream.linear.gather [hbm4b:s20+s3], $0x2710, $0x38;
	[tilespmem:$0x1A9A0] =	vst v63  }
0x21: {  	_ =	swait.ge [sflag:s21], $0x2710  }
0x22: {  	[sflag:s21] =	ssyncset.done $0x0  }
0x23: {  	s17 =	simm.s32 $0x100;
	s15 =	simm.s32 $0x0;
	[sflag:s21] =	ssyncadd.s32 $0xFFFFD8F0  }
.LBB2_2:
0x24: {  	p0 =	sne.s32 s17, $0x7C00;
	[tilespmem:s15+$0x18A90] =	vst v0;
	s18 =	smov.u32 s17;
	s17 =	sadd.s32 $0x100, s17  }
.Ltmp0:
0x25: {  	[tilespmem:s15+$0x18A80] =	vst v0;
	(pc) =	sbr.rel @p0 .LBB2_2-.Ltmp0, $3  }
0x26: {  	[tilespmem:s15+$0x18A60] =	vst v0  }
0x27: {  	[tilespmem:s15+$0x18A70] =	vst v0;
	_ =	sdelay $0x1  }
0x28: {  	s15 =	sshra.s32 s18, $0x2  }
0x29: {  	[tilespmem:s15+$0x18A90] =	vst v0  }
0x2a: {  	[tilespmem:s15+$0x18A80] =	vst v0  }
0x2b: {  	[tilespmem:s15+$0x18A60] =	vst v0  }
0x2c: {  	[tilespmem:s15+$0x18A70] =	vst v0;
	s18 =	simm.s32 $0x18A60  }
0x2d: {  	[spmem:s19] =	stream.linear.scatter [tilespmem:s18], [sflag:$0xD], $0x1F40, $0x38;
	[tilespmem:$0x1A9A0] =	vst v63  }
0x2e: {  	_ =	swait.ge [sflag:s21], $0x1F40  }
0x2f: {  	[sflag:s21] =	ssyncset.done $0x0  }
0x30: {  	s8 =	rddreg [dreg:$0x6];
	[sflag:s21] =	ssyncadd.s32 $0xFFFFE0C0  }
0x31: {  	[spmem:s8] =	stream.linear.scatter [tilespmem:s18], [sflag:$0xD], $0x1F40, $0x38;
	[tilespmem:$0x1A9A0] =	vst v63  }
0x32: {  	_ =	swait.ge [sflag:s21], $0x1F40  }
0x33: {  	[sflag:s21] =	ssyncset.done $0x0  }
0x34: {  	s19 =	rddreg [dreg:$0x7];
	[sflag:s21] =	ssyncadd.s32 $0xFFFFE0C0  }
0x35: {  	[spmem:s19] =	stream.linear.scatter [tilespmem:s18], [sflag:$0xD], $0x1F40, $0x38;
	[tilespmem:$0x1A9A0] =	vst v63  }
0x36: {  	_ =	swait.ge [sflag:s21], $0x1F40  }
0x37: {  	[sflag:s21] =	ssyncset.done $0x0  }
0x38: {  	s20 =	rddreg [dreg:$0x8];
	[sflag:s21] =	ssyncadd.s32 $0xFFFFE0C0  }
0x39: {  	[spmem:s20] =	stream.linear.scatter [tilespmem:s18], [sflag:$0xD], $0x1F40, $0x38;
	[tilespmem:$0x1A9A0] =	vst v63  }
0x3a: {  	_ =	swait.ge [sflag:s21], $0x1F40  }
0x3b: {  	[sflag:s21] =	ssyncset.done $0x0  }
0x3c: {  	s23 =	rddreg [dreg:$0x9];
	[sflag:s21] =	ssyncadd.s32 $0xFFFFE0C0  }
0x3d: {  	[spmem:s23] =	stream.linear.scatter [tilespmem:s18], [sflag:$0xD], $0x1F40, $0x38;
	[tilespmem:$0x1A9A0] =	vst v63  }
0x3e: {  	_ =	swait.ge [sflag:s21], $0x1F40  }
0x3f: {  	[sflag:s21] =	ssyncset.done $0x0  }
0x40: {  	[sflag:s21] =	ssyncadd.s32 $0xFFFFE0C0  }
0x41: {  	[bflag:$0x0] =	sbarrier.arrive $0xFFFF  }
0x42: {  	s17 =	simm.s32 $0x0;
	s15 =	rddreg [dreg:$0xa]  }
0x43: {  	[tilespmem:s24], [sflag:$0x5] =	stream.linear.gather [hbm4b:s15+s17], $0x1400, $0x38;
	[tilespmem:$0x1A9A0] =	vst v63  }
0x44: {  	s18 =	simm.s32 $0x9C40  }
0x45: {  	[tilespmem:s26], [sflag:$0x1] =	stream.indirect.gather [hbm4b:s4+s25], $0x40, s18, s25, $0xb8;
	[tilespmem:$0x1A9A0] =	vst v63  }
0x46: {  	s20 =	simm.s32 $0x14E60;
	s19 =	rddreg [dreg:$0xb]  }
0x47: {  	[tilespmem:s20], [sflag:$0x6] =	stream.linear.gather [hbm4b:s19+s17], $0x1400, $0x38;
	[tilespmem:$0x1A9A0] =	vst v63  }
0x48: {  	s23 =	simm.s32 $0x9C90  }
0x49: {  	[tilespmem:s30], [sflag:$0x2] =	stream.indirect.gather [hbm4b:s4+s25], $0x40, s23, s25, $0xb8;
	[tilespmem:$0x1A9A0] =	vst v63  }
0x4a: {  	s15 =	rddreg [dreg:$0xc]  }
0x4b: {  	[tilespmem:s31], [sflag:$0x7] =	stream.linear.gather [hbm4b:s15+s17], $0x1400, $0x38;
	[tilespmem:$0x1A9A0] =	vst v63  }
0x4c: {  	s18 =	simm.s32 $0x9CE0  }
0x4d: {  	[tilespmem:s22], [sflag:$0x3] =	stream.indirect.gather [hbm4b:s4+s25], $0x40, s18, s25, $0xb8;
	[tilespmem:$0x1A9A0] =	vst v63  }
0x4e: {  	s19 =	rddreg [dreg:$0xd];
	s20 =	simm.s32 $0x17660  }
0x4f: {  	[tilespmem:s20], [sflag:$0x8] =	stream.linear.gather [hbm4b:s19+s17], $0x1400, $0x38;
	[tilespmem:$0x1A9A0] =	vst v63  }
0x50: {  	s23 =	simm.s32 $0x9D30  }
0x51: {  	[tilespmem:s0], [sflag:$0x4] =	stream.indirect.gather [hbm4b:s4+s25], $0x40, s23, s25, $0xb8;
	[tilespmem:$0x1A9A0] =	vst v63  }
.LBB2_4:
0x52: {  	_ =	swait.ge [sflag:s28], $0x1400  }
0x53: {  	[sflag:s28] =	ssyncset.done $0x0  }
0x54: {  	[sflag:s28] =	ssyncadd.s32 $0xFFFFEC00  }
0x55: {  	_ =	swait.ge [sflag:s29], $0x1400  }
0x56: {  	[sflag:s29] =	ssyncset.done $0x0  }
0x57: {  	s18 =	simm.s32 $0x0;
	[sflag:s29] =	ssyncadd.s32 $0xFFFFEC00  }
0x58: {  	v6 =	vld [tilespmem:s18+$0x13A60]  }
0x59: {  	v7 =	vld [tilespmem:s18+$0x13A70]  }
0x5a: {  	v2 =	vld [tilespmem:s18+$0x13A80]  }
0x5b: {  	v1 =	vld [tilespmem:s18+$0x13A90]  }
0x5c: {  	v3 =	vld [tilespmem:s18+$0xEA60]  }
0x5d: {  	v5 =	vld [tilespmem:s18+$0xEA70]  }
0x5e: {  	s19 =	simm.s32 $0x100;
	v4 =	vld [tilespmem:s18+$0xEA80]  }
.LBB2_5:
0x5f: {  	s15 =	sshra.s32 s19, $0x2;
	p0 =	sne.s32 s19, $0x4F00;
	v8 =	vld [tilespmem:s18+$0xEA90];
	v9 =	vmov v2  }
0x60: {  	v10 =	vld [tilespmem:s15+$0x13A60];
	v11 =	vmov v1  }
0x61: {  	v12 =	vld [tilespmem:s15+$0x13A70];
	v3 =	vmul.f32 v6, v3  }
.Ltmp1:
0x62: {  	v2 =	vld [tilespmem:s15+$0x13A80];
	v5 =	vmul.f32 v7, v5;
	(pc) =	sbr.rel @p0 .LBB2_5-.Ltmp1, $4  }
0x63: {  	v1 =	vld [tilespmem:s15+$0x13A90];
	[tilespmem:s18+$0xEA60] =	vst v3;
	v4 =	vmul.f32 v9, v4  }
0x64: {  	v3 =	vld [tilespmem:s15+$0xEA60];
	[tilespmem:s18+$0xEA70] =	vst v5;
	v8 =	vmul.f32 v11, v8  }
0x65: {  	v5 =	vld [tilespmem:s15+$0xEA70];
	[tilespmem:s18+$0xEA80] =	vst v4;
	v6 =	vmov v10  }
0x66: {  	s19 =	sadd.s32 $0x100, s19;
	v4 =	vld [tilespmem:s15+$0xEA80];
	[tilespmem:s18+$0xEA90] =	vst v8;
	v7 =	vmov v12;
	s18 =	smov.u32 s15  }
0x67: {  	v8 =	vld [tilespmem:s18+$0xEA90];
	_ =	sdelay $0x1  }
0x68: {  	v3 =	vmul.f32 v6, v3  }
0x69: {  	v5 =	vmul.f32 v7, v5  }
0x6a: {  	s15 =	smul.u32 $0x500, s17;
	[tilespmem:s18+$0xEA60] =	vst v3;
	v2 =	vmul.f32 v2, v4  }
0x6b: {  	[tilespmem:s18+$0xEA70] =	vst v5;
	v1 =	vmul.f32 v1, v8  }
0x6c: {  	s19 =	sshra.s32 s15, $0x2;
	[tilespmem:s18+$0xEA80] =	vst v2  }
0x6d: {  	p0 =	seq.s32 s17, $0x0;
	s15 =	sadd.s32 $0xC350, s19;
	[tilespmem:s18+$0xEA90] =	vst v1;
	s18 =	sshll.u32 s17, $0x2  }
0x6e: {  	[spmem:s2] =	stream.indirect.scatter.add.f32 [tilespmem:s26], [sflag:$0x9], $0x40, s15, s25, $0xb8;
	[tilespmem:$0x1A9A0] =	vst v63  }
0x6f: {  	s15 =	sor.u32 @!p0 $0x3, s18  }
0x70: {  	s20 =	simm.s32 @!p0 $0xC;
	s8 =	sadd.s32 @!p0 s14, s15  }
0x71: {  	_ =	swait.ge @!p0 [sflag:s20], $0x1400;
	s8 =	smul.u32 @!p0 $0x280, s8  }
0x72: {  	s23 =	simm.s32 @!p0 $0x17660;
	s15 =	smul.u32 @!p0 $0x140, s15;
	[sflag:s20] =	ssyncset.done @!p0 $0x0  }
0x73: {  	[sflag:s20] =	ssyncadd.s32 @!p0 $0xFFFFEC00;
	s20 =	simm.s32 @!p0 $0x0;
	s8 =	sadd.s32 @!p0 s5, s8  }
0x74: {  	[tilespmem:s23], [sflag:$0x8] =	stream.linear.gather @!p0 [hbm4b:s8+s20], $0x1400, $0x38;
	[tilespmem:$0x1A9A0] =	vst v63  }
0x75: {  	s8 =	sshra.s32 @!p0 s15, $0x2  }
0x76: {  	s15 =	simm.s32 @!p0 $0x50;
	s20 =	simm.s32 @!p0 $0x12660;
	s8 =	sadd.s32 @!p0 $0x9C40, s8  }
0x77: {  	[tilespmem:s20], [sflag:$0x4] =	stream.indirect.gather @!p0 [hbm4b:s4+s15], $0x40, s8, s15, $0xb8;
	[tilespmem:$0x1A9A0] =	vst v63  }
0x78: {  	_ =	swait.ge [sflag:s1], $0x1400  }
0x79: {  	[sflag:s1] =	ssyncset.done $0x0  }
0x7a: {  	[sflag:s1] =	ssyncadd.s32 $0xFFFFEC00  }
0x7b: {  	_ =	swait.ge [sflag:s6], $0x1400  }
0x7c: {  	[sflag:s6] =	ssyncset.done $0x0  }
0x7d: {  	s20 =	simm.s32 $0x0;
	[sflag:s6] =	ssyncadd.s32 $0xFFFFEC00  }
0x7e: {  	v6 =	vld [tilespmem:s20+$0x14E60]  }
0x7f: {  	v7 =	vld [tilespmem:s20+$0x14E70]  }
0x80: {  	v2 =	vld [tilespmem:s20+$0x14E80]  }
0x81: {  	v1 =	vld [tilespmem:s20+$0x14E90]  }
0x82: {  	v3 =	vld [tilespmem:s20+$0xFE60]  }
0x83: {  	v5 =	vld [tilespmem:s20+$0xFE70]  }
0x84: {  	s15 =	simm.s32 $0x100;
	v4 =	vld [tilespmem:s20+$0xFE80]  }
.LBB2_7:
0x85: {  	s8 =	sshra.s32 s15, $0x2;
	p0 =	sne.s32 s15, $0x4F00;
	v8 =	vld [tilespmem:s20+$0xFE90];
	v9 =	vmov v2  }
0x86: {  	v10 =	vld [tilespmem:s8+$0x14E60];
	v11 =	vmov v1  }
0x87: {  	v12 =	vld [tilespmem:s8+$0x14E70];
	v3 =	vmul.f32 v6, v3  }
.Ltmp2:
0x88: {  	v2 =	vld [tilespmem:s8+$0x14E80];
	v5 =	vmul.f32 v7, v5;
	(pc) =	sbr.rel @p0 .LBB2_7-.Ltmp2, $4  }
0x89: {  	v1 =	vld [tilespmem:s8+$0x14E90];
	[tilespmem:s20+$0xFE60] =	vst v3;
	v4 =	vmul.f32 v9, v4  }
0x8a: {  	v3 =	vld [tilespmem:s8+$0xFE60];
	[tilespmem:s20+$0xFE70] =	vst v5;
	v8 =	vmul.f32 v11, v8  }
0x8b: {  	v5 =	vld [tilespmem:s8+$0xFE70];
	[tilespmem:s20+$0xFE80] =	vst v4;
	v6 =	vmov v10  }
0x8c: {  	s15 =	sadd.s32 $0x100, s15;
	v4 =	vld [tilespmem:s8+$0xFE80];
	[tilespmem:s20+$0xFE90] =	vst v8;
	v7 =	vmov v12;
	s20 =	smov.u32 s8  }
0x8d: {  	v8 =	vld [tilespmem:s20+$0xFE90];
	_ =	sdelay $0x1  }
0x8e: {  	v3 =	vmul.f32 v6, v3  }
0x8f: {  	v5 =	vmul.f32 v7, v5  }
0x90: {  	[tilespmem:s20+$0xFE60] =	vst v3;
	v2 =	vmul.f32 v2, v4  }
0x91: {  	[tilespmem:s20+$0xFE70] =	vst v5;
	v1 =	vmul.f32 v1, v8  }
0x92: {  	[tilespmem:s20+$0xFE80] =	vst v2  }
0x93: {  	s8 =	sadd.s32 $0xC3A0, s19;
	[tilespmem:s20+$0xFE90] =	vst v1;
	s20 =	sadd.s32 $0x4, s18  }
0x94: {  	[spmem:s2] =	stream.indirect.scatter.add.f32 [tilespmem:s30], [sflag:$0xA], $0x40, s8, s25, $0xb8;
	[tilespmem:$0x1A9A0] =	vst v63  }
0x95: {  	s15 =	sadd.s32 s14, s20;
	s8 =	smul.u32 $0x140, s20  }
0x96: {  	_ =	swait.ge [sflag:s7], $0x1400;
	s15 =	smul.u32 $0x280, s15  }
0x97: {  	s23 =	simm.s32 $0x0;
	[sflag:s7] =	ssyncset.done $0x0  }
0x98: {  	s8 =	sshra.s32 s8, $0x2;
	[sflag:s7] =	ssyncadd.s32 $0xFFFFEC00;
	s15 =	sadd.s32 s5, s15  }
0x99: {  	[tilespmem:s24], [sflag:$0x5] =	stream.linear.gather [hbm4b:s15+s23], $0x1400, $0x38;
	[tilespmem:$0x1A9A0] =	vst v63  }
0x9a: {  	s8 =	sadd.s32 $0x9C40, s8  }
0x9b: {  	[tilespmem:s26], [sflag:$0x1] =	stream.indirect.gather [hbm4b:s4+s25], $0x40, s8, s25, $0xb8;
	[tilespmem:$0x1A9A0] =	vst v63  }
0x9c: {  	_ =	swait.ge [sflag:s9], $0x1400  }
0x9d: {  	[sflag:s9] =	ssyncset.done $0x0  }
0x9e: {  	[sflag:s9] =	ssyncadd.s32 $0xFFFFEC00  }
0x9f: {  	_ =	swait.ge [sflag:s10], $0x1400  }
0xa0: {  	[sflag:s10] =	ssyncset.done $0x0  }
0xa1: {  	s20 =	simm.s32 $0x0;
	[sflag:s10] =	ssyncadd.s32 $0xFFFFEC00  }
0xa2: {  	v6 =	vld [tilespmem:s20+$0x16260]  }
0xa3: {  	v7 =	vld [tilespmem:s20+$0x16270]  }
0xa4: {  	v2 =	vld [tilespmem:s20+$0x16280]  }
0xa5: {  	v1 =	vld [tilespmem:s20+$0x16290]  }
0xa6: {  	v3 =	vld [tilespmem:s20+$0x11260]  }
0xa7: {  	v5 =	vld [tilespmem:s20+$0x11270]  }
0xa8: {  	s15 =	simm.s32 $0x100;
	v4 =	vld [tilespmem:s20+$0x11280]  }
.LBB2_9:
0xa9: {  	s8 =	sshra.s32 s15, $0x2;
	p0 =	sne.s32 s15, $0x4F00;
	v8 =	vld [tilespmem:s20+$0x11290];
	v9 =	vmov v2  }
0xaa: {  	v10 =	vld [tilespmem:s8+$0x16260];
	v11 =	vmov v1  }
0xab: {  	v12 =	vld [tilespmem:s8+$0x16270];
	v3 =	vmul.f32 v6, v3  }
.Ltmp3:
0xac: {  	v2 =	vld [tilespmem:s8+$0x16280];
	v5 =	vmul.f32 v7, v5;
	(pc) =	sbr.rel @p0 .LBB2_9-.Ltmp3, $4  }
0xad: {  	v1 =	vld [tilespmem:s8+$0x16290];
	[tilespmem:s20+$0x11260] =	vst v3;
	v4 =	vmul.f32 v9, v4  }
0xae: {  	v3 =	vld [tilespmem:s8+$0x11260];
	[tilespmem:s20+$0x11270] =	vst v5;
	v8 =	vmul.f32 v11, v8  }
0xaf: {  	v5 =	vld [tilespmem:s8+$0x11270];
	[tilespmem:s20+$0x11280] =	vst v4;
	v6 =	vmov v10  }
0xb0: {  	s15 =	sadd.s32 $0x100, s15;
	v4 =	vld [tilespmem:s8+$0x11280];
	[tilespmem:s20+$0x11290] =	vst v8;
	v7 =	vmov v12;
	s20 =	smov.u32 s8  }
0xb1: {  	v8 =	vld [tilespmem:s20+$0x11290];
	_ =	sdelay $0x1  }
0xb2: {  	v3 =	vmul.f32 v6, v3  }
0xb3: {  	v5 =	vmul.f32 v7, v5  }
0xb4: {  	[tilespmem:s20+$0x11260] =	vst v3;
	v2 =	vmul.f32 v2, v4  }
0xb5: {  	[tilespmem:s20+$0x11270] =	vst v5;
	v1 =	vmul.f32 v1, v8  }
0xb6: {  	[tilespmem:s20+$0x11280] =	vst v2  }
0xb7: {  	s8 =	sadd.s32 $0xC3F0, s19;
	p0 =	seq.s32 s17, $0x1E;
	[tilespmem:s20+$0x11290] =	vst v1  }
0xb8: {  	[spmem:s2] =	stream.indirect.scatter.add.f32 [tilespmem:s22], [sflag:$0xB], $0x40, s8, s25, $0xb8;
	[tilespmem:$0x1A9A0] =	vst v63  }
0xb9: {  	s15 =	simm.s32 @!p0 $0xA;
	s8 =	sadd.s32 @!p0 $0x5, s18  }
0xba: {  	s20 =	sadd.s32 @!p0 s14, s8;
	_ =	swait.ge @!p0 [sflag:s15], $0x1400;
	s8 =	smul.u32 @!p0 $0x140, s8  }
0xbb: {  	s20 =	smul.u32 @!p0 $0x280, s20;
	[sflag:s15] =	ssyncset.done @!p0 $0x0  }
0xbc: {  	s23 =	simm.s32 @!p0 $0x14E60;
	[sflag:s15] =	ssyncadd.s32 @!p0 $0xFFFFEC00  }
0xbd: {  	s8 =	sshra.s32 @!p0 s8, $0x2;
	s15 =	sadd.s32 @!p0 s5, s20;
	s20 =	simm.s32 @!p0 $0x0  }
0xbe: {  	[tilespmem:s23], [sflag:$0x6] =	stream.linear.gather @!p0 [hbm4b:s15+s20], $0x1400, $0x38;
	[tilespmem:$0x1A9A0] =	vst v63  }
0xbf: {  	s8 =	sadd.s32 @!p0 $0x9C40, s8;
	s15 =	simm.s32 @!p0 $0x50;
	s20 =	simm.s32 @!p0 $0xFE60  }
0xc0: {  	[tilespmem:s20], [sflag:$0x2] =	stream.indirect.gather @!p0 [hbm4b:s4+s15], $0x40, s8, s15, $0xb8;
	[tilespmem:$0x1A9A0] =	vst v63  }
0xc1: {  	_ =	swait.ge [sflag:s11], $0x1400  }
0xc2: {  	[sflag:s11] =	ssyncset.done $0x0  }
0xc3: {  	[sflag:s11] =	ssyncadd.s32 $0xFFFFEC00  }
0xc4: {  	_ =	swait.ge [sflag:s12], $0x1400  }
0xc5: {  	[sflag:s12] =	ssyncset.done $0x0  }
0xc6: {  	s20 =	simm.s32 $0x0;
	[sflag:s12] =	ssyncadd.s32 $0xFFFFEC00  }
0xc7: {  	v6 =	vld [tilespmem:s20+$0x17660]  }
0xc8: {  	v7 =	vld [tilespmem:s20+$0x17670]  }
0xc9: {  	v2 =	vld [tilespmem:s20+$0x17680]  }
0xca: {  	v1 =	vld [tilespmem:s20+$0x17690]  }
0xcb: {  	v3 =	vld [tilespmem:s20+$0x12660]  }
0xcc: {  	v5 =	vld [tilespmem:s20+$0x12670]  }
0xcd: {  	s15 =	simm.s32 $0x100;
	v4 =	vld [tilespmem:s20+$0x12680]  }
.LBB2_11:
0xce: {  	s8 =	sshra.s32 s15, $0x2;
	p1 =	sne.s32 s15, $0x4F00;
	v8 =	vld [tilespmem:s20+$0x12690];
	v9 =	vmov v2  }
0xcf: {  	v10 =	vld [tilespmem:s8+$0x17660];
	v11 =	vmov v1  }
0xd0: {  	v12 =	vld [tilespmem:s8+$0x17670];
	v3 =	vmul.f32 v6, v3  }
.Ltmp4:
0xd1: {  	v2 =	vld [tilespmem:s8+$0x17680];
	v5 =	vmul.f32 v7, v5;
	(pc) =	sbr.rel @p1 .LBB2_11-.Ltmp4, $4  }
0xd2: {  	v1 =	vld [tilespmem:s8+$0x17690];
	[tilespmem:s20+$0x12660] =	vst v3;
	v4 =	vmul.f32 v9, v4  }
0xd3: {  	v3 =	vld [tilespmem:s8+$0x12660];
	[tilespmem:s20+$0x12670] =	vst v5;
	v8 =	vmul.f32 v11, v8  }
0xd4: {  	v5 =	vld [tilespmem:s8+$0x12670];
	[tilespmem:s20+$0x12680] =	vst v4;
	v6 =	vmov v10  }
0xd5: {  	s15 =	sadd.s32 $0x100, s15;
	v4 =	vld [tilespmem:s8+$0x12680];
	[tilespmem:s20+$0x12690] =	vst v8;
	v7 =	vmov v12;
	s20 =	smov.u32 s8  }
0xd6: {  	v8 =	vld [tilespmem:s20+$0x12690];
	_ =	sdelay $0x1  }
0xd7: {  	v3 =	vmul.f32 v6, v3  }
0xd8: {  	v5 =	vmul.f32 v7, v5  }
.Ltmp5:
0xd9: {  	[tilespmem:s20+$0x12660] =	vst v3;
	v2 =	vmul.f32 v2, v4;
	(pc) =	sbr.rel @p0 .LBB2_14-.Ltmp5, $4  }
0xda: {  	[tilespmem:s20+$0x12670] =	vst v5;
	v1 =	vmul.f32 v1, v8  }
0xdb: {  	[tilespmem:s20+$0x12680] =	vst v2  }
0xdc: {  	s8 =	sadd.s32 $0xC440, s19;
	[tilespmem:s20+$0x12690] =	vst v1  }
0xdd: {  	[spmem:s2] =	stream.indirect.scatter.add.f32 [tilespmem:s0], [sflag:$0xC], $0x40, s8, s25, $0xb8;
	[tilespmem:$0x1A9A0] =	vst v63  }
0xde: {  	s8 =	sadd.s32 $0x6, s18  }
0xdf: {  	s15 =	sadd.s32 s14, s8;
	s8 =	smul.u32 $0x140, s8  }
0xe0: {  	_ =	swait.ge [sflag:s13], $0x1400;
	s15 =	smul.u32 $0x280, s15  }
.Ltmp6:
0xe1: {  	[sflag:s13] =	ssyncset.done $0x0;
	(pc) =	sbr.rel .LBB2_4-.Ltmp6, $4  }
0xe2: {  	[sflag:s13] =	ssyncadd.s32 $0xFFFFEC00;
	s8 =	sshra.s32 s8, $0x2;
	s15 =	sadd.s32 s5, s15  }
0xe3: {  	[tilespmem:s31], [sflag:$0x7] =	stream.linear.gather [hbm4b:s15+s3], $0x1400, $0x38;
	[tilespmem:$0x1A9A0] =	vst v63  }
0xe4: {  	s17 =	sadd.s32 $0x1, s17;
	s8 =	sadd.s32 $0x9C40, s8  }
0xe5: {  	[tilespmem:s22], [sflag:$0x3] =	stream.indirect.gather [hbm4b:s4+s25], $0x40, s8, s25, $0xb8;
	[tilespmem:$0x1A9A0] =	vst v63  }
.LBB2_14:
0xe6: {  	_ =	swait.ge [sflag:s28], $0x1400  }
0xe7: {  	[sflag:s28] =	ssyncset.done $0x0  }
0xe8: {  	[sflag:s28] =	ssyncadd.s32 $0xFFFFEC00  }
0xe9: {  	_ =	swait.ge [sflag:s29], $0x1400  }
0xea: {  	[sflag:s29] =	ssyncset.done $0x0  }
0xeb: {  	s17 =	simm.s32 $0x0;
	[sflag:s29] =	ssyncadd.s32 $0xFFFFEC00  }
0xec: {  	v6 =	vld [tilespmem:s17+$0x13A60]  }
0xed: {  	v7 =	vld [tilespmem:s17+$0x13A70]  }
0xee: {  	v2 =	vld [tilespmem:s17+$0x13A80]  }
0xef: {  	v1 =	vld [tilespmem:s17+$0x13A90]  }
0xf0: {  	v3 =	vld [tilespmem:s17+$0xEA60]  }
0xf1: {  	v5 =	vld [tilespmem:s17+$0xEA70]  }
0xf2: {  	s15 =	simm.s32 $0x100;
	v4 =	vld [tilespmem:s17+$0xEA80]  }
.LBB2_15:
0xf3: {  	s8 =	sshra.s32 s15, $0x2;
	p0 =	sne.s32 s15, $0x4F00;
	v8 =	vld [tilespmem:s17+$0xEA90];
	v9 =	vmov v2  }
0xf4: {  	v10 =	vld [tilespmem:s8+$0x13A60];
	v11 =	vmov v1  }
0xf5: {  	v12 =	vld [tilespmem:s8+$0x13A70];
	v3 =	vmul.f32 v6, v3  }
.Ltmp7:
0xf6: {  	v2 =	vld [tilespmem:s8+$0x13A80];
	v5 =	vmul.f32 v7, v5;
	(pc) =	sbr.rel @p0 .LBB2_15-.Ltmp7, $4  }
0xf7: {  	v1 =	vld [tilespmem:s8+$0x13A90];
	[tilespmem:s17+$0xEA60] =	vst v3;
	v4 =	vmul.f32 v9, v4  }
0xf8: {  	v3 =	vld [tilespmem:s8+$0xEA60];
	[tilespmem:s17+$0xEA70] =	vst v5;
	v8 =	vmul.f32 v11, v8  }
0xf9: {  	v5 =	vld [tilespmem:s8+$0xEA70];
	[tilespmem:s17+$0xEA80] =	vst v4;
	v6 =	vmov v10  }
0xfa: {  	s15 =	sadd.s32 $0x100, s15;
	v4 =	vld [tilespmem:s8+$0xEA80];
	[tilespmem:s17+$0xEA90] =	vst v8;
	v7 =	vmov v12;
	s17 =	smov.u32 s8  }
0xfb: {  	v8 =	vld [tilespmem:s17+$0xEA90];
	_ =	sdelay $0x1  }
0xfc: {  	v3 =	vmul.f32 v6, v3  }
0xfd: {  	v5 =	vmul.f32 v7, v5  }
0xfe: {  	[tilespmem:s17+$0xEA60] =	vst v3;
	v2 =	vmul.f32 v2, v4  }
0xff: {  	[tilespmem:s17+$0xEA70] =	vst v5;
	v1 =	vmul.f32 v1, v8  }
0x100: {  	[tilespmem:s17+$0xEA80] =	vst v2  }
0x101: {  	s8 =	simm.s32 $0xEA10;
	[tilespmem:s17+$0xEA90] =	vst v1;
	s17 =	simm.s32 $0xA  }
0x102: {  	[spmem:s2] =	stream.indirect.scatter.add.f32 [tilespmem:s26], [sflag:$0x9], $0x40, s8, s25, $0xb8;
	[tilespmem:$0x1A9A0] =	vst v63  }
0x103: {  	_ =	swait.ge [sflag:s17], $0x1400  }
0x104: {  	[sflag:s17] =	ssyncset.done $0x0  }
0x105: {  	[sflag:s17] =	ssyncadd.s32 $0xFFFFEC00  }
0x106: {  	_ =	swait.ge [sflag:s13], $0x1400  }
0x107: {  	[sflag:s13] =	ssyncset.done $0x0  }
0x108: {  	s18 =	simm.s32 $0xC;
	[sflag:s13] =	ssyncadd.s32 $0xFFFFEC00  }
0x109: {  	_ =	swait.ge [sflag:s18], $0x1400  }
0x10a: {  	[sflag:s18] =	ssyncset.done $0x0  }
0x10b: {  	[sflag:s18] =	ssyncadd.s32 $0xFFFFEC00  }
0x10c: {  	_ =	swait.ge [sflag:s7], $0x1400  }
0x10d: {  	[sflag:s7] =	ssyncset.done $0x0  }
0x10e: {  	[sflag:s7] =	ssyncadd.s32 $0xFFFFEC00  }
0x10f: {  	s19 =	stileid.u32;
	[bflag:$0x0] =	sbarrier.arrive $0xFFFF  }
0x110: {  	s8 =	sshll.u32 s19, $0x6;
	s19 =	rddreg [dreg:$0x5]  }
0x111: {  	s8 =	sor.u32 $0x1C0D, s8;
	s20 =	rddreg [dreg:$0xe];
	s15 =	sshrl.u32 s19, $0x3  }
0x112: {  	[hbm:s20], [sflag:s8] =	dma.local [spmem:s15], $0x1388  }
0x113: {  	_ =	swait.ge [sflag:s21], $0x1388  }
0x114: {  	s16 =	sadd.s32 $0x1, s16;
	s23 =	rddreg [dreg:$0xf]  }
0x115: {  	p0 =	sne.s32 s16, s23  }
.Ltmp8:
0x116: {  	_ = 	snop;
	(pc) =	sbr.rel @p0 .LBB2_1-.Ltmp8, $3  }
0x117: {  	_ =	sdelay $0x1  }
0x118: {  	[sflag:s21] =	ssyncset.done $0x0  }
0x119: {  	[sflag:s21] =	ssyncadd.s32 $0xFFFFEC78  }
0x11a: {  	_ =	sfence.sel $0x180000  }
0x11b: {  	[bflag:$0x0] =	sbarrier.arrive $0xFFFF  }
0x11c: {  	_ =	strace $0x9000004A  }
0x11d: {  	s0 =	stileid.u32;
	[bflag:$0x2] =	sbarrier.arrive $0xFFFF  }
0x11e: {  	p0 =	sne.s32 s0, $0x0;
	s0 =	rddreg [dreg:$0x2]  }
0x11f: {  	s0 =	sadd.s32 @!p0 $0x100000, s0  }
0x120: {  	[sflag:s0] =	ssyncadd.tile.s32 @!p0 $0x1;
	_ =	shalt  }
.Lfunc_end2:
_tile_overlayer_lowered:
.L_overlay_start_2:
0x121: {  	(tag) =	ssettag $0x2  }
0x122: {  	s0 =	rddreg [dreg:$0x0];
	s2 =	stileid.u32  }
0x123: {  	s1 =	rddreg [dreg:$0x1];
	p0 =	sne.s32 s2, $0x0  }
0x124: {  	s3 =	rddreg [dreg:$0x2];
	[bflag:$0x3] =	sbarrier.arrive $0xFFFF;
	s2 =	simm.s32 @!p0 $0x1C0D  }
0x125: {  	[timem:s3], [sflag:s2] =	dma.local @!p0 [hbm:s0], s1  }
0x126: {  	s0 =	simm.s32 @!p0 $0xD  }
0x127: {  	_ =	swait.ge @!p0 [sflag:s0], s1  }
0x128: {  	s1 =	ssub.s32 @!p0 $0x0, s1;
	[sflag:s0] =	ssyncset.done @!p0 $0x0  }
0x129: {  	[sflag:s0] =	ssyncadd.s32 @!p0 s1  }
0x12a: {  	[bflag:$0x3] =	sbarrier.arrive $0xFFFF  }
0x12b: {  	_ =	shalt  }

// kernel: kernel.15.cloned.1.call-start
scs
__scs_entry_jumppad:
0x0: {  	(pc) =	sbr.rel $0x88, $3  }
0x1: {  	(tag) =	ssettag $0x0;
	lr =	simm.s32 $0x1  }
0x2: {  	[smem:$0x3F86] =	sst lr;
	_ =	strace $0xD0000000  }
0x3: {  	_ = 	snop  }
0x4: {  	_ = 	snop  }
0x5: {  	_ = 	snop  }
0x6: {  	_ = 	snop  }
0x7: {  	_ = 	snop  }
__scs_overlays_trampoline_lowered:
0x8: {  	[smem:$0x3F95] =	sst s0  }
0x9: {  	[smem:$0x3F96] =	sst s1  }
0xa: {  	[smem:$0x3F97] =	sst s2  }
0xb: {  	[smem:$0x3F98] =	sst s3  }
0xc: {  	[smem:$0x3F99] =	sst s4  }
0xd: {  	[smem:$0x3F9A] =	sst s5  }
0xe: {  	[smem:$0x3F9B] =	sst s6  }
0xf: {  	[smem:$0x3F9C] =	sst s7  }
0x10: {  	[smem:$0x3F9D] =	sst s8  }
0x11: {  	[smem:$0x3F9E] =	sst s9;
	s0 =	simm.s32 @!p0 $0x0  }
0x12: {  	s1 =	sld [smem:$0x3F84];
	s0 =	simm.s32 @p0 $0x1  }
0x13: {  	[smem:$0x3F9F] =	sst s0;
	s0 =	simm.s32 @!p1 $0x0  }
0x14: {  	s2 =	sld [smem:$0x3F83];
	s0 =	simm.s32 @p1 $0x1  }
0x15: {  	[smem:$0x3FA0] =	sst s0;
	s0 =	simm.s32 @!p2 $0x0  }
0x16: {  	s3 =	sld [smem:$0x3FDB];
	s0 =	simm.s32 @p2 $0x1  }
0x17: {  	s4 =	simm.s32 $0x1BF5;
	[smem:$0x3FA2] =	sst s0  }
0x18: {  	s0 =	sld [smem:$0x3F85];
	_ =	swait.ge [sflag:s4], $0x0  }
0x19: {  	s7 =	sld [smem:$0x3F86]  }
0x1a: {  	s8 =	sadd.s32 $0xFFFFE003, lr  }
0x1b: {  	s9 =	sadd.s32 $0xFFFFFEF7, lr;
	s5 =	simm.s32 $0xFFFFFFFF;
	p2 =	slt.u32 s8, $0xFFFFF086  }
0x1c: {  	p1 =	slt.u32 s9, $0xF7A;
	s5 =	simm.s32 @!p2 $0x0  }
0x1d: {  	s5 =	simm.s32 @p1 $0x1;
	p0 =	seq.s32 s7, s2  }
0x1e: {  	s7 =	smul.u32 @!p0 $0xF7A, s2;
	p2 =	seq.s32 @!p0 s5, $0x0  }
0x1f: {  	s9 =	smul.u32 $0xF7A, s1;
	s8 =	simm.s32 @!p0 $0x1BF5;
	p2 =	por !p2, p0  }
0x20: {  	[sflag:s8] =	ssyncset.s32 @!p0 $0xFFFFF086;
	s6 =	sadd.s32 @!p0 s3, s7;
	s7 =	simm.s32 @!p0 $0x108  }
0x21: {  	s3 =	sadd.s32 s3, s9;
	s6 =	sadd.s32 @!p0 $0x88, s6;
	s7 =	simm.s32 @p2 $0x1082  }
0x22: {  	[simem:s7], [sflag:s8] =	dma.local @!p0 [hbm:s6], $0xF7A  }
0x23: {  	s9 =	sor.u32 $0xD0000000, s2;
	s6 =	simm.s32 $0x108;
	_ =	swait.ge @!p0 [sflag:s8], $0x0  }
0x24: {  	s3 =	sadd.s32 $0x88, s3;
	s6 =	simm.s32 @!p1 $0x1082;
	[sflag:s4] =	ssyncset.s32 $0xFFFFF086  }
0x25: {  	[simem:s6], [sflag:s4] =	dma.local [hbm:s3], $0xF7A  }
0x26: {  	[smem:$0x3F86] =	sst s1;
	(tag) =	ssettag s2;
	_ =	strace s9  }
0x27: {  	s1 =	sld [smem:$0x3F96]  }
0x28: {  	s2 =	sld [smem:$0x3F97]  }
0x29: {  	s4 =	sld [smem:$0x3F99]  }
0x2a: {  	p0 =	seq.s32 s5, $0x0;
	s5 =	sld [smem:$0x3F9A]  }
0x2b: {  	s6 =	sld [smem:$0x3F9B]  }
0x2c: {  	s7 =	sld [smem:$0x3F9C]  }
0x2d: {  	s3 =	simm.s32 $0x108;
	s8 =	sld [smem:$0x3F9D]  }
0x2e: {  	s3 =	simm.s32 @!p0 $0x1082;
	s9 =	sld [smem:$0x3F9E]  }
0x2f: {  	lr =	sadd.s32 s0, s3;
	s0 =	sld [smem:$0x3F95]  }
0x30: {  	s3 =	sld [smem:$0x3F98]  }
0x31: {  	[smem:$0x3FA1] =	sst s10  }
0x32: {  	s10 =	sld [smem:$0x3F9F];
	_ =	sdelay $0x3  }
0x33: {  	p0 =	seq.s32 s10, $0x1;
	s10 =	sld [smem:$0x3FA1];
	_ =	sdelay $0x3  }
0x34: {  	[smem:$0x3FA1] =	sst s10  }
0x35: {  	s10 =	sld [smem:$0x3FA0];
	_ =	sdelay $0x3  }
0x36: {  	p1 =	seq.s32 s10, $0x1;
	s10 =	sld [smem:$0x3FA1];
	_ =	sdelay $0x3  }
0x37: {  	[smem:$0x3FA1] =	sst s10  }
0x38: {  	s10 =	sld [smem:$0x3FA2]  }
0x39: {  	_ = 	snop;
	(pc) =	sbr.ind lr, $3  }
0x3a: {  	_ = 	snop  }
0x3b: {  	_ = 	snop  }
0x3c: {  	p2 =	seq.s32 s10, $0x1;
	s10 =	sld [smem:$0x3FA1]  }
0x3d: {  	_ =	shalt  }
0x3e: {  	_ =	shalt  }
0x3f: {  	_ =	shalt  }
0x40: {  	_ =	shalt  }
0x41: {  	_ =	shalt  }
0x42: {  	_ =	shalt  }
0x43: {  	_ =	shalt  }
0x44: {  	_ =	shalt  }
0x45: {  	_ =	shalt  }
0x46: {  	_ =	shalt  }
0x47: {  	_ =	shalt  }
0x48: {  	_ =	shalt  }
0x49: {  	_ =	shalt  }
0x4a: {  	_ =	shalt  }
0x4b: {  	_ =	shalt  }
0x4c: {  	_ =	shalt  }
0x4d: {  	_ =	shalt  }
0x4e: {  	_ =	shalt  }
0x4f: {  	_ =	shalt  }
0x50: {  	_ =	shalt  }
0x51: {  	_ =	shalt  }
0x52: {  	_ =	shalt  }
0x53: {  	_ =	shalt  }
0x54: {  	_ =	shalt  }
0x55: {  	_ =	shalt  }
0x56: {  	_ =	shalt  }
0x57: {  	_ =	shalt  }
0x58: {  	_ =	shalt  }
0x59: {  	_ =	shalt  }
0x5a: {  	_ =	shalt  }
0x5b: {  	_ =	shalt  }
0x5c: {  	_ =	shalt  }
0x5d: {  	_ =	shalt  }
0x5e: {  	_ =	shalt  }
0x5f: {  	_ =	shalt  }
0x60: {  	_ =	shalt  }
0x61: {  	_ =	shalt  }
0x62: {  	_ =	shalt  }
0x63: {  	_ =	shalt  }
0x64: {  	_ =	shalt  }
0x65: {  	_ =	shalt  }
0x66: {  	_ =	shalt  }
0x67: {  	_ =	shalt  }
0x68: {  	_ =	shalt  }
0x69: {  	_ =	shalt  }
0x6a: {  	_ =	shalt  }
0x6b: {  	_ =	shalt  }
0x6c: {  	_ =	shalt  }
0x6d: {  	_ =	shalt  }
0x6e: {  	_ =	shalt  }
0x6f: {  	_ =	shalt  }
0x70: {  	_ =	shalt  }
0x71: {  	_ =	shalt  }
0x72: {  	_ =	shalt  }
0x73: {  	_ =	shalt  }
0x74: {  	_ =	shalt  }
0x75: {  	_ =	shalt  }
0x76: {  	_ =	shalt  }
0x77: {  	_ =	shalt  }
0x78: {  	_ =	shalt  }
0x79: {  	_ =	shalt  }
0x7a: {  	_ =	shalt  }
0x7b: {  	_ =	shalt  }
0x7c: {  	_ =	shalt  }
0x7d: {  	_ =	shalt  }
0x7e: {  	_ =	shalt  }
0x7f: {  	_ =	shalt  }
0x80: {  	_ =	shalt  }
0x81: {  	_ =	shalt  }
0x82: {  	_ =	shalt  }
0x83: {  	_ =	shalt  }
0x84: {  	_ =	shalt  }
0x85: {  	_ =	shalt  }
0x86: {  	_ =	shalt  }
0x87: {  	_ =	shalt  }
.Lfunc_end0:
.L_simem_size_0:
called_computation.2_lowered:
.L_overlay_start_0:
0x88: {  	s2 =	sld [smem:$0x3FD9]  }
0x89: {  	s3 =	sld [smem:$0x3FFE];
	_ =	sdelay $0x1  }
0x8a: {  	s1 =	srdreg.scid  }
0x8b: {  	s0 =	sand.u32 $0x1, s1  }
0x8c: {  	s16 =	sshll.u32 s0, $0xA;
	s2 =	sadd.s32 s3, s2  }
0x8d: {  	s2 =	sadd.s32 s2, s16  }
0x8e: {  	[smem:$0x3FAD] =	sst s2  }
0x8f: {  	_ = 	snop  }
0x90: {  	(tm) =	ssettm $0x1  }
0x91: {  	s17 =	sld [smem:$0x3FFB];
	_ =	sdelay $0x3  }
0x92: {  	_ =	strace s17  }
0x93: {  	s2 =	sld [smem:$0x3FFC];
	_ =	sdelay $0x3  }
0x94: {  	_ =	strace s2  }
0x95: {  	s2 =	sld [smem:$0x3FFD];
	_ =	sdelay $0x3  }
0x96: {  	_ =	strace s2  }
0x97: {  	_ =	strace $0x8FFFFFFF  }
0x98: {  	s18 =	sld [smem:$0x3FDB];
	_ =	sdelay $0x1  }
0x99: {  	s19 =	simm.s32 $_scs_section_size  }
0x9a: {  	s4 =	simm.s32 $_size__tile_overlayer_lowered;
	s5 =	simm.s32 $_tile_overlayer_lowered  }
0x9b: {  	s22 =	simm.s32 $0x1BFF;
	s21 =	sshll.u32 s5, $0x1;
	s2 =	sadd.s32 s19, s18  }
0x9c: {  	s6 =	simm.s32 $0x0;
	s20 =	sshll.u32 s4, $0x1;
	s4 =	sadd.s32 s21, s2  }
0x9d: {  	[timem:s6], [sflag:s22] =	dma.local [hbm:s4], s20  }
0x9e: {  	_ =	swait.ge [sflag:s22], s20  }
0x9f: {  	s3 =	ssub.s32 $0x0, s20;
	[sflag:s22] =	ssyncset.done $0x0  }
0xa0: {  	[sflag:s22] =	ssyncadd.s32 s3;
	_ =	sdelay $0x1  }
0xa1: {  	s23 =	simm.s32 $0x1B8B  }
0xa2: {  	_ =	swait.ge [sflag:s23], $0x1  }
0xa3: {  	[sflag:s23] =	ssyncset.done $0x0  }
0xa4: {  	s25 =	simm.s32 $0x1B8E;
	s24 =	sld [smem:$0x3FFE];
	[sflag:s23] =	ssyncadd.s32 $0xFFFFFFFF  }
0xa5: {  	s26 =	simm.s32 $execute0_lowered;
	[smem:$0x3FD2] =	sst s25  }
0xa6: {  	s4 =	sshll.u32 s26, $0x1;
	_ =	strace $0x8000004C;
	[dreg:$0x1] =	wrdreg $0xFFFFFFFF  }
0xa7: {  	s28 =	simm.s32 $_size_execute0_lowered;
	s2 =	sadd.s32 s2, s4;
	[dreg:$0x0] =	wrdreg $0x0  }
0xa8: {  	s4 =	sshll.u32 s28, $0x1;
	[dreg:$0x2] =	wrdreg s2  }
0xa9: {  	[dreg:$0x3] =	wrdreg s4  }
0xaa: {  	[dreg:$0x4] =	wrdreg $0xC0  }
0xab: {  	_ =	task [dreg:s6], $0x5FFFF  }
0xac: {  	[dreg:$0x1] =	wrdreg $0xFFFFFFFF  }
0xad: {  	[dreg:$0x0] =	wrdreg $0x60  }
0xae: {  	[dreg:$0x2] =	wrdreg s24  }
0xaf: {  	[dreg:$0x3] =	wrdreg $0x0  }
0xb0: {  	[dreg:$0x4] =	wrdreg $0x9  }
0xb1: {  	_ =	task.clear_ibuf [dreg:s6], $0x5FFFF;
	_ =	strace $0x9000004C  }
0xb2: {  	s29 =	simm.s32 $0x9;
	_ =	strace $0x8000004E  }
0xb3: {  	_ =	swait.ge [sflag:s29], $0x1  }
0xb4: {  	[sflag:s29] =	ssyncadd.s32 $0xFFFFFFFF  }
0xb5: {  	_ =	strace $0x9000004E  }
0xb6: {  	_ =	sfence  }
0xb7: {  	s30 =	sld [smem:$0x0];
	_ =	sdelay $0x2  }
0xb8: {  	s31 =	sshll.u32 s1, $0xD;
	s1 =	sshrl.u32 s1, $0x2  }
0xb9: {  	s3 =	sand.u32 $0x4000, s31;
	s1 =	sadd.s32 s1, s30  }
0xba: {  	s0 =	sor.u32 s3, s0;
	s1 =	sshll.u32 s1, $0x11  }
0xbb: {  	s0 =	sor.u32 s1, s0  }
0xbc: {  	s0 =	sadd.s32 $0x8F2B, s0  }
0xbd: {  	[sflag:s0] =	ssyncadd.remote.s32 $0x1  }
0xbe: {  	_ =	sfence.sel $0xFFFF  }
0xbf: {  	[dreg:$0x0] =	wrdreg $0xFFFFFFFF;
	(pc) =	sbr.abs _section_cstart, $3  }
0xc0: {  	[dreg:$0x1] =	wrdreg $0xFFFFFFFF  }
0xc1: {  	_ =	task.clear_ibuf [dreg:s6], $0x2FFFF;
	_ =	strace $0x9FFFFFFF  }
0xc2: {  	(tm) =	ssettm $0x7FFFFFFF  }
0xc3: {  	_ =	shalt  }
tec
execute0_lowered:
.L_overlay_start_1:
0x0: {  	(tag) =	ssettag $0x1  }
0x1: {  	s0 =	rddreg [dreg:$0x0]  }
0x2: {  	s2 =	rddreg [dreg:$0x1];
	s1 =	srdreg.scid  }
0x3: {  	s10 =	stileid.u32;
	s3 =	simm.s32 $0x0;
	s30 =	simm.s32 $0xFE60  }
0x4: {  	s31 =	simm.s32 $0x16260;
	s28 =	simm.s32 $0x5;
	s29 =	simm.s32 $0x1  }
0x5: {  	s11 =	simm.s32 $0x8;
	s12 =	simm.s32 $0x4;
	s13 =	simm.s32 $0xB  }
0x6: {  	s1 =	sand.u32 $0x1, s1;
	s6 =	smul.u32 $0x9C40, s10;
	[smem:$0x7FF] =	sst s3  }
0x7: {  	s5 =	sshll.u32 s10, $0x1;
	s4 =	sadd.s32 $0x17800, s0;
	s10 =	smul.u32 $0x27100, s10  }
0x8: {  	s7 =	smul.u32 $0x9C400, s1;
	_ =	strace $0x8000004D;
	s9 =	sor.u32 s1, s5  }
0x9: {  	s5 =	sadd.s32 $0x84600, s0;
	s1 =	ssub.s32 $0x2, s1;
	s8 =	smul.u32 $0x4E2, s9  }
0xa: {  	s14 =	sshrl.u32 s1, $0x1;
	s16 =	sshrl.u32 s10, $0x2;
	s20 =	smul.u32 $0x13880, s9  }
0xb: {  	s19 =	sadd.s32 s6, s2;
	s7 =	sadd.s32 s6, s7;
	s1 =	ssub.s32 s1, s14  }
0xc: {  	[dreg:$0x5] =	wrdreg s19;
	s7 =	sshrl.u32 s7, $0x3;
	s6 =	sadd.s32 s5, s20  }
0xd: {  	s8 =	sadd.s32 s8, s0;
	s26 =	smax.u32 s1, $0x1;
	[dreg:$0xa] =	wrdreg s6  }
0xe: {  	s0 =	sadd.s32 s7, s0;
	s15 =	sadd.s32 $0xDA00, s8;
	[dreg:$0xf] =	wrdreg s26  }
0xf: {  	s8 =	sadd.s32 $0x3C00, s8;
	s7 =	sadd.s32 s16, s2;
	[dreg:$0x3] =	wrdreg s15  }
0x10: {  	s17 =	smul.u32 $0x9C400, s9;
	[dreg:$0x4] =	wrdreg s8;
	s18 =	sadd.s32 $0x1F40, s7  }
0x11: {  	s14 =	smul.u32 $0x7D, s9;
	s21 =	sadd.s32 $0x3E80, s7;
	[dreg:$0x6] =	wrdreg s18  }
0x12: {  	s10 =	sshrl.u32 s17, $0x3;
	s22 =	sadd.s32 $0x5DC0, s7;
	[dreg:$0x7] =	wrdreg s21  }
0x13: {  	s23 =	sadd.s32 s5, s10;
	s7 =	sadd.s32 $0x7D00, s7;
	[dreg:$0x8] =	wrdreg s22  }
0x14: {  	s9 =	simm.s32 $0x7;
	s24 =	sadd.s32 $0x280, s23;
	[dreg:$0x9] =	wrdreg s7  }
0x15: {  	s1 =	simm.s32 $0x6;
	s25 =	sadd.s32 $0x500, s23;
	[dreg:$0xb] =	wrdreg s24  }
0x16: {  	s26 =	simm.s32 $0xEA60;
	s6 =	sadd.s32 $0x780, s23;
	[dreg:$0xc] =	wrdreg s25  }
0x17: {  	s10 =	simm.s32 $0x3;
	s0 =	sadd.s32 $0x2B200, s0;
	[dreg:$0xd] =	wrdreg s6  }
0x18: {  	s16 =	simm.s32 $0x0;
	[dreg:$0xe] =	wrdreg s0;
	s21 =	simm.s32 $0xD  }
0x19: {  	s24 =	simm.s32 $0x13A60;
	s25 =	simm.s32 $0x50;
	s22 =	simm.s32 $0x11260  }
0x1a: {  	v0 =	vimm.f32 $0.0e+00;
	s0 =	simm.s32 $0x12660;
	s6 =	simm.s32 $0x2;
	s7 =	simm.s32 $0x9  }
.LBB2_1:
0x1b: {  	s8 =	rddreg [dreg:$0x3];
	s15 =	simm.s32 $0x9C40  }
0x1c: {  	[tilespmem:s15], [sflag:$0xD] =	stream.linear.gather [hbm4b:s8+s3], $0x2710, $0x38;
	[tilespmem:$0x1A9A0] =	vst v63  }
0x1d: {  	_ =	swait.ge [sflag:s21], $0x2710  }
0x1e: {  	[sflag:s21] =	ssyncset.done $0x0  }
0x1f: {  	s23 =	simm.s32 $0xC350;
	s20 =	rddreg [dreg:$0x4];
	[sflag:s21] =	ssyncadd.s32 $0xFFFFD8F0  }
0x20: {  	[tilespmem:s23], [sflag:$0xD] =	stream.linear.gather [hbm4b:s20+s3], $0x2710, $0x38;
	[tilespmem:$0x1A9A0] =	vst v63  }
0x21: {  	_ =	swait.ge [sflag:s21], $0x2710  }
0x22: {  	[sflag:s21] =	ssyncset.done $0x0  }
0x23: {  	s17 =	simm.s32 $0x100;
	s15 =	simm.s32 $0x0;
	[sflag:s21] =	ssyncadd.s32 $0xFFFFD8F0  }
.LBB2_2:
0x24: {  	p0 =	sne.s32 s17, $0x7C00;
	[tilespmem:s15+$0x18A90] =	vst v0;
	s18 =	smov.u32 s17;
	s17 =	sadd.s32 $0x100, s17  }
.Ltmp0:
0x25: {  	[tilespmem:s15+$0x18A80] =	vst v0;
	(pc) =	sbr.rel @p0 .LBB2_2-.Ltmp0, $3  }
0x26: {  	[tilespmem:s15+$0x18A60] =	vst v0  }
0x27: {  	[tilespmem:s15+$0x18A70] =	vst v0;
	_ =	sdelay $0x1  }
0x28: {  	s15 =	sshra.s32 s18, $0x2  }
0x29: {  	[tilespmem:s15+$0x18A90] =	vst v0  }
0x2a: {  	[tilespmem:s15+$0x18A80] =	vst v0  }
0x2b: {  	[tilespmem:s15+$0x18A60] =	vst v0  }
0x2c: {  	[tilespmem:s15+$0x18A70] =	vst v0;
	s18 =	simm.s32 $0x18A60  }
0x2d: {  	[spmem:s19] =	stream.linear.scatter [tilespmem:s18], [sflag:$0xD], $0x1F40, $0x38;
	[tilespmem:$0x1A9A0] =	vst v63  }
0x2e: {  	_ =	swait.ge [sflag:s21], $0x1F40  }
0x2f: {  	[sflag:s21] =	ssyncset.done $0x0  }
0x30: {  	s8 =	rddreg [dreg:$0x6];
	[sflag:s21] =	ssyncadd.s32 $0xFFFFE0C0  }
0x31: {  	[spmem:s8] =	stream.linear.scatter [tilespmem:s18], [sflag:$0xD], $0x1F40, $0x38;
	[tilespmem:$0x1A9A0] =	vst v63  }
0x32: {  	_ =	swait.ge [sflag:s21], $0x1F40  }
0x33: {  	[sflag:s21] =	ssyncset.done $0x0  }
0x34: {  	s19 =	rddreg [dreg:$0x7];
	[sflag:s21] =	ssyncadd.s32 $0xFFFFE0C0  }
0x35: {  	[spmem:s19] =	stream.linear.scatter [tilespmem:s18], [sflag:$0xD], $0x1F40, $0x38;
	[tilespmem:$0x1A9A0] =	vst v63  }
0x36: {  	_ =	swait.ge [sflag:s21], $0x1F40  }
0x37: {  	[sflag:s21] =	ssyncset.done $0x0  }
0x38: {  	s20 =	rddreg [dreg:$0x8];
	[sflag:s21] =	ssyncadd.s32 $0xFFFFE0C0  }
0x39: {  	[spmem:s20] =	stream.linear.scatter [tilespmem:s18], [sflag:$0xD], $0x1F40, $0x38;
	[tilespmem:$0x1A9A0] =	vst v63  }
0x3a: {  	_ =	swait.ge [sflag:s21], $0x1F40  }
0x3b: {  	[sflag:s21] =	ssyncset.done $0x0  }
0x3c: {  	s23 =	rddreg [dreg:$0x9];
	[sflag:s21] =	ssyncadd.s32 $0xFFFFE0C0  }
0x3d: {  	[spmem:s23] =	stream.linear.scatter [tilespmem:s18], [sflag:$0xD], $0x1F40, $0x38;
	[tilespmem:$0x1A9A0] =	vst v63  }
0x3e: {  	_ =	swait.ge [sflag:s21], $0x1F40  }
0x3f: {  	[sflag:s21] =	ssyncset.done $0x0  }
0x40: {  	[sflag:s21] =	ssyncadd.s32 $0xFFFFE0C0  }
0x41: {  	[bflag:$0x0] =	sbarrier.arrive $0xFFFF  }
0x42: {  	s17 =	simm.s32 $0x0;
	s15 =	rddreg [dreg:$0xa]  }
0x43: {  	[tilespmem:s24], [sflag:$0x5] =	stream.linear.gather [hbm4b:s15+s17], $0x1400, $0x38;
	[tilespmem:$0x1A9A0] =	vst v63  }
0x44: {  	s18 =	simm.s32 $0x9C40  }
0x45: {  	[tilespmem:s26], [sflag:$0x1] =	stream.indirect.gather [hbm4b:s4+s25], $0x40, s18, s25, $0xb8;
	[tilespmem:$0x1A9A0] =	vst v63  }
0x46: {  	s20 =	simm.s32 $0x14E60;
	s19 =	rddreg [dreg:$0xb]  }
0x47: {  	[tilespmem:s20], [sflag:$0x6] =	stream.linear.gather [hbm4b:s19+s17], $0x1400, $0x38;
	[tilespmem:$0x1A9A0] =	vst v63  }
0x48: {  	s23 =	simm.s32 $0x9C90  }
0x49: {  	[tilespmem:s30], [sflag:$0x2] =	stream.indirect.gather [hbm4b:s4+s25], $0x40, s23, s25, $0xb8;
	[tilespmem:$0x1A9A0] =	vst v63  }
0x4a: {  	s15 =	rddreg [dreg:$0xc]  }
0x4b: {  	[tilespmem:s31], [sflag:$0x7] =	stream.linear.gather [hbm4b:s15+s17], $0x1400, $0x38;
	[tilespmem:$0x1A9A0] =	vst v63  }
0x4c: {  	s18 =	simm.s32 $0x9CE0  }
0x4d: {  	[tilespmem:s22], [sflag:$0x3] =	stream.indirect.gather [hbm4b:s4+s25], $0x40, s18, s25, $0xb8;
	[tilespmem:$0x1A9A0] =	vst v63  }
0x4e: {  	s19 =	rddreg [dreg:$0xd];
	s20 =	simm.s32 $0x17660  }
0x4f: {  	[tilespmem:s20], [sflag:$0x8] =	stream.linear.gather [hbm4b:s19+s17], $0x1400, $0x38;
	[tilespmem:$0x1A9A0] =	vst v63  }
0x50: {  	s23 =	simm.s32 $0x9D30  }
0x51: {  	[tilespmem:s0], [sflag:$0x4] =	stream.indirect.gather [hbm4b:s4+s25], $0x40, s23, s25, $0xb8;
	[tilespmem:$0x1A9A0] =	vst v63  }
.LBB2_4:
0x52: {  	_ =	swait.ge [sflag:s28], $0x1400  }
0x53: {  	[sflag:s28] =	ssyncset.done $0x0  }
0x54: {  	[sflag:s28] =	ssyncadd.s32 $0xFFFFEC00  }
0x55: {  	_ =	swait.ge [sflag:s29], $0x1400  }
0x56: {  	[sflag:s29] =	ssyncset.done $0x0  }
0x57: {  	s18 =	simm.s32 $0x0;
	[sflag:s29] =	ssyncadd.s32 $0xFFFFEC00  }
0x58: {  	v6 =	vld [tilespmem:s18+$0x13A60]  }
0x59: {  	v7 =	vld [tilespmem:s18+$0x13A70]  }
0x5a: {  	v2 =	vld [tilespmem:s18+$0x13A80]  }
0x5b: {  	v1 =	vld [tilespmem:s18+$0x13A90]  }
0x5c: {  	v3 =	vld [tilespmem:s18+$0xEA60]  }
0x5d: {  	v5 =	vld [tilespmem:s18+$0xEA70]  }
0x5e: {  	s19 =	simm.s32 $0x100;
	v4 =	vld [tilespmem:s18+$0xEA80]  }
.LBB2_5:
0x5f: {  	s15 =	sshra.s32 s19, $0x2;
	p0 =	sne.s32 s19, $0x4F00;
	v8 =	vld [tilespmem:s18+$0xEA90];
	v9 =	vmov v2  }
0x60: {  	v10 =	vld [tilespmem:s15+$0x13A60];
	v11 =	vmov v1  }
0x61: {  	v12 =	vld [tilespmem:s15+$0x13A70];
	v3 =	vmul.f32 v6, v3  }
.Ltmp1:
0x62: {  	v2 =	vld [tilespmem:s15+$0x13A80];
	v5 =	vmul.f32 v7, v5;
	(pc) =	sbr.rel @p0 .LBB2_5-.Ltmp1, $4  }
0x63: {  	v1 =	vld [tilespmem:s15+$0x13A90];
	[tilespmem:s18+$0xEA60] =	vst v3;
	v4 =	vmul.f32 v9, v4  }
0x64: {  	v3 =	vld [tilespmem:s15+$0xEA60];
	[tilespmem:s18+$0xEA70] =	vst v5;
	v8 =	vmul.f32 v11, v8  }
0x65: {  	v5 =	vld [tilespmem:s15+$0xEA70];
	[tilespmem:s18+$0xEA80] =	vst v4;
	v6 =	vmov v10  }
0x66: {  	s19 =	sadd.s32 $0x100, s19;
	v4 =	vld [tilespmem:s15+$0xEA80];
	[tilespmem:s18+$0xEA90] =	vst v8;
	v7 =	vmov v12;
	s18 =	smov.u32 s15  }
0x67: {  	v8 =	vld [tilespmem:s18+$0xEA90];
	_ =	sdelay $0x1  }
0x68: {  	v3 =	vmul.f32 v6, v3  }
0x69: {  	v5 =	vmul.f32 v7, v5  }
0x6a: {  	s15 =	smul.u32 $0x500, s17;
	[tilespmem:s18+$0xEA60] =	vst v3;
	v2 =	vmul.f32 v2, v4  }
0x6b: {  	[tilespmem:s18+$0xEA70] =	vst v5;
	v1 =	vmul.f32 v1, v8  }
0x6c: {  	s19 =	sshra.s32 s15, $0x2;
	[tilespmem:s18+$0xEA80] =	vst v2  }
0x6d: {  	p0 =	seq.s32 s17, $0x0;
	s15 =	sadd.s32 $0xC350, s19;
	[tilespmem:s18+$0xEA90] =	vst v1;
	s18 =	sshll.u32 s17, $0x2  }
0x6e: {  	[spmem:s2] =	stream.indirect.scatter.add.f32 [tilespmem:s26], [sflag:$0x9], $0x40, s15, s25, $0xb8;
	[tilespmem:$0x1A9A0] =	vst v63  }
0x6f: {  	s15 =	sor.u32 @!p0 $0x3, s18  }
0x70: {  	s20 =	simm.s32 @!p0 $0xC;
	s8 =	sadd.s32 @!p0 s14, s15  }
0x71: {  	_ =	swait.ge @!p0 [sflag:s20], $0x1400;
	s8 =	smul.u32 @!p0 $0x280, s8  }
0x72: {  	s23 =	simm.s32 @!p0 $0x17660;
	s15 =	smul.u32 @!p0 $0x140, s15;
	[sflag:s20] =	ssyncset.done @!p0 $0x0  }
0x73: {  	[sflag:s20] =	ssyncadd.s32 @!p0 $0xFFFFEC00;
	s20 =	simm.s32 @!p0 $0x0;
	s8 =	sadd.s32 @!p0 s5, s8  }
0x74: {  	[tilespmem:s23], [sflag:$0x8] =	stream.linear.gather @!p0 [hbm4b:s8+s20], $0x1400, $0x38;
	[tilespmem:$0x1A9A0] =	vst v63  }
0x75: {  	s8 =	sshra.s32 @!p0 s15, $0x2  }
0x76: {  	s15 =	simm.s32 @!p0 $0x50;
	s20 =	simm.s32 @!p0 $0x12660;
	s8 =	sadd.s32 @!p0 $0x9C40, s8  }
0x77: {  	[tilespmem:s20], [sflag:$0x4] =	stream.indirect.gather @!p0 [hbm4b:s4+s15], $0x40, s8, s15, $0xb8;
	[tilespmem:$0x1A9A0] =	vst v63  }
0x78: {  	_ =	swait.ge [sflag:s1], $0x1400  }
0x79: {  	[sflag:s1] =	ssyncset.done $0x0  }
0x7a: {  	[sflag:s1] =	ssyncadd.s32 $0xFFFFEC00  }
0x7b: {  	_ =	swait.ge [sflag:s6], $0x1400  }
0x7c: {  	[sflag:s6] =	ssyncset.done $0x0  }
0x7d: {  	s20 =	simm.s32 $0x0;
	[sflag:s6] =	ssyncadd.s32 $0xFFFFEC00  }
0x7e: {  	v6 =	vld [tilespmem:s20+$0x14E60]  }
0x7f: {  	v7 =	vld [tilespmem:s20+$0x14E70]  }
0x80: {  	v2 =	vld [tilespmem:s20+$0x14E80]  }
0x81: {  	v1 =	vld [tilespmem:s20+$0x14E90]  }
0x82: {  	v3 =	vld [tilespmem:s20+$0xFE60]  }
0x83: {  	v5 =	vld [tilespmem:s20+$0xFE70]  }
0x84: {  	s15 =	simm.s32 $0x100;
	v4 =	vld [tilespmem:s20+$0xFE80]  }
.LBB2_7:
0x85: {  	s8 =	sshra.s32 s15, $0x2;
	p0 =	sne.s32 s15, $0x4F00;
	v8 =	vld [tilespmem:s20+$0xFE90];
	v9 =	vmov v2  }
0x86: {  	v10 =	vld [tilespmem:s8+$0x14E60];
	v11 =	vmov v1  }
0x87: {  	v12 =	vld [tilespmem:s8+$0x14E70];
	v3 =	vmul.f32 v6, v3  }
.Ltmp2:
0x88: {  	v2 =	vld [tilespmem:s8+$0x14E80];
	v5 =	vmul.f32 v7, v5;
	(pc) =	sbr.rel @p0 .LBB2_7-.Ltmp2, $4  }
0x89: {  	v1 =	vld [tilespmem:s8+$0x14E90];
	[tilespmem:s20+$0xFE60] =	vst v3;
	v4 =	vmul.f32 v9, v4  }
0x8a: {  	v3 =	vld [tilespmem:s8+$0xFE60];
	[tilespmem:s20+$0xFE70] =	vst v5;
	v8 =	vmul.f32 v11, v8  }
0x8b: {  	v5 =	vld [tilespmem:s8+$0xFE70];
	[tilespmem:s20+$0xFE80] =	vst v4;
	v6 =	vmov v10  }
0x8c: {  	s15 =	sadd.s32 $0x100, s15;
	v4 =	vld [tilespmem:s8+$0xFE80];
	[tilespmem:s20+$0xFE90] =	vst v8;
	v7 =	vmov v12;
	s20 =	smov.u32 s8  }
0x8d: {  	v8 =	vld [tilespmem:s20+$0xFE90];
	_ =	sdelay $0x1  }
0x8e: {  	v3 =	vmul.f32 v6, v3  }
0x8f: {  	v5 =	vmul.f32 v7, v5  }
0x90: {  	[tilespmem:s20+$0xFE60] =	vst v3;
	v2 =	vmul.f32 v2, v4  }
0x91: {  	[tilespmem:s20+$0xFE70] =	vst v5;
	v1 =	vmul.f32 v1, v8  }
0x92: {  	[tilespmem:s20+$0xFE80] =	vst v2  }
0x93: {  	s8 =	sadd.s32 $0xC3A0, s19;
	[tilespmem:s20+$0xFE90] =	vst v1;
	s20 =	sadd.s32 $0x4, s18  }
0x94: {  	[spmem:s2] =	stream.indirect.scatter.add.f32 [tilespmem:s30], [sflag:$0xA], $0x40, s8, s25, $0xb8;
	[tilespmem:$0x1A9A0] =	vst v63  }
0x95: {  	s15 =	sadd.s32 s14, s20;
	s8 =	smul.u32 $0x140, s20  }
0x96: {  	_ =	swait.ge [sflag:s7], $0x1400;
	s15 =	smul.u32 $0x280, s15  }
0x97: {  	s23 =	simm.s32 $0x0;
	[sflag:s7] =	ssyncset.done $0x0  }
0x98: {  	s8 =	sshra.s32 s8, $0x2;
	[sflag:s7] =	ssyncadd.s32 $0xFFFFEC00;
	s15 =	sadd.s32 s5, s15  }
0x99: {  	[tilespmem:s24], [sflag:$0x5] =	stream.linear.gather [hbm4b:s15+s23], $0x1400, $0x38;
	[tilespmem:$0x1A9A0] =	vst v63  }
0x9a: {  	s8 =	sadd.s32 $0x9C40, s8  }
0x9b: {  	[tilespmem:s26], [sflag:$0x1] =	stream.indirect.gather [hbm4b:s4+s25], $0x40, s8, s25, $0xb8;
	[tilespmem:$0x1A9A0] =	vst v63  }
0x9c: {  	_ =	swait.ge [sflag:s9], $0x1400  }
0x9d: {  	[sflag:s9] =	ssyncset.done $0x0  }
0x9e: {  	[sflag:s9] =	ssyncadd.s32 $0xFFFFEC00  }
0x9f: {  	_ =	swait.ge [sflag:s10], $0x1400  }
0xa0: {  	[sflag:s10] =	ssyncset.done $0x0  }
0xa1: {  	s20 =	simm.s32 $0x0;
	[sflag:s10] =	ssyncadd.s32 $0xFFFFEC00  }
0xa2: {  	v6 =	vld [tilespmem:s20+$0x16260]  }
0xa3: {  	v7 =	vld [tilespmem:s20+$0x16270]  }
0xa4: {  	v2 =	vld [tilespmem:s20+$0x16280]  }
0xa5: {  	v1 =	vld [tilespmem:s20+$0x16290]  }
0xa6: {  	v3 =	vld [tilespmem:s20+$0x11260]  }
0xa7: {  	v5 =	vld [tilespmem:s20+$0x11270]  }
0xa8: {  	s15 =	simm.s32 $0x100;
	v4 =	vld [tilespmem:s20+$0x11280]  }
.LBB2_9:
0xa9: {  	s8 =	sshra.s32 s15, $0x2;
	p0 =	sne.s32 s15, $0x4F00;
	v8 =	vld [tilespmem:s20+$0x11290];
	v9 =	vmov v2  }
0xaa: {  	v10 =	vld [tilespmem:s8+$0x16260];
	v11 =	vmov v1  }
0xab: {  	v12 =	vld [tilespmem:s8+$0x16270];
	v3 =	vmul.f32 v6, v3  }
.Ltmp3:
0xac: {  	v2 =	vld [tilespmem:s8+$0x16280];
	v5 =	vmul.f32 v7, v5;
	(pc) =	sbr.rel @p0 .LBB2_9-.Ltmp3, $4  }
0xad: {  	v1 =	vld [tilespmem:s8+$0x16290];
	[tilespmem:s20+$0x11260] =	vst v3;
	v4 =	vmul.f32 v9, v4  }
0xae: {  	v3 =	vld [tilespmem:s8+$0x11260];
	[tilespmem:s20+$0x11270] =	vst v5;
	v8 =	vmul.f32 v11, v8  }
0xaf: {  	v5 =	vld [tilespmem:s8+$0x11270];
	[tilespmem:s20+$0x11280] =	vst v4;
	v6 =	vmov v10  }
0xb0: {  	s15 =	sadd.s32 $0x100, s15;
	v4 =	vld [tilespmem:s8+$0x11280];
	[tilespmem:s20+$0x11290] =	vst v8;
	v7 =	vmov v12;
	s20 =	smov.u32 s8  }
0xb1: {  	v8 =	vld [tilespmem:s20+$0x11290];
	_ =	sdelay $0x1  }
0xb2: {  	v3 =	vmul.f32 v6, v3  }
0xb3: {  	v5 =	vmul.f32 v7, v5  }
0xb4: {  	[tilespmem:s20+$0x11260] =	vst v3;
	v2 =	vmul.f32 v2, v4  }
0xb5: {  	[tilespmem:s20+$0x11270] =	vst v5;
	v1 =	vmul.f32 v1, v8  }
0xb6: {  	[tilespmem:s20+$0x11280] =	vst v2  }
0xb7: {  	s8 =	sadd.s32 $0xC3F0, s19;
	p0 =	seq.s32 s17, $0x1E;
	[tilespmem:s20+$0x11290] =	vst v1  }
0xb8: {  	[spmem:s2] =	stream.indirect.scatter.add.f32 [tilespmem:s22], [sflag:$0xB], $0x40, s8, s25, $0xb8;
	[tilespmem:$0x1A9A0] =	vst v63  }
0xb9: {  	s15 =	simm.s32 @!p0 $0xA;
	s8 =	sadd.s32 @!p0 $0x5, s18  }
0xba: {  	s20 =	sadd.s32 @!p0 s14, s8;
	_ =	swait.ge @!p0 [sflag:s15], $0x1400;
	s8 =	smul.u32 @!p0 $0x140, s8  }
0xbb: {  	s20 =	smul.u32 @!p0 $0x280, s20;
	[sflag:s15] =	ssyncset.done @!p0 $0x0  }
0xbc: {  	s23 =	simm.s32 @!p0 $0x14E60;
	[sflag:s15] =	ssyncadd.s32 @!p0 $0xFFFFEC00  }
0xbd: {  	s8 =	sshra.s32 @!p0 s8, $0x2;
	s15 =	sadd.s32 @!p0 s5, s20;
	s20 =	simm.s32 @!p0 $0x0  }
0xbe: {  	[tilespmem:s23], [sflag:$0x6] =	stream.linear.gather @!p0 [hbm4b:s15+s20], $0x1400, $0x38;
	[tilespmem:$0x1A9A0] =	vst v63  }
0xbf: {  	s8 =	sadd.s32 @!p0 $0x9C40, s8;
	s15 =	simm.s32 @!p0 $0x50;
	s20 =	simm.s32 @!p0 $0xFE60  }
0xc0: {  	[tilespmem:s20], [sflag:$0x2] =	stream.indirect.gather @!p0 [hbm4b:s4+s15], $0x40, s8, s15, $0xb8;
	[tilespmem:$0x1A9A0] =	vst v63  }
0xc1: {  	_ =	swait.ge [sflag:s11], $0x1400  }
0xc2: {  	[sflag:s11] =	ssyncset.done $0x0  }
0xc3: {  	[sflag:s11] =	ssyncadd.s32 $0xFFFFEC00  }
0xc4: {  	_ =	swait.ge [sflag:s12], $0x1400  }
0xc5: {  	[sflag:s12] =	ssyncset.done $0x0  }
0xc6: {  	s20 =	simm.s32 $0x0;
	[sflag:s12] =	ssyncadd.s32 $0xFFFFEC00  }
0xc7: {  	v6 =	vld [tilespmem:s20+$0x17660]  }
0xc8: {  	v7 =	vld [tilespmem:s20+$0x17670]  }
0xc9: {  	v2 =	vld [tilespmem:s20+$0x17680]  }
0xca: {  	v1 =	vld [tilespmem:s20+$0x17690]  }
0xcb: {  	v3 =	vld [tilespmem:s20+$0x12660]  }
0xcc: {  	v5 =	vld [tilespmem:s20+$0x12670]  }
0xcd: {  	s15 =	simm.s32 $0x100;
	v4 =	vld [tilespmem:s20+$0x12680]  }
.LBB2_11:
0xce: {  	s8 =	sshra.s32 s15, $0x2;
	p1 =	sne.s32 s15, $0x4F00;
	v8 =	vld [tilespmem:s20+$0x12690];
	v9 =	vmov v2  }
0xcf: {  	v10 =	vld [tilespmem:s8+$0x17660];
	v11 =	vmov v1  }
0xd0: {  	v12 =	vld [tilespmem:s8+$0x17670];
	v3 =	vmul.f32 v6, v3  }
.Ltmp4:
0xd1: {  	v2 =	vld [tilespmem:s8+$0x17680];
	v5 =	vmul.f32 v7, v5;
	(pc) =	sbr.rel @p1 .LBB2_11-.Ltmp4, $4  }
0xd2: {  	v1 =	vld [tilespmem:s8+$0x17690];
	[tilespmem:s20+$0x12660] =	vst v3;
	v4 =	vmul.f32 v9, v4  }
0xd3: {  	v3 =	vld [tilespmem:s8+$0x12660];
	[tilespmem:s20+$0x12670] =	vst v5;
	v8 =	vmul.f32 v11, v8  }
0xd4: {  	v5 =	vld [tilespmem:s8+$0x12670];
	[tilespmem:s20+$0x12680] =	vst v4;
	v6 =	vmov v10  }
0xd5: {  	s15 =	sadd.s32 $0x100, s15;
	v4 =	vld [tilespmem:s8+$0x12680];
	[tilespmem:s20+$0x12690] =	vst v8;
	v7 =	vmov v12;
	s20 =	smov.u32 s8  }
0xd6: {  	v8 =	vld [tilespmem:s20+$0x12690];
	_ =	sdelay $0x1  }
0xd7: {  	v3 =	vmul.f32 v6, v3  }
0xd8: {  	v5 =	vmul.f32 v7, v5  }
.Ltmp5:
0xd9: {  	[tilespmem:s20+$0x12660] =	vst v3;
	v2 =	vmul.f32 v2, v4;
	(pc) =	sbr.rel @p0 .LBB2_14-.Ltmp5, $4  }
0xda: {  	[tilespmem:s20+$0x12670] =	vst v5;
	v1 =	vmul.f32 v1, v8  }
0xdb: {  	[tilespmem:s20+$0x12680] =	vst v2  }
0xdc: {  	s8 =	sadd.s32 $0xC440, s19;
	[tilespmem:s20+$0x12690] =	vst v1  }
0xdd: {  	[spmem:s2] =	stream.indirect.scatter.add.f32 [tilespmem:s0], [sflag:$0xC], $0x40, s8, s25, $0xb8;
	[tilespmem:$0x1A9A0] =	vst v63  }
0xde: {  	s8 =	sadd.s32 $0x6, s18  }
0xdf: {  	s15 =	sadd.s32 s14, s8;
	s8 =	smul.u32 $0x140, s8  }
0xe0: {  	_ =	swait.ge [sflag:s13], $0x1400;
	s15 =	smul.u32 $0x280, s15  }
.Ltmp6:
0xe1: {  	[sflag:s13] =	ssyncset.done $0x0;
	(pc) =	sbr.rel .LBB2_4-.Ltmp6, $4  }
0xe2: {  	[sflag:s13] =	ssyncadd.s32 $0xFFFFEC00;
	s8 =	sshra.s32 s8, $0x2;
	s15 =	sadd.s32 s5, s15  }
0xe3: {  	[tilespmem:s31], [sflag:$0x7] =	stream.linear.gather [hbm4b:s15+s3], $0x1400, $0x38;
	[tilespmem:$0x1A9A0] =	vst v63  }
0xe4: {  	s17 =	sadd.s32 $0x1, s17;
	s8 =	sadd.s32 $0x9C40, s8  }
0xe5: {  	[tilespmem:s22], [sflag:$0x3] =	stream.indirect.gather [hbm4b:s4+s25], $0x40, s8, s25, $0xb8;
	[tilespmem:$0x1A9A0] =	vst v63  }
.LBB2_14:
0xe6: {  	_ =	swait.ge [sflag:s28], $0x1400  }
0xe7: {  	[sflag:s28] =	ssyncset.done $0x0  }
0xe8: {  	[sflag:s28] =	ssyncadd.s32 $0xFFFFEC00  }
0xe9: {  	_ =	swait.ge [sflag:s29], $0x1400  }
0xea: {  	[sflag:s29] =	ssyncset.done $0x0  }
0xeb: {  	s17 =	simm.s32 $0x0;
	[sflag:s29] =	ssyncadd.s32 $0xFFFFEC00  }
0xec: {  	v6 =	vld [tilespmem:s17+$0x13A60]  }
0xed: {  	v7 =	vld [tilespmem:s17+$0x13A70]  }
0xee: {  	v2 =	vld [tilespmem:s17+$0x13A80]  }
0xef: {  	v1 =	vld [tilespmem:s17+$0x13A90]  }
0xf0: {  	v3 =	vld [tilespmem:s17+$0xEA60]  }
0xf1: {  	v5 =	vld [tilespmem:s17+$0xEA70]  }
0xf2: {  	s15 =	simm.s32 $0x100;
	v4 =	vld [tilespmem:s17+$0xEA80]  }
.LBB2_15:
0xf3: {  	s8 =	sshra.s32 s15, $0x2;
	p0 =	sne.s32 s15, $0x4F00;
	v8 =	vld [tilespmem:s17+$0xEA90];
	v9 =	vmov v2  }
0xf4: {  	v10 =	vld [tilespmem:s8+$0x13A60];
	v11 =	vmov v1  }
0xf5: {  	v12 =	vld [tilespmem:s8+$0x13A70];
	v3 =	vmul.f32 v6, v3  }
.Ltmp7:
0xf6: {  	v2 =	vld [tilespmem:s8+$0x13A80];
	v5 =	vmul.f32 v7, v5;
	(pc) =	sbr.rel @p0 .LBB2_15-.Ltmp7, $4  }
0xf7: {  	v1 =	vld [tilespmem:s8+$0x13A90];
	[tilespmem:s17+$0xEA60] =	vst v3;
	v4 =	vmul.f32 v9, v4  }
0xf8: {  	v3 =	vld [tilespmem:s8+$0xEA60];
	[tilespmem:s17+$0xEA70] =	vst v5;
	v8 =	vmul.f32 v11, v8  }
0xf9: {  	v5 =	vld [tilespmem:s8+$0xEA70];
	[tilespmem:s17+$0xEA80] =	vst v4;
	v6 =	vmov v10  }
0xfa: {  	s15 =	sadd.s32 $0x100, s15;
	v4 =	vld [tilespmem:s8+$0xEA80];
	[tilespmem:s17+$0xEA90] =	vst v8;
	v7 =	vmov v12;
	s17 =	smov.u32 s8  }
0xfb: {  	v8 =	vld [tilespmem:s17+$0xEA90];
	_ =	sdelay $0x1  }
0xfc: {  	v3 =	vmul.f32 v6, v3  }
0xfd: {  	v5 =	vmul.f32 v7, v5  }
0xfe: {  	[tilespmem:s17+$0xEA60] =	vst v3;
	v2 =	vmul.f32 v2, v4  }
0xff: {  	[tilespmem:s17+$0xEA70] =	vst v5;
	v1 =	vmul.f32 v1, v8  }
0x100: {  	[tilespmem:s17+$0xEA80] =	vst v2  }
0x101: {  	s8 =	simm.s32 $0xEA10;
	[tilespmem:s17+$0xEA90] =	vst v1;
	s17 =	simm.s32 $0xA  }
0x102: {  	[spmem:s2] =	stream.indirect.scatter.add.f32 [tilespmem:s26], [sflag:$0x9], $0x40, s8, s25, $0xb8;
	[tilespmem:$0x1A9A0] =	vst v63  }
0x103: {  	_ =	swait.ge [sflag:s17], $0x1400  }
0x104: {  	[sflag:s17] =	ssyncset.done $0x0  }
0x105: {  	[sflag:s17] =	ssyncadd.s32 $0xFFFFEC00  }
0x106: {  	_ =	swait.ge [sflag:s13], $0x1400  }
0x107: {  	[sflag:s13] =	ssyncset.done $0x0  }
0x108: {  	s18 =	simm.s32 $0xC;
	[sflag:s13] =	ssyncadd.s32 $0xFFFFEC00  }
0x109: {  	_ =	swait.ge [sflag:s18], $0x1400  }
0x10a: {  	[sflag:s18] =	ssyncset.done $0x0  }
0x10b: {  	[sflag:s18] =	ssyncadd.s32 $0xFFFFEC00  }
0x10c: {  	_ =	swait.ge [sflag:s7], $0x1400  }
0x10d: {  	[sflag:s7] =	ssyncset.done $0x0  }
0x10e: {  	[sflag:s7] =	ssyncadd.s32 $0xFFFFEC00  }
0x10f: {  	s19 =	stileid.u32;
	[bflag:$0x0] =	sbarrier.arrive $0xFFFF  }
0x110: {  	s8 =	sshll.u32 s19, $0x6;
	s19 =	rddreg [dreg:$0x5]  }
0x111: {  	s8 =	sor.u32 $0x1C0D, s8;
	s20 =	rddreg [dreg:$0xe];
	s15 =	sshrl.u32 s19, $0x3  }
0x112: {  	[hbm:s20], [sflag:s8] =	dma.local [spmem:s15], $0x1388  }
0x113: {  	_ =	swait.ge [sflag:s21], $0x1388  }
0x114: {  	s16 =	sadd.s32 $0x1, s16;
	s23 =	rddreg [dreg:$0xf]  }
0x115: {  	p0 =	sne.s32 s16, s23  }
.Ltmp8:
0x116: {  	_ = 	snop;
	(pc) =	sbr.rel @p0 .LBB2_1-.Ltmp8, $3  }
0x117: {  	_ =	sdelay $0x1  }
0x118: {  	[sflag:s21] =	ssyncset.done $0x0  }
0x119: {  	[sflag:s21] =	ssyncadd.s32 $0xFFFFEC78  }
0x11a: {  	_ =	sfence.sel $0x180000  }
0x11b: {  	[bflag:$0x0] =	sbarrier.arrive $0xFFFF  }
0x11c: {  	_ =	strace $0x9000004D  }
0x11d: {  	s0 =	stileid.u32;
	[bflag:$0x2] =	sbarrier.arrive $0xFFFF  }
0x11e: {  	p0 =	sne.s32 s0, $0x0;
	s0 =	rddreg [dreg:$0x2]  }
0x11f: {  	s0 =	sadd.s32 @!p0 $0x100000, s0  }
0x120: {  	[sflag:s0] =	ssyncadd.tile.s32 @!p0 $0x1;
	_ =	shalt  }
.Lfunc_end2:
_tile_overlayer_lowered:
.L_overlay_start_2:
0x121: {  	(tag) =	ssettag $0x2  }
0x122: {  	s0 =	rddreg [dreg:$0x0];
	s2 =	stileid.u32  }
0x123: {  	s1 =	rddreg [dreg:$0x1];
	p0 =	sne.s32 s2, $0x0  }
0x124: {  	s3 =	rddreg [dreg:$0x2];
	[bflag:$0x3] =	sbarrier.arrive $0xFFFF;
	s2 =	simm.s32 @!p0 $0x1C0D  }
0x125: {  	[timem:s3], [sflag:s2] =	dma.local @!p0 [hbm:s0], s1  }
0x126: {  	s0 =	simm.s32 @!p0 $0xD  }
0x127: {  	_ =	swait.ge @!p0 [sflag:s0], s1  }
0x128: {  	s1 =	ssub.s32 @!p0 $0x0, s1;
	[sflag:s0] =	ssyncset.done @!p0 $0x0  }
0x129: {  	[sflag:s0] =	ssyncadd.s32 @!p0 s1  }
0x12a: {  	[bflag:$0x3] =	sbarrier.arrive $0xFFFF  }
0x12b: {  	_ =	shalt  }

// kernel: kernel.9.cloned.1.call-start
scs
__scs_entry_jumppad:
0x0: {  	(pc) =	sbr.rel $0x88, $3  }
0x1: {  	(tag) =	ssettag $0x0;
	lr =	simm.s32 $0x1  }
0x2: {  	[smem:$0x3F86] =	sst lr;
	_ =	strace $0xD0000000  }
0x3: {  	_ = 	snop  }
0x4: {  	_ = 	snop  }
0x5: {  	_ = 	snop  }
0x6: {  	_ = 	snop  }
0x7: {  	_ = 	snop  }
__scs_overlays_trampoline_lowered:
0x8: {  	[smem:$0x3F95] =	sst s0  }
0x9: {  	[smem:$0x3F96] =	sst s1  }
0xa: {  	[smem:$0x3F97] =	sst s2  }
0xb: {  	[smem:$0x3F98] =	sst s3  }
0xc: {  	[smem:$0x3F99] =	sst s4  }
0xd: {  	[smem:$0x3F9A] =	sst s5  }
0xe: {  	[smem:$0x3F9B] =	sst s6  }
0xf: {  	[smem:$0x3F9C] =	sst s7  }
0x10: {  	[smem:$0x3F9D] =	sst s8  }
0x11: {  	[smem:$0x3F9E] =	sst s9;
	s0 =	simm.s32 @!p0 $0x0  }
0x12: {  	s1 =	sld [smem:$0x3F84];
	s0 =	simm.s32 @p0 $0x1  }
0x13: {  	[smem:$0x3F9F] =	sst s0;
	s0 =	simm.s32 @!p1 $0x0  }
0x14: {  	s2 =	sld [smem:$0x3F83];
	s0 =	simm.s32 @p1 $0x1  }
0x15: {  	[smem:$0x3FA0] =	sst s0;
	s0 =	simm.s32 @!p2 $0x0  }
0x16: {  	s3 =	sld [smem:$0x3FDB];
	s0 =	simm.s32 @p2 $0x1  }
0x17: {  	s4 =	simm.s32 $0x1BF5;
	[smem:$0x3FA2] =	sst s0  }
0x18: {  	s0 =	sld [smem:$0x3F85];
	_ =	swait.ge [sflag:s4], $0x0  }
0x19: {  	s7 =	sld [smem:$0x3F86]  }
0x1a: {  	s8 =	sadd.s32 $0xFFFFE003, lr  }
0x1b: {  	s9 =	sadd.s32 $0xFFFFFEF7, lr;
	s5 =	simm.s32 $0xFFFFFFFF;
	p2 =	slt.u32 s8, $0xFFFFF086  }
0x1c: {  	p1 =	slt.u32 s9, $0xF7A;
	s5 =	simm.s32 @!p2 $0x0  }
0x1d: {  	s5 =	simm.s32 @p1 $0x1;
	p0 =	seq.s32 s7, s2  }
0x1e: {  	s7 =	smul.u32 @!p0 $0xF7A, s2;
	p2 =	seq.s32 @!p0 s5, $0x0  }
0x1f: {  	s9 =	smul.u32 $0xF7A, s1;
	s8 =	simm.s32 @!p0 $0x1BF5;
	p2 =	por !p2, p0  }
0x20: {  	[sflag:s8] =	ssyncset.s32 @!p0 $0xFFFFF086;
	s6 =	sadd.s32 @!p0 s3, s7;
	s7 =	simm.s32 @!p0 $0x108  }
0x21: {  	s3 =	sadd.s32 s3, s9;
	s6 =	sadd.s32 @!p0 $0x88, s6;
	s7 =	simm.s32 @p2 $0x1082  }
0x22: {  	[simem:s7], [sflag:s8] =	dma.local @!p0 [hbm:s6], $0xF7A  }
0x23: {  	s9 =	sor.u32 $0xD0000000, s2;
	s6 =	simm.s32 $0x108;
	_ =	swait.ge @!p0 [sflag:s8], $0x0  }
0x24: {  	s3 =	sadd.s32 $0x88, s3;
	s6 =	simm.s32 @!p1 $0x1082;
	[sflag:s4] =	ssyncset.s32 $0xFFFFF086  }
0x25: {  	[simem:s6], [sflag:s4] =	dma.local [hbm:s3], $0xF7A  }
0x26: {  	[smem:$0x3F86] =	sst s1;
	(tag) =	ssettag s2;
	_ =	strace s9  }
0x27: {  	s1 =	sld [smem:$0x3F96]  }
0x28: {  	s2 =	sld [smem:$0x3F97]  }
0x29: {  	s4 =	sld [smem:$0x3F99]  }
0x2a: {  	p0 =	seq.s32 s5, $0x0;
	s5 =	sld [smem:$0x3F9A]  }
0x2b: {  	s6 =	sld [smem:$0x3F9B]  }
0x2c: {  	s7 =	sld [smem:$0x3F9C]  }
0x2d: {  	s3 =	simm.s32 $0x108;
	s8 =	sld [smem:$0x3F9D]  }
0x2e: {  	s3 =	simm.s32 @!p0 $0x1082;
	s9 =	sld [smem:$0x3F9E]  }
0x2f: {  	lr =	sadd.s32 s0, s3;
	s0 =	sld [smem:$0x3F95]  }
0x30: {  	s3 =	sld [smem:$0x3F98]  }
0x31: {  	[smem:$0x3FA1] =	sst s10  }
0x32: {  	s10 =	sld [smem:$0x3F9F];
	_ =	sdelay $0x3  }
0x33: {  	p0 =	seq.s32 s10, $0x1;
	s10 =	sld [smem:$0x3FA1];
	_ =	sdelay $0x3  }
0x34: {  	[smem:$0x3FA1] =	sst s10  }
0x35: {  	s10 =	sld [smem:$0x3FA0];
	_ =	sdelay $0x3  }
0x36: {  	p1 =	seq.s32 s10, $0x1;
	s10 =	sld [smem:$0x3FA1];
	_ =	sdelay $0x3  }
0x37: {  	[smem:$0x3FA1] =	sst s10  }
0x38: {  	s10 =	sld [smem:$0x3FA2]  }
0x39: {  	_ = 	snop;
	(pc) =	sbr.ind lr, $3  }
0x3a: {  	_ = 	snop  }
0x3b: {  	_ = 	snop  }
0x3c: {  	p2 =	seq.s32 s10, $0x1;
	s10 =	sld [smem:$0x3FA1]  }
0x3d: {  	_ =	shalt  }
0x3e: {  	_ =	shalt  }
0x3f: {  	_ =	shalt  }
0x40: {  	_ =	shalt  }
0x41: {  	_ =	shalt  }
0x42: {  	_ =	shalt  }
0x43: {  	_ =	shalt  }
0x44: {  	_ =	shalt  }
0x45: {  	_ =	shalt  }
0x46: {  	_ =	shalt  }
0x47: {  	_ =	shalt  }
0x48: {  	_ =	shalt  }
0x49: {  	_ =	shalt  }
0x4a: {  	_ =	shalt  }
0x4b: {  	_ =	shalt  }
0x4c: {  	_ =	shalt  }
0x4d: {  	_ =	shalt  }
0x4e: {  	_ =	shalt  }
0x4f: {  	_ =	shalt  }
0x50: {  	_ =	shalt  }
0x51: {  	_ =	shalt  }
0x52: {  	_ =	shalt  }
0x53: {  	_ =	shalt  }
0x54: {  	_ =	shalt  }
0x55: {  	_ =	shalt  }
0x56: {  	_ =	shalt  }
0x57: {  	_ =	shalt  }
0x58: {  	_ =	shalt  }
0x59: {  	_ =	shalt  }
0x5a: {  	_ =	shalt  }
0x5b: {  	_ =	shalt  }
0x5c: {  	_ =	shalt  }
0x5d: {  	_ =	shalt  }
0x5e: {  	_ =	shalt  }
0x5f: {  	_ =	shalt  }
0x60: {  	_ =	shalt  }
0x61: {  	_ =	shalt  }
0x62: {  	_ =	shalt  }
0x63: {  	_ =	shalt  }
0x64: {  	_ =	shalt  }
0x65: {  	_ =	shalt  }
0x66: {  	_ =	shalt  }
0x67: {  	_ =	shalt  }
0x68: {  	_ =	shalt  }
0x69: {  	_ =	shalt  }
0x6a: {  	_ =	shalt  }
0x6b: {  	_ =	shalt  }
0x6c: {  	_ =	shalt  }
0x6d: {  	_ =	shalt  }
0x6e: {  	_ =	shalt  }
0x6f: {  	_ =	shalt  }
0x70: {  	_ =	shalt  }
0x71: {  	_ =	shalt  }
0x72: {  	_ =	shalt  }
0x73: {  	_ =	shalt  }
0x74: {  	_ =	shalt  }
0x75: {  	_ =	shalt  }
0x76: {  	_ =	shalt  }
0x77: {  	_ =	shalt  }
0x78: {  	_ =	shalt  }
0x79: {  	_ =	shalt  }
0x7a: {  	_ =	shalt  }
0x7b: {  	_ =	shalt  }
0x7c: {  	_ =	shalt  }
0x7d: {  	_ =	shalt  }
0x7e: {  	_ =	shalt  }
0x7f: {  	_ =	shalt  }
0x80: {  	_ =	shalt  }
0x81: {  	_ =	shalt  }
0x82: {  	_ =	shalt  }
0x83: {  	_ =	shalt  }
0x84: {  	_ =	shalt  }
0x85: {  	_ =	shalt  }
0x86: {  	_ =	shalt  }
0x87: {  	_ =	shalt  }
.Lfunc_end0:
.L_simem_size_0:
called_computation_lowered:
.L_overlay_start_0:
0x88: {  	s2 =	sld [smem:$0x3FD9]  }
0x89: {  	s3 =	sld [smem:$0x3FFE];
	_ =	sdelay $0x1  }
0x8a: {  	s1 =	srdreg.scid  }
0x8b: {  	s0 =	sand.u32 $0x1, s1  }
0x8c: {  	s16 =	sshll.u32 s0, $0xA;
	s2 =	sadd.s32 s3, s2  }
0x8d: {  	s2 =	sadd.s32 s2, s16  }
0x8e: {  	[smem:$0x3FAD] =	sst s2  }
0x8f: {  	_ = 	snop  }
0x90: {  	(tm) =	ssettm $0x1  }
0x91: {  	s17 =	sld [smem:$0x3FFB];
	_ =	sdelay $0x3  }
0x92: {  	_ =	strace s17  }
0x93: {  	s2 =	sld [smem:$0x3FFC];
	_ =	sdelay $0x3  }
0x94: {  	_ =	strace s2  }
0x95: {  	s2 =	sld [smem:$0x3FFD];
	_ =	sdelay $0x3  }
0x96: {  	_ =	strace s2  }
0x97: {  	_ =	strace $0x8FFFFFFF  }
0x98: {  	s18 =	sld [smem:$0x3FDB];
	_ =	sdelay $0x1  }
0x99: {  	s19 =	simm.s32 $_scs_section_size  }
0x9a: {  	s4 =	simm.s32 $_size__tile_overlayer_lowered;
	s5 =	simm.s32 $_tile_overlayer_lowered  }
0x9b: {  	s22 =	simm.s32 $0x1BFF;
	s21 =	sshll.u32 s5, $0x1;
	s2 =	sadd.s32 s19, s18  }
0x9c: {  	s6 =	simm.s32 $0x0;
	s20 =	sshll.u32 s4, $0x1;
	s4 =	sadd.s32 s21, s2  }
0x9d: {  	[timem:s6], [sflag:s22] =	dma.local [hbm:s4], s20  }
0x9e: {  	_ =	swait.ge [sflag:s22], s20  }
0x9f: {  	s3 =	ssub.s32 $0x0, s20;
	[sflag:s22] =	ssyncset.done $0x0  }
0xa0: {  	[sflag:s22] =	ssyncadd.s32 s3;
	_ =	sdelay $0x1  }
0xa1: {  	s23 =	simm.s32 $0x1B8B  }
0xa2: {  	_ =	swait.ge [sflag:s23], $0x1  }
0xa3: {  	[sflag:s23] =	ssyncset.done $0x0  }
0xa4: {  	s25 =	simm.s32 $0x1B8E;
	s24 =	sld [smem:$0x3FFE];
	[sflag:s23] =	ssyncadd.s32 $0xFFFFFFFF  }
0xa5: {  	s26 =	simm.s32 $execute0_lowered;
	[smem:$0x3FD2] =	sst s25  }
0xa6: {  	s4 =	sshll.u32 s26, $0x1;
	_ =	strace $0x80000046;
	[dreg:$0x1] =	wrdreg $0xFFFFFFFF  }
0xa7: {  	s28 =	simm.s32 $_size_execute0_lowered;
	s2 =	sadd.s32 s2, s4;
	[dreg:$0x0] =	wrdreg $0x0  }
0xa8: {  	s4 =	sshll.u32 s28, $0x1;
	[dreg:$0x2] =	wrdreg s2  }
0xa9: {  	[dreg:$0x3] =	wrdreg s4  }
0xaa: {  	[dreg:$0x4] =	wrdreg $0xC0  }
0xab: {  	_ =	task [dreg:s6], $0x5FFFF  }
0xac: {  	[dreg:$0x1] =	wrdreg $0xFFFFFFFF  }
0xad: {  	[dreg:$0x0] =	wrdreg $0x60  }
0xae: {  	[dreg:$0x2] =	wrdreg s24  }
0xaf: {  	[dreg:$0x3] =	wrdreg $0x9  }
0xb0: {  	_ =	task.clear_ibuf [dreg:s6], $0x4FFFF;
	_ =	strace $0x90000046  }
0xb1: {  	s29 =	simm.s32 $0x9;
	_ =	strace $0x80000048  }
0xb2: {  	_ =	swait.ge [sflag:s29], $0x1  }
0xb3: {  	[sflag:s29] =	ssyncadd.s32 $0xFFFFFFFF  }
0xb4: {  	_ =	strace $0x90000048  }
0xb5: {  	_ =	sfence  }
0xb6: {  	s30 =	sld [smem:$0x0];
	_ =	sdelay $0x2  }
0xb7: {  	s31 =	sshll.u32 s1, $0xD;
	s1 =	sshrl.u32 s1, $0x2  }
0xb8: {  	s3 =	sand.u32 $0x4000, s31;
	s1 =	sadd.s32 s1, s30  }
0xb9: {  	s0 =	sor.u32 s3, s0;
	s1 =	sshll.u32 s1, $0x11  }
0xba: {  	s0 =	sor.u32 s1, s0  }
0xbb: {  	s0 =	sadd.s32 $0x8F2B, s0  }
0xbc: {  	[sflag:s0] =	ssyncadd.remote.s32 $0x1  }
0xbd: {  	_ =	sfence.sel $0xFFFF  }
0xbe: {  	[dreg:$0x0] =	wrdreg $0xFFFFFFFF;
	(pc) =	sbr.abs _section_cstart, $3  }
0xbf: {  	[dreg:$0x1] =	wrdreg $0xFFFFFFFF  }
0xc0: {  	_ =	task.clear_ibuf [dreg:s6], $0x2FFFF;
	_ =	strace $0x9FFFFFFF  }
0xc1: {  	(tm) =	ssettm $0x7FFFFFFF  }
tec
execute0_lowered:
.L_overlay_start_1:
0x0: {  	(tag) =	ssettag $0x1  }
0x1: {  	s8 =	rddreg [dreg:$0x0]  }
0x2: {  	s0 =	rddreg [dreg:$0x1];
	s1 =	simm.s32 $0x0;
	s3 =	srdreg.scid  }
0x3: {  	s13 =	simm.s32 $0x4E20;
	s14 =	simm.s32 $0x7530;
	s15 =	simm.s32 $0x7D00  }
0x4: {  	s16 =	simm.s32 $0x84D0;
	s17 =	simm.s32 $0x0;
	[smem:$0x7FF] =	sst s1  }
0x5: {  	s2 =	sadd.s32 $0x18400, s8;
	s4 =	sadd.s32 $0x17E00, s8;
	s5 =	sadd.s32 $0x17800, s8  }
0x6: {  	s9 =	sand.u32 $0x1, s3;
	s6 =	sadd.s32 $0xDA00, s8;
	s3 =	stileid.u32  }
0x7: {  	s7 =	sadd.s32 $0x3C00, s8;
	s8 =	sadd.s32 $0x18A00, s8;
	s10 =	ssub.s32 $0x2, s9  }
0x8: {  	_ =	strace $0x80000047;
	s12 =	sshll.u32 s3, $0x1;
	s11 =	sshrl.u32 s10, $0x1  }
0x9: {  	s9 =	sor.u32 s9, s12;
	s12 =	simm.s32 $0x2710;
	s10 =	ssub.s32 s10, s11  }
0xa: {  	s9 =	smul.u32 $0x2710, s9;
	s11 =	simm.s32 $0x1;
	s10 =	smax.u32 s10, $0x1  }
.LBB2_1:
0xb: {  	[tilespmem:s1], [sflag:$0x1] =	stream.linear.gather [hbm4b:s2+s1], $0x2710, $0x38;
	[tilespmem:$0x8CA0] =	vst v63  }
0xc: {  	_ =	swait.ge [sflag:s11], $0x2710  }
0xd: {  	[sflag:s11] =	ssyncset.done $0x0  }
0xe: {  	[sflag:s11] =	ssyncadd.s32 $0xFFFFD8F0  }
0xf: {  	[tilespmem:s12], [sflag:$0x1] =	stream.linear.gather [hbm4b:s4+s1], $0x2710, $0x38;
	[tilespmem:$0x8CA0] =	vst v63  }
0x10: {  	_ =	swait.ge [sflag:s11], $0x2710  }
0x11: {  	[sflag:s11] =	ssyncset.done $0x0  }
0x12: {  	[sflag:s11] =	ssyncadd.s32 $0xFFFFD8F0  }
0x13: {  	[tilespmem:s13], [sflag:$0x1] =	stream.linear.gather [hbm4b:s5+s1], $0x2710, $0x38;
	[tilespmem:$0x8CA0] =	vst v63  }
0x14: {  	_ =	swait.ge [sflag:s11], $0x2710  }
0x15: {  	[sflag:s11] =	ssyncset.done $0x0  }
0x16: {  	s18 =	simm.s32 $0x0;
	[sflag:s11] =	ssyncadd.s32 $0xFFFFD8F0  }
.LBB2_2:
0x17: {  	s19 =	smul.u32 $0x7D0, s18;
	_ =	sdelay $0x1  }
0x18: {  	s19 =	sadd.s32 s9, s19  }
0x19: {  	s19 =	sshrl.u32 s19, $0x3  }
0x1a: {  	s21 =	simm.s32 $0x0;
	s20 =	sadd.s32 s6, s19  }
0x1b: {  	[tilespmem:s14], [sflag:$0x1] =	stream.linear.gather [hbm4b:s20+s21], $0x7D0, $0x38;
	[tilespmem:$0x8CA0] =	vst v63  }
0x1c: {  	_ =	swait.ge [sflag:s11], $0x7D0  }
0x1d: {  	[sflag:s11] =	ssyncset.done $0x0  }
0x1e: {  	s31 =	sadd.s32 s7, s19;
	[sflag:s11] =	ssyncadd.s32 $0xFFFFF830  }
0x1f: {  	[tilespmem:s15], [sflag:$0x1] =	stream.linear.gather [hbm4b:s31+s21], $0x7D0, $0x38;
	[tilespmem:$0x8CA0] =	vst v63  }
0x20: {  	_ =	swait.ge [sflag:s11], $0x7D0  }
0x21: {  	[sflag:s11] =	ssyncset.done $0x0  }
0x22: {  	s20 =	simm.s32 $0x0;
	[sflag:s11] =	ssyncadd.s32 $0xFFFFF830  }
0x23: {  	v0 =	vld [tilespmem:s20+$0x7D00]  }
0x24: {  	v1 =	vld [tilespmem:s20+$0x7530];
	_ =	sdelay $0x6  }
0x25: {  	v2 =	vld.idx.msk [tilespmem:v0+s1+$0x0], $0xffff  }
0x26: {  	v3 =	vld.idx.msk [tilespmem:v1+s1+$0x0], $0xffff  }
0x27: {  	v4 =	vld.idx.msk [tilespmem:v1+s12+$0x0], $0xffff  }
0x28: {  	v5 =	vld.idx.msk [tilespmem:v0+s12+$0x0], $0xffff  }
0x29: {  	v6 =	vld.idx.msk [tilespmem:v1+s13+$0x0], $0xffff  }
0x2a: {  	v7 =	vld.idx.msk [tilespmem:v0+s13+$0x0], $0xffff;
	_ =	sdelay $0x2  }
0x2b: {  	s21 =	simm.s32 $0x10;
	v3 =	vsub.f32 v3, v2;
	v4 =	vsub.f32 v4, v5  }
0x2c: {  	v0 =	vld [tilespmem:s21+$0x7D00]  }
0x2d: {  	v1 =	vld [tilespmem:s21+$0x7530];
	v2 =	vsub.f32 v6, v7;
	v3 =	vmul.f32 v3, v3;
	v4 =	vmul.f32 v4, v4  }
0x2e: {  	s22 =	simm.s32 $0x80  }
.LBB2_3:
0x2f: {  	p0 =	sne.s32 s22, $0x1F00;
	v3 =	vadd.f32 v4, v3;
	v2 =	vmul.f32 v2, v2;
	_ =	sdelay $0x1  }
0x30: {  	v2 =	vadd.f32 v2, v3;
	_ =	sdelay $0x1  }
0x31: {  	[tilespmem:s20+$0x84D0] =	vst v2;
	s20 =	smov.u32 s21  }
0x32: {  	v2 =	vld.idx.msk [tilespmem:v0+s1+$0x0], $0xffff  }
0x33: {  	v3 =	vld.idx.msk [tilespmem:v1+s1+$0x0], $0xffff  }
0x34: {  	v4 =	vld.idx.msk [tilespmem:v1+s12+$0x0], $0xffff  }
0x35: {  	v5 =	vld.idx.msk [tilespmem:v0+s12+$0x0], $0xffff  }
0x36: {  	v6 =	vld.idx.msk [tilespmem:v1+s13+$0x0], $0xffff  }
0x37: {  	v7 =	vld.idx.msk [tilespmem:v0+s13+$0x0], $0xffff;
	_ =	sdelay $0x2  }
.Ltmp0:
0x38: {  	(pc) =	sbr.rel @p0 .LBB2_3-.Ltmp0, $4  }
0x39: {  	s21 =	sshra.s32 s22, $0x2;
	v3 =	vsub.f32 v3, v2;
	v4 =	vsub.f32 v4, v5  }
0x3a: {  	v0 =	vld [tilespmem:s21+$0x7D00]  }
0x3b: {  	v3 =	vmul.f32 v3, v3;
	v2 =	vsub.f32 v6, v7;
	v4 =	vmul.f32 v4, v4;
	v1 =	vld [tilespmem:s21+$0x7530]  }
0x3c: {  	s22 =	sadd.s32 $0x40, s22  }
0x3d: {  	_ = 	snop  }
0x3e: {  	v3 =	vadd.f32 v4, v3;
	v2 =	vmul.f32 v2, v2;
	_ =	sdelay $0x1  }
0x3f: {  	v2 =	vadd.f32 v2, v3;
	_ =	sdelay $0x1  }
0x40: {  	[tilespmem:s20+$0x84D0] =	vst v2  }
0x41: {  	v2 =	vld.idx.msk [tilespmem:v0+s1+$0x0], $0xffff  }
0x42: {  	v57 =	vld.idx.msk [tilespmem:v1+s1+$0x0], $0xffff  }
0x43: {  	v58 =	vld.idx.msk [tilespmem:v1+s12+$0x0], $0xffff  }
0x44: {  	v5 =	vld.idx.msk [tilespmem:v0+s12+$0x0], $0xffff  }
0x45: {  	v59 =	vld.idx.msk [tilespmem:v1+s13+$0x0], $0xffff  }
0x46: {  	v60 =	vld.idx.msk [tilespmem:v0+s13+$0x0], $0xffff;
	_ =	sdelay $0x2  }
0x47: {  	v2 =	vsub.f32 v57, v2;
	v61 =	vsub.f32 v58, v5;
	_ =	sdelay $0x1  }
0x48: {  	v0 =	vsub.f32 v59, v60;
	v62 =	vmul.f32 v2, v2;
	v63 =	vmul.f32 v61, v61;
	_ =	sdelay $0x1  }
0x49: {  	v0 =	vmul.f32 v0, v0;
	v1 =	vadd.f32 v63, v62;
	_ =	sdelay $0x1  }
0x4a: {  	s18 =	sadd.s32 $0x1, s18;
	v0 =	vadd.f32 v0, v1  }
0x4b: {  	p0 =	sne.s32 s18, $0x5  }
.Ltmp1:
0x4c: {  	s19 =	sadd.s32 s8, s19;
	[tilespmem:s21+$0x84D0] =	vst v0;
	(pc) =	sbr.rel @p0 .LBB2_2-.Ltmp1, $4  }
0x4d: {  	[hbm4b:s19+s1] =	stream.linear.scatter [tilespmem:s16], [sflag:$0x1], $0x7D0, $0x38;
	[tilespmem:$0x8CA0] =	vst v63  }
0x4e: {  	_ =	swait.ge [sflag:s11], $0x7D0  }
0x4f: {  	[sflag:s11] =	ssyncset.done $0x0  }
0x50: {  	[sflag:s11] =	ssyncadd.s32 $0xFFFFF830  }
0x51: {  	s17 =	sadd.s32 $0x1, s17  }
0x52: {  	p0 =	sne.s32 s17, s10  }
.Ltmp2:
0x53: {  	_ = 	snop;
	(pc) =	sbr.rel @p0 .LBB2_1-.Ltmp2, $1  }
0x54: {  	_ =	sdelay $0x3  }
0x55: {  	_ =	sfence.sel $0x180000  }
0x56: {  	[bflag:$0x0] =	sbarrier.arrive $0xFFFF  }
0x57: {  	p0 =	sne.s32 s3, $0x0;
	_ =	strace $0x90000047  }
0x58: {  	s0 =	sadd.s32 @!p0 $0x100000, s0;
	[bflag:$0x2] =	sbarrier.arrive $0xFFFF  }
0x59: {  	[sflag:s0] =	ssyncadd.tile.s32 @!p0 $0x1;
	_ =	shalt  }
.Lfunc_end2:
_tile_overlayer_lowered:
.L_overlay_start_2:
0x5a: {  	(tag) =	ssettag $0x2  }
0x5b: {  	s0 =	rddreg [dreg:$0x0];
	s2 =	stileid.u32  }
0x5c: {  	s1 =	rddreg [dreg:$0x1];
	p0 =	sne.s32 s2, $0x0  }
0x5d: {  	s3 =	rddreg [dreg:$0x2];
	[bflag:$0x3] =	sbarrier.arrive $0xFFFF;
	s2 =	simm.s32 @!p0 $0x1C01  }
0x5e: {  	[timem:s3], [sflag:s2] =	dma.local @!p0 [hbm:s0], s1  }
0x5f: {  	s0 =	simm.s32 @!p0 $0x1  }
0x60: {  	_ =	swait.ge @!p0 [sflag:s0], s1  }
0x61: {  	s1 =	ssub.s32 @!p0 $0x0, s1;
	[sflag:s0] =	ssyncset.done @!p0 $0x0  }
0x62: {  	[sflag:s0] =	ssyncadd.s32 @!p0 s1  }
0x63: {  	[bflag:$0x3] =	sbarrier.arrive $0xFFFF  }
0x64: {  	_ =	shalt  }

</sc_bundles>
